<compile_context>
chip_gen: v7x
topology: tpu7x:2x2x1
jax: 0.10.2.dev20260603
libtpu: 0.0.44.dev20260713+nightly
codegen_flags: <defaults>
</compile_context>

<pallas_src>
import functools

import jax
import jax.numpy as jnp
from jax import lax
from jax.experimental import pallas as pl
from jax.experimental.pallas import tpu as pltpu
from jax.experimental.pallas import tpu_sc as plsc

N = 10000
E = 320000
G = 64
D = 128
DEPTH = 3

NC = 2
NS = 16
NW = NC * NS
EPW = E // NW
CHUNK = 40
NCHUNK = EPW // CHUNK
RPT = 624
REM = N - NS * RPT
ZR = 104



NBUF = 3


def _edge_body(h_hbm, e_hbm, src_hbm, dst_hbm, out_hbm,
               src_v, dst_v, e_v, h_v, z_v, semA, semB, semS, agg_sh):
    cid = lax.axis_index("c")
    sid = lax.axis_index("s")
    wid = cid * NS + sid
    ebase = wid * EPW

    def zrow(i, _):
        for r in range(D // 16):
            z_v[i, pl.ds(r * 16, 16)] = jnp.zeros((16,), jnp.float32)
        return 0
    lax.fori_loop(0, ZR, zrow, 0)
    for k in range(RPT // ZR):
        pltpu.sync_copy(z_v, agg_sh.at[pl.ds(sid * RPT + k * ZR, ZR)])

    @pl.when(sid == NS - 1)
    def _zero_rem():
        pltpu.sync_copy(z_v.at[pl.ds(0, REM)], agg_sh.at[pl.ds(NS * RPT, REM)])

    plsc.subcore_barrier()

    def stage(g, b):
        base = ebase + g * CHUNK
        pltpu.sync_copy(src_hbm.at[pl.ds(base, CHUNK)], src_v.at[b])
        pltpu.sync_copy(dst_hbm.at[pl.ds(base, CHUNK)], dst_v.at[b])
        pltpu.async_copy(e_hbm.at[pl.ds(base, CHUNK)], e_v.at[b], semA.at[b])
        pltpu.async_copy(h_hbm.at[src_v.at[b]], h_v.at[b], semB.at[b])

    stage(0, 0)
    stage(1, 1)

    def chunk(g, _):
        b0 = lax.rem(g, NBUF)
        b2 = lax.rem(g + 2, NBUF)
        base0 = ebase + g * CHUNK
        pltpu.make_async_copy(e_hbm.at[pl.ds(base0, CHUNK)],
                              e_v.at[b0], semA.at[b0]).wait()
        pltpu.make_async_copy(h_hbm.at[src_v.at[b0]],
                              h_v.at[b0], semB.at[b0]).wait()

        @plsc.parallel_loop(0, CHUNK, unroll=2)
        def _compute(j):
            for r in range(D // 16):
                s = pl.ds(r * 16, 16)
                h_v[b0, j, s] = jnp.maximum(h_v[b0, j, s] + e_v[b0, j, s], 0.0)

        pltpu.async_copy(h_v.at[b0], agg_sh.at[dst_v.at[b0]],
                         semS.at[b0], add=True)

        @pl.when(g + 2 < NCHUNK)
        def _pref():
            @pl.when(g >= 1)
            def _ws():
                pltpu.make_async_copy(h_v.at[b2], agg_sh.at[dst_v.at[b2]],
                                      semS.at[b2]).wait()
            stage(g + 2, b2)
        return 0
    lax.fori_loop(0, NCHUNK, chunk, 0)

    for k in range(NBUF):
        b = (NCHUNK - NBUF + k) % NBUF
        pltpu.make_async_copy(h_v.at[b], agg_sh.at[dst_v.at[b]],
                              semS.at[b]).wait()

    plsc.subcore_barrier()
    pltpu.sync_copy(agg_sh.at[pl.ds(sid * RPT, RPT)],
                    out_hbm.at[cid, pl.ds(sid * RPT, RPT)])

    @pl.when(sid == NS - 1)
    def _write_rem():
        pltpu.sync_copy(agg_sh.at[pl.ds(NS * RPT, REM)],
                        out_hbm.at[cid, pl.ds(NS * RPT, REM)])


@functools.cache
def _edge_kernel():
    return pl.kernel(
        _edge_body,
        out_type=jax.ShapeDtypeStruct((NC, N, D), jnp.float32),
        mesh=plsc.VectorSubcoreMesh(core_axis_name="c", subcore_axis_name="s"),
        scratch_types=[
            pltpu.VMEM((NBUF, CHUNK), jnp.int32),
            pltpu.VMEM((NBUF, CHUNK), jnp.int32),
            pltpu.VMEM((NBUF, CHUNK, D), jnp.float32),
            pltpu.VMEM((NBUF, CHUNK, D), jnp.float32),
            pltpu.VMEM((ZR, D), jnp.float32),
            pltpu.SemaphoreType.DMA((NBUF,)),
            pltpu.SemaphoreType.DMA((NBUF,)),
            pltpu.SemaphoreType.DMA((NBUF,)),
            pltpu.VMEM_SHARED((N, D), jnp.float32),
        ],
    )



def _mm_body(x_ref, w_ref, o_ref):
    o_ref[...] = jnp.dot(x_ref[...], w_ref[...],
                         preferred_element_type=jnp.float32)


def _matmul(x, w, blk):
    m, k = x.shape
    d = w.shape[1]
    return pl.pallas_call(
        _mm_body,
        grid=(m // blk,),
        in_specs=[
            pl.BlockSpec((blk, k), lambda i: (i, 0)),
            pl.BlockSpec((k, d), lambda i: (0, 0)),
        ],
        out_specs=pl.BlockSpec((blk, d), lambda i: (i, 0)),
        out_shape=jax.ShapeDtypeStruct((m, d), jnp.float32),
    )(x, w)


def _upd_body(s_ref, h_ref, a0_ref, a1_ref, ad_ref, w_ref, b_ref, o_ref):
    rst = s_ref[0] * h_ref[...] + (a0_ref[...] + a1_ref[...])
    hn = jnp.dot(rst, w_ref[...], preferred_element_type=jnp.float32)
    o_ref[...] = jnp.maximum(hn + b_ref[...], 0.0) + ad_ref[...]


def _update(scale, h, a0, a1, ad, w, b, blk=1000):
    return pl.pallas_call(
        _upd_body,
        grid=(N // blk,),
        in_specs=[
            pl.BlockSpec(memory_space=pltpu.SMEM),
            pl.BlockSpec((blk, D), lambda i: (i, 0)),
            pl.BlockSpec((blk, D), lambda i: (i, 0)),
            pl.BlockSpec((blk, D), lambda i: (i, 0)),
            pl.BlockSpec((blk, D), lambda i: (i, 0)),
            pl.BlockSpec((D, D), lambda i: (0, 0)),
            pl.BlockSpec((1, D), lambda i: (0, 0)),
        ],
        out_specs=pl.BlockSpec((blk, D), lambda i: (i, 0)),
        out_shape=jax.ShapeDtypeStruct((N, D), jnp.float32),
    )(scale, h, a0, a1, ad, w, b)


def _pool_body(ad_ref, gid_ref, wm_ref, bm_ref, o_ref):
    ids = gid_ref[...]
    iota = lax.broadcasted_iota(jnp.int32, (G, N), 0)
    onehot = jnp.where(iota == ids, 1.0, 0.0)
    sums = jnp.dot(onehot, ad_ref[...], preferred_element_type=jnp.float32)
    cnts = jnp.sum(onehot, axis=1, keepdims=True)
    feat = sums / jnp.maximum(cnts, 1.0)
    o_ref[...] = jnp.dot(feat, wm_ref[...],
                         preferred_element_type=jnp.float32) + bm_ref[...]


def _pool(ad, gids, wm, bm):
    return pl.pallas_call(
        _pool_body,
        out_shape=jax.ShapeDtypeStruct((G, 1), jnp.float32),
    )(ad, gids.reshape(1, N), wm, bm.reshape(1, 1))



def kernel(atomic_num, bond_length, edge_index, graph_ids,
           W_atom, W_bond, W_gin, b_gin, eps, W_mlp, b_mlp):
    src = edge_index[0]
    dst = edge_index[1]

    h = _matmul(atomic_num, W_atom, blk=1000)
    e = _matmul(bond_length, W_bond, blk=4000)

    atom_dense = h
    for i in range(DEPTH):
        agg2 = _edge_kernel()(h, e, src, dst)
        scale = (1.0 + eps[i]).reshape(1)
        h = _update(scale, h, agg2[0], agg2[1], atom_dense,
                    W_gin[i], b_gin[i].reshape(1, D))
        atom_dense = h

    out = _pool(atom_dense, graph_ids, W_mlp, b_mlp)
    return out.reshape(G)

# --- scband reference (transcript-rebuilt; emitter-appended) ---
"""Pipeline reference for scband-test-gnn-87978110091596 (READ-ONLY COPY).

The authoritative reference and input builder live on the scoring server;
editing this copy changes nothing except your own understanding.
"""

import jax, jax.numpy as jnp
import numpy as np

N = 10000
E = 320000
G = 64
ATOM = 74
BOND = 12
D = 128
DEPTH = 3

def setup_inputs(seed: int = 0) -> dict:
    key = jax.random.key(seed)
    ks = jax.random.split(key, 12)
    atomic_num = jax.random.normal(ks[0], (N, ATOM), dtype=jnp.float32)
    bond_length = jax.random.uniform(ks[1], (E, BOND), dtype=jnp.float32)
    edge_index = jax.random.randint(ks[2], (2, E), 0, N, dtype=jnp.int32)
    graph_ids = jnp.sort(jax.random.randint(ks[3], (N,), 0, G, dtype=jnp.int32))
    W_atom = jax.random.normal(ks[4], (ATOM, D), dtype=jnp.float32) * 0.05
    W_bond = jax.random.normal(ks[5], (BOND, D), dtype=jnp.float32) * 0.05
    W_gin = jax.random.normal(ks[6], (DEPTH, D, D), dtype=jnp.float32) * 0.05
    b_gin = jnp.zeros((DEPTH, D), dtype=jnp.float32)
    eps = jnp.zeros((DEPTH,), dtype=jnp.float32)
    W_mlp = jax.random.normal(ks[7], (D, 1), dtype=jnp.float32) * 0.05
    b_mlp = jnp.zeros((1,), dtype=jnp.float32)
    return {"atomic_num": atomic_num, "bond_length": bond_length, "edge_index": edge_index, "graph_ids": graph_ids, "W_atom": W_atom, "W_bond": W_bond, "W_gin": W_gin, "b_gin": b_gin, "eps": eps, "W_mlp": W_mlp, "b_mlp": b_mlp}

def reference(atomic_num, bond_length, edge_index, graph_ids, W_atom, W_bond, W_gin, b_gin, eps, W_mlp, b_mlp):
    # atom/bond embeddings (Linear, no bias)
    h = atomic_num @ W_atom
    e = bond_length @ W_bond
    atom_dense = h
    src = edge_index[0]
    dst = edge_index[1]
    for i in range(DEPTH):
        # GINEConv: message = ReLU(h_src + e_edge), sum-aggregate to dst,
        # rst = (1 + eps) * h + agg, then apply_func (Linear), then outer ReLU
        msg = jax.nn.relu(h[src] + e)
        agg = jax.ops.segment_sum(msg, dst, num_segments=N)
        rst = (1.0 + eps[i]) * h + agg
        h = jax.nn.relu(rst @ W_gin[i] + b_gin[i])
        # residual branch: h = h + atom_dense; atom_dense = h
        h = h + atom_dense
        atom_dense = h
    # dgl.mean_nodes over batched graph
    sums = jax.ops.segment_sum(atom_dense, graph_ids, num_segments=G)
    cnts = jax.ops.segment_sum(jnp.ones((N, 1), dtype=atom_dense.dtype), graph_ids, num_segments=G)
    feat = sums / jnp.maximum(cnts, 1.0)
    out = feat @ W_mlp + b_mlp
    return out.squeeze(-1)

if __name__ == "__main__":
    import jax
    _d = setup_inputs()
    print(jax.jit(kernel)(*tuple(_d.values())))

</pallas_src>

<mosaic_0001>
#map = affine_map<(d0, d1) -> (0, 0)>
#map1 = affine_map<(d0, d1) -> (0)>
#map2 = affine_map<(d0, d1) -> (0, 0, 0)>
module attributes {stable_mosaic.version = 14 : i64} {
  func.func @_edge_body(%arg0: i32, %arg1: i32, %arg2: memref<10000x128xf32, #tpu.memory_space<hbm>>, %arg3: memref<320000x128xf32, #tpu.memory_space<hbm>>, %arg4: memref<320000xi32, #tpu.memory_space<hbm>>, %arg5: memref<320000xi32, #tpu.memory_space<hbm>>, %arg6: memref<2x10000x128xf32, #tpu.memory_space<hbm>>, %arg7: memref<3x40xi32, #tpu.memory_space<vmem>>, %arg8: memref<3x40xi32, #tpu.memory_space<vmem>>, %arg9: memref<3x40x128xf32, #tpu.memory_space<vmem>>, %arg10: memref<3x40x128xf32, #tpu.memory_space<vmem>>, %arg11: memref<104x128xf32, #tpu.memory_space<vmem>>, %arg12: memref<3x!tpu.dma_semaphore, #tpu.memory_space<semaphore_mem>>, %arg13: memref<3x!tpu.dma_semaphore, #tpu.memory_space<semaphore_mem>>, %arg14: memref<3x!tpu.dma_semaphore, #tpu.memory_space<semaphore_mem>>, %arg15: memref<10000x128xf32, #tpu.memory_space<vmem_shared>>) attributes {dimension_semantics = [#tpu.dimension_semantics<core_parallel>, #tpu.dimension_semantics<subcore_parallel>], iteration_bounds = array<i64: 2, 16>, scalar_prefetch = 0 : i64, scratch_operands = 9 : i64, tpu.core_type = #tpu.core_type<sc_vector_subcore>, window_params = [{transform_indices = #map}, {transform_indices = #map}, {transform_indices = #map1}, {transform_indices = #map1}, {transform_indices = #map2}]} {
    %mul3A = arith.constant 16 : i32
    %mul3A_0 = arith.muli %arg0, %mul3A : i32
    %add3A = arith.addi %mul3A_0, %arg1 : i32
    %mul3A_1 = arith.constant 10000 : i32
    %mul3A_2 = arith.muli %add3A, %mul3A_1 : i32
    %scan3A = arith.constant 0 : i32
    %scan3A_3 = arith.constant 0 : i32
    %scan3A_4 = arith.constant 104 : i32
    %scan3A_5 = arith.addi %scan3A_3, %scan3A_4 : i32
    %scan3A_6 = arith.constant 1 : i32
    %scan3A_7 = scf.for %scan3A_164 = %scan3A_3 to %scan3A_5 step %scan3A_6 iter_args(%scan3A_165 = %scan3A) -> (i32)  : i32 {
      %broadcast_in_dim3A = arith.constant 0.000000e+00 : f32
      %broadcast_in_dim3A_166 = vector.broadcast %broadcast_in_dim3A : f32 to vector<16xf32>
      %swap3A = arith.index_cast %scan3A_164 : i32 to index
      %swap3A_167 = arith.constant 0 : index
      %swap3A_168 = tpu.vector_load %arg11[%swap3A, %swap3A_167] {strides = array<i32>} : memref<104x128xf32, #tpu.memory_space<vmem>>, vector<1x16xf32>,
      %swap3A_169 = vector.shape_cast %swap3A_168 : vector<1x16xf32> to vector<16xf32>
      %swap3A_170 = vector.shape_cast %broadcast_in_dim3A_166 : vector<16xf32> to vector<1x16xf32>
      tpu.vector_store %arg11[%swap3A, %swap3A_167], %swap3A_170 {strides = array<i32>} : memref<104x128xf32, #tpu.memory_space<vmem>>, vector<1x16xf32>,
      %broadcast_in_dim3A_171 = arith.constant 0.000000e+00 : f32
      %broadcast_in_dim3A_172 = vector.broadcast %broadcast_in_dim3A_171 : f32 to vector<16xf32>
      %swap3A_173 = arith.index_cast %scan3A_164 : i32 to index
      %swap3A_174 = arith.constant 16 : index
      %swap3A_175 = tpu.vector_load %arg11[%swap3A_173, %swap3A_174] {strides = array<i32>} : memref<104x128xf32, #tpu.memory_space<vmem>>, vector<1x16xf32>,
      %swap3A_176 = vector.shape_cast %swap3A_175 : vector<1x16xf32> to vector<16xf32>
      %swap3A_177 = vector.shape_cast %broadcast_in_dim3A_172 : vector<16xf32> to vector<1x16xf32>
      tpu.vector_store %arg11[%swap3A_173, %swap3A_174], %swap3A_177 {strides = array<i32>} : memref<104x128xf32, #tpu.memory_space<vmem>>, vector<1x16xf32>,
      %broadcast_in_dim3A_178 = arith.constant 0.000000e+00 : f32
      %broadcast_in_dim3A_179 = vector.broadcast %broadcast_in_dim3A_178 : f32 to vector<16xf32>
      %swap3A_180 = arith.index_cast %scan3A_164 : i32 to index
      %swap3A_181 = arith.constant 32 : index
      %swap3A_182 = tpu.vector_load %arg11[%swap3A_180, %swap3A_181] {strides = array<i32>} : memref<104x128xf32, #tpu.memory_space<vmem>>, vector<1x16xf32>,
      %swap3A_183 = vector.shape_cast %swap3A_182 : vector<1x16xf32> to vector<16xf32>
      %swap3A_184 = vector.shape_cast %broadcast_in_dim3A_179 : vector<16xf32> to vector<1x16xf32>
      tpu.vector_store %arg11[%swap3A_180, %swap3A_181], %swap3A_184 {strides = array<i32>} : memref<104x128xf32, #tpu.memory_space<vmem>>, vector<1x16xf32>,
      %broadcast_in_dim3A_185 = arith.constant 0.000000e+00 : f32
      %broadcast_in_dim3A_186 = vector.broadcast %broadcast_in_dim3A_185 : f32 to vector<16xf32>
      %swap3A_187 = arith.index_cast %scan3A_164 : i32 to index
      %swap3A_188 = arith.constant 48 : index
      %swap3A_189 = tpu.vector_load %arg11[%swap3A_187, %swap3A_188] {strides = array<i32>} : memref<104x128xf32, #tpu.memory_space<vmem>>, vector<1x16xf32>,
      %swap3A_190 = vector.shape_cast %swap3A_189 : vector<1x16xf32> to vector<16xf32>
      %swap3A_191 = vector.shape_cast %broadcast_in_dim3A_186 : vector<16xf32> to vector<1x16xf32>
      tpu.vector_store %arg11[%swap3A_187, %swap3A_188], %swap3A_191 {strides = array<i32>} : memref<104x128xf32, #tpu.memory_space<vmem>>, vector<1x16xf32>,
      %broadcast_in_dim3A_192 = arith.constant 0.000000e+00 : f32
      %broadcast_in_dim3A_193 = vector.broadcast %broadcast_in_dim3A_192 : f32 to vector<16xf32>
      %swap3A_194 = arith.index_cast %scan3A_164 : i32 to index
      %swap3A_195 = arith.constant 64 : index
      %swap3A_196 = tpu.vector_load %arg11[%swap3A_194, %swap3A_195] {strides = array<i32>} : memref<104x128xf32, #tpu.memory_space<vmem>>, vector<1x16xf32>,
      %swap3A_197 = vector.shape_cast %swap3A_196 : vector<1x16xf32> to vector<16xf32>
      %swap3A_198 = vector.shape_cast %broadcast_in_dim3A_193 : vector<16xf32> to vector<1x16xf32>
      tpu.vector_store %arg11[%swap3A_194, %swap3A_195], %swap3A_198 {strides = array<i32>} : memref<104x128xf32, #tpu.memory_space<vmem>>, vector<1x16xf32>,
      %broadcast_in_dim3A_199 = arith.constant 0.000000e+00 : f32
      %broadcast_in_dim3A_200 = vector.broadcast %broadcast_in_dim3A_199 : f32 to vector<16xf32>
      %swap3A_201 = arith.index_cast %scan3A_164 : i32 to index
      %swap3A_202 = arith.constant 80 : index
      %swap3A_203 = tpu.vector_load %arg11[%swap3A_201, %swap3A_202] {strides = array<i32>} : memref<104x128xf32, #tpu.memory_space<vmem>>, vector<1x16xf32>,
      %swap3A_204 = vector.shape_cast %swap3A_203 : vector<1x16xf32> to vector<16xf32>
      %swap3A_205 = vector.shape_cast %broadcast_in_dim3A_200 : vector<16xf32> to vector<1x16xf32>
      tpu.vector_store %arg11[%swap3A_201, %swap3A_202], %swap3A_205 {strides = array<i32>} : memref<104x128xf32, #tpu.memory_space<vmem>>, vector<1x16xf32>,
      %broadcast_in_dim3A_206 = arith.constant 0.000000e+00 : f32
      %broadcast_in_dim3A_207 = vector.broadcast %broadcast_in_dim3A_206 : f32 to vector<16xf32>
      %swap3A_208 = arith.index_cast %scan3A_164 : i32 to index
      %swap3A_209 = arith.constant 96 : index
      %swap3A_210 = tpu.vector_load %arg11[%swap3A_208, %swap3A_209] {strides = array<i32>} : memref<104x128xf32, #tpu.memory_space<vmem>>, vector<1x16xf32>,
      %swap3A_211 = vector.shape_cast %swap3A_210 : vector<1x16xf32> to vector<16xf32>
      %swap3A_212 = vector.shape_cast %broadcast_in_dim3A_207 : vector<16xf32> to vector<1x16xf32>
      tpu.vector_store %arg11[%swap3A_208, %swap3A_209], %swap3A_212 {strides = array<i32>} : memref<104x128xf32, #tpu.memory_space<vmem>>, vector<1x16xf32>,
      %broadcast_in_dim3A_213 = arith.constant 0.000000e+00 : f32
      %broadcast_in_dim3A_214 = vector.broadcast %broadcast_in_dim3A_213 : f32 to vector<16xf32>
      %swap3A_215 = arith.index_cast %scan3A_164 : i32 to index
      %swap3A_216 = arith.constant 112 : index
      %swap3A_217 = tpu.vector_load %arg11[%swap3A_215, %swap3A_216] {strides = array<i32>} : memref<104x128xf32, #tpu.memory_space<vmem>>, vector<1x16xf32>,
      %swap3A_218 = vector.shape_cast %swap3A_217 : vector<1x16xf32> to vector<16xf32>
      %swap3A_219 = vector.shape_cast %broadcast_in_dim3A_214 : vector<16xf32> to vector<1x16xf32>
      tpu.vector_store %arg11[%swap3A_215, %swap3A_216], %swap3A_219 {strides = array<i32>} : memref<104x128xf32, #tpu.memory_space<vmem>>, vector<1x16xf32>,
      %scan3A_220 = arith.constant 0 : i32
      scf.yield %scan3A_220 : i32
    }
    %scan3A_8 = arith.constant 104 : i32
    %mul3A_9 = arith.constant 624 : i32
    %mul3A_10 = arith.muli %arg1, %mul3A_9 : i32
    %add3A_11 = arith.constant 0 : i32
    %add3A_12 = arith.addi %mul3A_10, %add3A_11 : i32
    "tpu.region"() ({
      %run_scoped3A_164 = tpu.sem_alloc : memref<!tpu.dma_semaphore, #tpu.memory_space<semaphore_mem>>
      %dma_start3A_165 = arith.constant 0 : i32
      %dma_start3A_166 = tpu.memref_slice %arg15[%add3A_12, %dma_start3A_165] : memref<10000x128xf32, #tpu.memory_space<vmem_shared>> -> memref<104x128xf32, #tpu.memory_space<vmem_shared>>
      %dma_start3A_167 = arith.constant 0 : i32
      %dma_start3A_168 = tpu.memref_slice %arg15[%add3A_12, %dma_start3A_167] : memref<10000x128xf32, #tpu.memory_space<vmem_shared>> -> memref<104x128xf32, #tpu.memory_space<vmem_shared>>
      tpu.enqueue_dma source(%arg11 : memref<104x128xf32, #tpu.memory_space<vmem>>) target(%dma_start3A_168 : memref<104x128xf32, #tpu.memory_space<vmem_shared>>) target_semaphore(%run_scoped3A_164 : memref<!tpu.dma_semaphore, #tpu.memory_space<semaphore_mem>>)
      %dma_wait3A_169 = arith.constant 0 : i32
      %dma_wait3A_170 = tpu.memref_slice %arg15[%add3A_12, %dma_wait3A_169] : memref<10000x128xf32, #tpu.memory_space<vmem_shared>> -> memref<104x128xf32, #tpu.memory_space<vmem_shared>>
      %dma_wait3A_171 = arith.constant 0 : i32
      %dma_wait3A_172 = tpu.memref_slice %arg15[%add3A_12, %dma_wait3A_171] : memref<10000x128xf32, #tpu.memory_space<vmem_shared>> -> memref<104x128xf32, #tpu.memory_space<vmem_shared>>
      tpu.wait_dma2 semaphore(%run_scoped3A_164 : memref<!tpu.dma_semaphore, #tpu.memory_space<semaphore_mem>>) src(%arg11 : memref<104x128xf32, #tpu.memory_space<vmem>>) dst(%dma_wait3A_172 : memref<104x128xf32, #tpu.memory_space<vmem_shared>>)
      tpu.yield
    }) : () -> ()
    %mul3A_13 = arith.constant 624 : i32
    %mul3A_14 = arith.muli %arg1, %mul3A_13 : i32
    %add3A_15 = arith.constant 104 : i32
    %add3A_16 = arith.addi %mul3A_14, %add3A_15 : i32
    "tpu.region"() ({
      %run_scoped3A_164 = tpu.sem_alloc : memref<!tpu.dma_semaphore, #tpu.memory_space<semaphore_mem>>
      %dma_start3A_165 = arith.constant 0 : i32
      %dma_start3A_166 = tpu.memref_slice %arg15[%add3A_16, %dma_start3A_165] : memref<10000x128xf32, #tpu.memory_space<vmem_shared>> -> memref<104x128xf32, #tpu.memory_space<vmem_shared>>
      %dma_start3A_167 = arith.constant 0 : i32
      %dma_start3A_168 = tpu.memref_slice %arg15[%add3A_16, %dma_start3A_167] : memref<10000x128xf32, #tpu.memory_space<vmem_shared>> -> memref<104x128xf32, #tpu.memory_space<vmem_shared>>
      tpu.enqueue_dma source(%arg11 : memref<104x128xf32, #tpu.memory_space<vmem>>) target(%dma_start3A_168 : memref<104x128xf32, #tpu.memory_space<vmem_shared>>) target_semaphore(%run_scoped3A_164 : memref<!tpu.dma_semaphore, #tpu.memory_space<semaphore_mem>>)
      %dma_wait3A_169 = arith.constant 0 : i32
      %dma_wait3A_170 = tpu.memref_slice %arg15[%add3A_16, %dma_wait3A_169] : memref<10000x128xf32, #tpu.memory_space<vmem_shared>> -> memref<104x128xf32, #tpu.memory_space<vmem_shared>>
      %dma_wait3A_171 = arith.constant 0 : i32
      %dma_wait3A_172 = tpu.memref_slice %arg15[%add3A_16, %dma_wait3A_171] : memref<10000x128xf32, #tpu.memory_space<vmem_shared>> -> memref<104x128xf32, #tpu.memory_space<vmem_shared>>
      tpu.wait_dma2 semaphore(%run_scoped3A_164 : memref<!tpu.dma_semaphore, #tpu.memory_space<semaphore_mem>>) src(%arg11 : memref<104x128xf32, #tpu.memory_space<vmem>>) dst(%dma_wait3A_172 : memref<104x128xf32, #tpu.memory_space<vmem_shared>>)
      tpu.yield
    }) : () -> ()
    %mul3A_17 = arith.constant 624 : i32
    %mul3A_18 = arith.muli %arg1, %mul3A_17 : i32
    %add3A_19 = arith.constant 208 : i32
    %add3A_20 = arith.addi %mul3A_18, %add3A_19 : i32
    "tpu.region"() ({
      %run_scoped3A_164 = tpu.sem_alloc : memref<!tpu.dma_semaphore, #tpu.memory_space<semaphore_mem>>
      %dma_start3A_165 = arith.constant 0 : i32
      %dma_start3A_166 = tpu.memref_slice %arg15[%add3A_20, %dma_start3A_165] : memref<10000x128xf32, #tpu.memory_space<vmem_shared>> -> memref<104x128xf32, #tpu.memory_space<vmem_shared>>
      %dma_start3A_167 = arith.constant 0 : i32
      %dma_start3A_168 = tpu.memref_slice %arg15[%add3A_20, %dma_start3A_167] : memref<10000x128xf32, #tpu.memory_space<vmem_shared>> -> memref<104x128xf32, #tpu.memory_space<vmem_shared>>
      tpu.enqueue_dma source(%arg11 : memref<104x128xf32, #tpu.memory_space<vmem>>) target(%dma_start3A_168 : memref<104x128xf32, #tpu.memory_space<vmem_shared>>) target_semaphore(%run_scoped3A_164 : memref<!tpu.dma_semaphore, #tpu.memory_space<semaphore_mem>>)
      %dma_wait3A_169 = arith.constant 0 : i32
      %dma_wait3A_170 = tpu.memref_slice %arg15[%add3A_20, %dma_wait3A_169] : memref<10000x128xf32, #tpu.memory_space<vmem_shared>> -> memref<104x128xf32, #tpu.memory_space<vmem_shared>>
      %dma_wait3A_171 = arith.constant 0 : i32
      %dma_wait3A_172 = tpu.memref_slice %arg15[%add3A_20, %dma_wait3A_171] : memref<10000x128xf32, #tpu.memory_space<vmem_shared>> -> memref<104x128xf32, #tpu.memory_space<vmem_shared>>
      tpu.wait_dma2 semaphore(%run_scoped3A_164 : memref<!tpu.dma_semaphore, #tpu.memory_space<semaphore_mem>>) src(%arg11 : memref<104x128xf32, #tpu.memory_space<vmem>>) dst(%dma_wait3A_172 : memref<104x128xf32, #tpu.memory_space<vmem_shared>>)
      tpu.yield
    }) : () -> ()
    %mul3A_21 = arith.constant 624 : i32
    %mul3A_22 = arith.muli %arg1, %mul3A_21 : i32
    %add3A_23 = arith.constant 312 : i32
    %add3A_24 = arith.addi %mul3A_22, %add3A_23 : i32
    "tpu.region"() ({
      %run_scoped3A_164 = tpu.sem_alloc : memref<!tpu.dma_semaphore, #tpu.memory_space<semaphore_mem>>
      %dma_start3A_165 = arith.constant 0 : i32
      %dma_start3A_166 = tpu.memref_slice %arg15[%add3A_24, %dma_start3A_165] : memref<10000x128xf32, #tpu.memory_space<vmem_shared>> -> memref<104x128xf32, #tpu.memory_space<vmem_shared>>
      %dma_start3A_167 = arith.constant 0 : i32
      %dma_start3A_168 = tpu.memref_slice %arg15[%add3A_24, %dma_start3A_167] : memref<10000x128xf32, #tpu.memory_space<vmem_shared>> -> memref<104x128xf32, #tpu.memory_space<vmem_shared>>
      tpu.enqueue_dma source(%arg11 : memref<104x128xf32, #tpu.memory_space<vmem>>) target(%dma_start3A_168 : memref<104x128xf32, #tpu.memory_space<vmem_shared>>) target_semaphore(%run_scoped3A_164 : memref<!tpu.dma_semaphore, #tpu.memory_space<semaphore_mem>>)
      %dma_wait3A_169 = arith.constant 0 : i32
      %dma_wait3A_170 = tpu.memref_slice %arg15[%add3A_24, %dma_wait3A_169] : memref<10000x128xf32, #tpu.memory_space<vmem_shared>> -> memref<104x128xf32, #tpu.memory_space<vmem_shared>>
      %dma_wait3A_171 = arith.constant 0 : i32
      %dma_wait3A_172 = tpu.memref_slice %arg15[%add3A_24, %dma_wait3A_171] : memref<10000x128xf32, #tpu.memory_space<vmem_shared>> -> memref<104x128xf32, #tpu.memory_space<vmem_shared>>
      tpu.wait_dma2 semaphore(%run_scoped3A_164 : memref<!tpu.dma_semaphore, #tpu.memory_space<semaphore_mem>>) src(%arg11 : memref<104x128xf32, #tpu.memory_space<vmem>>) dst(%dma_wait3A_172 : memref<104x128xf32, #tpu.memory_space<vmem_shared>>)
      tpu.yield
    }) : () -> ()
    %mul3A_25 = arith.constant 624 : i32
    %mul3A_26 = arith.muli %arg1, %mul3A_25 : i32
    %add3A_27 = arith.constant 416 : i32
    %add3A_28 = arith.addi %mul3A_26, %add3A_27 : i32
    "tpu.region"() ({
      %run_scoped3A_164 = tpu.sem_alloc : memref<!tpu.dma_semaphore, #tpu.memory_space<semaphore_mem>>
      %dma_start3A_165 = arith.constant 0 : i32
      %dma_start3A_166 = tpu.memref_slice %arg15[%add3A_28, %dma_start3A_165] : memref<10000x128xf32, #tpu.memory_space<vmem_shared>> -> memref<104x128xf32, #tpu.memory_space<vmem_shared>>
      %dma_start3A_167 = arith.constant 0 : i32
      %dma_start3A_168 = tpu.memref_slice %arg15[%add3A_28, %dma_start3A_167] : memref<10000x128xf32, #tpu.memory_space<vmem_shared>> -> memref<104x128xf32, #tpu.memory_space<vmem_shared>>
      tpu.enqueue_dma source(%arg11 : memref<104x128xf32, #tpu.memory_space<vmem>>) target(%dma_start3A_168 : memref<104x128xf32, #tpu.memory_space<vmem_shared>>) target_semaphore(%run_scoped3A_164 : memref<!tpu.dma_semaphore, #tpu.memory_space<semaphore_mem>>)
      %dma_wait3A_169 = arith.constant 0 : i32
      %dma_wait3A_170 = tpu.memref_slice %arg15[%add3A_28, %dma_wait3A_169] : memref<10000x128xf32, #tpu.memory_space<vmem_shared>> -> memref<104x128xf32, #tpu.memory_space<vmem_shared>>
      %dma_wait3A_171 = arith.constant 0 : i32
      %dma_wait3A_172 = tpu.memref_slice %arg15[%add3A_28, %dma_wait3A_171] : memref<10000x128xf32, #tpu.memory_space<vmem_shared>> -> memref<104x128xf32, #tpu.memory_space<vmem_shared>>
      tpu.wait_dma2 semaphore(%run_scoped3A_164 : memref<!tpu.dma_semaphore, #tpu.memory_space<semaphore_mem>>) src(%arg11 : memref<104x128xf32, #tpu.memory_space<vmem>>) dst(%dma_wait3A_172 : memref<104x128xf32, #tpu.memory_space<vmem_shared>>)
      tpu.yield
    }) : () -> ()
    %mul3A_29 = arith.constant 624 : i32
    %mul3A_30 = arith.muli %arg1, %mul3A_29 : i32
    %add3A_31 = arith.constant 520 : i32
    %add3A_32 = arith.addi %mul3A_30, %add3A_31 : i32
    "tpu.region"() ({
      %run_scoped3A_164 = tpu.sem_alloc : memref<!tpu.dma_semaphore, #tpu.memory_space<semaphore_mem>>
      %dma_start3A_165 = arith.constant 0 : i32
      %dma_start3A_166 = tpu.memref_slice %arg15[%add3A_32, %dma_start3A_165] : memref<10000x128xf32, #tpu.memory_space<vmem_shared>> -> memref<104x128xf32, #tpu.memory_space<vmem_shared>>
      %dma_start3A_167 = arith.constant 0 : i32
      %dma_start3A_168 = tpu.memref_slice %arg15[%add3A_32, %dma_start3A_167] : memref<10000x128xf32, #tpu.memory_space<vmem_shared>> -> memref<104x128xf32, #tpu.memory_space<vmem_shared>>
      tpu.enqueue_dma source(%arg11 : memref<104x128xf32, #tpu.memory_space<vmem>>) target(%dma_start3A_168 : memref<104x128xf32, #tpu.memory_space<vmem_shared>>) target_semaphore(%run_scoped3A_164 : memref<!tpu.dma_semaphore, #tpu.memory_space<semaphore_mem>>)
      %dma_wait3A_169 = arith.constant 0 : i32
      %dma_wait3A_170 = tpu.memref_slice %arg15[%add3A_32, %dma_wait3A_169] : memref<10000x128xf32, #tpu.memory_space<vmem_shared>> -> memref<104x128xf32, #tpu.memory_space<vmem_shared>>
      %dma_wait3A_171 = arith.constant 0 : i32
      %dma_wait3A_172 = tpu.memref_slice %arg15[%add3A_32, %dma_wait3A_171] : memref<10000x128xf32, #tpu.memory_space<vmem_shared>> -> memref<104x128xf32, #tpu.memory_space<vmem_shared>>
      tpu.wait_dma2 semaphore(%run_scoped3A_164 : memref<!tpu.dma_semaphore, #tpu.memory_space<semaphore_mem>>) src(%arg11 : memref<104x128xf32, #tpu.memory_space<vmem>>) dst(%dma_wait3A_172 : memref<104x128xf32, #tpu.memory_space<vmem_shared>>)
      tpu.yield
    }) : () -> ()
    %eq3A = arith.constant 15 : i32
    %eq3A_33 = arith.cmpi eq, %arg1, %eq3A : i32
    %convert_element_type3A = arith.extui %eq3A_33 : i1 to i32
    %cond3A = arith.constant 0 : i32
    %cond3A_34 = arith.cmpi ne, %convert_element_type3A, %cond3A : i32
    scf.if %cond3A_34 {
      "tpu.region"() ({
        %run_scoped3A_164 = tpu.sem_alloc : memref<!tpu.dma_semaphore, #tpu.memory_space<semaphore_mem>>
        %dma_start3A_165 = arith.constant 0 : i32
        %dma_start3A_166 = arith.constant 0 : i32
        %dma_start3A_167 = tpu.memref_slice %arg11[%dma_start3A_165, %dma_start3A_166] : memref<104x128xf32, #tpu.memory_space<vmem>> -> memref<16x128xf32, #tpu.memory_space<vmem>>
        %dma_start3A_168 = arith.constant 9984 : i32
        %dma_start3A_169 = arith.constant 0 : i32
        %dma_start3A_170 = tpu.memref_slice %arg15[%dma_start3A_168, %dma_start3A_169] : memref<10000x128xf32, #tpu.memory_space<vmem_shared>> -> memref<16x128xf32, #tpu.memory_space<vmem_shared>>
        %dma_start3A_171 = arith.constant 9984 : i32
        %dma_start3A_172 = arith.constant 0 : i32
        %dma_start3A_173 = tpu.memref_slice %arg15[%dma_start3A_171, %dma_start3A_172] : memref<10000x128xf32, #tpu.memory_space<vmem_shared>> -> memref<16x128xf32, #tpu.memory_space<vmem_shared>>
        %dma_start3A_174 = arith.constant 0 : i32
        %dma_start3A_175 = arith.constant 0 : i32
        %dma_start3A_176 = tpu.memref_slice %arg11[%dma_start3A_174, %dma_start3A_175] : memref<104x128xf32, #tpu.memory_space<vmem>> -> memref<16x128xf32, #tpu.memory_space<vmem>>
        tpu.enqueue_dma source(%dma_start3A_176 : memref<16x128xf32, #tpu.memory_space<vmem>>) target(%dma_start3A_173 : memref<16x128xf32, #tpu.memory_space<vmem_shared>>) target_semaphore(%run_scoped3A_164 : memref<!tpu.dma_semaphore, #tpu.memory_space<semaphore_mem>>)
        %dma_wait3A_177 = arith.constant 0 : i32
        %dma_wait3A_178 = arith.constant 0 : i32
        %dma_wait3A_179 = tpu.memref_slice %arg11[%dma_wait3A_177, %dma_wait3A_178] : memref<104x128xf32, #tpu.memory_space<vmem>> -> memref<16x128xf32, #tpu.memory_space<vmem>>
        %dma_wait3A_180 = arith.constant 9984 : i32
        %dma_wait3A_181 = arith.constant 0 : i32
        %dma_wait3A_182 = tpu.memref_slice %arg15[%dma_wait3A_180, %dma_wait3A_181] : memref<10000x128xf32, #tpu.memory_space<vmem_shared>> -> memref<16x128xf32, #tpu.memory_space<vmem_shared>>
        %dma_wait3A_183 = arith.constant 9984 : i32
        %dma_wait3A_184 = arith.constant 0 : i32
        %dma_wait3A_185 = tpu.memref_slice %arg15[%dma_wait3A_183, %dma_wait3A_184] : memref<10000x128xf32, #tpu.memory_space<vmem_shared>> -> memref<16x128xf32, #tpu.memory_space<vmem_shared>>
        %dma_wait3A_186 = arith.constant 0 : i32
        %dma_wait3A_187 = arith.constant 0 : i32
        %dma_wait3A_188 = tpu.memref_slice %arg11[%dma_wait3A_186, %dma_wait3A_187] : memref<104x128xf32, #tpu.memory_space<vmem>> -> memref<16x128xf32, #tpu.memory_space<vmem>>
        tpu.wait_dma2 semaphore(%run_scoped3A_164 : memref<!tpu.dma_semaphore, #tpu.memory_space<semaphore_mem>>) src(%dma_wait3A_188 : memref<16x128xf32, #tpu.memory_space<vmem>>) dst(%dma_wait3A_185 : memref<16x128xf32, #tpu.memory_space<vmem_shared>>)
        tpu.yield
      }) : () -> ()
    } else {
    }
    %barrier3A = arith.constant 0 : index
    tpu.barrier barrier_id(%barrier3A)
    %add3A_35 = arith.constant 0 : i32
    %add3A_36 = arith.addi %mul3A_2, %add3A_35 : i32
    %run_scoped3A = arith.constant 0 : i32
    "tpu.region"() ({
      %run_scoped3A_164 = tpu.sem_alloc : memref<!tpu.dma_semaphore, #tpu.memory_space<semaphore_mem>>
      %dma_start3A_165 = arith.constant 0 : i32
      %dma_start3A_166 = tpu.memref_slice %arg7[%run_scoped3A, %dma_start3A_165] : memref<3x40xi32, #tpu.memory_space<vmem>> -> memref<1x40xi32, #tpu.memory_space<vmem>>
      %dma_start3A_167 = tpu.memref_squeeze %dma_start3A_166 : memref<1x40xi32, #tpu.memory_space<vmem>> -> memref<40xi32, #tpu.memory_space<vmem>>
      %dma_start3A_168 = tpu.memref_slice %arg4[%add3A_36] : memref<320000xi32, #tpu.memory_space<hbm>> -> memref<40xi32, #tpu.memory_space<hbm>>
      %dma_start3A_169 = arith.constant 0 : i32
      %dma_start3A_170 = tpu.memref_slice %arg7[%run_scoped3A, %dma_start3A_169] : memref<3x40xi32, #tpu.memory_space<vmem>> -> memref<1x40xi32, #tpu.memory_space<vmem>>
      %dma_start3A_171 = tpu.memref_squeeze %dma_start3A_170 : memref<1x40xi32, #tpu.memory_space<vmem>> -> memref<40xi32, #tpu.memory_space<vmem>>
      %dma_start3A_172 = tpu.memref_slice %arg4[%add3A_36] : memref<320000xi32, #tpu.memory_space<hbm>> -> memref<40xi32, #tpu.memory_space<hbm>>
      tpu.enqueue_dma source(%dma_start3A_172 : memref<40xi32, #tpu.memory_space<hbm>>) target(%dma_start3A_171 : memref<40xi32, #tpu.memory_space<vmem>>) target_semaphore(%run_scoped3A_164 : memref<!tpu.dma_semaphore, #tpu.memory_space<semaphore_mem>>)
      %dma_wait3A_173 = arith.constant 0 : i32
      %dma_wait3A_174 = tpu.memref_slice %arg7[%run_scoped3A, %dma_wait3A_173] : memref<3x40xi32, #tpu.memory_space<vmem>> -> memref<1x40xi32, #tpu.memory_space<vmem>>
      %dma_wait3A_175 = tpu.memref_squeeze %dma_wait3A_174 : memref<1x40xi32, #tpu.memory_space<vmem>> -> memref<40xi32, #tpu.memory_space<vmem>>
      %dma_wait3A_176 = tpu.memref_slice %arg4[%add3A_36] : memref<320000xi32, #tpu.memory_space<hbm>> -> memref<40xi32, #tpu.memory_space<hbm>>
      %dma_wait3A_177 = arith.constant 0 : i32
      %dma_wait3A_178 = tpu.memref_slice %arg7[%run_scoped3A, %dma_wait3A_177] : memref<3x40xi32, #tpu.memory_space<vmem>> -> memref<1x40xi32, #tpu.memory_space<vmem>>
      %dma_wait3A_179 = tpu.memref_squeeze %dma_wait3A_178 : memref<1x40xi32, #tpu.memory_space<vmem>> -> memref<40xi32, #tpu.memory_space<vmem>>
      %dma_wait3A_180 = tpu.memref_slice %arg4[%add3A_36] : memref<320000xi32, #tpu.memory_space<hbm>> -> memref<40xi32, #tpu.memory_space<hbm>>
      tpu.wait_dma2 semaphore(%run_scoped3A_164 : memref<!tpu.dma_semaphore, #tpu.memory_space<semaphore_mem>>) src(%dma_wait3A_180 : memref<40xi32, #tpu.memory_space<hbm>>) dst(%dma_wait3A_179 : memref<40xi32, #tpu.memory_space<vmem>>)
      tpu.yield
    }) : () -> ()
    %run_scoped3A_37 = arith.constant 0 : i32
    "tpu.region"() ({
      %run_scoped3A_164 = tpu.sem_alloc : memref<!tpu.dma_semaphore, #tpu.memory_space<semaphore_mem>>
      %dma_start3A_165 = arith.constant 0 : i32
      %dma_start3A_166 = tpu.memref_slice %arg8[%run_scoped3A_37, %dma_start3A_165] : memref<3x40xi32, #tpu.memory_space<vmem>> -> memref<1x40xi32, #tpu.memory_space<vmem>>
      %dma_start3A_167 = tpu.memref_squeeze %dma_start3A_166 : memref<1x40xi32, #tpu.memory_space<vmem>> -> memref<40xi32, #tpu.memory_space<vmem>>
      %dma_start3A_168 = tpu.memref_slice %arg5[%add3A_36] : memref<320000xi32, #tpu.memory_space<hbm>> -> memref<40xi32, #tpu.memory_space<hbm>>
      %dma_start3A_169 = arith.constant 0 : i32
      %dma_start3A_170 = tpu.memref_slice %arg8[%run_scoped3A_37, %dma_start3A_169] : memref<3x40xi32, #tpu.memory_space<vmem>> -> memref<1x40xi32, #tpu.memory_space<vmem>>
      %dma_start3A_171 = tpu.memref_squeeze %dma_start3A_170 : memref<1x40xi32, #tpu.memory_space<vmem>> -> memref<40xi32, #tpu.memory_space<vmem>>
      %dma_start3A_172 = tpu.memref_slice %arg5[%add3A_36] : memref<320000xi32, #tpu.memory_space<hbm>> -> memref<40xi32, #tpu.memory_space<hbm>>
      tpu.enqueue_dma source(%dma_start3A_172 : memref<40xi32, #tpu.memory_space<hbm>>) target(%dma_start3A_171 : memref<40xi32, #tpu.memory_space<vmem>>) target_semaphore(%run_scoped3A_164 : memref<!tpu.dma_semaphore, #tpu.memory_space<semaphore_mem>>)
      %dma_wait3A_173 = arith.constant 0 : i32
      %dma_wait3A_174 = tpu.memref_slice %arg8[%run_scoped3A_37, %dma_wait3A_173] : memref<3x40xi32, #tpu.memory_space<vmem>> -> memref<1x40xi32, #tpu.memory_space<vmem>>
      %dma_wait3A_175 = tpu.memref_squeeze %dma_wait3A_174 : memref<1x40xi32, #tpu.memory_space<vmem>> -> memref<40xi32, #tpu.memory_space<vmem>>
      %dma_wait3A_176 = tpu.memref_slice %arg5[%add3A_36] : memref<320000xi32, #tpu.memory_space<hbm>> -> memref<40xi32, #tpu.memory_space<hbm>>
      %dma_wait3A_177 = arith.constant 0 : i32
      %dma_wait3A_178 = tpu.memref_slice %arg8[%run_scoped3A_37, %dma_wait3A_177] : memref<3x40xi32, #tpu.memory_space<vmem>> -> memref<1x40xi32, #tpu.memory_space<vmem>>
      %dma_wait3A_179 = tpu.memref_squeeze %dma_wait3A_178 : memref<1x40xi32, #tpu.memory_space<vmem>> -> memref<40xi32, #tpu.memory_space<vmem>>
      %dma_wait3A_180 = tpu.memref_slice %arg5[%add3A_36] : memref<320000xi32, #tpu.memory_space<hbm>> -> memref<40xi32, #tpu.memory_space<hbm>>
      tpu.wait_dma2 semaphore(%run_scoped3A_164 : memref<!tpu.dma_semaphore, #tpu.memory_space<semaphore_mem>>) src(%dma_wait3A_180 : memref<40xi32, #tpu.memory_space<hbm>>) dst(%dma_wait3A_179 : memref<40xi32, #tpu.memory_space<vmem>>)
      tpu.yield
    }) : () -> ()
    %dma_start3A = arith.constant 0 : i32
    %dma_start3A_38 = arith.constant 0 : i32
    %dma_start3A_39 = arith.constant 0 : i32
    %dma_start3A_40 = arith.constant 0 : i32
    %dma_start3A_41 = tpu.memref_slice %arg9[%dma_start3A, %dma_start3A_39, %dma_start3A_40] : memref<3x40x128xf32, #tpu.memory_space<vmem>> -> memref<1x40x128xf32, #tpu.memory_space<vmem>>
    %dma_start3A_42 = tpu.memref_squeeze %dma_start3A_41 : memref<1x40x128xf32, #tpu.memory_space<vmem>> -> memref<40x128xf32, #tpu.memory_space<vmem>>
    %dma_start3A_43 = arith.constant 0 : i32
    %dma_start3A_44 = tpu.memref_slice %arg3[%add3A_36, %dma_start3A_43] : memref<320000x128xf32, #tpu.memory_space<hbm>> -> memref<40x128xf32, #tpu.memory_space<hbm>>
    %dma_start3A_45 = tpu.memref_slice %arg12[%dma_start3A_38] : memref<3x!tpu.dma_semaphore, #tpu.memory_space<semaphore_mem>> -> memref<1x!tpu.dma_semaphore, #tpu.memory_space<semaphore_mem>>
    %dma_start3A_46 = tpu.memref_squeeze %dma_start3A_45 : memref<1x!tpu.dma_semaphore, #tpu.memory_space<semaphore_mem>> -> memref<!tpu.dma_semaphore, #tpu.memory_space<semaphore_mem>>
    %dma_start3A_47 = arith.constant 0 : i32
    %dma_start3A_48 = arith.constant 0 : i32
    %dma_start3A_49 = tpu.memref_slice %arg9[%dma_start3A, %dma_start3A_47, %dma_start3A_48] : memref<3x40x128xf32, #tpu.memory_space<vmem>> -> memref<1x40x128xf32, #tpu.memory_space<vmem>>
    %dma_start3A_50 = tpu.memref_squeeze %dma_start3A_49 : memref<1x40x128xf32, #tpu.memory_space<vmem>> -> memref<40x128xf32, #tpu.memory_space<vmem>>
    %dma_start3A_51 = arith.constant 0 : i32
    %dma_start3A_52 = tpu.memref_slice %arg3[%add3A_36, %dma_start3A_51] : memref<320000x128xf32, #tpu.memory_space<hbm>> -> memref<40x128xf32, #tpu.memory_space<hbm>>
    tpu.enqueue_dma source(%dma_start3A_52 : memref<40x128xf32, #tpu.memory_space<hbm>>) target(%dma_start3A_50 : memref<40x128xf32, #tpu.memory_space<vmem>>) target_semaphore(%dma_start3A_46 : memref<!tpu.dma_semaphore, #tpu.memory_space<semaphore_mem>>)
    %dma_start3A_53 = arith.constant 0 : i32
    %dma_start3A_54 = arith.constant 0 : i32
    %dma_start3A_55 = arith.constant 0 : i32
    %dma_start3A_56 = arith.constant 0 : i32
    %dma_start3A_57 = arith.constant 0 : i32
    %dma_start3A_58 = tpu.memref_slice %arg10[%dma_start3A_54, %dma_start3A_56, %dma_start3A_57] : memref<3x40x128xf32, #tpu.memory_space<vmem>> -> memref<1x40x128xf32, #tpu.memory_space<vmem>>
    %dma_start3A_59 = tpu.memref_squeeze %dma_start3A_58 : memref<1x40x128xf32, #tpu.memory_space<vmem>> -> memref<40x128xf32, #tpu.memory_space<vmem>>
    %dma_start3A_60 = arith.constant 0 : i32
    %dma_start3A_61 = tpu.memref_slice %arg7[%dma_start3A_53, %dma_start3A_60] : memref<3x40xi32, #tpu.memory_space<vmem>> -> memref<1x40xi32, #tpu.memory_space<vmem>>
    %dma_start3A_62 = tpu.memref_squeeze %dma_start3A_61 : memref<1x40xi32, #tpu.memory_space<vmem>> -> memref<40xi32, #tpu.memory_space<vmem>>
    %dma_start3A_63 = arith.constant 0 : i32
    %dma_start3A_64 = arith.constant 0 : i32
    %dma_start3A_65 = tpu.memref_slice %arg2[%dma_start3A_63, %dma_start3A_64] : memref<10000x128xf32, #tpu.memory_space<hbm>> -> memref<10000x128xf32, #tpu.memory_space<hbm>>
    %dma_start3A_66 = tpu.memref_slice %arg13[%dma_start3A_55] : memref<3x!tpu.dma_semaphore, #tpu.memory_space<semaphore_mem>> -> memref<1x!tpu.dma_semaphore, #tpu.memory_space<semaphore_mem>>
    %dma_start3A_67 = tpu.memref_squeeze %dma_start3A_66 : memref<1x!tpu.dma_semaphore, #tpu.memory_space<semaphore_mem>> -> memref<!tpu.dma_semaphore, #tpu.memory_space<semaphore_mem>>
    tpu.enqueue_indirect_dma source(%dma_start3A_65 : memref<10000x128xf32, #tpu.memory_space<hbm>>) target(%dma_start3A_59 : memref<40x128xf32, #tpu.memory_space<vmem>>) offsets(%dma_start3A_62 : memref<40xi32, #tpu.memory_space<vmem>>) semaphore(%dma_start3A_67 : memref<!tpu.dma_semaphore, #tpu.memory_space<semaphore_mem>>)
    %add3A_68 = arith.constant 40 : i32
    %add3A_69 = arith.addi %mul3A_2, %add3A_68 : i32
    %run_scoped3A_70 = arith.constant 1 : i32
    "tpu.region"() ({
      %run_scoped3A_164 = tpu.sem_alloc : memref<!tpu.dma_semaphore, #tpu.memory_space<semaphore_mem>>
      %dma_start3A_165 = arith.constant 0 : i32
      %dma_start3A_166 = tpu.memref_slice %arg7[%run_scoped3A_70, %dma_start3A_165] : memref<3x40xi32, #tpu.memory_space<vmem>> -> memref<1x40xi32, #tpu.memory_space<vmem>>
      %dma_start3A_167 = tpu.memref_squeeze %dma_start3A_166 : memref<1x40xi32, #tpu.memory_space<vmem>> -> memref<40xi32, #tpu.memory_space<vmem>>
      %dma_start3A_168 = tpu.memref_slice %arg4[%add3A_69] : memref<320000xi32, #tpu.memory_space<hbm>> -> memref<40xi32, #tpu.memory_space<hbm>>
      %dma_start3A_169 = arith.constant 0 : i32
      %dma_start3A_170 = tpu.memref_slice %arg7[%run_scoped3A_70, %dma_start3A_169] : memref<3x40xi32, #tpu.memory_space<vmem>> -> memref<1x40xi32, #tpu.memory_space<vmem>>
      %dma_start3A_171 = tpu.memref_squeeze %dma_start3A_170 : memref<1x40xi32, #tpu.memory_space<vmem>> -> memref<40xi32, #tpu.memory_space<vmem>>
      %dma_start3A_172 = tpu.memref_slice %arg4[%add3A_69] : memref<320000xi32, #tpu.memory_space<hbm>> -> memref<40xi32, #tpu.memory_space<hbm>>
      tpu.enqueue_dma source(%dma_start3A_172 : memref<40xi32, #tpu.memory_space<hbm>>) target(%dma_start3A_171 : memref<40xi32, #tpu.memory_space<vmem>>) target_semaphore(%run_scoped3A_164 : memref<!tpu.dma_semaphore, #tpu.memory_space<semaphore_mem>>)
      %dma_wait3A_173 = arith.constant 0 : i32
      %dma_wait3A_174 = tpu.memref_slice %arg7[%run_scoped3A_70, %dma_wait3A_173] : memref<3x40xi32, #tpu.memory_space<vmem>> -> memref<1x40xi32, #tpu.memory_space<vmem>>
      %dma_wait3A_175 = tpu.memref_squeeze %dma_wait3A_174 : memref<1x40xi32, #tpu.memory_space<vmem>> -> memref<40xi32, #tpu.memory_space<vmem>>
      %dma_wait3A_176 = tpu.memref_slice %arg4[%add3A_69] : memref<320000xi32, #tpu.memory_space<hbm>> -> memref<40xi32, #tpu.memory_space<hbm>>
      %dma_wait3A_177 = arith.constant 0 : i32
      %dma_wait3A_178 = tpu.memref_slice %arg7[%run_scoped3A_70, %dma_wait3A_177] : memref<3x40xi32, #tpu.memory_space<vmem>> -> memref<1x40xi32, #tpu.memory_space<vmem>>
      %dma_wait3A_179 = tpu.memref_squeeze %dma_wait3A_178 : memref<1x40xi32, #tpu.memory_space<vmem>> -> memref<40xi32, #tpu.memory_space<vmem>>
      %dma_wait3A_180 = tpu.memref_slice %arg4[%add3A_69] : memref<320000xi32, #tpu.memory_space<hbm>> -> memref<40xi32, #tpu.memory_space<hbm>>
      tpu.wait_dma2 semaphore(%run_scoped3A_164 : memref<!tpu.dma_semaphore, #tpu.memory_space<semaphore_mem>>) src(%dma_wait3A_180 : memref<40xi32, #tpu.memory_space<hbm>>) dst(%dma_wait3A_179 : memref<40xi32, #tpu.memory_space<vmem>>)
      tpu.yield
    }) : () -> ()
    %run_scoped3A_71 = arith.constant 1 : i32
    "tpu.region"() ({
      %run_scoped3A_164 = tpu.sem_alloc : memref<!tpu.dma_semaphore, #tpu.memory_space<semaphore_mem>>
      %dma_start3A_165 = arith.constant 0 : i32
      %dma_start3A_166 = tpu.memref_slice %arg8[%run_scoped3A_71, %dma_start3A_165] : memref<3x40xi32, #tpu.memory_space<vmem>> -> memref<1x40xi32, #tpu.memory_space<vmem>>
      %dma_start3A_167 = tpu.memref_squeeze %dma_start3A_166 : memref<1x40xi32, #tpu.memory_space<vmem>> -> memref<40xi32, #tpu.memory_space<vmem>>
      %dma_start3A_168 = tpu.memref_slice %arg5[%add3A_69] : memref<320000xi32, #tpu.memory_space<hbm>> -> memref<40xi32, #tpu.memory_space<hbm>>
      %dma_start3A_169 = arith.constant 0 : i32
      %dma_start3A_170 = tpu.memref_slice %arg8[%run_scoped3A_71, %dma_start3A_169] : memref<3x40xi32, #tpu.memory_space<vmem>> -> memref<1x40xi32, #tpu.memory_space<vmem>>
      %dma_start3A_171 = tpu.memref_squeeze %dma_start3A_170 : memref<1x40xi32, #tpu.memory_space<vmem>> -> memref<40xi32, #tpu.memory_space<vmem>>
      %dma_start3A_172 = tpu.memref_slice %arg5[%add3A_69] : memref<320000xi32, #tpu.memory_space<hbm>> -> memref<40xi32, #tpu.memory_space<hbm>>
      tpu.enqueue_dma source(%dma_start3A_172 : memref<40xi32, #tpu.memory_space<hbm>>) target(%dma_start3A_171 : memref<40xi32, #tpu.memory_space<vmem>>) target_semaphore(%run_scoped3A_164 : memref<!tpu.dma_semaphore, #tpu.memory_space<semaphore_mem>>)
      %dma_wait3A_173 = arith.constant 0 : i32
      %dma_wait3A_174 = tpu.memref_slice %arg8[%run_scoped3A_71, %dma_wait3A_173] : memref<3x40xi32, #tpu.memory_space<vmem>> -> memref<1x40xi32, #tpu.memory_space<vmem>>
      %dma_wait3A_175 = tpu.memref_squeeze %dma_wait3A_174 : memref<1x40xi32, #tpu.memory_space<vmem>> -> memref<40xi32, #tpu.memory_space<vmem>>
      %dma_wait3A_176 = tpu.memref_slice %arg5[%add3A_69] : memref<320000xi32, #tpu.memory_space<hbm>> -> memref<40xi32, #tpu.memory_space<hbm>>
      %dma_wait3A_177 = arith.constant 0 : i32
      %dma_wait3A_178 = tpu.memref_slice %arg8[%run_scoped3A_71, %dma_wait3A_177] : memref<3x40xi32, #tpu.memory_space<vmem>> -> memref<1x40xi32, #tpu.memory_space<vmem>>
      %dma_wait3A_179 = tpu.memref_squeeze %dma_wait3A_178 : memref<1x40xi32, #tpu.memory_space<vmem>> -> memref<40xi32, #tpu.memory_space<vmem>>
      %dma_wait3A_180 = tpu.memref_slice %arg5[%add3A_69] : memref<320000xi32, #tpu.memory_space<hbm>> -> memref<40xi32, #tpu.memory_space<hbm>>
      tpu.wait_dma2 semaphore(%run_scoped3A_164 : memref<!tpu.dma_semaphore, #tpu.memory_space<semaphore_mem>>) src(%dma_wait3A_180 : memref<40xi32, #tpu.memory_space<hbm>>) dst(%dma_wait3A_179 : memref<40xi32, #tpu.memory_space<vmem>>)
      tpu.yield
    }) : () -> ()
    %dma_start3A_72 = arith.constant 1 : i32
    %dma_start3A_73 = arith.constant 1 : i32
    %dma_start3A_74 = arith.constant 0 : i32
    %dma_start3A_75 = arith.constant 0 : i32
    %dma_start3A_76 = tpu.memref_slice %arg9[%dma_start3A_72, %dma_start3A_74, %dma_start3A_75] : memref<3x40x128xf32, #tpu.memory_space<vmem>> -> memref<1x40x128xf32, #tpu.memory_space<vmem>>
    %dma_start3A_77 = tpu.memref_squeeze %dma_start3A_76 : memref<1x40x128xf32, #tpu.memory_space<vmem>> -> memref<40x128xf32, #tpu.memory_space<vmem>>
    %dma_start3A_78 = arith.constant 0 : i32
    %dma_start3A_79 = tpu.memref_slice %arg3[%add3A_69, %dma_start3A_78] : memref<320000x128xf32, #tpu.memory_space<hbm>> -> memref<40x128xf32, #tpu.memory_space<hbm>>
    %dma_start3A_80 = tpu.memref_slice %arg12[%dma_start3A_73] : memref<3x!tpu.dma_semaphore, #tpu.memory_space<semaphore_mem>> -> memref<1x!tpu.dma_semaphore, #tpu.memory_space<semaphore_mem>>
    %dma_start3A_81 = tpu.memref_squeeze %dma_start3A_80 : memref<1x!tpu.dma_semaphore, #tpu.memory_space<semaphore_mem>> -> memref<!tpu.dma_semaphore, #tpu.memory_space<semaphore_mem>>
    %dma_start3A_82 = arith.constant 0 : i32
    %dma_start3A_83 = arith.constant 0 : i32
    %dma_start3A_84 = tpu.memref_slice %arg9[%dma_start3A_72, %dma_start3A_82, %dma_start3A_83] : memref<3x40x128xf32, #tpu.memory_space<vmem>> -> memref<1x40x128xf32, #tpu.memory_space<vmem>>
    %dma_start3A_85 = tpu.memref_squeeze %dma_start3A_84 : memref<1x40x128xf32, #tpu.memory_space<vmem>> -> memref<40x128xf32, #tpu.memory_space<vmem>>
    %dma_start3A_86 = arith.constant 0 : i32
    %dma_start3A_87 = tpu.memref_slice %arg3[%add3A_69, %dma_start3A_86] : memref<320000x128xf32, #tpu.memory_space<hbm>> -> memref<40x128xf32, #tpu.memory_space<hbm>>
    tpu.enqueue_dma source(%dma_start3A_87 : memref<40x128xf32, #tpu.memory_space<hbm>>) target(%dma_start3A_85 : memref<40x128xf32, #tpu.memory_space<vmem>>) target_semaphore(%dma_start3A_81 : memref<!tpu.dma_semaphore, #tpu.memory_space<semaphore_mem>>)
    %dma_start3A_88 = arith.constant 1 : i32
    %dma_start3A_89 = arith.constant 1 : i32
    %dma_start3A_90 = arith.constant 1 : i32
    %dma_start3A_91 = arith.constant 0 : i32
    %dma_start3A_92 = arith.constant 0 : i32
    %dma_start3A_93 = tpu.memref_slice %arg10[%dma_start3A_89, %dma_start3A_91, %dma_start3A_92] : memref<3x40x128xf32, #tpu.memory_space<vmem>> -> memref<1x40x128xf32, #tpu.memory_space<vmem>>
    %dma_start3A_94 = tpu.memref_squeeze %dma_start3A_93 : memref<1x40x128xf32, #tpu.memory_space<vmem>> -> memref<40x128xf32, #tpu.memory_space<vmem>>
    %dma_start3A_95 = arith.constant 0 : i32
    %dma_start3A_96 = tpu.memref_slice %arg7[%dma_start3A_88, %dma_start3A_95] : memref<3x40xi32, #tpu.memory_space<vmem>> -> memref<1x40xi32, #tpu.memory_space<vmem>>
    %dma_start3A_97 = tpu.memref_squeeze %dma_start3A_96 : memref<1x40xi32, #tpu.memory_space<vmem>> -> memref<40xi32, #tpu.memory_space<vmem>>
    %dma_start3A_98 = arith.constant 0 : i32
    %dma_start3A_99 = arith.constant 0 : i32
    %dma_start3A_100 = tpu.memref_slice %arg2[%dma_start3A_98, %dma_start3A_99] : memref<10000x128xf32, #tpu.memory_space<hbm>> -> memref<10000x128xf32, #tpu.memory_space<hbm>>
    %dma_start3A_101 = tpu.memref_slice %arg13[%dma_start3A_90] : memref<3x!tpu.dma_semaphore, #tpu.memory_space<semaphore_mem>> -> memref<1x!tpu.dma_semaphore, #tpu.memory_space<semaphore_mem>>
    %dma_start3A_102 = tpu.memref_squeeze %dma_start3A_101 : memref<1x!tpu.dma_semaphore, #tpu.memory_space<semaphore_mem>> -> memref<!tpu.dma_semaphore, #tpu.memory_space<semaphore_mem>>
    tpu.enqueue_indirect_dma source(%dma_start3A_100 : memref<10000x128xf32, #tpu.memory_space<hbm>>) target(%dma_start3A_94 : memref<40x128xf32, #tpu.memory_space<vmem>>) offsets(%dma_start3A_97 : memref<40xi32, #tpu.memory_space<vmem>>) semaphore(%dma_start3A_102 : memref<!tpu.dma_semaphore, #tpu.memory_space<semaphore_mem>>)
    %scan3A_103 = arith.constant 0 : i32
    %scan3A_104 = arith.constant 0 : i32
    %scan3A_105 = arith.constant 250 : i32
    %scan3A_106 = arith.addi %scan3A_104, %scan3A_105 : i32
    %scan3A_107 = arith.constant 1 : i32
    %scan3A_108 = scf.for %scan3A_164 = %scan3A_104 to %scan3A_106 step %scan3A_107 iter_args(%scan3A_165 = %scan3A_103) -> (i32)  : i32 {
      %rem3A = arith.constant 3 : i32
      %rem3A_166 = arith.remsi %scan3A_164, %rem3A : i32
      %add3A_167 = arith.constant 2 : i32
      %add3A_168 = arith.addi %scan3A_164, %add3A_167 : i32
      %rem3A_169 = arith.constant 3 : i32
      %rem3A_170 = arith.remsi %add3A_168, %rem3A_169 : i32
      %mul3A_171 = arith.constant 40 : i32
      %mul3A_172 = arith.muli %scan3A_164, %mul3A_171 : i32
      %add3A_173 = arith.addi %mul3A_2, %mul3A_172 : i32
      %dma_wait3A_174 = arith.constant 0 : i32
      %dma_wait3A_175 = arith.constant 0 : i32
      %dma_wait3A_176 = tpu.memref_slice %arg9[%rem3A_166, %dma_wait3A_174, %dma_wait3A_175] : memref<3x40x128xf32, #tpu.memory_space<vmem>> -> memref<1x40x128xf32, #tpu.memory_space<vmem>>
      %dma_wait3A_177 = tpu.memref_squeeze %dma_wait3A_176 : memref<1x40x128xf32, #tpu.memory_space<vmem>> -> memref<40x128xf32, #tpu.memory_space<vmem>>
      %dma_wait3A_178 = arith.constant 0 : i32
      %dma_wait3A_179 = tpu.memref_slice %arg3[%add3A_173, %dma_wait3A_178] : memref<320000x128xf32, #tpu.memory_space<hbm>> -> memref<40x128xf32, #tpu.memory_space<hbm>>
      %dma_wait3A_180 = tpu.memref_slice %arg12[%rem3A_166] : memref<3x!tpu.dma_semaphore, #tpu.memory_space<semaphore_mem>> -> memref<1x!tpu.dma_semaphore, #tpu.memory_space<semaphore_mem>>
      %dma_wait3A_181 = tpu.memref_squeeze %dma_wait3A_180 : memref<1x!tpu.dma_semaphore, #tpu.memory_space<semaphore_mem>> -> memref<!tpu.dma_semaphore, #tpu.memory_space<semaphore_mem>>
      %dma_wait3A_182 = arith.constant 0 : i32
      %dma_wait3A_183 = arith.constant 0 : i32
      %dma_wait3A_184 = tpu.memref_slice %arg9[%rem3A_166, %dma_wait3A_182, %dma_wait3A_183] : memref<3x40x128xf32, #tpu.memory_space<vmem>> -> memref<1x40x128xf32, #tpu.memory_space<vmem>>
      %dma_wait3A_185 = tpu.memref_squeeze %dma_wait3A_184 : memref<1x40x128xf32, #tpu.memory_space<vmem>> -> memref<40x128xf32, #tpu.memory_space<vmem>>
      %dma_wait3A_186 = arith.constant 0 : i32
      %dma_wait3A_187 = tpu.memref_slice %arg3[%add3A_173, %dma_wait3A_186] : memref<320000x128xf32, #tpu.memory_space<hbm>> -> memref<40x128xf32, #tpu.memory_space<hbm>>
      tpu.wait_dma2 semaphore(%dma_wait3A_181 : memref<!tpu.dma_semaphore, #tpu.memory_space<semaphore_mem>>) src(%dma_wait3A_187 : memref<40x128xf32, #tpu.memory_space<hbm>>) dst(%dma_wait3A_185 : memref<40x128xf32, #tpu.memory_space<vmem>>)
      %dma_wait3A_188 = arith.constant 0 : i32
      %dma_wait3A_189 = arith.constant 0 : i32
      %dma_wait3A_190 = tpu.memref_slice %arg10[%rem3A_166, %dma_wait3A_188, %dma_wait3A_189] : memref<3x40x128xf32, #tpu.memory_space<vmem>> -> memref<1x40x128xf32, #tpu.memory_space<vmem>>
      %dma_wait3A_191 = tpu.memref_squeeze %dma_wait3A_190 : memref<1x40x128xf32, #tpu.memory_space<vmem>> -> memref<40x128xf32, #tpu.memory_space<vmem>>
      %dma_wait3A_192 = arith.constant 0 : i32
      %dma_wait3A_193 = tpu.memref_slice %arg7[%rem3A_166, %dma_wait3A_192] : memref<3x40xi32, #tpu.memory_space<vmem>> -> memref<1x40xi32, #tpu.memory_space<vmem>>
      %dma_wait3A_194 = tpu.memref_squeeze %dma_wait3A_193 : memref<1x40xi32, #tpu.memory_space<vmem>> -> memref<40xi32, #tpu.memory_space<vmem>>
      %dma_wait3A_195 = arith.constant 0 : i32
      %dma_wait3A_196 = arith.constant 0 : i32
      %dma_wait3A_197 = tpu.memref_slice %arg2[%dma_wait3A_195, %dma_wait3A_196] : memref<10000x128xf32, #tpu.memory_space<hbm>> -> memref<10000x128xf32, #tpu.memory_space<hbm>>
      %dma_wait3A_198 = tpu.memref_slice %arg13[%rem3A_166] : memref<3x!tpu.dma_semaphore, #tpu.memory_space<semaphore_mem>> -> memref<1x!tpu.dma_semaphore, #tpu.memory_space<semaphore_mem>>
      %dma_wait3A_199 = tpu.memref_squeeze %dma_wait3A_198 : memref<1x!tpu.dma_semaphore, #tpu.memory_space<semaphore_mem>> -> memref<!tpu.dma_semaphore, #tpu.memory_space<semaphore_mem>>
      tpu.wait_indirect_dma semaphore(%dma_wait3A_199 : memref<!tpu.dma_semaphore, #tpu.memory_space<semaphore_mem>>) src(%dma_wait3A_197 : memref<10000x128xf32, #tpu.memory_space<hbm>>) dst(%dma_wait3A_191 : memref<40x128xf32, #tpu.memory_space<vmem>>)
      %parallel_loop3A = arith.constant 0 : i32
      %parallel_loop3A_200 = arith.constant 40 : i32
      %parallel_loop3A_201 = arith.constant 1 : i32
      scf.for %parallel_loop3A_221 = %parallel_loop3A to %parallel_loop3A_200 step %parallel_loop3A_201  : i32 {
        %parallel_loop3A_222 = arith.index_cast %rem3A_166 : i32 to index
        %parallel_loop3A_223 = arith.index_cast %parallel_loop3A_221 : i32 to index
        %parallel_loop3A_224 = arith.constant 0 : index
        %parallel_loop3A_225 = tpu.vector_load %arg10[%parallel_loop3A_222, %parallel_loop3A_223, %parallel_loop3A_224] {strides = array<i32>} : memref<3x40x128xf32, #tpu.memory_space<vmem>>, vector<1x1x16xf32>,
        %parallel_loop3A_226 = vector.shape_cast %parallel_loop3A_225 : vector<1x1x16xf32> to vector<16xf32>
        %parallel_loop3A_227 = arith.index_cast %rem3A_166 : i32 to index
        %parallel_loop3A_228 = arith.index_cast %parallel_loop3A_221 : i32 to index
        %parallel_loop3A_229 = arith.constant 0 : index
        %parallel_loop3A_230 = tpu.vector_load %arg9[%parallel_loop3A_227, %parallel_loop3A_228, %parallel_loop3A_229] {strides = array<i32>} : memref<3x40x128xf32, #tpu.memory_space<vmem>>, vector<1x1x16xf32>,
        %parallel_loop3A_231 = vector.shape_cast %parallel_loop3A_230 : vector<1x1x16xf32> to vector<16xf32>
        %parallel_loop3A_232 = arith.addf %parallel_loop3A_226, %parallel_loop3A_231 : vector<16xf32>
        %parallel_loop3A_233 = arith.constant 0.000000e+00 : f32
        %parallel_loop3A_234 = vector.broadcast %parallel_loop3A_233 : f32 to vector<16xf32>
        %parallel_loop3A_235 = arith.maximumf %parallel_loop3A_232, %parallel_loop3A_234 : vector<16xf32>
        %parallel_loop3A_236 = arith.index_cast %rem3A_166 : i32 to index
        %parallel_loop3A_237 = arith.index_cast %parallel_loop3A_221 : i32 to index
        %parallel_loop3A_238 = arith.constant 0 : index
        %parallel_loop3A_239 = tpu.vector_load %arg10[%parallel_loop3A_236, %parallel_loop3A_237, %parallel_loop3A_238] {strides = array<i32>} : memref<3x40x128xf32, #tpu.memory_space<vmem>>, vector<1x1x16xf32>,
        %parallel_loop3A_240 = vector.shape_cast %parallel_loop3A_239 : vector<1x1x16xf32> to vector<16xf32>
        %parallel_loop3A_241 = vector.shape_cast %parallel_loop3A_235 : vector<16xf32> to vector<1x1x16xf32>
        tpu.vector_store %arg10[%parallel_loop3A_236, %parallel_loop3A_237, %parallel_loop3A_238], %parallel_loop3A_241 {strides = array<i32>} : memref<3x40x128xf32, #tpu.memory_space<vmem>>, vector<1x1x16xf32>,
        %parallel_loop3A_242 = arith.index_cast %rem3A_166 : i32 to index
        %parallel_loop3A_243 = arith.index_cast %parallel_loop3A_221 : i32 to index
        %parallel_loop3A_244 = arith.constant 16 : index
        %parallel_loop3A_245 = tpu.vector_load %arg10[%parallel_loop3A_242, %parallel_loop3A_243, %parallel_loop3A_244] {strides = array<i32>} : memref<3x40x128xf32, #tpu.memory_space<vmem>>, vector<1x1x16xf32>,
        %parallel_loop3A_246 = vector.shape_cast %parallel_loop3A_245 : vector<1x1x16xf32> to vector<16xf32>
        %parallel_loop3A_247 = arith.index_cast %rem3A_166 : i32 to index
        %parallel_loop3A_248 = arith.index_cast %parallel_loop3A_221 : i32 to index
        %parallel_loop3A_249 = arith.constant 16 : index
        %parallel_loop3A_250 = tpu.vector_load %arg9[%parallel_loop3A_247, %parallel_loop3A_248, %parallel_loop3A_249] {strides = array<i32>} : memref<3x40x128xf32, #tpu.memory_space<vmem>>, vector<1x1x16xf32>,
        %parallel_loop3A_251 = vector.shape_cast %parallel_loop3A_250 : vector<1x1x16xf32> to vector<16xf32>
        %parallel_loop3A_252 = arith.addf %parallel_loop3A_246, %parallel_loop3A_251 : vector<16xf32>
        %parallel_loop3A_253 = arith.constant 0.000000e+00 : f32
        %parallel_loop3A_254 = vector.broadcast %parallel_loop3A_253 : f32 to vector<16xf32>
        %parallel_loop3A_255 = arith.maximumf %parallel_loop3A_252, %parallel_loop3A_254 : vector<16xf32>
        %parallel_loop3A_256 = arith.index_cast %rem3A_166 : i32 to index
        %parallel_loop3A_257 = arith.index_cast %parallel_loop3A_221 : i32 to index
        %parallel_loop3A_258 = arith.constant 16 : index
        %parallel_loop3A_259 = tpu.vector_load %arg10[%parallel_loop3A_256, %parallel_loop3A_257, %parallel_loop3A_258] {strides = array<i32>} : memref<3x40x128xf32, #tpu.memory_space<vmem>>, vector<1x1x16xf32>,
        %parallel_loop3A_260 = vector.shape_cast %parallel_loop3A_259 : vector<1x1x16xf32> to vector<16xf32>
        %parallel_loop3A_261 = vector.shape_cast %parallel_loop3A_255 : vector<16xf32> to vector<1x1x16xf32>
        tpu.vector_store %arg10[%parallel_loop3A_256, %parallel_loop3A_257, %parallel_loop3A_258], %parallel_loop3A_261 {strides = array<i32>} : memref<3x40x128xf32, #tpu.memory_space<vmem>>, vector<1x1x16xf32>,
        %parallel_loop3A_262 = arith.index_cast %rem3A_166 : i32 to index
        %parallel_loop3A_263 = arith.index_cast %parallel_loop3A_221 : i32 to index
        %parallel_loop3A_264 = arith.constant 32 : index
        %parallel_loop3A_265 = tpu.vector_load %arg10[%parallel_loop3A_262, %parallel_loop3A_263, %parallel_loop3A_264] {strides = array<i32>} : memref<3x40x128xf32, #tpu.memory_space<vmem>>, vector<1x1x16xf32>,
        %parallel_loop3A_266 = vector.shape_cast %parallel_loop3A_265 : vector<1x1x16xf32> to vector<16xf32>
        %parallel_loop3A_267 = arith.index_cast %rem3A_166 : i32 to index
        %parallel_loop3A_268 = arith.index_cast %parallel_loop3A_221 : i32 to index
        %parallel_loop3A_269 = arith.constant 32 : index
        %parallel_loop3A_270 = tpu.vector_load %arg9[%parallel_loop3A_267, %parallel_loop3A_268, %parallel_loop3A_269] {strides = array<i32>} : memref<3x40x128xf32, #tpu.memory_space<vmem>>, vector<1x1x16xf32>,
        %parallel_loop3A_271 = vector.shape_cast %parallel_loop3A_270 : vector<1x1x16xf32> to vector<16xf32>
        %parallel_loop3A_272 = arith.addf %parallel_loop3A_266, %parallel_loop3A_271 : vector<16xf32>
        %parallel_loop3A_273 = arith.constant 0.000000e+00 : f32
        %parallel_loop3A_274 = vector.broadcast %parallel_loop3A_273 : f32 to vector<16xf32>
        %parallel_loop3A_275 = arith.maximumf %parallel_loop3A_272, %parallel_loop3A_274 : vector<16xf32>
        %parallel_loop3A_276 = arith.index_cast %rem3A_166 : i32 to index
        %parallel_loop3A_277 = arith.index_cast %parallel_loop3A_221 : i32 to index
        %parallel_loop3A_278 = arith.constant 32 : index
        %parallel_loop3A_279 = tpu.vector_load %arg10[%parallel_loop3A_276, %parallel_loop3A_277, %parallel_loop3A_278] {strides = array<i32>} : memref<3x40x128xf32, #tpu.memory_space<vmem>>, vector<1x1x16xf32>,
        %parallel_loop3A_280 = vector.shape_cast %parallel_loop3A_279 : vector<1x1x16xf32> to vector<16xf32>
        %parallel_loop3A_281 = vector.shape_cast %parallel_loop3A_275 : vector<16xf32> to vector<1x1x16xf32>
        tpu.vector_store %arg10[%parallel_loop3A_276, %parallel_loop3A_277, %parallel_loop3A_278], %parallel_loop3A_281 {strides = array<i32>} : memref<3x40x128xf32, #tpu.memory_space<vmem>>, vector<1x1x16xf32>,
        %parallel_loop3A_282 = arith.index_cast %rem3A_166 : i32 to index
        %parallel_loop3A_283 = arith.index_cast %parallel_loop3A_221 : i32 to index
        %parallel_loop3A_284 = arith.constant 48 : index
        %parallel_loop3A_285 = tpu.vector_load %arg10[%parallel_loop3A_282, %parallel_loop3A_283, %parallel_loop3A_284] {strides = array<i32>} : memref<3x40x128xf32, #tpu.memory_space<vmem>>, vector<1x1x16xf32>,
        %parallel_loop3A_286 = vector.shape_cast %parallel_loop3A_285 : vector<1x1x16xf32> to vector<16xf32>
        %parallel_loop3A_287 = arith.index_cast %rem3A_166 : i32 to index
        %parallel_loop3A_288 = arith.index_cast %parallel_loop3A_221 : i32 to index
        %parallel_loop3A_289 = arith.constant 48 : index
        %parallel_loop3A_290 = tpu.vector_load %arg9[%parallel_loop3A_287, %parallel_loop3A_288, %parallel_loop3A_289] {strides = array<i32>} : memref<3x40x128xf32, #tpu.memory_space<vmem>>, vector<1x1x16xf32>,
        %parallel_loop3A_291 = vector.shape_cast %parallel_loop3A_290 : vector<1x1x16xf32> to vector<16xf32>
        %parallel_loop3A_292 = arith.addf %parallel_loop3A_286, %parallel_loop3A_291 : vector<16xf32>
        %parallel_loop3A_293 = arith.constant 0.000000e+00 : f32
        %parallel_loop3A_294 = vector.broadcast %parallel_loop3A_293 : f32 to vector<16xf32>
        %parallel_loop3A_295 = arith.maximumf %parallel_loop3A_292, %parallel_loop3A_294 : vector<16xf32>
        %parallel_loop3A_296 = arith.index_cast %rem3A_166 : i32 to index
        %parallel_loop3A_297 = arith.index_cast %parallel_loop3A_221 : i32 to index
        %parallel_loop3A_298 = arith.constant 48 : index
        %parallel_loop3A_299 = tpu.vector_load %arg10[%parallel_loop3A_296, %parallel_loop3A_297, %parallel_loop3A_298] {strides = array<i32>} : memref<3x40x128xf32, #tpu.memory_space<vmem>>, vector<1x1x16xf32>,
        %parallel_loop3A_300 = vector.shape_cast %parallel_loop3A_299 : vector<1x1x16xf32> to vector<16xf32>
        %parallel_loop3A_301 = vector.shape_cast %parallel_loop3A_295 : vector<16xf32> to vector<1x1x16xf32>
        tpu.vector_store %arg10[%parallel_loop3A_296, %parallel_loop3A_297, %parallel_loop3A_298], %parallel_loop3A_301 {strides = array<i32>} : memref<3x40x128xf32, #tpu.memory_space<vmem>>, vector<1x1x16xf32>,
        %parallel_loop3A_302 = arith.index_cast %rem3A_166 : i32 to index
        %parallel_loop3A_303 = arith.index_cast %parallel_loop3A_221 : i32 to index
        %parallel_loop3A_304 = arith.constant 64 : index
        %parallel_loop3A_305 = tpu.vector_load %arg10[%parallel_loop3A_302, %parallel_loop3A_303, %parallel_loop3A_304] {strides = array<i32>} : memref<3x40x128xf32, #tpu.memory_space<vmem>>, vector<1x1x16xf32>,
        %parallel_loop3A_306 = vector.shape_cast %parallel_loop3A_305 : vector<1x1x16xf32> to vector<16xf32>
        %parallel_loop3A_307 = arith.index_cast %rem3A_166 : i32 to index
        %parallel_loop3A_308 = arith.index_cast %parallel_loop3A_221 : i32 to index
        %parallel_loop3A_309 = arith.constant 64 : index
        %parallel_loop3A_310 = tpu.vector_load %arg9[%parallel_loop3A_307, %parallel_loop3A_308, %parallel_loop3A_309] {strides = array<i32>} : memref<3x40x128xf32, #tpu.memory_space<vmem>>, vector<1x1x16xf32>,
        %parallel_loop3A_311 = vector.shape_cast %parallel_loop3A_310 : vector<1x1x16xf32> to vector<16xf32>
        %parallel_loop3A_312 = arith.addf %parallel_loop3A_306, %parallel_loop3A_311 : vector<16xf32>
        %parallel_loop3A_313 = arith.constant 0.000000e+00 : f32
        %parallel_loop3A_314 = vector.broadcast %parallel_loop3A_313 : f32 to vector<16xf32>
        %parallel_loop3A_315 = arith.maximumf %parallel_loop3A_312, %parallel_loop3A_314 : vector<16xf32>
        %parallel_loop3A_316 = arith.index_cast %rem3A_166 : i32 to index
        %parallel_loop3A_317 = arith.index_cast %parallel_loop3A_221 : i32 to index
        %parallel_loop3A_318 = arith.constant 64 : index
        %parallel_loop3A_319 = tpu.vector_load %arg10[%parallel_loop3A_316, %parallel_loop3A_317, %parallel_loop3A_318] {strides = array<i32>} : memref<3x40x128xf32, #tpu.memory_space<vmem>>, vector<1x1x16xf32>,
        %parallel_loop3A_320 = vector.shape_cast %parallel_loop3A_319 : vector<1x1x16xf32> to vector<16xf32>
        %parallel_loop3A_321 = vector.shape_cast %parallel_loop3A_315 : vector<16xf32> to vector<1x1x16xf32>
        tpu.vector_store %arg10[%parallel_loop3A_316, %parallel_loop3A_317, %parallel_loop3A_318], %parallel_loop3A_321 {strides = array<i32>} : memref<3x40x128xf32, #tpu.memory_space<vmem>>, vector<1x1x16xf32>,
        %parallel_loop3A_322 = arith.index_cast %rem3A_166 : i32 to index
        %parallel_loop3A_323 = arith.index_cast %parallel_loop3A_221 : i32 to index
        %parallel_loop3A_324 = arith.constant 80 : index
        %parallel_loop3A_325 = tpu.vector_load %arg10[%parallel_loop3A_322, %parallel_loop3A_323, %parallel_loop3A_324] {strides = array<i32>} : memref<3x40x128xf32, #tpu.memory_space<vmem>>, vector<1x1x16xf32>,
        %parallel_loop3A_326 = vector.shape_cast %parallel_loop3A_325 : vector<1x1x16xf32> to vector<16xf32>
        %parallel_loop3A_327 = arith.index_cast %rem3A_166 : i32 to index
        %parallel_loop3A_328 = arith.index_cast %parallel_loop3A_221 : i32 to index
        %parallel_loop3A_329 = arith.constant 80 : index
        %parallel_loop3A_330 = tpu.vector_load %arg9[%parallel_loop3A_327, %parallel_loop3A_328, %parallel_loop3A_329] {strides = array<i32>} : memref<3x40x128xf32, #tpu.memory_space<vmem>>, vector<1x1x16xf32>,
        %parallel_loop3A_331 = vector.shape_cast %parallel_loop3A_330 : vector<1x1x16xf32> to vector<16xf32>
        %parallel_loop3A_332 = arith.addf %parallel_loop3A_326, %parallel_loop3A_331 : vector<16xf32>
        %parallel_loop3A_333 = arith.constant 0.000000e+00 : f32
        %parallel_loop3A_334 = vector.broadcast %parallel_loop3A_333 : f32 to vector<16xf32>
        %parallel_loop3A_335 = arith.maximumf %parallel_loop3A_332, %parallel_loop3A_334 : vector<16xf32>
        %parallel_loop3A_336 = arith.index_cast %rem3A_166 : i32 to index
        %parallel_loop3A_337 = arith.index_cast %parallel_loop3A_221 : i32 to index
        %parallel_loop3A_338 = arith.constant 80 : index
        %parallel_loop3A_339 = tpu.vector_load %arg10[%parallel_loop3A_336, %parallel_loop3A_337, %parallel_loop3A_338] {strides = array<i32>} : memref<3x40x128xf32, #tpu.memory_space<vmem>>, vector<1x1x16xf32>,
        %parallel_loop3A_340 = vector.shape_cast %parallel_loop3A_339 : vector<1x1x16xf32> to vector<16xf32>
        %parallel_loop3A_341 = vector.shape_cast %parallel_loop3A_335 : vector<16xf32> to vector<1x1x16xf32>
        tpu.vector_store %arg10[%parallel_loop3A_336, %parallel_loop3A_337, %parallel_loop3A_338], %parallel_loop3A_341 {strides = array<i32>} : memref<3x40x128xf32, #tpu.memory_space<vmem>>, vector<1x1x16xf32>,
        %parallel_loop3A_342 = arith.index_cast %rem3A_166 : i32 to index
        %parallel_loop3A_343 = arith.index_cast %parallel_loop3A_221 : i32 to index
        %parallel_loop3A_344 = arith.constant 96 : index
        %parallel_loop3A_345 = tpu.vector_load %arg10[%parallel_loop3A_342, %parallel_loop3A_343, %parallel_loop3A_344] {strides = array<i32>} : memref<3x40x128xf32, #tpu.memory_space<vmem>>, vector<1x1x16xf32>,
        %parallel_loop3A_346 = vector.shape_cast %parallel_loop3A_345 : vector<1x1x16xf32> to vector<16xf32>
        %parallel_loop3A_347 = arith.index_cast %rem3A_166 : i32 to index
        %parallel_loop3A_348 = arith.index_cast %parallel_loop3A_221 : i32 to index
        %parallel_loop3A_349 = arith.constant 96 : index
        %parallel_loop3A_350 = tpu.vector_load %arg9[%parallel_loop3A_347, %parallel_loop3A_348, %parallel_loop3A_349] {strides = array<i32>} : memref<3x40x128xf32, #tpu.memory_space<vmem>>, vector<1x1x16xf32>,
        %parallel_loop3A_351 = vector.shape_cast %parallel_loop3A_350 : vector<1x1x16xf32> to vector<16xf32>
        %parallel_loop3A_352 = arith.addf %parallel_loop3A_346, %parallel_loop3A_351 : vector<16xf32>
        %parallel_loop3A_353 = arith.constant 0.000000e+00 : f32
        %parallel_loop3A_354 = vector.broadcast %parallel_loop3A_353 : f32 to vector<16xf32>
        %parallel_loop3A_355 = arith.maximumf %parallel_loop3A_352, %parallel_loop3A_354 : vector<16xf32>
        %parallel_loop3A_356 = arith.index_cast %rem3A_166 : i32 to index
        %parallel_loop3A_357 = arith.index_cast %parallel_loop3A_221 : i32 to index
        %parallel_loop3A_358 = arith.constant 96 : index
        %parallel_loop3A_359 = tpu.vector_load %arg10[%parallel_loop3A_356, %parallel_loop3A_357, %parallel_loop3A_358] {strides = array<i32>} : memref<3x40x128xf32, #tpu.memory_space<vmem>>, vector<1x1x16xf32>,
        %parallel_loop3A_360 = vector.shape_cast %parallel_loop3A_359 : vector<1x1x16xf32> to vector<16xf32>
        %parallel_loop3A_361 = vector.shape_cast %parallel_loop3A_355 : vector<16xf32> to vector<1x1x16xf32>
        tpu.vector_store %arg10[%parallel_loop3A_356, %parallel_loop3A_357, %parallel_loop3A_358], %parallel_loop3A_361 {strides = array<i32>} : memref<3x40x128xf32, #tpu.memory_space<vmem>>, vector<1x1x16xf32>,
        %parallel_loop3A_362 = arith.index_cast %rem3A_166 : i32 to index
        %parallel_loop3A_363 = arith.index_cast %parallel_loop3A_221 : i32 to index
        %parallel_loop3A_364 = arith.constant 112 : index
        %parallel_loop3A_365 = tpu.vector_load %arg10[%parallel_loop3A_362, %parallel_loop3A_363, %parallel_loop3A_364] {strides = array<i32>} : memref<3x40x128xf32, #tpu.memory_space<vmem>>, vector<1x1x16xf32>,
        %parallel_loop3A_366 = vector.shape_cast %parallel_loop3A_365 : vector<1x1x16xf32> to vector<16xf32>
        %parallel_loop3A_367 = arith.index_cast %rem3A_166 : i32 to index
        %parallel_loop3A_368 = arith.index_cast %parallel_loop3A_221 : i32 to index
        %parallel_loop3A_369 = arith.constant 112 : index
        %parallel_loop3A_370 = tpu.vector_load %arg9[%parallel_loop3A_367, %parallel_loop3A_368, %parallel_loop3A_369] {strides = array<i32>} : memref<3x40x128xf32, #tpu.memory_space<vmem>>, vector<1x1x16xf32>,
        %parallel_loop3A_371 = vector.shape_cast %parallel_loop3A_370 : vector<1x1x16xf32> to vector<16xf32>
        %parallel_loop3A_372 = arith.addf %parallel_loop3A_366, %parallel_loop3A_371 : vector<16xf32>
        %parallel_loop3A_373 = arith.constant 0.000000e+00 : f32
        %parallel_loop3A_374 = vector.broadcast %parallel_loop3A_373 : f32 to vector<16xf32>
        %parallel_loop3A_375 = arith.maximumf %parallel_loop3A_372, %parallel_loop3A_374 : vector<16xf32>
        %parallel_loop3A_376 = arith.index_cast %rem3A_166 : i32 to index
        %parallel_loop3A_377 = arith.index_cast %parallel_loop3A_221 : i32 to index
        %parallel_loop3A_378 = arith.constant 112 : index
        %parallel_loop3A_379 = tpu.vector_load %arg10[%parallel_loop3A_376, %parallel_loop3A_377, %parallel_loop3A_378] {strides = array<i32>} : memref<3x40x128xf32, #tpu.memory_space<vmem>>, vector<1x1x16xf32>,
        %parallel_loop3A_380 = vector.shape_cast %parallel_loop3A_379 : vector<1x1x16xf32> to vector<16xf32>
        %parallel_loop3A_381 = vector.shape_cast %parallel_loop3A_375 : vector<16xf32> to vector<1x1x16xf32>
        tpu.vector_store %arg10[%parallel_loop3A_376, %parallel_loop3A_377, %parallel_loop3A_378], %parallel_loop3A_381 {strides = array<i32>} : memref<3x40x128xf32, #tpu.memory_space<vmem>>, vector<1x1x16xf32>,
      } {sc.loop_unroll_factor = 2 : i64, sc.parallel_access}
      %dma_start3A_202 = arith.constant 0 : i32
      %dma_start3A_203 = arith.constant 0 : i32
      %dma_start3A_204 = tpu.memref_slice %arg10[%rem3A_166, %dma_start3A_202, %dma_start3A_203] : memref<3x40x128xf32, #tpu.memory_space<vmem>> -> memref<1x40x128xf32, #tpu.memory_space<vmem>>
      %dma_start3A_205 = tpu.memref_squeeze %dma_start3A_204 : memref<1x40x128xf32, #tpu.memory_space<vmem>> -> memref<40x128xf32, #tpu.memory_space<vmem>>
      %dma_start3A_206 = arith.constant 0 : i32
      %dma_start3A_207 = tpu.memref_slice %arg8[%rem3A_166, %dma_start3A_206] : memref<3x40xi32, #tpu.memory_space<vmem>> -> memref<1x40xi32, #tpu.memory_space<vmem>>
      %dma_start3A_208 = tpu.memref_squeeze %dma_start3A_207 : memref<1x40xi32, #tpu.memory_space<vmem>> -> memref<40xi32, #tpu.memory_space<vmem>>
      %dma_start3A_209 = arith.constant 0 : i32
      %dma_start3A_210 = arith.constant 0 : i32
      %dma_start3A_211 = tpu.memref_slice %arg15[%dma_start3A_209, %dma_start3A_210] : memref<10000x128xf32, #tpu.memory_space<vmem_shared>> -> memref<10000x128xf32, #tpu.memory_space<vmem_shared>>
      %dma_start3A_212 = tpu.memref_slice %arg14[%rem3A_166] : memref<3x!tpu.dma_semaphore, #tpu.memory_space<semaphore_mem>> -> memref<1x!tpu.dma_semaphore, #tpu.memory_space<semaphore_mem>>
      %dma_start3A_213 = tpu.memref_squeeze %dma_start3A_212 : memref<1x!tpu.dma_semaphore, #tpu.memory_space<semaphore_mem>> -> memref<!tpu.dma_semaphore, #tpu.memory_space<semaphore_mem>>
      tpu.enqueue_indirect_dma source(%dma_start3A_205 : memref<40x128xf32, #tpu.memory_space<vmem>>) target(%dma_start3A_211 : memref<10000x128xf32, #tpu.memory_space<vmem_shared>>) offsets(%dma_start3A_208 : memref<40xi32, #tpu.memory_space<vmem>>) semaphore(%dma_start3A_213 : memref<!tpu.dma_semaphore, #tpu.memory_space<semaphore_mem>>) {add = true}
      %add3A_214 = arith.constant 2 : i32
      %add3A_215 = arith.addi %scan3A_164, %add3A_214 : i32
      %lt3A = arith.constant 250 : i32
      %lt3A_216 = arith.cmpi slt, %add3A_215, %lt3A : i32
      %convert_element_type3A_217 = arith.extui %lt3A_216 : i1 to i32
      %cond3A_218 = arith.constant 0 : i32
      %cond3A_219 = arith.cmpi ne, %convert_element_type3A_217, %cond3A_218 : i32
      scf.if %cond3A_219 {
        %ge3A = arith.constant 1 : i32
        %ge3A_221 = arith.cmpi sge, %scan3A_164, %ge3A : i32
        %convert_element_type3A_222 = arith.extui %ge3A_221 : i1 to i32
        %cond3A_223 = arith.constant 0 : i32
        %cond3A_224 = arith.cmpi ne, %convert_element_type3A_222, %cond3A_223 : i32
        scf.if %cond3A_224 {
          %dma_wait3A_256 = arith.constant 0 : i32
          %dma_wait3A_257 = arith.constant 0 : i32
          %dma_wait3A_258 = tpu.memref_slice %arg10[%rem3A_170, %dma_wait3A_256, %dma_wait3A_257] : memref<3x40x128xf32, #tpu.memory_space<vmem>> -> memref<1x40x128xf32, #tpu.memory_space<vmem>>
          %dma_wait3A_259 = tpu.memref_squeeze %dma_wait3A_258 : memref<1x40x128xf32, #tpu.memory_space<vmem>> -> memref<40x128xf32, #tpu.memory_space<vmem>>
          %dma_wait3A_260 = arith.constant 0 : i32
          %dma_wait3A_261 = tpu.memref_slice %arg8[%rem3A_170, %dma_wait3A_260] : memref<3x40xi32, #tpu.memory_space<vmem>> -> memref<1x40xi32, #tpu.memory_space<vmem>>
          %dma_wait3A_262 = tpu.memref_squeeze %dma_wait3A_261 : memref<1x40xi32, #tpu.memory_space<vmem>> -> memref<40xi32, #tpu.memory_space<vmem>>
          %dma_wait3A_263 = arith.constant 0 : i32
          %dma_wait3A_264 = arith.constant 0 : i32
          %dma_wait3A_265 = tpu.memref_slice %arg15[%dma_wait3A_263, %dma_wait3A_264] : memref<10000x128xf32, #tpu.memory_space<vmem_shared>> -> memref<10000x128xf32, #tpu.memory_space<vmem_shared>>
          %dma_wait3A_266 = tpu.memref_slice %arg14[%rem3A_170] : memref<3x!tpu.dma_semaphore, #tpu.memory_space<semaphore_mem>> -> memref<1x!tpu.dma_semaphore, #tpu.memory_space<semaphore_mem>>
          %dma_wait3A_267 = tpu.memref_squeeze %dma_wait3A_266 : memref<1x!tpu.dma_semaphore, #tpu.memory_space<semaphore_mem>> -> memref<!tpu.dma_semaphore, #tpu.memory_space<semaphore_mem>>
          tpu.wait_indirect_dma semaphore(%dma_wait3A_267 : memref<!tpu.dma_semaphore, #tpu.memory_space<semaphore_mem>>) src(%dma_wait3A_259 : memref<40x128xf32, #tpu.memory_space<vmem>>) dst(%dma_wait3A_265 : memref<10000x128xf32, #tpu.memory_space<vmem_shared>>)
        } else {
        }
        %add3A_225 = arith.constant 2 : i32
        %add3A_226 = arith.addi %scan3A_164, %add3A_225 : i32
        %mul3A_227 = arith.constant 40 : i32
        %mul3A_228 = arith.muli %add3A_226, %mul3A_227 : i32
        %add3A_229 = arith.addi %mul3A_2, %mul3A_228 : i32
        "tpu.region"() ({
          %run_scoped3A_256 = tpu.sem_alloc : memref<!tpu.dma_semaphore, #tpu.memory_space<semaphore_mem>>
          %dma_start3A_257 = arith.constant 0 : i32
          %dma_start3A_258 = tpu.memref_slice %arg7[%rem3A_170, %dma_start3A_257] : memref<3x40xi32, #tpu.memory_space<vmem>> -> memref<1x40xi32, #tpu.memory_space<vmem>>
          %dma_start3A_259 = tpu.memref_squeeze %dma_start3A_258 : memref<1x40xi32, #tpu.memory_space<vmem>> -> memref<40xi32, #tpu.memory_space<vmem>>
          %dma_start3A_260 = tpu.memref_slice %arg4[%add3A_229] : memref<320000xi32, #tpu.memory_space<hbm>> -> memref<40xi32, #tpu.memory_space<hbm>>
          %dma_start3A_261 = arith.constant 0 : i32
          %dma_start3A_262 = tpu.memref_slice %arg7[%rem3A_170, %dma_start3A_261] : memref<3x40xi32, #tpu.memory_space<vmem>> -> memref<1x40xi32, #tpu.memory_space<vmem>>
          %dma_start3A_263 = tpu.memref_squeeze %dma_start3A_262 : memref<1x40xi32, #tpu.memory_space<vmem>> -> memref<40xi32, #tpu.memory_space<vmem>>
          %dma_start3A_264 = tpu.memref_slice %arg4[%add3A_229] : memref<320000xi32, #tpu.memory_space<hbm>> -> memref<40xi32, #tpu.memory_space<hbm>>
          tpu.enqueue_dma source(%dma_start3A_264 : memref<40xi32, #tpu.memory_space<hbm>>) target(%dma_start3A_263 : memref<40xi32, #tpu.memory_space<vmem>>) target_semaphore(%run_scoped3A_256 : memref<!tpu.dma_semaphore, #tpu.memory_space<semaphore_mem>>)
          %dma_wait3A_265 = arith.constant 0 : i32
          %dma_wait3A_266 = tpu.memref_slice %arg7[%rem3A_170, %dma_wait3A_265] : memref<3x40xi32, #tpu.memory_space<vmem>> -> memref<1x40xi32, #tpu.memory_space<vmem>>
          %dma_wait3A_267 = tpu.memref_squeeze %dma_wait3A_266 : memref<1x40xi32, #tpu.memory_space<vmem>> -> memref<40xi32, #tpu.memory_space<vmem>>
          %dma_wait3A_268 = tpu.memref_slice %arg4[%add3A_229] : memref<320000xi32, #tpu.memory_space<hbm>> -> memref<40xi32, #tpu.memory_space<hbm>>
          %dma_wait3A_269 = arith.constant 0 : i32
          %dma_wait3A_270 = tpu.memref_slice %arg7[%rem3A_170, %dma_wait3A_269] : memref<3x40xi32, #tpu.memory_space<vmem>> -> memref<1x40xi32, #tpu.memory_space<vmem>>
          %dma_wait3A_271 = tpu.memref_squeeze %dma_wait3A_270 : memref<1x40xi32, #tpu.memory_space<vmem>> -> memref<40xi32, #tpu.memory_space<vmem>>
          %dma_wait3A_272 = tpu.memref_slice %arg4[%add3A_229] : memref<320000xi32, #tpu.memory_space<hbm>> -> memref<40xi32, #tpu.memory_space<hbm>>
          tpu.wait_dma2 semaphore(%run_scoped3A_256 : memref<!tpu.dma_semaphore, #tpu.memory_space<semaphore_mem>>) src(%dma_wait3A_272 : memref<40xi32, #tpu.memory_space<hbm>>) dst(%dma_wait3A_271 : memref<40xi32, #tpu.memory_space<vmem>>)
          tpu.yield
        }) : () -> ()
        "tpu.region"() ({
          %run_scoped3A_256 = tpu.sem_alloc : memref<!tpu.dma_semaphore, #tpu.memory_space<semaphore_mem>>
          %dma_start3A_257 = arith.constant 0 : i32
          %dma_start3A_258 = tpu.memref_slice %arg8[%rem3A_170, %dma_start3A_257] : memref<3x40xi32, #tpu.memory_space<vmem>> -> memref<1x40xi32, #tpu.memory_space<vmem>>
          %dma_start3A_259 = tpu.memref_squeeze %dma_start3A_258 : memref<1x40xi32, #tpu.memory_space<vmem>> -> memref<40xi32, #tpu.memory_space<vmem>>
          %dma_start3A_260 = tpu.memref_slice %arg5[%add3A_229] : memref<320000xi32, #tpu.memory_space<hbm>> -> memref<40xi32, #tpu.memory_space<hbm>>
          %dma_start3A_261 = arith.constant 0 : i32
          %dma_start3A_262 = tpu.memref_slice %arg8[%rem3A_170, %dma_start3A_261] : memref<3x40xi32, #tpu.memory_space<vmem>> -> memref<1x40xi32, #tpu.memory_space<vmem>>
          %dma_start3A_263 = tpu.memref_squeeze %dma_start3A_262 : memref<1x40xi32, #tpu.memory_space<vmem>> -> memref<40xi32, #tpu.memory_space<vmem>>
          %dma_start3A_264 = tpu.memref_slice %arg5[%add3A_229] : memref<320000xi32, #tpu.memory_space<hbm>> -> memref<40xi32, #tpu.memory_space<hbm>>
          tpu.enqueue_dma source(%dma_start3A_264 : memref<40xi32, #tpu.memory_space<hbm>>) target(%dma_start3A_263 : memref<40xi32, #tpu.memory_space<vmem>>) target_semaphore(%run_scoped3A_256 : memref<!tpu.dma_semaphore, #tpu.memory_space<semaphore_mem>>)
          %dma_wait3A_265 = arith.constant 0 : i32
          %dma_wait3A_266 = tpu.memref_slice %arg8[%rem3A_170, %dma_wait3A_265] : memref<3x40xi32, #tpu.memory_space<vmem>> -> memref<1x40xi32, #tpu.memory_space<vmem>>
          %dma_wait3A_267 = tpu.memref_squeeze %dma_wait3A_266 : memref<1x40xi32, #tpu.memory_space<vmem>> -> memref<40xi32, #tpu.memory_space<vmem>>
          %dma_wait3A_268 = tpu.memref_slice %arg5[%add3A_229] : memref<320000xi32, #tpu.memory_space<hbm>> -> memref<40xi32, #tpu.memory_space<hbm>>
          %dma_wait3A_269 = arith.constant 0 : i32
          %dma_wait3A_270 = tpu.memref_slice %arg8[%rem3A_170, %dma_wait3A_269] : memref<3x40xi32, #tpu.memory_space<vmem>> -> memref<1x40xi32, #tpu.memory_space<vmem>>
          %dma_wait3A_271 = tpu.memref_squeeze %dma_wait3A_270 : memref<1x40xi32, #tpu.memory_space<vmem>> -> memref<40xi32, #tpu.memory_space<vmem>>
          %dma_wait3A_272 = tpu.memref_slice %arg5[%add3A_229] : memref<320000xi32, #tpu.memory_space<hbm>> -> memref<40xi32, #tpu.memory_space<hbm>>
          tpu.wait_dma2 semaphore(%run_scoped3A_256 : memref<!tpu.dma_semaphore, #tpu.memory_space<semaphore_mem>>) src(%dma_wait3A_272 : memref<40xi32, #tpu.memory_space<hbm>>) dst(%dma_wait3A_271 : memref<40xi32, #tpu.memory_space<vmem>>)
          tpu.yield
        }) : () -> ()
        %dma_start3A_230 = arith.constant 0 : i32
        %dma_start3A_231 = arith.constant 0 : i32
        %dma_start3A_232 = tpu.memref_slice %arg9[%rem3A_170, %dma_start3A_230, %dma_start3A_231] : memref<3x40x128xf32, #tpu.memory_space<vmem>> -> memref<1x40x128xf32, #tpu.memory_space<vmem>>
        %dma_start3A_233 = tpu.memref_squeeze %dma_start3A_232 : memref<1x40x128xf32, #tpu.memory_space<vmem>> -> memref<40x128xf32, #tpu.memory_space<vmem>>
        %dma_start3A_234 = arith.constant 0 : i32
        %dma_start3A_235 = tpu.memref_slice %arg3[%add3A_229, %dma_start3A_234] : memref<320000x128xf32, #tpu.memory_space<hbm>> -> memref<40x128xf32, #tpu.memory_space<hbm>>
        %dma_start3A_236 = tpu.memref_slice %arg12[%rem3A_170] : memref<3x!tpu.dma_semaphore, #tpu.memory_space<semaphore_mem>> -> memref<1x!tpu.dma_semaphore, #tpu.memory_space<semaphore_mem>>
        %dma_start3A_237 = tpu.memref_squeeze %dma_start3A_236 : memref<1x!tpu.dma_semaphore, #tpu.memory_space<semaphore_mem>> -> memref<!tpu.dma_semaphore, #tpu.memory_space<semaphore_mem>>
        %dma_start3A_238 = arith.constant 0 : i32
        %dma_start3A_239 = arith.constant 0 : i32
        %dma_start3A_240 = tpu.memref_slice %arg9[%rem3A_170, %dma_start3A_238, %dma_start3A_239] : memref<3x40x128xf32, #tpu.memory_space<vmem>> -> memref<1x40x128xf32, #tpu.memory_space<vmem>>
        %dma_start3A_241 = tpu.memref_squeeze %dma_start3A_240 : memref<1x40x128xf32, #tpu.memory_space<vmem>> -> memref<40x128xf32, #tpu.memory_space<vmem>>
        %dma_start3A_242 = arith.constant 0 : i32
        %dma_start3A_243 = tpu.memref_slice %arg3[%add3A_229, %dma_start3A_242] : memref<320000x128xf32, #tpu.memory_space<hbm>> -> memref<40x128xf32, #tpu.memory_space<hbm>>
        tpu.enqueue_dma source(%dma_start3A_243 : memref<40x128xf32, #tpu.memory_space<hbm>>) target(%dma_start3A_241 : memref<40x128xf32, #tpu.memory_space<vmem>>) target_semaphore(%dma_start3A_237 : memref<!tpu.dma_semaphore, #tpu.memory_space<semaphore_mem>>)
        %dma_start3A_244 = arith.constant 0 : i32
        %dma_start3A_245 = arith.constant 0 : i32
        %dma_start3A_246 = tpu.memref_slice %arg10[%rem3A_170, %dma_start3A_244, %dma_start3A_245] : memref<3x40x128xf32, #tpu.memory_space<vmem>> -> memref<1x40x128xf32, #tpu.memory_space<vmem>>
        %dma_start3A_247 = tpu.memref_squeeze %dma_start3A_246 : memref<1x40x128xf32, #tpu.memory_space<vmem>> -> memref<40x128xf32, #tpu.memory_space<vmem>>
        %dma_start3A_248 = arith.constant 0 : i32
        %dma_start3A_249 = tpu.memref_slice %arg7[%rem3A_170, %dma_start3A_248] : memref<3x40xi32, #tpu.memory_space<vmem>> -> memref<1x40xi32, #tpu.memory_space<vmem>>
        %dma_start3A_250 = tpu.memref_squeeze %dma_start3A_249 : memref<1x40xi32, #tpu.memory_space<vmem>> -> memref<40xi32, #tpu.memory_space<vmem>>
        %dma_start3A_251 = arith.constant 0 : i32
        %dma_start3A_252 = arith.constant 0 : i32
        %dma_start3A_253 = tpu.memref_slice %arg2[%dma_start3A_251, %dma_start3A_252] : memref<10000x128xf32, #tpu.memory_space<hbm>> -> memref<10000x128xf32, #tpu.memory_space<hbm>>
        %dma_start3A_254 = tpu.memref_slice %arg13[%rem3A_170] : memref<3x!tpu.dma_semaphore, #tpu.memory_space<semaphore_mem>> -> memref<1x!tpu.dma_semaphore, #tpu.memory_space<semaphore_mem>>
        %dma_start3A_255 = tpu.memref_squeeze %dma_start3A_254 : memref<1x!tpu.dma_semaphore, #tpu.memory_space<semaphore_mem>> -> memref<!tpu.dma_semaphore, #tpu.memory_space<semaphore_mem>>
        tpu.enqueue_indirect_dma source(%dma_start3A_253 : memref<10000x128xf32, #tpu.memory_space<hbm>>) target(%dma_start3A_247 : memref<40x128xf32, #tpu.memory_space<vmem>>) offsets(%dma_start3A_250 : memref<40xi32, #tpu.memory_space<vmem>>) semaphore(%dma_start3A_255 : memref<!tpu.dma_semaphore, #tpu.memory_space<semaphore_mem>>)
      } else {
      }
      %scan3A_220 = arith.constant 0 : i32
      scf.yield %scan3A_220 : i32
    }
    %scan3A_109 = arith.constant 250 : i32
    %dma_wait3A = arith.constant 1 : i32
    %dma_wait3A_110 = arith.constant 1 : i32
    %dma_wait3A_111 = arith.constant 1 : i32
    %dma_wait3A_112 = arith.constant 0 : i32
    %dma_wait3A_113 = arith.constant 0 : i32
    %dma_wait3A_114 = tpu.memref_slice %arg10[%dma_wait3A, %dma_wait3A_112, %dma_wait3A_113] : memref<3x40x128xf32, #tpu.memory_space<vmem>> -> memref<1x40x128xf32, #tpu.memory_space<vmem>>
    %dma_wait3A_115 = tpu.memref_squeeze %dma_wait3A_114 : memref<1x40x128xf32, #tpu.memory_space<vmem>> -> memref<40x128xf32, #tpu.memory_space<vmem>>
    %dma_wait3A_116 = arith.constant 0 : i32
    %dma_wait3A_117 = tpu.memref_slice %arg8[%dma_wait3A_110, %dma_wait3A_116] : memref<3x40xi32, #tpu.memory_space<vmem>> -> memref<1x40xi32, #tpu.memory_space<vmem>>
    %dma_wait3A_118 = tpu.memref_squeeze %dma_wait3A_117 : memref<1x40xi32, #tpu.memory_space<vmem>> -> memref<40xi32, #tpu.memory_space<vmem>>
    %dma_wait3A_119 = arith.constant 0 : i32
    %dma_wait3A_120 = arith.constant 0 : i32
    %dma_wait3A_121 = tpu.memref_slice %arg15[%dma_wait3A_119, %dma_wait3A_120] : memref<10000x128xf32, #tpu.memory_space<vmem_shared>> -> memref<10000x128xf32, #tpu.memory_space<vmem_shared>>
    %dma_wait3A_122 = tpu.memref_slice %arg14[%dma_wait3A_111] : memref<3x!tpu.dma_semaphore, #tpu.memory_space<semaphore_mem>> -> memref<1x!tpu.dma_semaphore, #tpu.memory_space<semaphore_mem>>
    %dma_wait3A_123 = tpu.memref_squeeze %dma_wait3A_122 : memref<1x!tpu.dma_semaphore, #tpu.memory_space<semaphore_mem>> -> memref<!tpu.dma_semaphore, #tpu.memory_space<semaphore_mem>>
    tpu.wait_indirect_dma semaphore(%dma_wait3A_123 : memref<!tpu.dma_semaphore, #tpu.memory_space<semaphore_mem>>) src(%dma_wait3A_115 : memref<40x128xf32, #tpu.memory_space<vmem>>) dst(%dma_wait3A_121 : memref<10000x128xf32, #tpu.memory_space<vmem_shared>>)
    %dma_wait3A_124 = arith.constant 2 : i32
    %dma_wait3A_125 = arith.constant 2 : i32
    %dma_wait3A_126 = arith.constant 2 : i32
    %dma_wait3A_127 = arith.constant 0 : i32
    %dma_wait3A_128 = arith.constant 0 : i32
    %dma_wait3A_129 = tpu.memref_slice %arg10[%dma_wait3A_124, %dma_wait3A_127, %dma_wait3A_128] : memref<3x40x128xf32, #tpu.memory_space<vmem>> -> memref<1x40x128xf32, #tpu.memory_space<vmem>>
    %dma_wait3A_130 = tpu.memref_squeeze %dma_wait3A_129 : memref<1x40x128xf32, #tpu.memory_space<vmem>> -> memref<40x128xf32, #tpu.memory_space<vmem>>
    %dma_wait3A_131 = arith.constant 0 : i32
    %dma_wait3A_132 = tpu.memref_slice %arg8[%dma_wait3A_125, %dma_wait3A_131] : memref<3x40xi32, #tpu.memory_space<vmem>> -> memref<1x40xi32, #tpu.memory_space<vmem>>
    %dma_wait3A_133 = tpu.memref_squeeze %dma_wait3A_132 : memref<1x40xi32, #tpu.memory_space<vmem>> -> memref<40xi32, #tpu.memory_space<vmem>>
    %dma_wait3A_134 = arith.constant 0 : i32
    %dma_wait3A_135 = arith.constant 0 : i32
    %dma_wait3A_136 = tpu.memref_slice %arg15[%dma_wait3A_134, %dma_wait3A_135] : memref<10000x128xf32, #tpu.memory_space<vmem_shared>> -> memref<10000x128xf32, #tpu.memory_space<vmem_shared>>
    %dma_wait3A_137 = tpu.memref_slice %arg14[%dma_wait3A_126] : memref<3x!tpu.dma_semaphore, #tpu.memory_space<semaphore_mem>> -> memref<1x!tpu.dma_semaphore, #tpu.memory_space<semaphore_mem>>
    %dma_wait3A_138 = tpu.memref_squeeze %dma_wait3A_137 : memref<1x!tpu.dma_semaphore, #tpu.memory_space<semaphore_mem>> -> memref<!tpu.dma_semaphore, #tpu.memory_space<semaphore_mem>>
    tpu.wait_indirect_dma semaphore(%dma_wait3A_138 : memref<!tpu.dma_semaphore, #tpu.memory_space<semaphore_mem>>) src(%dma_wait3A_130 : memref<40x128xf32, #tpu.memory_space<vmem>>) dst(%dma_wait3A_136 : memref<10000x128xf32, #tpu.memory_space<vmem_shared>>)
    %dma_wait3A_139 = arith.constant 0 : i32
    %dma_wait3A_140 = arith.constant 0 : i32
    %dma_wait3A_141 = arith.constant 0 : i32
    %dma_wait3A_142 = arith.constant 0 : i32
    %dma_wait3A_143 = arith.constant 0 : i32
    %dma_wait3A_144 = tpu.memref_slice %arg10[%dma_wait3A_139, %dma_wait3A_142, %dma_wait3A_143] : memref<3x40x128xf32, #tpu.memory_space<vmem>> -> memref<1x40x128xf32, #tpu.memory_space<vmem>>
    %dma_wait3A_145 = tpu.memref_squeeze %dma_wait3A_144 : memref<1x40x128xf32, #tpu.memory_space<vmem>> -> memref<40x128xf32, #tpu.memory_space<vmem>>
    %dma_wait3A_146 = arith.constant 0 : i32
    %dma_wait3A_147 = tpu.memref_slice %arg8[%dma_wait3A_140, %dma_wait3A_146] : memref<3x40xi32, #tpu.memory_space<vmem>> -> memref<1x40xi32, #tpu.memory_space<vmem>>
    %dma_wait3A_148 = tpu.memref_squeeze %dma_wait3A_147 : memref<1x40xi32, #tpu.memory_space<vmem>> -> memref<40xi32, #tpu.memory_space<vmem>>
    %dma_wait3A_149 = arith.constant 0 : i32
    %dma_wait3A_150 = arith.constant 0 : i32
    %dma_wait3A_151 = tpu.memref_slice %arg15[%dma_wait3A_149, %dma_wait3A_150] : memref<10000x128xf32, #tpu.memory_space<vmem_shared>> -> memref<10000x128xf32, #tpu.memory_space<vmem_shared>>
    %dma_wait3A_152 = tpu.memref_slice %arg14[%dma_wait3A_141] : memref<3x!tpu.dma_semaphore, #tpu.memory_space<semaphore_mem>> -> memref<1x!tpu.dma_semaphore, #tpu.memory_space<semaphore_mem>>
    %dma_wait3A_153 = tpu.memref_squeeze %dma_wait3A_152 : memref<1x!tpu.dma_semaphore, #tpu.memory_space<semaphore_mem>> -> memref<!tpu.dma_semaphore, #tpu.memory_space<semaphore_mem>>
    tpu.wait_indirect_dma semaphore(%dma_wait3A_153 : memref<!tpu.dma_semaphore, #tpu.memory_space<semaphore_mem>>) src(%dma_wait3A_145 : memref<40x128xf32, #tpu.memory_space<vmem>>) dst(%dma_wait3A_151 : memref<10000x128xf32, #tpu.memory_space<vmem_shared>>)
    %barrier3A_154 = arith.constant 0 : index
    tpu.barrier barrier_id(%barrier3A_154)
    %mul3A_155 = arith.constant 624 : i32
    %mul3A_156 = arith.muli %arg1, %mul3A_155 : i32
    %mul3A_157 = arith.constant 624 : i32
    %mul3A_158 = arith.muli %arg1, %mul3A_157 : i32
    "tpu.region"() ({
      %run_scoped3A_164 = tpu.sem_alloc : memref<!tpu.dma_semaphore, #tpu.memory_space<semaphore_mem>>
      %dma_start3A_165 = arith.constant 0 : i32
      %dma_start3A_166 = tpu.memref_slice %arg6[%arg0, %mul3A_158, %dma_start3A_165] : memref<2x10000x128xf32, #tpu.memory_space<hbm>> -> memref<1x624x128xf32, #tpu.memory_space<hbm>>
      %dma_start3A_167 = tpu.memref_squeeze %dma_start3A_166 : memref<1x624x128xf32, #tpu.memory_space<hbm>> -> memref<624x128xf32, #tpu.memory_space<hbm>>
      %dma_start3A_168 = arith.constant 0 : i32
      %dma_start3A_169 = tpu.memref_slice %arg15[%mul3A_156, %dma_start3A_168] : memref<10000x128xf32, #tpu.memory_space<vmem_shared>> -> memref<624x128xf32, #tpu.memory_space<vmem_shared>>
      tpu.enqueue_dma source(%dma_start3A_169 : memref<624x128xf32, #tpu.memory_space<vmem_shared>>) target(%dma_start3A_167 : memref<624x128xf32, #tpu.memory_space<hbm>>) target_semaphore(%run_scoped3A_164 : memref<!tpu.dma_semaphore, #tpu.memory_space<semaphore_mem>>)
      %dma_wait3A_170 = arith.constant 0 : i32
      %dma_wait3A_171 = tpu.memref_slice %arg6[%arg0, %mul3A_158, %dma_wait3A_170] : memref<2x10000x128xf32, #tpu.memory_space<hbm>> -> memref<1x624x128xf32, #tpu.memory_space<hbm>>
      %dma_wait3A_172 = tpu.memref_squeeze %dma_wait3A_171 : memref<1x624x128xf32, #tpu.memory_space<hbm>> -> memref<624x128xf32, #tpu.memory_space<hbm>>
      %dma_wait3A_173 = arith.constant 0 : i32
      %dma_wait3A_174 = tpu.memref_slice %arg15[%mul3A_156, %dma_wait3A_173] : memref<10000x128xf32, #tpu.memory_space<vmem_shared>> -> memref<624x128xf32, #tpu.memory_space<vmem_shared>>
      tpu.wait_dma2 semaphore(%run_scoped3A_164 : memref<!tpu.dma_semaphore, #tpu.memory_space<semaphore_mem>>) src(%dma_wait3A_174 : memref<624x128xf32, #tpu.memory_space<vmem_shared>>) dst(%dma_wait3A_172 : memref<624x128xf32, #tpu.memory_space<hbm>>)
      tpu.yield
    }) : () -> ()
    %eq3A_159 = arith.constant 15 : i32
    %eq3A_160 = arith.cmpi eq, %arg1, %eq3A_159 : i32
    %convert_element_type3A_161 = arith.extui %eq3A_160 : i1 to i32
    %cond3A_162 = arith.constant 0 : i32
    %cond3A_163 = arith.cmpi ne, %convert_element_type3A_161, %cond3A_162 : i32
    scf.if %cond3A_163 {
      "tpu.region"() ({
        %run_scoped3A_164 = tpu.sem_alloc : memref<!tpu.dma_semaphore, #tpu.memory_space<semaphore_mem>>
        %dma_start3A_165 = arith.constant 9984 : i32
        %dma_start3A_166 = arith.constant 0 : i32
        %dma_start3A_167 = tpu.memref_slice %arg6[%arg0, %dma_start3A_165, %dma_start3A_166] : memref<2x10000x128xf32, #tpu.memory_space<hbm>> -> memref<1x16x128xf32, #tpu.memory_space<hbm>>
        %dma_start3A_168 = tpu.memref_squeeze %dma_start3A_167 : memref<1x16x128xf32, #tpu.memory_space<hbm>> -> memref<16x128xf32, #tpu.memory_space<hbm>>
        %dma_start3A_169 = arith.constant 9984 : i32
        %dma_start3A_170 = arith.constant 0 : i32
        %dma_start3A_171 = tpu.memref_slice %arg15[%dma_start3A_169, %dma_start3A_170] : memref<10000x128xf32, #tpu.memory_space<vmem_shared>> -> memref<16x128xf32, #tpu.memory_space<vmem_shared>>
        tpu.enqueue_dma source(%dma_start3A_171 : memref<16x128xf32, #tpu.memory_space<vmem_shared>>) target(%dma_start3A_168 : memref<16x128xf32, #tpu.memory_space<hbm>>) target_semaphore(%run_scoped3A_164 : memref<!tpu.dma_semaphore, #tpu.memory_space<semaphore_mem>>)
        %dma_wait3A_172 = arith.constant 9984 : i32
        %dma_wait3A_173 = arith.constant 0 : i32
        %dma_wait3A_174 = tpu.memref_slice %arg6[%arg0, %dma_wait3A_172, %dma_wait3A_173] : memref<2x10000x128xf32, #tpu.memory_space<hbm>> -> memref<1x16x128xf32, #tpu.memory_space<hbm>>
        %dma_wait3A_175 = tpu.memref_squeeze %dma_wait3A_174 : memref<1x16x128xf32, #tpu.memory_space<hbm>> -> memref<16x128xf32, #tpu.memory_space<hbm>>
        %dma_wait3A_176 = arith.constant 9984 : i32
        %dma_wait3A_177 = arith.constant 0 : i32
        %dma_wait3A_178 = tpu.memref_slice %arg15[%dma_wait3A_176, %dma_wait3A_177] : memref<10000x128xf32, #tpu.memory_space<vmem_shared>> -> memref<16x128xf32, #tpu.memory_space<vmem_shared>>
        tpu.wait_dma2 semaphore(%run_scoped3A_164 : memref<!tpu.dma_semaphore, #tpu.memory_space<semaphore_mem>>) src(%dma_wait3A_178 : memref<16x128xf32, #tpu.memory_space<vmem_shared>>) dst(%dma_wait3A_175 : memref<16x128xf32, #tpu.memory_space<hbm>>)
        tpu.yield
      }) : () -> ()
    } else {
    }
    return
  }
}

#map = affine_map<(d0, d1) -> (0, 0)>
#map1 = affine_map<(d0, d1) -> (0)>
#map2 = affine_map<(d0, d1) -> (0, 0, 0)>
module attributes {stable_mosaic.version = 14 : i64} {
  func.func @_edge_body(%arg0: i32, %arg1: i32, %arg2: memref<10000x128xf32, #tpu.memory_space<hbm>>, %arg3: memref<320000x128xf32, #tpu.memory_space<hbm>>, %arg4: memref<320000xi32, #tpu.memory_space<hbm>>, %arg5: memref<320000xi32, #tpu.memory_space<hbm>>, %arg6: memref<2x10000x128xf32, #tpu.memory_space<hbm>>, %arg7: memref<3x40xi32, #tpu.memory_space<vmem>>, %arg8: memref<3x40xi32, #tpu.memory_space<vmem>>, %arg9: memref<3x40x128xf32, #tpu.memory_space<vmem>>, %arg10: memref<3x40x128xf32, #tpu.memory_space<vmem>>, %arg11: memref<104x128xf32, #tpu.memory_space<vmem>>, %arg12: memref<3x!tpu.dma_semaphore, #tpu.memory_space<semaphore_mem>>, %arg13: memref<3x!tpu.dma_semaphore, #tpu.memory_space<semaphore_mem>>, %arg14: memref<3x!tpu.dma_semaphore, #tpu.memory_space<semaphore_mem>>, %arg15: memref<10000x128xf32, #tpu.memory_space<vmem_shared>>) attributes {dimension_semantics = [#tpu.dimension_semantics<core_parallel>, #tpu.dimension_semantics<subcore_parallel>], iteration_bounds = array<i64: 2, 16>, scalar_prefetch = 0 : i64, scratch_operands = 9 : i64, tpu.core_type = #tpu.core_type<sc_vector_subcore>, window_params = [{transform_indices = #map}, {transform_indices = #map}, {transform_indices = #map1}, {transform_indices = #map1}, {transform_indices = #map2}]} {
    %mul3A = arith.constant 16 : i32
    %mul3A_0 = arith.muli %arg0, %mul3A : i32
    %add3A = arith.addi %mul3A_0, %arg1 : i32
    %mul3A_1 = arith.constant 10000 : i32
    %mul3A_2 = arith.muli %add3A, %mul3A_1 : i32
    %scan3A = arith.constant 0 : i32
    %scan3A_3 = arith.constant 0 : i32
    %scan3A_4 = arith.constant 104 : i32
    %scan3A_5 = arith.addi %scan3A_3, %scan3A_4 : i32
    %scan3A_6 = arith.constant 1 : i32
    %scan3A_7 = scf.for %scan3A_164 = %scan3A_3 to %scan3A_5 step %scan3A_6 iter_args(%scan3A_165 = %scan3A) -> (i32)  : i32 {
      %broadcast_in_dim3A = arith.constant 0.000000e+00 : f32
      %broadcast_in_dim3A_166 = vector.broadcast %broadcast_in_dim3A : f32 to vector<16xf32>
      %swap3A = arith.index_cast %scan3A_164 : i32 to index
      %swap3A_167 = arith.constant 0 : index
      %swap3A_168 = tpu.vector_load %arg11[%swap3A, %swap3A_167] {strides = array<i32>} : memref<104x128xf32, #tpu.memory_space<vmem>>, vector<1x16xf32>,
      %swap3A_169 = vector.shape_cast %swap3A_168 : vector<1x16xf32> to vector<16xf32>
      %swap3A_170 = vector.shape_cast %broadcast_in_dim3A_166 : vector<16xf32> to vector<1x16xf32>
      tpu.vector_store %arg11[%swap3A, %swap3A_167], %swap3A_170 {strides = array<i32>} : memref<104x128xf32, #tpu.memory_space<vmem>>, vector<1x16xf32>,
      %broadcast_in_dim3A_171 = arith.constant 0.000000e+00 : f32
      %broadcast_in_dim3A_172 = vector.broadcast %broadcast_in_dim3A_171 : f32 to vector<16xf32>
      %swap3A_173 = arith.index_cast %scan3A_164 : i32 to index
      %swap3A_174 = arith.constant 16 : index
      %swap3A_175 = tpu.vector_load %arg11[%swap3A_173, %swap3A_174] {strides = array<i32>} : memref<104x128xf32, #tpu.memory_space<vmem>>, vector<1x16xf32>,
      %swap3A_176 = vector.shape_cast %swap3A_175 : vector<1x16xf32> to vector<16xf32>
      %swap3A_177 = vector.shape_cast %broadcast_in_dim3A_172 : vector<16xf32> to vector<1x16xf32>
      tpu.vector_store %arg11[%swap3A_173, %swap3A_174], %swap3A_177 {strides = array<i32>} : memref<104x128xf32, #tpu.memory_space<vmem>>, vector<1x16xf32>,
      %broadcast_in_dim3A_178 = arith.constant 0.000000e+00 : f32
      %broadcast_in_dim3A_179 = vector.broadcast %broadcast_in_dim3A_178 : f32 to vector<16xf32>
      %swap3A_180 = arith.index_cast %scan3A_164 : i32 to index
      %swap3A_181 = arith.constant 32 : index
      %swap3A_182 = tpu.vector_load %arg11[%swap3A_180, %swap3A_181] {strides = array<i32>} : memref<104x128xf32, #tpu.memory_space<vmem>>, vector<1x16xf32>,
      %swap3A_183 = vector.shape_cast %swap3A_182 : vector<1x16xf32> to vector<16xf32>
      %swap3A_184 = vector.shape_cast %broadcast_in_dim3A_179 : vector<16xf32> to vector<1x16xf32>
      tpu.vector_store %arg11[%swap3A_180, %swap3A_181], %swap3A_184 {strides = array<i32>} : memref<104x128xf32, #tpu.memory_space<vmem>>, vector<1x16xf32>,
      %broadcast_in_dim3A_185 = arith.constant 0.000000e+00 : f32
      %broadcast_in_dim3A_186 = vector.broadcast %broadcast_in_dim3A_185 : f32 to vector<16xf32>
      %swap3A_187 = arith.index_cast %scan3A_164 : i32 to index
      %swap3A_188 = arith.constant 48 : index
      %swap3A_189 = tpu.vector_load %arg11[%swap3A_187, %swap3A_188] {strides = array<i32>} : memref<104x128xf32, #tpu.memory_space<vmem>>, vector<1x16xf32>,
      %swap3A_190 = vector.shape_cast %swap3A_189 : vector<1x16xf32> to vector<16xf32>
      %swap3A_191 = vector.shape_cast %broadcast_in_dim3A_186 : vector<16xf32> to vector<1x16xf32>
      tpu.vector_store %arg11[%swap3A_187, %swap3A_188], %swap3A_191 {strides = array<i32>} : memref<104x128xf32, #tpu.memory_space<vmem>>, vector<1x16xf32>,
      %broadcast_in_dim3A_192 = arith.constant 0.000000e+00 : f32
      %broadcast_in_dim3A_193 = vector.broadcast %broadcast_in_dim3A_192 : f32 to vector<16xf32>
      %swap3A_194 = arith.index_cast %scan3A_164 : i32 to index
      %swap3A_195 = arith.constant 64 : index
      %swap3A_196 = tpu.vector_load %arg11[%swap3A_194, %swap3A_195] {strides = array<i32>} : memref<104x128xf32, #tpu.memory_space<vmem>>, vector<1x16xf32>,
      %swap3A_197 = vector.shape_cast %swap3A_196 : vector<1x16xf32> to vector<16xf32>
      %swap3A_198 = vector.shape_cast %broadcast_in_dim3A_193 : vector<16xf32> to vector<1x16xf32>
      tpu.vector_store %arg11[%swap3A_194, %swap3A_195], %swap3A_198 {strides = array<i32>} : memref<104x128xf32, #tpu.memory_space<vmem>>, vector<1x16xf32>,
      %broadcast_in_dim3A_199 = arith.constant 0.000000e+00 : f32
      %broadcast_in_dim3A_200 = vector.broadcast %broadcast_in_dim3A_199 : f32 to vector<16xf32>
      %swap3A_201 = arith.index_cast %scan3A_164 : i32 to index
      %swap3A_202 = arith.constant 80 : index
      %swap3A_203 = tpu.vector_load %arg11[%swap3A_201, %swap3A_202] {strides = array<i32>} : memref<104x128xf32, #tpu.memory_space<vmem>>, vector<1x16xf32>,
      %swap3A_204 = vector.shape_cast %swap3A_203 : vector<1x16xf32> to vector<16xf32>
      %swap3A_205 = vector.shape_cast %broadcast_in_dim3A_200 : vector<16xf32> to vector<1x16xf32>
      tpu.vector_store %arg11[%swap3A_201, %swap3A_202], %swap3A_205 {strides = array<i32>} : memref<104x128xf32, #tpu.memory_space<vmem>>, vector<1x16xf32>,
      %broadcast_in_dim3A_206 = arith.constant 0.000000e+00 : f32
      %broadcast_in_dim3A_207 = vector.broadcast %broadcast_in_dim3A_206 : f32 to vector<16xf32>
      %swap3A_208 = arith.index_cast %scan3A_164 : i32 to index
      %swap3A_209 = arith.constant 96 : index
      %swap3A_210 = tpu.vector_load %arg11[%swap3A_208, %swap3A_209] {strides = array<i32>} : memref<104x128xf32, #tpu.memory_space<vmem>>, vector<1x16xf32>,
      %swap3A_211 = vector.shape_cast %swap3A_210 : vector<1x16xf32> to vector<16xf32>
      %swap3A_212 = vector.shape_cast %broadcast_in_dim3A_207 : vector<16xf32> to vector<1x16xf32>
      tpu.vector_store %arg11[%swap3A_208, %swap3A_209], %swap3A_212 {strides = array<i32>} : memref<104x128xf32, #tpu.memory_space<vmem>>, vector<1x16xf32>,
      %broadcast_in_dim3A_213 = arith.constant 0.000000e+00 : f32
      %broadcast_in_dim3A_214 = vector.broadcast %broadcast_in_dim3A_213 : f32 to vector<16xf32>
      %swap3A_215 = arith.index_cast %scan3A_164 : i32 to index
      %swap3A_216 = arith.constant 112 : index
      %swap3A_217 = tpu.vector_load %arg11[%swap3A_215, %swap3A_216] {strides = array<i32>} : memref<104x128xf32, #tpu.memory_space<vmem>>, vector<1x16xf32>,
      %swap3A_218 = vector.shape_cast %swap3A_217 : vector<1x16xf32> to vector<16xf32>
      %swap3A_219 = vector.shape_cast %broadcast_in_dim3A_214 : vector<16xf32> to vector<1x16xf32>
      tpu.vector_store %arg11[%swap3A_215, %swap3A_216], %swap3A_219 {strides = array<i32>} : memref<104x128xf32, #tpu.memory_space<vmem>>, vector<1x16xf32>,
      %scan3A_220 = arith.constant 0 : i32
      scf.yield %scan3A_220 : i32
    }
    %scan3A_8 = arith.constant 104 : i32
    %mul3A_9 = arith.constant 624 : i32
    %mul3A_10 = arith.muli %arg1, %mul3A_9 : i32
    %add3A_11 = arith.constant 0 : i32
    %add3A_12 = arith.addi %mul3A_10, %add3A_11 : i32
    "tpu.region"() ({
      %run_scoped3A_164 = tpu.sem_alloc : memref<!tpu.dma_semaphore, #tpu.memory_space<semaphore_mem>>
      %dma_start3A_165 = arith.constant 0 : i32
      %dma_start3A_166 = tpu.memref_slice %arg15[%add3A_12, %dma_start3A_165] : memref<10000x128xf32, #tpu.memory_space<vmem_shared>> -> memref<104x128xf32, #tpu.memory_space<vmem_shared>>
      %dma_start3A_167 = arith.constant 0 : i32
      %dma_start3A_168 = tpu.memref_slice %arg15[%add3A_12, %dma_start3A_167] : memref<10000x128xf32, #tpu.memory_space<vmem_shared>> -> memref<104x128xf32, #tpu.memory_space<vmem_shared>>
      tpu.enqueue_dma source(%arg11 : memref<104x128xf32, #tpu.memory_space<vmem>>) target(%dma_start3A_168 : memref<104x128xf32, #tpu.memory_space<vmem_shared>>) target_semaphore(%run_scoped3A_164 : memref<!tpu.dma_semaphore, #tpu.memory_space<semaphore_mem>>)
      %dma_wait3A_169 = arith.constant 0 : i32
      %dma_wait3A_170 = tpu.memref_slice %arg15[%add3A_12, %dma_wait3A_169] : memref<10000x128xf32, #tpu.memory_space<vmem_shared>> -> memref<104x128xf32, #tpu.memory_space<vmem_shared>>
      %dma_wait3A_171 = arith.constant 0 : i32
      %dma_wait3A_172 = tpu.memref_slice %arg15[%add3A_12, %dma_wait3A_171] : memref<10000x128xf32, #tpu.memory_space<vmem_shared>> -> memref<104x128xf32, #tpu.memory_space<vmem_shared>>
      tpu.wait_dma2 semaphore(%run_scoped3A_164 : memref<!tpu.dma_semaphore, #tpu.memory_space<semaphore_mem>>) src(%arg11 : memref<104x128xf32, #tpu.memory_space<vmem>>) dst(%dma_wait3A_172 : memref<104x128xf32, #tpu.memory_space<vmem_shared>>)
      tpu.yield
    }) : () -> ()
    %mul3A_13 = arith.constant 624 : i32
    %mul3A_14 = arith.muli %arg1, %mul3A_13 : i32
    %add3A_15 = arith.constant 104 : i32
    %add3A_16 = arith.addi %mul3A_14, %add3A_15 : i32
    "tpu.region"() ({
      %run_scoped3A_164 = tpu.sem_alloc : memref<!tpu.dma_semaphore, #tpu.memory_space<semaphore_mem>>
      %dma_start3A_165 = arith.constant 0 : i32
      %dma_start3A_166 = tpu.memref_slice %arg15[%add3A_16, %dma_start3A_165] : memref<10000x128xf32, #tpu.memory_space<vmem_shared>> -> memref<104x128xf32, #tpu.memory_space<vmem_shared>>
      %dma_start3A_167 = arith.constant 0 : i32
      %dma_start3A_168 = tpu.memref_slice %arg15[%add3A_16, %dma_start3A_167] : memref<10000x128xf32, #tpu.memory_space<vmem_shared>> -> memref<104x128xf32, #tpu.memory_space<vmem_shared>>
      tpu.enqueue_dma source(%arg11 : memref<104x128xf32, #tpu.memory_space<vmem>>) target(%dma_start3A_168 : memref<104x128xf32, #tpu.memory_space<vmem_shared>>) target_semaphore(%run_scoped3A_164 : memref<!tpu.dma_semaphore, #tpu.memory_space<semaphore_mem>>)
      %dma_wait3A_169 = arith.constant 0 : i32
      %dma_wait3A_170 = tpu.memref_slice %arg15[%add3A_16, %dma_wait3A_169] : memref<10000x128xf32, #tpu.memory_space<vmem_shared>> -> memref<104x128xf32, #tpu.memory_space<vmem_shared>>
      %dma_wait3A_171 = arith.constant 0 : i32
      %dma_wait3A_172 = tpu.memref_slice %arg15[%add3A_16, %dma_wait3A_171] : memref<10000x128xf32, #tpu.memory_space<vmem_shared>> -> memref<104x128xf32, #tpu.memory_space<vmem_shared>>
      tpu.wait_dma2 semaphore(%run_scoped3A_164 : memref<!tpu.dma_semaphore, #tpu.memory_space<semaphore_mem>>) src(%arg11 : memref<104x128xf32, #tpu.memory_space<vmem>>) dst(%dma_wait3A_172 : memref<104x128xf32, #tpu.memory_space<vmem_shared>>)
      tpu.yield
    }) : () -> ()
    %mul3A_17 = arith.constant 624 : i32
    %mul3A_18 = arith.muli %arg1, %mul3A_17 : i32
    %add3A_19 = arith.constant 208 : i32
    %add3A_20 = arith.addi %mul3A_18, %add3A_19 : i32
    "tpu.region"() ({
      %run_scoped3A_164 = tpu.sem_alloc : memref<!tpu.dma_semaphore, #tpu.memory_space<semaphore_mem>>
      %dma_start3A_165 = arith.constant 0 : i32
      %dma_start3A_166 = tpu.memref_slice %arg15[%add3A_20, %dma_start3A_165] : memref<10000x128xf32, #tpu.memory_space<vmem_shared>> -> memref<104x128xf32, #tpu.memory_space<vmem_shared>>
      %dma_start3A_167 = arith.constant 0 : i32
      %dma_start3A_168 = tpu.memref_slice %arg15[%add3A_20, %dma_start3A_167] : memref<10000x128xf32, #tpu.memory_space<vmem_shared>> -> memref<104x128xf32, #tpu.memory_space<vmem_shared>>
      tpu.enqueue_dma source(%arg11 : memref<104x128xf32, #tpu.memory_space<vmem>>) target(%dma_start3A_168 : memref<104x128xf32, #tpu.memory_space<vmem_shared>>) target_semaphore(%run_scoped3A_164 : memref<!tpu.dma_semaphore, #tpu.memory_space<semaphore_mem>>)
      %dma_wait3A_169 = arith.constant 0 : i32
      %dma_wait3A_170 = tpu.memref_slice %arg15[%add3A_20, %dma_wait3A_169] : memref<10000x128xf32, #tpu.memory_space<vmem_shared>> -> memref<104x128xf32, #tpu.memory_space<vmem_shared>>
      %dma_wait3A_171 = arith.constant 0 : i32
      %dma_wait3A_172 = tpu.memref_slice %arg15[%add3A_20, %dma_wait3A_171] : memref<10000x128xf32, #tpu.memory_space<vmem_shared>> -> memref<104x128xf32, #tpu.memory_space<vmem_shared>>
      tpu.wait_dma2 semaphore(%run_scoped3A_164 : memref<!tpu.dma_semaphore, #tpu.memory_space<semaphore_mem>>) src(%arg11 : memref<104x128xf32, #tpu.memory_space<vmem>>) dst(%dma_wait3A_172 : memref<104x128xf32, #tpu.memory_space<vmem_shared>>)
      tpu.yield
    }) : () -> ()
    %mul3A_21 = arith.constant 624 : i32
    %mul3A_22 = arith.muli %arg1, %mul3A_21 : i32
    %add3A_23 = arith.constant 312 : i32
    %add3A_24 = arith.addi %mul3A_22, %add3A_23 : i32
    "tpu.region"() ({
      %run_scoped3A_164 = tpu.sem_alloc : memref<!tpu.dma_semaphore, #tpu.memory_space<semaphore_mem>>
      %dma_start3A_165 = arith.constant 0 : i32
      %dma_start3A_166 = tpu.memref_slice %arg15[%add3A_24, %dma_start3A_165] : memref<10000x128xf32, #tpu.memory_space<vmem_shared>> -> memref<104x128xf32, #tpu.memory_space<vmem_shared>>
      %dma_start3A_167 = arith.constant 0 : i32
      %dma_start3A_168 = tpu.memref_slice %arg15[%add3A_24, %dma_start3A_167] : memref<10000x128xf32, #tpu.memory_space<vmem_shared>> -> memref<104x128xf32, #tpu.memory_space<vmem_shared>>
      tpu.enqueue_dma source(%arg11 : memref<104x128xf32, #tpu.memory_space<vmem>>) target(%dma_start3A_168 : memref<104x128xf32, #tpu.memory_space<vmem_shared>>) target_semaphore(%run_scoped3A_164 : memref<!tpu.dma_semaphore, #tpu.memory_space<semaphore_mem>>)
      %dma_wait3A_169 = arith.constant 0 : i32
      %dma_wait3A_170 = tpu.memref_slice %arg15[%add3A_24, %dma_wait3A_169] : memref<10000x128xf32, #tpu.memory_space<vmem_shared>> -> memref<104x128xf32, #tpu.memory_space<vmem_shared>>
      %dma_wait3A_171 = arith.constant 0 : i32
      %dma_wait3A_172 = tpu.memref_slice %arg15[%add3A_24, %dma_wait3A_171] : memref<10000x128xf32, #tpu.memory_space<vmem_shared>> -> memref<104x128xf32, #tpu.memory_space<vmem_shared>>
      tpu.wait_dma2 semaphore(%run_scoped3A_164 : memref<!tpu.dma_semaphore, #tpu.memory_space<semaphore_mem>>) src(%arg11 : memref<104x128xf32, #tpu.memory_space<vmem>>) dst(%dma_wait3A_172 : memref<104x128xf32, #tpu.memory_space<vmem_shared>>)
      tpu.yield
    }) : () -> ()
    %mul3A_25 = arith.constant 624 : i32
    %mul3A_26 = arith.muli %arg1, %mul3A_25 : i32
    %add3A_27 = arith.constant 416 : i32
    %add3A_28 = arith.addi %mul3A_26, %add3A_27 : i32
    "tpu.region"() ({
      %run_scoped3A_164 = tpu.sem_alloc : memref<!tpu.dma_semaphore, #tpu.memory_space<semaphore_mem>>
      %dma_start3A_165 = arith.constant 0 : i32
      %dma_start3A_166 = tpu.memref_slice %arg15[%add3A_28, %dma_start3A_165] : memref<10000x128xf32, #tpu.memory_space<vmem_shared>> -> memref<104x128xf32, #tpu.memory_space<vmem_shared>>
      %dma_start3A_167 = arith.constant 0 : i32
      %dma_start3A_168 = tpu.memref_slice %arg15[%add3A_28, %dma_start3A_167] : memref<10000x128xf32, #tpu.memory_space<vmem_shared>> -> memref<104x128xf32, #tpu.memory_space<vmem_shared>>
      tpu.enqueue_dma source(%arg11 : memref<104x128xf32, #tpu.memory_space<vmem>>) target(%dma_start3A_168 : memref<104x128xf32, #tpu.memory_space<vmem_shared>>) target_semaphore(%run_scoped3A_164 : memref<!tpu.dma_semaphore, #tpu.memory_space<semaphore_mem>>)
      %dma_wait3A_169 = arith.constant 0 : i32
      %dma_wait3A_170 = tpu.memref_slice %arg15[%add3A_28, %dma_wait3A_169] : memref<10000x128xf32, #tpu.memory_space<vmem_shared>> -> memref<104x128xf32, #tpu.memory_space<vmem_shared>>
      %dma_wait3A_171 = arith.constant 0 : i32
      %dma_wait3A_172 = tpu.memref_slice %arg15[%add3A_28, %dma_wait3A_171] : memref<10000x128xf32, #tpu.memory_space<vmem_shared>> -> memref<104x128xf32, #tpu.memory_space<vmem_shared>>
      tpu.wait_dma2 semaphore(%run_scoped3A_164 : memref<!tpu.dma_semaphore, #tpu.memory_space<semaphore_mem>>) src(%arg11 : memref<104x128xf32, #tpu.memory_space<vmem>>) dst(%dma_wait3A_172 : memref<104x128xf32, #tpu.memory_space<vmem_shared>>)
      tpu.yield
    }) : () -> ()
    %mul3A_29 = arith.constant 624 : i32
    %mul3A_30 = arith.muli %arg1, %mul3A_29 : i32
    %add3A_31 = arith.constant 520 : i32
    %add3A_32 = arith.addi %mul3A_30, %add3A_31 : i32
    "tpu.region"() ({
      %run_scoped3A_164 = tpu.sem_alloc : memref<!tpu.dma_semaphore, #tpu.memory_space<semaphore_mem>>
      %dma_start3A_165 = arith.constant 0 : i32
      %dma_start3A_166 = tpu.memref_slice %arg15[%add3A_32, %dma_start3A_165] : memref<10000x128xf32, #tpu.memory_space<vmem_shared>> -> memref<104x128xf32, #tpu.memory_space<vmem_shared>>
      %dma_start3A_167 = arith.constant 0 : i32
      %dma_start3A_168 = tpu.memref_slice %arg15[%add3A_32, %dma_start3A_167] : memref<10000x128xf32, #tpu.memory_space<vmem_shared>> -> memref<104x128xf32, #tpu.memory_space<vmem_shared>>
      tpu.enqueue_dma source(%arg11 : memref<104x128xf32, #tpu.memory_space<vmem>>) target(%dma_start3A_168 : memref<104x128xf32, #tpu.memory_space<vmem_shared>>) target_semaphore(%run_scoped3A_164 : memref<!tpu.dma_semaphore, #tpu.memory_space<semaphore_mem>>)
      %dma_wait3A_169 = arith.constant 0 : i32
      %dma_wait3A_170 = tpu.memref_slice %arg15[%add3A_32, %dma_wait3A_169] : memref<10000x128xf32, #tpu.memory_space<vmem_shared>> -> memref<104x128xf32, #tpu.memory_space<vmem_shared>>
      %dma_wait3A_171 = arith.constant 0 : i32
      %dma_wait3A_172 = tpu.memref_slice %arg15[%add3A_32, %dma_wait3A_171] : memref<10000x128xf32, #tpu.memory_space<vmem_shared>> -> memref<104x128xf32, #tpu.memory_space<vmem_shared>>
      tpu.wait_dma2 semaphore(%run_scoped3A_164 : memref<!tpu.dma_semaphore, #tpu.memory_space<semaphore_mem>>) src(%arg11 : memref<104x128xf32, #tpu.memory_space<vmem>>) dst(%dma_wait3A_172 : memref<104x128xf32, #tpu.memory_space<vmem_shared>>)
      tpu.yield
    }) : () -> ()
    %eq3A = arith.constant 15 : i32
    %eq3A_33 = arith.cmpi eq, %arg1, %eq3A : i32
    %convert_element_type3A = arith.extui %eq3A_33 : i1 to i32
    %cond3A = arith.constant 0 : i32
    %cond3A_34 = arith.cmpi ne, %convert_element_type3A, %cond3A : i32
    scf.if %cond3A_34 {
      "tpu.region"() ({
        %run_scoped3A_164 = tpu.sem_alloc : memref<!tpu.dma_semaphore, #tpu.memory_space<semaphore_mem>>
        %dma_start3A_165 = arith.constant 0 : i32
        %dma_start3A_166 = arith.constant 0 : i32
        %dma_start3A_167 = tpu.memref_slice %arg11[%dma_start3A_165, %dma_start3A_166] : memref<104x128xf32, #tpu.memory_space<vmem>> -> memref<16x128xf32, #tpu.memory_space<vmem>>
        %dma_start3A_168 = arith.constant 9984 : i32
        %dma_start3A_169 = arith.constant 0 : i32
        %dma_start3A_170 = tpu.memref_slice %arg15[%dma_start3A_168, %dma_start3A_169] : memref<10000x128xf32, #tpu.memory_space<vmem_shared>> -> memref<16x128xf32, #tpu.memory_space<vmem_shared>>
        %dma_start3A_171 = arith.constant 9984 : i32
        %dma_start3A_172 = arith.constant 0 : i32
        %dma_start3A_173 = tpu.memref_slice %arg15[%dma_start3A_171, %dma_start3A_172] : memref<10000x128xf32, #tpu.memory_space<vmem_shared>> -> memref<16x128xf32, #tpu.memory_space<vmem_shared>>
        %dma_start3A_174 = arith.constant 0 : i32
        %dma_start3A_175 = arith.constant 0 : i32
        %dma_start3A_176 = tpu.memref_slice %arg11[%dma_start3A_174, %dma_start3A_175] : memref<104x128xf32, #tpu.memory_space<vmem>> -> memref<16x128xf32, #tpu.memory_space<vmem>>
        tpu.enqueue_dma source(%dma_start3A_176 : memref<16x128xf32, #tpu.memory_space<vmem>>) target(%dma_start3A_173 : memref<16x128xf32, #tpu.memory_space<vmem_shared>>) target_semaphore(%run_scoped3A_164 : memref<!tpu.dma_semaphore, #tpu.memory_space<semaphore_mem>>)
        %dma_wait3A_177 = arith.constant 0 : i32
        %dma_wait3A_178 = arith.constant 0 : i32
        %dma_wait3A_179 = tpu.memref_slice %arg11[%dma_wait3A_177, %dma_wait3A_178] : memref<104x128xf32, #tpu.memory_space<vmem>> -> memref<16x128xf32, #tpu.memory_space<vmem>>
        %dma_wait3A_180 = arith.constant 9984 : i32
        %dma_wait3A_181 = arith.constant 0 : i32
        %dma_wait3A_182 = tpu.memref_slice %arg15[%dma_wait3A_180, %dma_wait3A_181] : memref<10000x128xf32, #tpu.memory_space<vmem_shared>> -> memref<16x128xf32, #tpu.memory_space<vmem_shared>>
        %dma_wait3A_183 = arith.constant 9984 : i32
        %dma_wait3A_184 = arith.constant 0 : i32
        %dma_wait3A_185 = tpu.memref_slice %arg15[%dma_wait3A_183, %dma_wait3A_184] : memref<10000x128xf32, #tpu.memory_space<vmem_shared>> -> memref<16x128xf32, #tpu.memory_space<vmem_shared>>
        %dma_wait3A_186 = arith.constant 0 : i32
        %dma_wait3A_187 = arith.constant 0 : i32
        %dma_wait3A_188 = tpu.memref_slice %arg11[%dma_wait3A_186, %dma_wait3A_187] : memref<104x128xf32, #tpu.memory_space<vmem>> -> memref<16x128xf32, #tpu.memory_space<vmem>>
        tpu.wait_dma2 semaphore(%run_scoped3A_164 : memref<!tpu.dma_semaphore, #tpu.memory_space<semaphore_mem>>) src(%dma_wait3A_188 : memref<16x128xf32, #tpu.memory_space<vmem>>) dst(%dma_wait3A_185 : memref<16x128xf32, #tpu.memory_space<vmem_shared>>)
        tpu.yield
      }) : () -> ()
    } else {
    }
    %barrier3A = arith.constant 0 : index
    tpu.barrier barrier_id(%barrier3A)
    %add3A_35 = arith.constant 0 : i32
    %add3A_36 = arith.addi %mul3A_2, %add3A_35 : i32
    %run_scoped3A = arith.constant 0 : i32
    "tpu.region"() ({
      %run_scoped3A_164 = tpu.sem_alloc : memref<!tpu.dma_semaphore, #tpu.memory_space<semaphore_mem>>
      %dma_start3A_165 = arith.constant 0 : i32
      %dma_start3A_166 = tpu.memref_slice %arg7[%run_scoped3A, %dma_start3A_165] : memref<3x40xi32, #tpu.memory_space<vmem>> -> memref<1x40xi32, #tpu.memory_space<vmem>>
      %dma_start3A_167 = tpu.memref_squeeze %dma_start3A_166 : memref<1x40xi32, #tpu.memory_space<vmem>> -> memref<40xi32, #tpu.memory_space<vmem>>
      %dma_start3A_168 = tpu.memref_slice %arg4[%add3A_36] : memref<320000xi32, #tpu.memory_space<hbm>> -> memref<40xi32, #tpu.memory_space<hbm>>
      %dma_start3A_169 = arith.constant 0 : i32
      %dma_start3A_170 = tpu.memref_slice %arg7[%run_scoped3A, %dma_start3A_169] : memref<3x40xi32, #tpu.memory_space<vmem>> -> memref<1x40xi32, #tpu.memory_space<vmem>>
      %dma_start3A_171 = tpu.memref_squeeze %dma_start3A_170 : memref<1x40xi32, #tpu.memory_space<vmem>> -> memref<40xi32, #tpu.memory_space<vmem>>
      %dma_start3A_172 = tpu.memref_slice %arg4[%add3A_36] : memref<320000xi32, #tpu.memory_space<hbm>> -> memref<40xi32, #tpu.memory_space<hbm>>
      tpu.enqueue_dma source(%dma_start3A_172 : memref<40xi32, #tpu.memory_space<hbm>>) target(%dma_start3A_171 : memref<40xi32, #tpu.memory_space<vmem>>) target_semaphore(%run_scoped3A_164 : memref<!tpu.dma_semaphore, #tpu.memory_space<semaphore_mem>>)
      %dma_wait3A_173 = arith.constant 0 : i32
      %dma_wait3A_174 = tpu.memref_slice %arg7[%run_scoped3A, %dma_wait3A_173] : memref<3x40xi32, #tpu.memory_space<vmem>> -> memref<1x40xi32, #tpu.memory_space<vmem>>
      %dma_wait3A_175 = tpu.memref_squeeze %dma_wait3A_174 : memref<1x40xi32, #tpu.memory_space<vmem>> -> memref<40xi32, #tpu.memory_space<vmem>>
      %dma_wait3A_176 = tpu.memref_slice %arg4[%add3A_36] : memref<320000xi32, #tpu.memory_space<hbm>> -> memref<40xi32, #tpu.memory_space<hbm>>
      %dma_wait3A_177 = arith.constant 0 : i32
      %dma_wait3A_178 = tpu.memref_slice %arg7[%run_scoped3A, %dma_wait3A_177] : memref<3x40xi32, #tpu.memory_space<vmem>> -> memref<1x40xi32, #tpu.memory_space<vmem>>
      %dma_wait3A_179 = tpu.memref_squeeze %dma_wait3A_178 : memref<1x40xi32, #tpu.memory_space<vmem>> -> memref<40xi32, #tpu.memory_space<vmem>>
      %dma_wait3A_180 = tpu.memref_slice %arg4[%add3A_36] : memref<320000xi32, #tpu.memory_space<hbm>> -> memref<40xi32, #tpu.memory_space<hbm>>
      tpu.wait_dma2 semaphore(%run_scoped3A_164 : memref<!tpu.dma_semaphore, #tpu.memory_space<semaphore_mem>>) src(%dma_wait3A_180 : memref<40xi32, #tpu.memory_space<hbm>>) dst(%dma_wait3A_179 : memref<40xi32, #tpu.memory_space<vmem>>)
      tpu.yield
    }) : () -> ()
    %run_scoped3A_37 = arith.constant 0 : i32
    "tpu.region"() ({
      %run_scoped3A_164 = tpu.sem_alloc : memref<!tpu.dma_semaphore, #tpu.memory_space<semaphore_mem>>
      %dma_start3A_165 = arith.constant 0 : i32
      %dma_start3A_166 = tpu.memref_slice %arg8[%run_scoped3A_37, %dma_start3A_165] : memref<3x40xi32, #tpu.memory_space<vmem>> -> memref<1x40xi32, #tpu.memory_space<vmem>>
      %dma_start3A_167 = tpu.memref_squeeze %dma_start3A_166 : memref<1x40xi32, #tpu.memory_space<vmem>> -> memref<40xi32, #tpu.memory_space<vmem>>
      %dma_start3A_168 = tpu.memref_slice %arg5[%add3A_36] : memref<320000xi32, #tpu.memory_space<hbm>> -> memref<40xi32, #tpu.memory_space<hbm>>
      %dma_start3A_169 = arith.constant 0 : i32
      %dma_start3A_170 = tpu.memref_slice %arg8[%run_scoped3A_37, %dma_start3A_169] : memref<3x40xi32, #tpu.memory_space<vmem>> -> memref<1x40xi32, #tpu.memory_space<vmem>>
      %dma_start3A_171 = tpu.memref_squeeze %dma_start3A_170 : memref<1x40xi32, #tpu.memory_space<vmem>> -> memref<40xi32, #tpu.memory_space<vmem>>
      %dma_start3A_172 = tpu.memref_slice %arg5[%add3A_36] : memref<320000xi32, #tpu.memory_space<hbm>> -> memref<40xi32, #tpu.memory_space<hbm>>
      tpu.enqueue_dma source(%dma_start3A_172 : memref<40xi32, #tpu.memory_space<hbm>>) target(%dma_start3A_171 : memref<40xi32, #tpu.memory_space<vmem>>) target_semaphore(%run_scoped3A_164 : memref<!tpu.dma_semaphore, #tpu.memory_space<semaphore_mem>>)
      %dma_wait3A_173 = arith.constant 0 : i32
      %dma_wait3A_174 = tpu.memref_slice %arg8[%run_scoped3A_37, %dma_wait3A_173] : memref<3x40xi32, #tpu.memory_space<vmem>> -> memref<1x40xi32, #tpu.memory_space<vmem>>
      %dma_wait3A_175 = tpu.memref_squeeze %dma_wait3A_174 : memref<1x40xi32, #tpu.memory_space<vmem>> -> memref<40xi32, #tpu.memory_space<vmem>>
      %dma_wait3A_176 = tpu.memref_slice %arg5[%add3A_36] : memref<320000xi32, #tpu.memory_space<hbm>> -> memref<40xi32, #tpu.memory_space<hbm>>
      %dma_wait3A_177 = arith.constant 0 : i32
      %dma_wait3A_178 = tpu.memref_slice %arg8[%run_scoped3A_37, %dma_wait3A_177] : memref<3x40xi32, #tpu.memory_space<vmem>> -> memref<1x40xi32, #tpu.memory_space<vmem>>
      %dma_wait3A_179 = tpu.memref_squeeze %dma_wait3A_178 : memref<1x40xi32, #tpu.memory_space<vmem>> -> memref<40xi32, #tpu.memory_space<vmem>>
      %dma_wait3A_180 = tpu.memref_slice %arg5[%add3A_36] : memref<320000xi32, #tpu.memory_space<hbm>> -> memref<40xi32, #tpu.memory_space<hbm>>
      tpu.wait_dma2 semaphore(%run_scoped3A_164 : memref<!tpu.dma_semaphore, #tpu.memory_space<semaphore_mem>>) src(%dma_wait3A_180 : memref<40xi32, #tpu.memory_space<hbm>>) dst(%dma_wait3A_179 : memref<40xi32, #tpu.memory_space<vmem>>)
      tpu.yield
    }) : () -> ()
    %dma_start3A = arith.constant 0 : i32
    %dma_start3A_38 = arith.constant 0 : i32
    %dma_start3A_39 = arith.constant 0 : i32
    %dma_start3A_40 = arith.constant 0 : i32
    %dma_start3A_41 = tpu.memref_slice %arg9[%dma_start3A, %dma_start3A_39, %dma_start3A_40] : memref<3x40x128xf32, #tpu.memory_space<vmem>> -> memref<1x40x128xf32, #tpu.memory_space<vmem>>
    %dma_start3A_42 = tpu.memref_squeeze %dma_start3A_41 : memref<1x40x128xf32, #tpu.memory_space<vmem>> -> memref<40x128xf32, #tpu.memory_space<vmem>>
    %dma_start3A_43 = arith.constant 0 : i32
    %dma_start3A_44 = tpu.memref_slice %arg3[%add3A_36, %dma_start3A_43] : memref<320000x128xf32, #tpu.memory_space<hbm>> -> memref<40x128xf32, #tpu.memory_space<hbm>>
    %dma_start3A_45 = tpu.memref_slice %arg12[%dma_start3A_38] : memref<3x!tpu.dma_semaphore, #tpu.memory_space<semaphore_mem>> -> memref<1x!tpu.dma_semaphore, #tpu.memory_space<semaphore_mem>>
    %dma_start3A_46 = tpu.memref_squeeze %dma_start3A_45 : memref<1x!tpu.dma_semaphore, #tpu.memory_space<semaphore_mem>> -> memref<!tpu.dma_semaphore, #tpu.memory_space<semaphore_mem>>
    %dma_start3A_47 = arith.constant 0 : i32
    %dma_start3A_48 = arith.constant 0 : i32
    %dma_start3A_49 = tpu.memref_slice %arg9[%dma_start3A, %dma_start3A_47, %dma_start3A_48] : memref<3x40x128xf32, #tpu.memory_space<vmem>> -> memref<1x40x128xf32, #tpu.memory_space<vmem>>
    %dma_start3A_50 = tpu.memref_squeeze %dma_start3A_49 : memref<1x40x128xf32, #tpu.memory_space<vmem>> -> memref<40x128xf32, #tpu.memory_space<vmem>>
    %dma_start3A_51 = arith.constant 0 : i32
    %dma_start3A_52 = tpu.memref_slice %arg3[%add3A_36, %dma_start3A_51] : memref<320000x128xf32, #tpu.memory_space<hbm>> -> memref<40x128xf32, #tpu.memory_space<hbm>>
    tpu.enqueue_dma source(%dma_start3A_52 : memref<40x128xf32, #tpu.memory_space<hbm>>) target(%dma_start3A_50 : memref<40x128xf32, #tpu.memory_space<vmem>>) target_semaphore(%dma_start3A_46 : memref<!tpu.dma_semaphore, #tpu.memory_space<semaphore_mem>>)
    %dma_start3A_53 = arith.constant 0 : i32
    %dma_start3A_54 = arith.constant 0 : i32
    %dma_start3A_55 = arith.constant 0 : i32
    %dma_start3A_56 = arith.constant 0 : i32
    %dma_start3A_57 = arith.constant 0 : i32
    %dma_start3A_58 = tpu.memref_slice %arg10[%dma_start3A_54, %dma_start3A_56, %dma_start3A_57] : memref<3x40x128xf32, #tpu.memory_space<vmem>> -> memref<1x40x128xf32, #tpu.memory_space<vmem>>
    %dma_start3A_59 = tpu.memref_squeeze %dma_start3A_58 : memref<1x40x128xf32, #tpu.memory_space<vmem>> -> memref<40x128xf32, #tpu.memory_space<vmem>>
    %dma_start3A_60 = arith.constant 0 : i32
    %dma_start3A_61 = tpu.memref_slice %arg7[%dma_start3A_53, %dma_start3A_60] : memref<3x40xi32, #tpu.memory_space<vmem>> -> memref<1x40xi32, #tpu.memory_space<vmem>>
    %dma_start3A_62 = tpu.memref_squeeze %dma_start3A_61 : memref<1x40xi32, #tpu.memory_space<vmem>> -> memref<40xi32, #tpu.memory_space<vmem>>
    %dma_start3A_63 = arith.constant 0 : i32
    %dma_start3A_64 = arith.constant 0 : i32
    %dma_start3A_65 = tpu.memref_slice %arg2[%dma_start3A_63, %dma_start3A_64] : memref<10000x128xf32, #tpu.memory_space<hbm>> -> memref<10000x128xf32, #tpu.memory_space<hbm>>
    %dma_start3A_66 = tpu.memref_slice %arg13[%dma_start3A_55] : memref<3x!tpu.dma_semaphore, #tpu.memory_space<semaphore_mem>> -> memref<1x!tpu.dma_semaphore, #tpu.memory_space<semaphore_mem>>
    %dma_start3A_67 = tpu.memref_squeeze %dma_start3A_66 : memref<1x!tpu.dma_semaphore, #tpu.memory_space<semaphore_mem>> -> memref<!tpu.dma_semaphore, #tpu.memory_space<semaphore_mem>>
    tpu.enqueue_indirect_dma source(%dma_start3A_65 : memref<10000x128xf32, #tpu.memory_space<hbm>>) target(%dma_start3A_59 : memref<40x128xf32, #tpu.memory_space<vmem>>) offsets(%dma_start3A_62 : memref<40xi32, #tpu.memory_space<vmem>>) semaphore(%dma_start3A_67 : memref<!tpu.dma_semaphore, #tpu.memory_space<semaphore_mem>>)
    %add3A_68 = arith.constant 40 : i32
    %add3A_69 = arith.addi %mul3A_2, %add3A_68 : i32
    %run_scoped3A_70 = arith.constant 1 : i32
    "tpu.region"() ({
      %run_scoped3A_164 = tpu.sem_alloc : memref<!tpu.dma_semaphore, #tpu.memory_space<semaphore_mem>>
      %dma_start3A_165 = arith.constant 0 : i32
      %dma_start3A_166 = tpu.memref_slice %arg7[%run_scoped3A_70, %dma_start3A_165] : memref<3x40xi32, #tpu.memory_space<vmem>> -> memref<1x40xi32, #tpu.memory_space<vmem>>
      %dma_start3A_167 = tpu.memref_squeeze %dma_start3A_166 : memref<1x40xi32, #tpu.memory_space<vmem>> -> memref<40xi32, #tpu.memory_space<vmem>>
      %dma_start3A_168 = tpu.memref_slice %arg4[%add3A_69] : memref<320000xi32, #tpu.memory_space<hbm>> -> memref<40xi32, #tpu.memory_space<hbm>>
      %dma_start3A_169 = arith.constant 0 : i32
      %dma_start3A_170 = tpu.memref_slice %arg7[%run_scoped3A_70, %dma_start3A_169] : memref<3x40xi32, #tpu.memory_space<vmem>> -> memref<1x40xi32, #tpu.memory_space<vmem>>
      %dma_start3A_171 = tpu.memref_squeeze %dma_start3A_170 : memref<1x40xi32, #tpu.memory_space<vmem>> -> memref<40xi32, #tpu.memory_space<vmem>>
      %dma_start3A_172 = tpu.memref_slice %arg4[%add3A_69] : memref<320000xi32, #tpu.memory_space<hbm>> -> memref<40xi32, #tpu.memory_space<hbm>>
      tpu.enqueue_dma source(%dma_start3A_172 : memref<40xi32, #tpu.memory_space<hbm>>) target(%dma_start3A_171 : memref<40xi32, #tpu.memory_space<vmem>>) target_semaphore(%run_scoped3A_164 : memref<!tpu.dma_semaphore, #tpu.memory_space<semaphore_mem>>)
      %dma_wait3A_173 = arith.constant 0 : i32
      %dma_wait3A_174 = tpu.memref_slice %arg7[%run_scoped3A_70, %dma_wait3A_173] : memref<3x40xi32, #tpu.memory_space<vmem>> -> memref<1x40xi32, #tpu.memory_space<vmem>>
      %dma_wait3A_175 = tpu.memref_squeeze %dma_wait3A_174 : memref<1x40xi32, #tpu.memory_space<vmem>> -> memref<40xi32, #tpu.memory_space<vmem>>
      %dma_wait3A_176 = tpu.memref_slice %arg4[%add3A_69] : memref<320000xi32, #tpu.memory_space<hbm>> -> memref<40xi32, #tpu.memory_space<hbm>>
      %dma_wait3A_177 = arith.constant 0 : i32
      %dma_wait3A_178 = tpu.memref_slice %arg7[%run_scoped3A_70, %dma_wait3A_177] : memref<3x40xi32, #tpu.memory_space<vmem>> -> memref<1x40xi32, #tpu.memory_space<vmem>>
      %dma_wait3A_179 = tpu.memref_squeeze %dma_wait3A_178 : memref<1x40xi32, #tpu.memory_space<vmem>> -> memref<40xi32, #tpu.memory_space<vmem>>
      %dma_wait3A_180 = tpu.memref_slice %arg4[%add3A_69] : memref<320000xi32, #tpu.memory_space<hbm>> -> memref<40xi32, #tpu.memory_space<hbm>>
      tpu.wait_dma2 semaphore(%run_scoped3A_164 : memref<!tpu.dma_semaphore, #tpu.memory_space<semaphore_mem>>) src(%dma_wait3A_180 : memref<40xi32, #tpu.memory_space<hbm>>) dst(%dma_wait3A_179 : memref<40xi32, #tpu.memory_space<vmem>>)
      tpu.yield
    }) : () -> ()
    %run_scoped3A_71 = arith.constant 1 : i32
    "tpu.region"() ({
      %run_scoped3A_164 = tpu.sem_alloc : memref<!tpu.dma_semaphore, #tpu.memory_space<semaphore_mem>>
      %dma_start3A_165 = arith.constant 0 : i32
      %dma_start3A_166 = tpu.memref_slice %arg8[%run_scoped3A_71, %dma_start3A_165] : memref<3x40xi32, #tpu.memory_space<vmem>> -> memref<1x40xi32, #tpu.memory_space<vmem>>
      %dma_start3A_167 = tpu.memref_squeeze %dma_start3A_166 : memref<1x40xi32, #tpu.memory_space<vmem>> -> memref<40xi32, #tpu.memory_space<vmem>>
      %dma_start3A_168 = tpu.memref_slice %arg5[%add3A_69] : memref<320000xi32, #tpu.memory_space<hbm>> -> memref<40xi32, #tpu.memory_space<hbm>>
      %dma_start3A_169 = arith.constant 0 : i32
      %dma_start3A_170 = tpu.memref_slice %arg8[%run_scoped3A_71, %dma_start3A_169] : memref<3x40xi32, #tpu.memory_space<vmem>> -> memref<1x40xi32, #tpu.memory_space<vmem>>
      %dma_start3A_171 = tpu.memref_squeeze %dma_start3A_170 : memref<1x40xi32, #tpu.memory_space<vmem>> -> memref<40xi32, #tpu.memory_space<vmem>>
      %dma_start3A_172 = tpu.memref_slice %arg5[%add3A_69] : memref<320000xi32, #tpu.memory_space<hbm>> -> memref<40xi32, #tpu.memory_space<hbm>>
      tpu.enqueue_dma source(%dma_start3A_172 : memref<40xi32, #tpu.memory_space<hbm>>) target(%dma_start3A_171 : memref<40xi32, #tpu.memory_space<vmem>>) target_semaphore(%run_scoped3A_164 : memref<!tpu.dma_semaphore, #tpu.memory_space<semaphore_mem>>)
      %dma_wait3A_173 = arith.constant 0 : i32
      %dma_wait3A_174 = tpu.memref_slice %arg8[%run_scoped3A_71, %dma_wait3A_173] : memref<3x40xi32, #tpu.memory_space<vmem>> -> memref<1x40xi32, #tpu.memory_space<vmem>>
      %dma_wait3A_175 = tpu.memref_squeeze %dma_wait3A_174 : memref<1x40xi32, #tpu.memory_space<vmem>> -> memref<40xi32, #tpu.memory_space<vmem>>
      %dma_wait3A_176 = tpu.memref_slice %arg5[%add3A_69] : memref<320000xi32, #tpu.memory_space<hbm>> -> memref<40xi32, #tpu.memory_space<hbm>>
      %dma_wait3A_177 = arith.constant 0 : i32
      %dma_wait3A_178 = tpu.memref_slice %arg8[%run_scoped3A_71, %dma_wait3A_177] : memref<3x40xi32, #tpu.memory_space<vmem>> -> memref<1x40xi32, #tpu.memory_space<vmem>>
      %dma_wait3A_179 = tpu.memref_squeeze %dma_wait3A_178 : memref<1x40xi32, #tpu.memory_space<vmem>> -> memref<40xi32, #tpu.memory_space<vmem>>
      %dma_wait3A_180 = tpu.memref_slice %arg5[%add3A_69] : memref<320000xi32, #tpu.memory_space<hbm>> -> memref<40xi32, #tpu.memory_space<hbm>>
      tpu.wait_dma2 semaphore(%run_scoped3A_164 : memref<!tpu.dma_semaphore, #tpu.memory_space<semaphore_mem>>) src(%dma_wait3A_180 : memref<40xi32, #tpu.memory_space<hbm>>) dst(%dma_wait3A_179 : memref<40xi32, #tpu.memory_space<vmem>>)
      tpu.yield
    }) : () -> ()
    %dma_start3A_72 = arith.constant 1 : i32
    %dma_start3A_73 = arith.constant 1 : i32
    %dma_start3A_74 = arith.constant 0 : i32
    %dma_start3A_75 = arith.constant 0 : i32
    %dma_start3A_76 = tpu.memref_slice %arg9[%dma_start3A_72, %dma_start3A_74, %dma_start3A_75] : memref<3x40x128xf32, #tpu.memory_space<vmem>> -> memref<1x40x128xf32, #tpu.memory_space<vmem>>
    %dma_start3A_77 = tpu.memref_squeeze %dma_start3A_76 : memref<1x40x128xf32, #tpu.memory_space<vmem>> -> memref<40x128xf32, #tpu.memory_space<vmem>>
    %dma_start3A_78 = arith.constant 0 : i32
    %dma_start3A_79 = tpu.memref_slice %arg3[%add3A_69, %dma_start3A_78] : memref<320000x128xf32, #tpu.memory_space<hbm>> -> memref<40x128xf32, #tpu.memory_space<hbm>>
    %dma_start3A_80 = tpu.memref_slice %arg12[%dma_start3A_73] : memref<3x!tpu.dma_semaphore, #tpu.memory_space<semaphore_mem>> -> memref<1x!tpu.dma_semaphore, #tpu.memory_space<semaphore_mem>>
    %dma_start3A_81 = tpu.memref_squeeze %dma_start3A_80 : memref<1x!tpu.dma_semaphore, #tpu.memory_space<semaphore_mem>> -> memref<!tpu.dma_semaphore, #tpu.memory_space<semaphore_mem>>
    %dma_start3A_82 = arith.constant 0 : i32
    %dma_start3A_83 = arith.constant 0 : i32
    %dma_start3A_84 = tpu.memref_slice %arg9[%dma_start3A_72, %dma_start3A_82, %dma_start3A_83] : memref<3x40x128xf32, #tpu.memory_space<vmem>> -> memref<1x40x128xf32, #tpu.memory_space<vmem>>
    %dma_start3A_85 = tpu.memref_squeeze %dma_start3A_84 : memref<1x40x128xf32, #tpu.memory_space<vmem>> -> memref<40x128xf32, #tpu.memory_space<vmem>>
    %dma_start3A_86 = arith.constant 0 : i32
    %dma_start3A_87 = tpu.memref_slice %arg3[%add3A_69, %dma_start3A_86] : memref<320000x128xf32, #tpu.memory_space<hbm>> -> memref<40x128xf32, #tpu.memory_space<hbm>>
    tpu.enqueue_dma source(%dma_start3A_87 : memref<40x128xf32, #tpu.memory_space<hbm>>) target(%dma_start3A_85 : memref<40x128xf32, #tpu.memory_space<vmem>>) target_semaphore(%dma_start3A_81 : memref<!tpu.dma_semaphore, #tpu.memory_space<semaphore_mem>>)
    %dma_start3A_88 = arith.constant 1 : i32
    %dma_start3A_89 = arith.constant 1 : i32
    %dma_start3A_90 = arith.constant 1 : i32
    %dma_start3A_91 = arith.constant 0 : i32
    %dma_start3A_92 = arith.constant 0 : i32
    %dma_start3A_93 = tpu.memref_slice %arg10[%dma_start3A_89, %dma_start3A_91, %dma_start3A_92] : memref<3x40x128xf32, #tpu.memory_space<vmem>> -> memref<1x40x128xf32, #tpu.memory_space<vmem>>
    %dma_start3A_94 = tpu.memref_squeeze %dma_start3A_93 : memref<1x40x128xf32, #tpu.memory_space<vmem>> -> memref<40x128xf32, #tpu.memory_space<vmem>>
    %dma_start3A_95 = arith.constant 0 : i32
    %dma_start3A_96 = tpu.memref_slice %arg7[%dma_start3A_88, %dma_start3A_95] : memref<3x40xi32, #tpu.memory_space<vmem>> -> memref<1x40xi32, #tpu.memory_space<vmem>>
    %dma_start3A_97 = tpu.memref_squeeze %dma_start3A_96 : memref<1x40xi32, #tpu.memory_space<vmem>> -> memref<40xi32, #tpu.memory_space<vmem>>
    %dma_start3A_98 = arith.constant 0 : i32
    %dma_start3A_99 = arith.constant 0 : i32
    %dma_start3A_100 = tpu.memref_slice %arg2[%dma_start3A_98, %dma_start3A_99] : memref<10000x128xf32, #tpu.memory_space<hbm>> -> memref<10000x128xf32, #tpu.memory_space<hbm>>
    %dma_start3A_101 = tpu.memref_slice %arg13[%dma_start3A_90] : memref<3x!tpu.dma_semaphore, #tpu.memory_space<semaphore_mem>> -> memref<1x!tpu.dma_semaphore, #tpu.memory_space<semaphore_mem>>
    %dma_start3A_102 = tpu.memref_squeeze %dma_start3A_101 : memref<1x!tpu.dma_semaphore, #tpu.memory_space<semaphore_mem>> -> memref<!tpu.dma_semaphore, #tpu.memory_space<semaphore_mem>>
    tpu.enqueue_indirect_dma source(%dma_start3A_100 : memref<10000x128xf32, #tpu.memory_space<hbm>>) target(%dma_start3A_94 : memref<40x128xf32, #tpu.memory_space<vmem>>) offsets(%dma_start3A_97 : memref<40xi32, #tpu.memory_space<vmem>>) semaphore(%dma_start3A_102 : memref<!tpu.dma_semaphore, #tpu.memory_space<semaphore_mem>>)
    %scan3A_103 = arith.constant 0 : i32
    %scan3A_104 = arith.constant 0 : i32
    %scan3A_105 = arith.constant 250 : i32
    %scan3A_106 = arith.addi %scan3A_104, %scan3A_105 : i32
    %scan3A_107 = arith.constant 1 : i32
    %scan3A_108 = scf.for %scan3A_164 = %scan3A_104 to %scan3A_106 step %scan3A_107 iter_args(%scan3A_165 = %scan3A_103) -> (i32)  : i32 {
      %rem3A = arith.constant 3 : i32
      %rem3A_166 = arith.remsi %scan3A_164, %rem3A : i32
      %add3A_167 = arith.constant 2 : i32
      %add3A_168 = arith.addi %scan3A_164, %add3A_167 : i32
      %rem3A_169 = arith.constant 3 : i32
      %rem3A_170 = arith.remsi %add3A_168, %rem3A_169 : i32
      %mul3A_171 = arith.constant 40 : i32
      %mul3A_172 = arith.muli %scan3A_164, %mul3A_171 : i32
      %add3A_173 = arith.addi %mul3A_2, %mul3A_172 : i32
      %dma_wait3A_174 = arith.constant 0 : i32
      %dma_wait3A_175 = arith.constant 0 : i32
      %dma_wait3A_176 = tpu.memref_slice %arg9[%rem3A_166, %dma_wait3A_174, %dma_wait3A_175] : memref<3x40x128xf32, #tpu.memory_space<vmem>> -> memref<1x40x128xf32, #tpu.memory_space<vmem>>
      %dma_wait3A_177 = tpu.memref_squeeze %dma_wait3A_176 : memref<1x40x128xf32, #tpu.memory_space<vmem>> -> memref<40x128xf32, #tpu.memory_space<vmem>>
      %dma_wait3A_178 = arith.constant 0 : i32
      %dma_wait3A_179 = tpu.memref_slice %arg3[%add3A_173, %dma_wait3A_178] : memref<320000x128xf32, #tpu.memory_space<hbm>> -> memref<40x128xf32, #tpu.memory_space<hbm>>
      %dma_wait3A_180 = tpu.memref_slice %arg12[%rem3A_166] : memref<3x!tpu.dma_semaphore, #tpu.memory_space<semaphore_mem>> -> memref<1x!tpu.dma_semaphore, #tpu.memory_space<semaphore_mem>>
      %dma_wait3A_181 = tpu.memref_squeeze %dma_wait3A_180 : memref<1x!tpu.dma_semaphore, #tpu.memory_space<semaphore_mem>> -> memref<!tpu.dma_semaphore, #tpu.memory_space<semaphore_mem>>
      %dma_wait3A_182 = arith.constant 0 : i32
      %dma_wait3A_183 = arith.constant 0 : i32
      %dma_wait3A_184 = tpu.memref_slice %arg9[%rem3A_166, %dma_wait3A_182, %dma_wait3A_183] : memref<3x40x128xf32, #tpu.memory_space<vmem>> -> memref<1x40x128xf32, #tpu.memory_space<vmem>>
      %dma_wait3A_185 = tpu.memref_squeeze %dma_wait3A_184 : memref<1x40x128xf32, #tpu.memory_space<vmem>> -> memref<40x128xf32, #tpu.memory_space<vmem>>
      %dma_wait3A_186 = arith.constant 0 : i32
      %dma_wait3A_187 = tpu.memref_slice %arg3[%add3A_173, %dma_wait3A_186] : memref<320000x128xf32, #tpu.memory_space<hbm>> -> memref<40x128xf32, #tpu.memory_space<hbm>>
      tpu.wait_dma2 semaphore(%dma_wait3A_181 : memref<!tpu.dma_semaphore, #tpu.memory_space<semaphore_mem>>) src(%dma_wait3A_187 : memref<40x128xf32, #tpu.memory_space<hbm>>) dst(%dma_wait3A_185 : memref<40x128xf32, #tpu.memory_space<vmem>>)
      %dma_wait3A_188 = arith.constant 0 : i32
      %dma_wait3A_189 = arith.constant 0 : i32
      %dma_wait3A_190 = tpu.memref_slice %arg10[%rem3A_166, %dma_wait3A_188, %dma_wait3A_189] : memref<3x40x128xf32, #tpu.memory_space<vmem>> -> memref<1x40x128xf32, #tpu.memory_space<vmem>>
      %dma_wait3A_191 = tpu.memref_squeeze %dma_wait3A_190 : memref<1x40x128xf32, #tpu.memory_space<vmem>> -> memref<40x128xf32, #tpu.memory_space<vmem>>
      %dma_wait3A_192 = arith.constant 0 : i32
      %dma_wait3A_193 = tpu.memref_slice %arg7[%rem3A_166, %dma_wait3A_192] : memref<3x40xi32, #tpu.memory_space<vmem>> -> memref<1x40xi32, #tpu.memory_space<vmem>>
      %dma_wait3A_194 = tpu.memref_squeeze %dma_wait3A_193 : memref<1x40xi32, #tpu.memory_space<vmem>> -> memref<40xi32, #tpu.memory_space<vmem>>
      %dma_wait3A_195 = arith.constant 0 : i32
      %dma_wait3A_196 = arith.constant 0 : i32
      %dma_wait3A_197 = tpu.memref_slice %arg2[%dma_wait3A_195, %dma_wait3A_196] : memref<10000x128xf32, #tpu.memory_space<hbm>> -> memref<10000x128xf32, #tpu.memory_space<hbm>>
      %dma_wait3A_198 = tpu.memref_slice %arg13[%rem3A_166] : memref<3x!tpu.dma_semaphore, #tpu.memory_space<semaphore_mem>> -> memref<1x!tpu.dma_semaphore, #tpu.memory_space<semaphore_mem>>
      %dma_wait3A_199 = tpu.memref_squeeze %dma_wait3A_198 : memref<1x!tpu.dma_semaphore, #tpu.memory_space<semaphore_mem>> -> memref<!tpu.dma_semaphore, #tpu.memory_space<semaphore_mem>>
      tpu.wait_indirect_dma semaphore(%dma_wait3A_199 : memref<!tpu.dma_semaphore, #tpu.memory_space<semaphore_mem>>) src(%dma_wait3A_197 : memref<10000x128xf32, #tpu.memory_space<hbm>>) dst(%dma_wait3A_191 : memref<40x128xf32, #tpu.memory_space<vmem>>)
      %parallel_loop3A = arith.constant 0 : i32
      %parallel_loop3A_200 = arith.constant 40 : i32
      %parallel_loop3A_201 = arith.constant 1 : i32
      scf.for %parallel_loop3A_221 = %parallel_loop3A to %parallel_loop3A_200 step %parallel_loop3A_201  : i32 {
        %parallel_loop3A_222 = arith.index_cast %rem3A_166 : i32 to index
        %parallel_loop3A_223 = arith.index_cast %parallel_loop3A_221 : i32 to index
        %parallel_loop3A_224 = arith.constant 0 : index
        %parallel_loop3A_225 = tpu.vector_load %arg10[%parallel_loop3A_222, %parallel_loop3A_223, %parallel_loop3A_224] {strides = array<i32>} : memref<3x40x128xf32, #tpu.memory_space<vmem>>, vector<1x1x16xf32>,
        %parallel_loop3A_226 = vector.shape_cast %parallel_loop3A_225 : vector<1x1x16xf32> to vector<16xf32>
        %parallel_loop3A_227 = arith.index_cast %rem3A_166 : i32 to index
        %parallel_loop3A_228 = arith.index_cast %parallel_loop3A_221 : i32 to index
        %parallel_loop3A_229 = arith.constant 0 : index
        %parallel_loop3A_230 = tpu.vector_load %arg9[%parallel_loop3A_227, %parallel_loop3A_228, %parallel_loop3A_229] {strides = array<i32>} : memref<3x40x128xf32, #tpu.memory_space<vmem>>, vector<1x1x16xf32>,
        %parallel_loop3A_231 = vector.shape_cast %parallel_loop3A_230 : vector<1x1x16xf32> to vector<16xf32>
        %parallel_loop3A_232 = arith.addf %parallel_loop3A_226, %parallel_loop3A_231 : vector<16xf32>
        %parallel_loop3A_233 = arith.constant 0.000000e+00 : f32
        %parallel_loop3A_234 = vector.broadcast %parallel_loop3A_233 : f32 to vector<16xf32>
        %parallel_loop3A_235 = arith.maximumf %parallel_loop3A_232, %parallel_loop3A_234 : vector<16xf32>
        %parallel_loop3A_236 = arith.index_cast %rem3A_166 : i32 to index
        %parallel_loop3A_237 = arith.index_cast %parallel_loop3A_221 : i32 to index
        %parallel_loop3A_238 = arith.constant 0 : index
        %parallel_loop3A_239 = tpu.vector_load %arg10[%parallel_loop3A_236, %parallel_loop3A_237, %parallel_loop3A_238] {strides = array<i32>} : memref<3x40x128xf32, #tpu.memory_space<vmem>>, vector<1x1x16xf32>,
        %parallel_loop3A_240 = vector.shape_cast %parallel_loop3A_239 : vector<1x1x16xf32> to vector<16xf32>
        %parallel_loop3A_241 = vector.shape_cast %parallel_loop3A_235 : vector<16xf32> to vector<1x1x16xf32>
        tpu.vector_store %arg10[%parallel_loop3A_236, %parallel_loop3A_237, %parallel_loop3A_238], %parallel_loop3A_241 {strides = array<i32>} : memref<3x40x128xf32, #tpu.memory_space<vmem>>, vector<1x1x16xf32>,
        %parallel_loop3A_242 = arith.index_cast %rem3A_166 : i32 to index
        %parallel_loop3A_243 = arith.index_cast %parallel_loop3A_221 : i32 to index
        %parallel_loop3A_244 = arith.constant 16 : index
        %parallel_loop3A_245 = tpu.vector_load %arg10[%parallel_loop3A_242, %parallel_loop3A_243, %parallel_loop3A_244] {strides = array<i32>} : memref<3x40x128xf32, #tpu.memory_space<vmem>>, vector<1x1x16xf32>,
        %parallel_loop3A_246 = vector.shape_cast %parallel_loop3A_245 : vector<1x1x16xf32> to vector<16xf32>
        %parallel_loop3A_247 = arith.index_cast %rem3A_166 : i32 to index
        %parallel_loop3A_248 = arith.index_cast %parallel_loop3A_221 : i32 to index
        %parallel_loop3A_249 = arith.constant 16 : index
        %parallel_loop3A_250 = tpu.vector_load %arg9[%parallel_loop3A_247, %parallel_loop3A_248, %parallel_loop3A_249] {strides = array<i32>} : memref<3x40x128xf32, #tpu.memory_space<vmem>>, vector<1x1x16xf32>,
        %parallel_loop3A_251 = vector.shape_cast %parallel_loop3A_250 : vector<1x1x16xf32> to vector<16xf32>
        %parallel_loop3A_252 = arith.addf %parallel_loop3A_246, %parallel_loop3A_251 : vector<16xf32>
        %parallel_loop3A_253 = arith.constant 0.000000e+00 : f32
        %parallel_loop3A_254 = vector.broadcast %parallel_loop3A_253 : f32 to vector<16xf32>
        %parallel_loop3A_255 = arith.maximumf %parallel_loop3A_252, %parallel_loop3A_254 : vector<16xf32>
        %parallel_loop3A_256 = arith.index_cast %rem3A_166 : i32 to index
        %parallel_loop3A_257 = arith.index_cast %parallel_loop3A_221 : i32 to index
        %parallel_loop3A_258 = arith.constant 16 : index
        %parallel_loop3A_259 = tpu.vector_load %arg10[%parallel_loop3A_256, %parallel_loop3A_257, %parallel_loop3A_258] {strides = array<i32>} : memref<3x40x128xf32, #tpu.memory_space<vmem>>, vector<1x1x16xf32>,
        %parallel_loop3A_260 = vector.shape_cast %parallel_loop3A_259 : vector<1x1x16xf32> to vector<16xf32>
        %parallel_loop3A_261 = vector.shape_cast %parallel_loop3A_255 : vector<16xf32> to vector<1x1x16xf32>
        tpu.vector_store %arg10[%parallel_loop3A_256, %parallel_loop3A_257, %parallel_loop3A_258], %parallel_loop3A_261 {strides = array<i32>} : memref<3x40x128xf32, #tpu.memory_space<vmem>>, vector<1x1x16xf32>,
        %parallel_loop3A_262 = arith.index_cast %rem3A_166 : i32 to index
        %parallel_loop3A_263 = arith.index_cast %parallel_loop3A_221 : i32 to index
        %parallel_loop3A_264 = arith.constant 32 : index
        %parallel_loop3A_265 = tpu.vector_load %arg10[%parallel_loop3A_262, %parallel_loop3A_263, %parallel_loop3A_264] {strides = array<i32>} : memref<3x40x128xf32, #tpu.memory_space<vmem>>, vector<1x1x16xf32>,
        %parallel_loop3A_266 = vector.shape_cast %parallel_loop3A_265 : vector<1x1x16xf32> to vector<16xf32>
        %parallel_loop3A_267 = arith.index_cast %rem3A_166 : i32 to index
        %parallel_loop3A_268 = arith.index_cast %parallel_loop3A_221 : i32 to index
        %parallel_loop3A_269 = arith.constant 32 : index
        %parallel_loop3A_270 = tpu.vector_load %arg9[%parallel_loop3A_267, %parallel_loop3A_268, %parallel_loop3A_269] {strides = array<i32>} : memref<3x40x128xf32, #tpu.memory_space<vmem>>, vector<1x1x16xf32>,
        %parallel_loop3A_271 = vector.shape_cast %parallel_loop3A_270 : vector<1x1x16xf32> to vector<16xf32>
        %parallel_loop3A_272 = arith.addf %parallel_loop3A_266, %parallel_loop3A_271 : vector<16xf32>
        %parallel_loop3A_273 = arith.constant 0.000000e+00 : f32
        %parallel_loop3A_274 = vector.broadcast %parallel_loop3A_273 : f32 to vector<16xf32>
        %parallel_loop3A_275 = arith.maximumf %parallel_loop3A_272, %parallel_loop3A_274 : vector<16xf32>
        %parallel_loop3A_276 = arith.index_cast %rem3A_166 : i32 to index
        %parallel_loop3A_277 = arith.index_cast %parallel_loop3A_221 : i32 to index
        %parallel_loop3A_278 = arith.constant 32 : index
        %parallel_loop3A_279 = tpu.vector_load %arg10[%parallel_loop3A_276, %parallel_loop3A_277, %parallel_loop3A_278] {strides = array<i32>} : memref<3x40x128xf32, #tpu.memory_space<vmem>>, vector<1x1x16xf32>,
        %parallel_loop3A_280 = vector.shape_cast %parallel_loop3A_279 : vector<1x1x16xf32> to vector<16xf32>
        %parallel_loop3A_281 = vector.shape_cast %parallel_loop3A_275 : vector<16xf32> to vector<1x1x16xf32>
        tpu.vector_store %arg10[%parallel_loop3A_276, %parallel_loop3A_277, %parallel_loop3A_278], %parallel_loop3A_281 {strides = array<i32>} : memref<3x40x128xf32, #tpu.memory_space<vmem>>, vector<1x1x16xf32>,
        %parallel_loop3A_282 = arith.index_cast %rem3A_166 : i32 to index
        %parallel_loop3A_283 = arith.index_cast %parallel_loop3A_221 : i32 to index
        %parallel_loop3A_284 = arith.constant 48 : index
        %parallel_loop3A_285 = tpu.vector_load %arg10[%parallel_loop3A_282, %parallel_loop3A_283, %parallel_loop3A_284] {strides = array<i32>} : memref<3x40x128xf32, #tpu.memory_space<vmem>>, vector<1x1x16xf32>,
        %parallel_loop3A_286 = vector.shape_cast %parallel_loop3A_285 : vector<1x1x16xf32> to vector<16xf32>
        %parallel_loop3A_287 = arith.index_cast %rem3A_166 : i32 to index
        %parallel_loop3A_288 = arith.index_cast %parallel_loop3A_221 : i32 to index
        %parallel_loop3A_289 = arith.constant 48 : index
        %parallel_loop3A_290 = tpu.vector_load %arg9[%parallel_loop3A_287, %parallel_loop3A_288, %parallel_loop3A_289] {strides = array<i32>} : memref<3x40x128xf32, #tpu.memory_space<vmem>>, vector<1x1x16xf32>,
        %parallel_loop3A_291 = vector.shape_cast %parallel_loop3A_290 : vector<1x1x16xf32> to vector<16xf32>
        %parallel_loop3A_292 = arith.addf %parallel_loop3A_286, %parallel_loop3A_291 : vector<16xf32>
        %parallel_loop3A_293 = arith.constant 0.000000e+00 : f32
        %parallel_loop3A_294 = vector.broadcast %parallel_loop3A_293 : f32 to vector<16xf32>
        %parallel_loop3A_295 = arith.maximumf %parallel_loop3A_292, %parallel_loop3A_294 : vector<16xf32>
        %parallel_loop3A_296 = arith.index_cast %rem3A_166 : i32 to index
        %parallel_loop3A_297 = arith.index_cast %parallel_loop3A_221 : i32 to index
        %parallel_loop3A_298 = arith.constant 48 : index
        %parallel_loop3A_299 = tpu.vector_load %arg10[%parallel_loop3A_296, %parallel_loop3A_297, %parallel_loop3A_298] {strides = array<i32>} : memref<3x40x128xf32, #tpu.memory_space<vmem>>, vector<1x1x16xf32>,
        %parallel_loop3A_300 = vector.shape_cast %parallel_loop3A_299 : vector<1x1x16xf32> to vector<16xf32>
        %parallel_loop3A_301 = vector.shape_cast %parallel_loop3A_295 : vector<16xf32> to vector<1x1x16xf32>
        tpu.vector_store %arg10[%parallel_loop3A_296, %parallel_loop3A_297, %parallel_loop3A_298], %parallel_loop3A_301 {strides = array<i32>} : memref<3x40x128xf32, #tpu.memory_space<vmem>>, vector<1x1x16xf32>,
        %parallel_loop3A_302 = arith.index_cast %rem3A_166 : i32 to index
        %parallel_loop3A_303 = arith.index_cast %parallel_loop3A_221 : i32 to index
        %parallel_loop3A_304 = arith.constant 64 : index
        %parallel_loop3A_305 = tpu.vector_load %arg10[%parallel_loop3A_302, %parallel_loop3A_303, %parallel_loop3A_304] {strides = array<i32>} : memref<3x40x128xf32, #tpu.memory_space<vmem>>, vector<1x1x16xf32>,
        %parallel_loop3A_306 = vector.shape_cast %parallel_loop3A_305 : vector<1x1x16xf32> to vector<16xf32>
        %parallel_loop3A_307 = arith.index_cast %rem3A_166 : i32 to index
        %parallel_loop3A_308 = arith.index_cast %parallel_loop3A_221 : i32 to index
        %parallel_loop3A_309 = arith.constant 64 : index
        %parallel_loop3A_310 = tpu.vector_load %arg9[%parallel_loop3A_307, %parallel_loop3A_308, %parallel_loop3A_309] {strides = array<i32>} : memref<3x40x128xf32, #tpu.memory_space<vmem>>, vector<1x1x16xf32>,
        %parallel_loop3A_311 = vector.shape_cast %parallel_loop3A_310 : vector<1x1x16xf32> to vector<16xf32>
        %parallel_loop3A_312 = arith.addf %parallel_loop3A_306, %parallel_loop3A_311 : vector<16xf32>
        %parallel_loop3A_313 = arith.constant 0.000000e+00 : f32
        %parallel_loop3A_314 = vector.broadcast %parallel_loop3A_313 : f32 to vector<16xf32>
        %parallel_loop3A_315 = arith.maximumf %parallel_loop3A_312, %parallel_loop3A_314 : vector<16xf32>
        %parallel_loop3A_316 = arith.index_cast %rem3A_166 : i32 to index
        %parallel_loop3A_317 = arith.index_cast %parallel_loop3A_221 : i32 to index
        %parallel_loop3A_318 = arith.constant 64 : index
        %parallel_loop3A_319 = tpu.vector_load %arg10[%parallel_loop3A_316, %parallel_loop3A_317, %parallel_loop3A_318] {strides = array<i32>} : memref<3x40x128xf32, #tpu.memory_space<vmem>>, vector<1x1x16xf32>,
        %parallel_loop3A_320 = vector.shape_cast %parallel_loop3A_319 : vector<1x1x16xf32> to vector<16xf32>
        %parallel_loop3A_321 = vector.shape_cast %parallel_loop3A_315 : vector<16xf32> to vector<1x1x16xf32>
        tpu.vector_store %arg10[%parallel_loop3A_316, %parallel_loop3A_317, %parallel_loop3A_318], %parallel_loop3A_321 {strides = array<i32>} : memref<3x40x128xf32, #tpu.memory_space<vmem>>, vector<1x1x16xf32>,
        %parallel_loop3A_322 = arith.index_cast %rem3A_166 : i32 to index
        %parallel_loop3A_323 = arith.index_cast %parallel_loop3A_221 : i32 to index
        %parallel_loop3A_324 = arith.constant 80 : index
        %parallel_loop3A_325 = tpu.vector_load %arg10[%parallel_loop3A_322, %parallel_loop3A_323, %parallel_loop3A_324] {strides = array<i32>} : memref<3x40x128xf32, #tpu.memory_space<vmem>>, vector<1x1x16xf32>,
        %parallel_loop3A_326 = vector.shape_cast %parallel_loop3A_325 : vector<1x1x16xf32> to vector<16xf32>
        %parallel_loop3A_327 = arith.index_cast %rem3A_166 : i32 to index
        %parallel_loop3A_328 = arith.index_cast %parallel_loop3A_221 : i32 to index
        %parallel_loop3A_329 = arith.constant 80 : index
        %parallel_loop3A_330 = tpu.vector_load %arg9[%parallel_loop3A_327, %parallel_loop3A_328, %parallel_loop3A_329] {strides = array<i32>} : memref<3x40x128xf32, #tpu.memory_space<vmem>>, vector<1x1x16xf32>,
        %parallel_loop3A_331 = vector.shape_cast %parallel_loop3A_330 : vector<1x1x16xf32> to vector<16xf32>
        %parallel_loop3A_332 = arith.addf %parallel_loop3A_326, %parallel_loop3A_331 : vector<16xf32>
        %parallel_loop3A_333 = arith.constant 0.000000e+00 : f32
        %parallel_loop3A_334 = vector.broadcast %parallel_loop3A_333 : f32 to vector<16xf32>
        %parallel_loop3A_335 = arith.maximumf %parallel_loop3A_332, %parallel_loop3A_334 : vector<16xf32>
        %parallel_loop3A_336 = arith.index_cast %rem3A_166 : i32 to index
        %parallel_loop3A_337 = arith.index_cast %parallel_loop3A_221 : i32 to index
        %parallel_loop3A_338 = arith.constant 80 : index
        %parallel_loop3A_339 = tpu.vector_load %arg10[%parallel_loop3A_336, %parallel_loop3A_337, %parallel_loop3A_338] {strides = array<i32>} : memref<3x40x128xf32, #tpu.memory_space<vmem>>, vector<1x1x16xf32>,
        %parallel_loop3A_340 = vector.shape_cast %parallel_loop3A_339 : vector<1x1x16xf32> to vector<16xf32>
        %parallel_loop3A_341 = vector.shape_cast %parallel_loop3A_335 : vector<16xf32> to vector<1x1x16xf32>
        tpu.vector_store %arg10[%parallel_loop3A_336, %parallel_loop3A_337, %parallel_loop3A_338], %parallel_loop3A_341 {strides = array<i32>} : memref<3x40x128xf32, #tpu.memory_space<vmem>>, vector<1x1x16xf32>,
        %parallel_loop3A_342 = arith.index_cast %rem3A_166 : i32 to index
        %parallel_loop3A_343 = arith.index_cast %parallel_loop3A_221 : i32 to index
        %parallel_loop3A_344 = arith.constant 96 : index
        %parallel_loop3A_345 = tpu.vector_load %arg10[%parallel_loop3A_342, %parallel_loop3A_343, %parallel_loop3A_344] {strides = array<i32>} : memref<3x40x128xf32, #tpu.memory_space<vmem>>, vector<1x1x16xf32>,
        %parallel_loop3A_346 = vector.shape_cast %parallel_loop3A_345 : vector<1x1x16xf32> to vector<16xf32>
        %parallel_loop3A_347 = arith.index_cast %rem3A_166 : i32 to index
        %parallel_loop3A_348 = arith.index_cast %parallel_loop3A_221 : i32 to index
        %parallel_loop3A_349 = arith.constant 96 : index
        %parallel_loop3A_350 = tpu.vector_load %arg9[%parallel_loop3A_347, %parallel_loop3A_348, %parallel_loop3A_349] {strides = array<i32>} : memref<3x40x128xf32, #tpu.memory_space<vmem>>, vector<1x1x16xf32>,
        %parallel_loop3A_351 = vector.shape_cast %parallel_loop3A_350 : vector<1x1x16xf32> to vector<16xf32>
        %parallel_loop3A_352 = arith.addf %parallel_loop3A_346, %parallel_loop3A_351 : vector<16xf32>
        %parallel_loop3A_353 = arith.constant 0.000000e+00 : f32
        %parallel_loop3A_354 = vector.broadcast %parallel_loop3A_353 : f32 to vector<16xf32>
        %parallel_loop3A_355 = arith.maximumf %parallel_loop3A_352, %parallel_loop3A_354 : vector<16xf32>
        %parallel_loop3A_356 = arith.index_cast %rem3A_166 : i32 to index
        %parallel_loop3A_357 = arith.index_cast %parallel_loop3A_221 : i32 to index
        %parallel_loop3A_358 = arith.constant 96 : index
        %parallel_loop3A_359 = tpu.vector_load %arg10[%parallel_loop3A_356, %parallel_loop3A_357, %parallel_loop3A_358] {strides = array<i32>} : memref<3x40x128xf32, #tpu.memory_space<vmem>>, vector<1x1x16xf32>,
        %parallel_loop3A_360 = vector.shape_cast %parallel_loop3A_359 : vector<1x1x16xf32> to vector<16xf32>
        %parallel_loop3A_361 = vector.shape_cast %parallel_loop3A_355 : vector<16xf32> to vector<1x1x16xf32>
        tpu.vector_store %arg10[%parallel_loop3A_356, %parallel_loop3A_357, %parallel_loop3A_358], %parallel_loop3A_361 {strides = array<i32>} : memref<3x40x128xf32, #tpu.memory_space<vmem>>, vector<1x1x16xf32>,
        %parallel_loop3A_362 = arith.index_cast %rem3A_166 : i32 to index
        %parallel_loop3A_363 = arith.index_cast %parallel_loop3A_221 : i32 to index
        %parallel_loop3A_364 = arith.constant 112 : index
        %parallel_loop3A_365 = tpu.vector_load %arg10[%parallel_loop3A_362, %parallel_loop3A_363, %parallel_loop3A_364] {strides = array<i32>} : memref<3x40x128xf32, #tpu.memory_space<vmem>>, vector<1x1x16xf32>,
        %parallel_loop3A_366 = vector.shape_cast %parallel_loop3A_365 : vector<1x1x16xf32> to vector<16xf32>
        %parallel_loop3A_367 = arith.index_cast %rem3A_166 : i32 to index
        %parallel_loop3A_368 = arith.index_cast %parallel_loop3A_221 : i32 to index
        %parallel_loop3A_369 = arith.constant 112 : index
        %parallel_loop3A_370 = tpu.vector_load %arg9[%parallel_loop3A_367, %parallel_loop3A_368, %parallel_loop3A_369] {strides = array<i32>} : memref<3x40x128xf32, #tpu.memory_space<vmem>>, vector<1x1x16xf32>,
        %parallel_loop3A_371 = vector.shape_cast %parallel_loop3A_370 : vector<1x1x16xf32> to vector<16xf32>
        %parallel_loop3A_372 = arith.addf %parallel_loop3A_366, %parallel_loop3A_371 : vector<16xf32>
        %parallel_loop3A_373 = arith.constant 0.000000e+00 : f32
        %parallel_loop3A_374 = vector.broadcast %parallel_loop3A_373 : f32 to vector<16xf32>
        %parallel_loop3A_375 = arith.maximumf %parallel_loop3A_372, %parallel_loop3A_374 : vector<16xf32>
        %parallel_loop3A_376 = arith.index_cast %rem3A_166 : i32 to index
        %parallel_loop3A_377 = arith.index_cast %parallel_loop3A_221 : i32 to index
        %parallel_loop3A_378 = arith.constant 112 : index
        %parallel_loop3A_379 = tpu.vector_load %arg10[%parallel_loop3A_376, %parallel_loop3A_377, %parallel_loop3A_378] {strides = array<i32>} : memref<3x40x128xf32, #tpu.memory_space<vmem>>, vector<1x1x16xf32>,
        %parallel_loop3A_380 = vector.shape_cast %parallel_loop3A_379 : vector<1x1x16xf32> to vector<16xf32>
        %parallel_loop3A_381 = vector.shape_cast %parallel_loop3A_375 : vector<16xf32> to vector<1x1x16xf32>
        tpu.vector_store %arg10[%parallel_loop3A_376, %parallel_loop3A_377, %parallel_loop3A_378], %parallel_loop3A_381 {strides = array<i32>} : memref<3x40x128xf32, #tpu.memory_space<vmem>>, vector<1x1x16xf32>,
      } {sc.loop_unroll_factor = 2 : i64, sc.parallel_access}
      %dma_start3A_202 = arith.constant 0 : i32
      %dma_start3A_203 = arith.constant 0 : i32
      %dma_start3A_204 = tpu.memref_slice %arg10[%rem3A_166, %dma_start3A_202, %dma_start3A_203] : memref<3x40x128xf32, #tpu.memory_space<vmem>> -> memref<1x40x128xf32, #tpu.memory_space<vmem>>
      %dma_start3A_205 = tpu.memref_squeeze %dma_start3A_204 : memref<1x40x128xf32, #tpu.memory_space<vmem>> -> memref<40x128xf32, #tpu.memory_space<vmem>>
      %dma_start3A_206 = arith.constant 0 : i32
      %dma_start3A_207 = tpu.memref_slice %arg8[%rem3A_166, %dma_start3A_206] : memref<3x40xi32, #tpu.memory_space<vmem>> -> memref<1x40xi32, #tpu.memory_space<vmem>>
      %dma_start3A_208 = tpu.memref_squeeze %dma_start3A_207 : memref<1x40xi32, #tpu.memory_space<vmem>> -> memref<40xi32, #tpu.memory_space<vmem>>
      %dma_start3A_209 = arith.constant 0 : i32
      %dma_start3A_210 = arith.constant 0 : i32
      %dma_start3A_211 = tpu.memref_slice %arg15[%dma_start3A_209, %dma_start3A_210] : memref<10000x128xf32, #tpu.memory_space<vmem_shared>> -> memref<10000x128xf32, #tpu.memory_space<vmem_shared>>
      %dma_start3A_212 = tpu.memref_slice %arg14[%rem3A_166] : memref<3x!tpu.dma_semaphore, #tpu.memory_space<semaphore_mem>> -> memref<1x!tpu.dma_semaphore, #tpu.memory_space<semaphore_mem>>
      %dma_start3A_213 = tpu.memref_squeeze %dma_start3A_212 : memref<1x!tpu.dma_semaphore, #tpu.memory_space<semaphore_mem>> -> memref<!tpu.dma_semaphore, #tpu.memory_space<semaphore_mem>>
      tpu.enqueue_indirect_dma source(%dma_start3A_205 : memref<40x128xf32, #tpu.memory_space<vmem>>) target(%dma_start3A_211 : memref<10000x128xf32, #tpu.memory_space<vmem_shared>>) offsets(%dma_start3A_208 : memref<40xi32, #tpu.memory_space<vmem>>) semaphore(%dma_start3A_213 : memref<!tpu.dma_semaphore, #tpu.memory_space<semaphore_mem>>) {add = true}
      %add3A_214 = arith.constant 2 : i32
      %add3A_215 = arith.addi %scan3A_164, %add3A_214 : i32
      %lt3A = arith.constant 250 : i32
      %lt3A_216 = arith.cmpi slt, %add3A_215, %lt3A : i32
      %convert_element_type3A_217 = arith.extui %lt3A_216 : i1 to i32
      %cond3A_218 = arith.constant 0 : i32
      %cond3A_219 = arith.cmpi ne, %convert_element_type3A_217, %cond3A_218 : i32
      scf.if %cond3A_219 {
        %ge3A = arith.constant 1 : i32
        %ge3A_221 = arith.cmpi sge, %scan3A_164, %ge3A : i32
        %convert_element_type3A_222 = arith.extui %ge3A_221 : i1 to i32
        %cond3A_223 = arith.constant 0 : i32
        %cond3A_224 = arith.cmpi ne, %convert_element_type3A_222, %cond3A_223 : i32
        scf.if %cond3A_224 {
          %dma_wait3A_256 = arith.constant 0 : i32
          %dma_wait3A_257 = arith.constant 0 : i32
          %dma_wait3A_258 = tpu.memref_slice %arg10[%rem3A_170, %dma_wait3A_256, %dma_wait3A_257] : memref<3x40x128xf32, #tpu.memory_space<vmem>> -> memref<1x40x128xf32, #tpu.memory_space<vmem>>
          %dma_wait3A_259 = tpu.memref_squeeze %dma_wait3A_258 : memref<1x40x128xf32, #tpu.memory_space<vmem>> -> memref<40x128xf32, #tpu.memory_space<vmem>>
          %dma_wait3A_260 = arith.constant 0 : i32
          %dma_wait3A_261 = tpu.memref_slice %arg8[%rem3A_170, %dma_wait3A_260] : memref<3x40xi32, #tpu.memory_space<vmem>> -> memref<1x40xi32, #tpu.memory_space<vmem>>
          %dma_wait3A_262 = tpu.memref_squeeze %dma_wait3A_261 : memref<1x40xi32, #tpu.memory_space<vmem>> -> memref<40xi32, #tpu.memory_space<vmem>>
          %dma_wait3A_263 = arith.constant 0 : i32
          %dma_wait3A_264 = arith.constant 0 : i32
          %dma_wait3A_265 = tpu.memref_slice %arg15[%dma_wait3A_263, %dma_wait3A_264] : memref<10000x128xf32, #tpu.memory_space<vmem_shared>> -> memref<10000x128xf32, #tpu.memory_space<vmem_shared>>
          %dma_wait3A_266 = tpu.memref_slice %arg14[%rem3A_170] : memref<3x!tpu.dma_semaphore, #tpu.memory_space<semaphore_mem>> -> memref<1x!tpu.dma_semaphore, #tpu.memory_space<semaphore_mem>>
          %dma_wait3A_267 = tpu.memref_squeeze %dma_wait3A_266 : memref<1x!tpu.dma_semaphore, #tpu.memory_space<semaphore_mem>> -> memref<!tpu.dma_semaphore, #tpu.memory_space<semaphore_mem>>
          tpu.wait_indirect_dma semaphore(%dma_wait3A_267 : memref<!tpu.dma_semaphore, #tpu.memory_space<semaphore_mem>>) src(%dma_wait3A_259 : memref<40x128xf32, #tpu.memory_space<vmem>>) dst(%dma_wait3A_265 : memref<10000x128xf32, #tpu.memory_space<vmem_shared>>)
        } else {
        }
        %add3A_225 = arith.constant 2 : i32
        %add3A_226 = arith.addi %scan3A_164, %add3A_225 : i32
        %mul3A_227 = arith.constant 40 : i32
        %mul3A_228 = arith.muli %add3A_226, %mul3A_227 : i32
        %add3A_229 = arith.addi %mul3A_2, %mul3A_228 : i32
        "tpu.region"() ({
          %run_scoped3A_256 = tpu.sem_alloc : memref<!tpu.dma_semaphore, #tpu.memory_space<semaphore_mem>>
          %dma_start3A_257 = arith.constant 0 : i32
          %dma_start3A_258 = tpu.memref_slice %arg7[%rem3A_170, %dma_start3A_257] : memref<3x40xi32, #tpu.memory_space<vmem>> -> memref<1x40xi32, #tpu.memory_space<vmem>>
          %dma_start3A_259 = tpu.memref_squeeze %dma_start3A_258 : memref<1x40xi32, #tpu.memory_space<vmem>> -> memref<40xi32, #tpu.memory_space<vmem>>
          %dma_start3A_260 = tpu.memref_slice %arg4[%add3A_229] : memref<320000xi32, #tpu.memory_space<hbm>> -> memref<40xi32, #tpu.memory_space<hbm>>
          %dma_start3A_261 = arith.constant 0 : i32
          %dma_start3A_262 = tpu.memref_slice %arg7[%rem3A_170, %dma_start3A_261] : memref<3x40xi32, #tpu.memory_space<vmem>> -> memref<1x40xi32, #tpu.memory_space<vmem>>
          %dma_start3A_263 = tpu.memref_squeeze %dma_start3A_262 : memref<1x40xi32, #tpu.memory_space<vmem>> -> memref<40xi32, #tpu.memory_space<vmem>>
          %dma_start3A_264 = tpu.memref_slice %arg4[%add3A_229] : memref<320000xi32, #tpu.memory_space<hbm>> -> memref<40xi32, #tpu.memory_space<hbm>>
          tpu.enqueue_dma source(%dma_start3A_264 : memref<40xi32, #tpu.memory_space<hbm>>) target(%dma_start3A_263 : memref<40xi32, #tpu.memory_space<vmem>>) target_semaphore(%run_scoped3A_256 : memref<!tpu.dma_semaphore, #tpu.memory_space<semaphore_mem>>)
          %dma_wait3A_265 = arith.constant 0 : i32
          %dma_wait3A_266 = tpu.memref_slice %arg7[%rem3A_170, %dma_wait3A_265] : memref<3x40xi32, #tpu.memory_space<vmem>> -> memref<1x40xi32, #tpu.memory_space<vmem>>
          %dma_wait3A_267 = tpu.memref_squeeze %dma_wait3A_266 : memref<1x40xi32, #tpu.memory_space<vmem>> -> memref<40xi32, #tpu.memory_space<vmem>>
          %dma_wait3A_268 = tpu.memref_slice %arg4[%add3A_229] : memref<320000xi32, #tpu.memory_space<hbm>> -> memref<40xi32, #tpu.memory_space<hbm>>
          %dma_wait3A_269 = arith.constant 0 : i32
          %dma_wait3A_270 = tpu.memref_slice %arg7[%rem3A_170, %dma_wait3A_269] : memref<3x40xi32, #tpu.memory_space<vmem>> -> memref<1x40xi32, #tpu.memory_space<vmem>>
          %dma_wait3A_271 = tpu.memref_squeeze %dma_wait3A_270 : memref<1x40xi32, #tpu.memory_space<vmem>> -> memref<40xi32, #tpu.memory_space<vmem>>
          %dma_wait3A_272 = tpu.memref_slice %arg4[%add3A_229] : memref<320000xi32, #tpu.memory_space<hbm>> -> memref<40xi32, #tpu.memory_space<hbm>>
          tpu.wait_dma2 semaphore(%run_scoped3A_256 : memref<!tpu.dma_semaphore, #tpu.memory_space<semaphore_mem>>) src(%dma_wait3A_272 : memref<40xi32, #tpu.memory_space<hbm>>) dst(%dma_wait3A_271 : memref<40xi32, #tpu.memory_space<vmem>>)
          tpu.yield
        }) : () -> ()
        "tpu.region"() ({
          %run_scoped3A_256 = tpu.sem_alloc : memref<!tpu.dma_semaphore, #tpu.memory_space<semaphore_mem>>
          %dma_start3A_257 = arith.constant 0 : i32
          %dma_start3A_258 = tpu.memref_slice %arg8[%rem3A_170, %dma_start3A_257] : memref<3x40xi32, #tpu.memory_space<vmem>> -> memref<1x40xi32, #tpu.memory_space<vmem>>
          %dma_start3A_259 = tpu.memref_squeeze %dma_start3A_258 : memref<1x40xi32, #tpu.memory_space<vmem>> -> memref<40xi32, #tpu.memory_space<vmem>>
          %dma_start3A_260 = tpu.memref_slice %arg5[%add3A_229] : memref<320000xi32, #tpu.memory_space<hbm>> -> memref<40xi32, #tpu.memory_space<hbm>>
          %dma_start3A_261 = arith.constant 0 : i32
          %dma_start3A_262 = tpu.memref_slice %arg8[%rem3A_170, %dma_start3A_261] : memref<3x40xi32, #tpu.memory_space<vmem>> -> memref<1x40xi32, #tpu.memory_space<vmem>>
          %dma_start3A_263 = tpu.memref_squeeze %dma_start3A_262 : memref<1x40xi32, #tpu.memory_space<vmem>> -> memref<40xi32, #tpu.memory_space<vmem>>
          %dma_start3A_264 = tpu.memref_slice %arg5[%add3A_229] : memref<320000xi32, #tpu.memory_space<hbm>> -> memref<40xi32, #tpu.memory_space<hbm>>
          tpu.enqueue_dma source(%dma_start3A_264 : memref<40xi32, #tpu.memory_space<hbm>>) target(%dma_start3A_263 : memref<40xi32, #tpu.memory_space<vmem>>) target_semaphore(%run_scoped3A_256 : memref<!tpu.dma_semaphore, #tpu.memory_space<semaphore_mem>>)
          %dma_wait3A_265 = arith.constant 0 : i32
          %dma_wait3A_266 = tpu.memref_slice %arg8[%rem3A_170, %dma_wait3A_265] : memref<3x40xi32, #tpu.memory_space<vmem>> -> memref<1x40xi32, #tpu.memory_space<vmem>>
          %dma_wait3A_267 = tpu.memref_squeeze %dma_wait3A_266 : memref<1x40xi32, #tpu.memory_space<vmem>> -> memref<40xi32, #tpu.memory_space<vmem>>
          %dma_wait3A_268 = tpu.memref_slice %arg5[%add3A_229] : memref<320000xi32, #tpu.memory_space<hbm>> -> memref<40xi32, #tpu.memory_space<hbm>>
          %dma_wait3A_269 = arith.constant 0 : i32
          %dma_wait3A_270 = tpu.memref_slice %arg8[%rem3A_170, %dma_wait3A_269] : memref<3x40xi32, #tpu.memory_space<vmem>> -> memref<1x40xi32, #tpu.memory_space<vmem>>
          %dma_wait3A_271 = tpu.memref_squeeze %dma_wait3A_270 : memref<1x40xi32, #tpu.memory_space<vmem>> -> memref<40xi32, #tpu.memory_space<vmem>>
          %dma_wait3A_272 = tpu.memref_slice %arg5[%add3A_229] : memref<320000xi32, #tpu.memory_space<hbm>> -> memref<40xi32, #tpu.memory_space<hbm>>
          tpu.wait_dma2 semaphore(%run_scoped3A_256 : memref<!tpu.dma_semaphore, #tpu.memory_space<semaphore_mem>>) src(%dma_wait3A_272 : memref<40xi32, #tpu.memory_space<hbm>>) dst(%dma_wait3A_271 : memref<40xi32, #tpu.memory_space<vmem>>)
          tpu.yield
        }) : () -> ()
        %dma_start3A_230 = arith.constant 0 : i32
        %dma_start3A_231 = arith.constant 0 : i32
        %dma_start3A_232 = tpu.memref_slice %arg9[%rem3A_170, %dma_start3A_230, %dma_start3A_231] : memref<3x40x128xf32, #tpu.memory_space<vmem>> -> memref<1x40x128xf32, #tpu.memory_space<vmem>>
        %dma_start3A_233 = tpu.memref_squeeze %dma_start3A_232 : memref<1x40x128xf32, #tpu.memory_space<vmem>> -> memref<40x128xf32, #tpu.memory_space<vmem>>
        %dma_start3A_234 = arith.constant 0 : i32
        %dma_start3A_235 = tpu.memref_slice %arg3[%add3A_229, %dma_start3A_234] : memref<320000x128xf32, #tpu.memory_space<hbm>> -> memref<40x128xf32, #tpu.memory_space<hbm>>
        %dma_start3A_236 = tpu.memref_slice %arg12[%rem3A_170] : memref<3x!tpu.dma_semaphore, #tpu.memory_space<semaphore_mem>> -> memref<1x!tpu.dma_semaphore, #tpu.memory_space<semaphore_mem>>
        %dma_start3A_237 = tpu.memref_squeeze %dma_start3A_236 : memref<1x!tpu.dma_semaphore, #tpu.memory_space<semaphore_mem>> -> memref<!tpu.dma_semaphore, #tpu.memory_space<semaphore_mem>>
        %dma_start3A_238 = arith.constant 0 : i32
        %dma_start3A_239 = arith.constant 0 : i32
        %dma_start3A_240 = tpu.memref_slice %arg9[%rem3A_170, %dma_start3A_238, %dma_start3A_239] : memref<3x40x128xf32, #tpu.memory_space<vmem>> -> memref<1x40x128xf32, #tpu.memory_space<vmem>>
        %dma_start3A_241 = tpu.memref_squeeze %dma_start3A_240 : memref<1x40x128xf32, #tpu.memory_space<vmem>> -> memref<40x128xf32, #tpu.memory_space<vmem>>
        %dma_start3A_242 = arith.constant 0 : i32
        %dma_start3A_243 = tpu.memref_slice %arg3[%add3A_229, %dma_start3A_242] : memref<320000x128xf32, #tpu.memory_space<hbm>> -> memref<40x128xf32, #tpu.memory_space<hbm>>
        tpu.enqueue_dma source(%dma_start3A_243 : memref<40x128xf32, #tpu.memory_space<hbm>>) target(%dma_start3A_241 : memref<40x128xf32, #tpu.memory_space<vmem>>) target_semaphore(%dma_start3A_237 : memref<!tpu.dma_semaphore, #tpu.memory_space<semaphore_mem>>)
        %dma_start3A_244 = arith.constant 0 : i32
        %dma_start3A_245 = arith.constant 0 : i32
        %dma_start3A_246 = tpu.memref_slice %arg10[%rem3A_170, %dma_start3A_244, %dma_start3A_245] : memref<3x40x128xf32, #tpu.memory_space<vmem>> -> memref<1x40x128xf32, #tpu.memory_space<vmem>>
        %dma_start3A_247 = tpu.memref_squeeze %dma_start3A_246 : memref<1x40x128xf32, #tpu.memory_space<vmem>> -> memref<40x128xf32, #tpu.memory_space<vmem>>
        %dma_start3A_248 = arith.constant 0 : i32
        %dma_start3A_249 = tpu.memref_slice %arg7[%rem3A_170, %dma_start3A_248] : memref<3x40xi32, #tpu.memory_space<vmem>> -> memref<1x40xi32, #tpu.memory_space<vmem>>
        %dma_start3A_250 = tpu.memref_squeeze %dma_start3A_249 : memref<1x40xi32, #tpu.memory_space<vmem>> -> memref<40xi32, #tpu.memory_space<vmem>>
        %dma_start3A_251 = arith.constant 0 : i32
        %dma_start3A_252 = arith.constant 0 : i32
        %dma_start3A_253 = tpu.memref_slice %arg2[%dma_start3A_251, %dma_start3A_252] : memref<10000x128xf32, #tpu.memory_space<hbm>> -> memref<10000x128xf32, #tpu.memory_space<hbm>>
        %dma_start3A_254 = tpu.memref_slice %arg13[%rem3A_170] : memref<3x!tpu.dma_semaphore, #tpu.memory_space<semaphore_mem>> -> memref<1x!tpu.dma_semaphore, #tpu.memory_space<semaphore_mem>>
        %dma_start3A_255 = tpu.memref_squeeze %dma_start3A_254 : memref<1x!tpu.dma_semaphore, #tpu.memory_space<semaphore_mem>> -> memref<!tpu.dma_semaphore, #tpu.memory_space<semaphore_mem>>
        tpu.enqueue_indirect_dma source(%dma_start3A_253 : memref<10000x128xf32, #tpu.memory_space<hbm>>) target(%dma_start3A_247 : memref<40x128xf32, #tpu.memory_space<vmem>>) offsets(%dma_start3A_250 : memref<40xi32, #tpu.memory_space<vmem>>) semaphore(%dma_start3A_255 : memref<!tpu.dma_semaphore, #tpu.memory_space<semaphore_mem>>)
      } else {
      }
      %scan3A_220 = arith.constant 0 : i32
      scf.yield %scan3A_220 : i32
    }
    %scan3A_109 = arith.constant 250 : i32
    %dma_wait3A = arith.constant 1 : i32
    %dma_wait3A_110 = arith.constant 1 : i32
    %dma_wait3A_111 = arith.constant 1 : i32
    %dma_wait3A_112 = arith.constant 0 : i32
    %dma_wait3A_113 = arith.constant 0 : i32
    %dma_wait3A_114 = tpu.memref_slice %arg10[%dma_wait3A, %dma_wait3A_112, %dma_wait3A_113] : memref<3x40x128xf32, #tpu.memory_space<vmem>> -> memref<1x40x128xf32, #tpu.memory_space<vmem>>
    %dma_wait3A_115 = tpu.memref_squeeze %dma_wait3A_114 : memref<1x40x128xf32, #tpu.memory_space<vmem>> -> memref<40x128xf32, #tpu.memory_space<vmem>>
    %dma_wait3A_116 = arith.constant 0 : i32
    %dma_wait3A_117 = tpu.memref_slice %arg8[%dma_wait3A_110, %dma_wait3A_116] : memref<3x40xi32, #tpu.memory_space<vmem>> -> memref<1x40xi32, #tpu.memory_space<vmem>>
    %dma_wait3A_118 = tpu.memref_squeeze %dma_wait3A_117 : memref<1x40xi32, #tpu.memory_space<vmem>> -> memref<40xi32, #tpu.memory_space<vmem>>
    %dma_wait3A_119 = arith.constant 0 : i32
    %dma_wait3A_120 = arith.constant 0 : i32
    %dma_wait3A_121 = tpu.memref_slice %arg15[%dma_wait3A_119, %dma_wait3A_120] : memref<10000x128xf32, #tpu.memory_space<vmem_shared>> -> memref<10000x128xf32, #tpu.memory_space<vmem_shared>>
    %dma_wait3A_122 = tpu.memref_slice %arg14[%dma_wait3A_111] : memref<3x!tpu.dma_semaphore, #tpu.memory_space<semaphore_mem>> -> memref<1x!tpu.dma_semaphore, #tpu.memory_space<semaphore_mem>>
    %dma_wait3A_123 = tpu.memref_squeeze %dma_wait3A_122 : memref<1x!tpu.dma_semaphore, #tpu.memory_space<semaphore_mem>> -> memref<!tpu.dma_semaphore, #tpu.memory_space<semaphore_mem>>
    tpu.wait_indirect_dma semaphore(%dma_wait3A_123 : memref<!tpu.dma_semaphore, #tpu.memory_space<semaphore_mem>>) src(%dma_wait3A_115 : memref<40x128xf32, #tpu.memory_space<vmem>>) dst(%dma_wait3A_121 : memref<10000x128xf32, #tpu.memory_space<vmem_shared>>)
    %dma_wait3A_124 = arith.constant 2 : i32
    %dma_wait3A_125 = arith.constant 2 : i32
    %dma_wait3A_126 = arith.constant 2 : i32
    %dma_wait3A_127 = arith.constant 0 : i32
    %dma_wait3A_128 = arith.constant 0 : i32
    %dma_wait3A_129 = tpu.memref_slice %arg10[%dma_wait3A_124, %dma_wait3A_127, %dma_wait3A_128] : memref<3x40x128xf32, #tpu.memory_space<vmem>> -> memref<1x40x128xf32, #tpu.memory_space<vmem>>
    %dma_wait3A_130 = tpu.memref_squeeze %dma_wait3A_129 : memref<1x40x128xf32, #tpu.memory_space<vmem>> -> memref<40x128xf32, #tpu.memory_space<vmem>>
    %dma_wait3A_131 = arith.constant 0 : i32
    %dma_wait3A_132 = tpu.memref_slice %arg8[%dma_wait3A_125, %dma_wait3A_131] : memref<3x40xi32, #tpu.memory_space<vmem>> -> memref<1x40xi32, #tpu.memory_space<vmem>>
    %dma_wait3A_133 = tpu.memref_squeeze %dma_wait3A_132 : memref<1x40xi32, #tpu.memory_space<vmem>> -> memref<40xi32, #tpu.memory_space<vmem>>
    %dma_wait3A_134 = arith.constant 0 : i32
    %dma_wait3A_135 = arith.constant 0 : i32
    %dma_wait3A_136 = tpu.memref_slice %arg15[%dma_wait3A_134, %dma_wait3A_135] : memref<10000x128xf32, #tpu.memory_space<vmem_shared>> -> memref<10000x128xf32, #tpu.memory_space<vmem_shared>>
    %dma_wait3A_137 = tpu.memref_slice %arg14[%dma_wait3A_126] : memref<3x!tpu.dma_semaphore, #tpu.memory_space<semaphore_mem>> -> memref<1x!tpu.dma_semaphore, #tpu.memory_space<semaphore_mem>>
    %dma_wait3A_138 = tpu.memref_squeeze %dma_wait3A_137 : memref<1x!tpu.dma_semaphore, #tpu.memory_space<semaphore_mem>> -> memref<!tpu.dma_semaphore, #tpu.memory_space<semaphore_mem>>
    tpu.wait_indirect_dma semaphore(%dma_wait3A_138 : memref<!tpu.dma_semaphore, #tpu.memory_space<semaphore_mem>>) src(%dma_wait3A_130 : memref<40x128xf32, #tpu.memory_space<vmem>>) dst(%dma_wait3A_136 : memref<10000x128xf32, #tpu.memory_space<vmem_shared>>)
    %dma_wait3A_139 = arith.constant 0 : i32
    %dma_wait3A_140 = arith.constant 0 : i32
    %dma_wait3A_141 = arith.constant 0 : i32
    %dma_wait3A_142 = arith.constant 0 : i32
    %dma_wait3A_143 = arith.constant 0 : i32
    %dma_wait3A_144 = tpu.memref_slice %arg10[%dma_wait3A_139, %dma_wait3A_142, %dma_wait3A_143] : memref<3x40x128xf32, #tpu.memory_space<vmem>> -> memref<1x40x128xf32, #tpu.memory_space<vmem>>
    %dma_wait3A_145 = tpu.memref_squeeze %dma_wait3A_144 : memref<1x40x128xf32, #tpu.memory_space<vmem>> -> memref<40x128xf32, #tpu.memory_space<vmem>>
    %dma_wait3A_146 = arith.constant 0 : i32
    %dma_wait3A_147 = tpu.memref_slice %arg8[%dma_wait3A_140, %dma_wait3A_146] : memref<3x40xi32, #tpu.memory_space<vmem>> -> memref<1x40xi32, #tpu.memory_space<vmem>>
    %dma_wait3A_148 = tpu.memref_squeeze %dma_wait3A_147 : memref<1x40xi32, #tpu.memory_space<vmem>> -> memref<40xi32, #tpu.memory_space<vmem>>
    %dma_wait3A_149 = arith.constant 0 : i32
    %dma_wait3A_150 = arith.constant 0 : i32
    %dma_wait3A_151 = tpu.memref_slice %arg15[%dma_wait3A_149, %dma_wait3A_150] : memref<10000x128xf32, #tpu.memory_space<vmem_shared>> -> memref<10000x128xf32, #tpu.memory_space<vmem_shared>>
    %dma_wait3A_152 = tpu.memref_slice %arg14[%dma_wait3A_141] : memref<3x!tpu.dma_semaphore, #tpu.memory_space<semaphore_mem>> -> memref<1x!tpu.dma_semaphore, #tpu.memory_space<semaphore_mem>>
    %dma_wait3A_153 = tpu.memref_squeeze %dma_wait3A_152 : memref<1x!tpu.dma_semaphore, #tpu.memory_space<semaphore_mem>> -> memref<!tpu.dma_semaphore, #tpu.memory_space<semaphore_mem>>
    tpu.wait_indirect_dma semaphore(%dma_wait3A_153 : memref<!tpu.dma_semaphore, #tpu.memory_space<semaphore_mem>>) src(%dma_wait3A_145 : memref<40x128xf32, #tpu.memory_space<vmem>>) dst(%dma_wait3A_151 : memref<10000x128xf32, #tpu.memory_space<vmem_shared>>)
    %barrier3A_154 = arith.constant 0 : index
    tpu.barrier barrier_id(%barrier3A_154)
    %mul3A_155 = arith.constant 624 : i32
    %mul3A_156 = arith.muli %arg1, %mul3A_155 : i32
    %mul3A_157 = arith.constant 624 : i32
    %mul3A_158 = arith.muli %arg1, %mul3A_157 : i32
    "tpu.region"() ({
      %run_scoped3A_164 = tpu.sem_alloc : memref<!tpu.dma_semaphore, #tpu.memory_space<semaphore_mem>>
      %dma_start3A_165 = arith.constant 0 : i32
      %dma_start3A_166 = tpu.memref_slice %arg6[%arg0, %mul3A_158, %dma_start3A_165] : memref<2x10000x128xf32, #tpu.memory_space<hbm>> -> memref<1x624x128xf32, #tpu.memory_space<hbm>>
      %dma_start3A_167 = tpu.memref_squeeze %dma_start3A_166 : memref<1x624x128xf32, #tpu.memory_space<hbm>> -> memref<624x128xf32, #tpu.memory_space<hbm>>
      %dma_start3A_168 = arith.constant 0 : i32
      %dma_start3A_169 = tpu.memref_slice %arg15[%mul3A_156, %dma_start3A_168] : memref<10000x128xf32, #tpu.memory_space<vmem_shared>> -> memref<624x128xf32, #tpu.memory_space<vmem_shared>>
      tpu.enqueue_dma source(%dma_start3A_169 : memref<624x128xf32, #tpu.memory_space<vmem_shared>>) target(%dma_start3A_167 : memref<624x128xf32, #tpu.memory_space<hbm>>) target_semaphore(%run_scoped3A_164 : memref<!tpu.dma_semaphore, #tpu.memory_space<semaphore_mem>>)
      %dma_wait3A_170 = arith.constant 0 : i32
      %dma_wait3A_171 = tpu.memref_slice %arg6[%arg0, %mul3A_158, %dma_wait3A_170] : memref<2x10000x128xf32, #tpu.memory_space<hbm>> -> memref<1x624x128xf32, #tpu.memory_space<hbm>>
      %dma_wait3A_172 = tpu.memref_squeeze %dma_wait3A_171 : memref<1x624x128xf32, #tpu.memory_space<hbm>> -> memref<624x128xf32, #tpu.memory_space<hbm>>
      %dma_wait3A_173 = arith.constant 0 : i32
      %dma_wait3A_174 = tpu.memref_slice %arg15[%mul3A_156, %dma_wait3A_173] : memref<10000x128xf32, #tpu.memory_space<vmem_shared>> -> memref<624x128xf32, #tpu.memory_space<vmem_shared>>
      tpu.wait_dma2 semaphore(%run_scoped3A_164 : memref<!tpu.dma_semaphore, #tpu.memory_space<semaphore_mem>>) src(%dma_wait3A_174 : memref<624x128xf32, #tpu.memory_space<vmem_shared>>) dst(%dma_wait3A_172 : memref<624x128xf32, #tpu.memory_space<hbm>>)
      tpu.yield
    }) : () -> ()
    %eq3A_159 = arith.constant 15 : i32
    %eq3A_160 = arith.cmpi eq, %arg1, %eq3A_159 : i32
    %convert_element_type3A_161 = arith.extui %eq3A_160 : i1 to i32
    %cond3A_162 = arith.constant 0 : i32
    %cond3A_163 = arith.cmpi ne, %convert_element_type3A_161, %cond3A_162 : i32
    scf.if %cond3A_163 {
      "tpu.region"() ({
        %run_scoped3A_164 = tpu.sem_alloc : memref<!tpu.dma_semaphore, #tpu.memory_space<semaphore_mem>>
        %dma_start3A_165 = arith.constant 9984 : i32
        %dma_start3A_166 = arith.constant 0 : i32
        %dma_start3A_167 = tpu.memref_slice %arg6[%arg0, %dma_start3A_165, %dma_start3A_166] : memref<2x10000x128xf32, #tpu.memory_space<hbm>> -> memref<1x16x128xf32, #tpu.memory_space<hbm>>
        %dma_start3A_168 = tpu.memref_squeeze %dma_start3A_167 : memref<1x16x128xf32, #tpu.memory_space<hbm>> -> memref<16x128xf32, #tpu.memory_space<hbm>>
        %dma_start3A_169 = arith.constant 9984 : i32
        %dma_start3A_170 = arith.constant 0 : i32
        %dma_start3A_171 = tpu.memref_slice %arg15[%dma_start3A_169, %dma_start3A_170] : memref<10000x128xf32, #tpu.memory_space<vmem_shared>> -> memref<16x128xf32, #tpu.memory_space<vmem_shared>>
        tpu.enqueue_dma source(%dma_start3A_171 : memref<16x128xf32, #tpu.memory_space<vmem_shared>>) target(%dma_start3A_168 : memref<16x128xf32, #tpu.memory_space<hbm>>) target_semaphore(%run_scoped3A_164 : memref<!tpu.dma_semaphore, #tpu.memory_space<semaphore_mem>>)
        %dma_wait3A_172 = arith.constant 9984 : i32
        %dma_wait3A_173 = arith.constant 0 : i32
        %dma_wait3A_174 = tpu.memref_slice %arg6[%arg0, %dma_wait3A_172, %dma_wait3A_173] : memref<2x10000x128xf32, #tpu.memory_space<hbm>> -> memref<1x16x128xf32, #tpu.memory_space<hbm>>
        %dma_wait3A_175 = tpu.memref_squeeze %dma_wait3A_174 : memref<1x16x128xf32, #tpu.memory_space<hbm>> -> memref<16x128xf32, #tpu.memory_space<hbm>>
        %dma_wait3A_176 = arith.constant 9984 : i32
        %dma_wait3A_177 = arith.constant 0 : i32
        %dma_wait3A_178 = tpu.memref_slice %arg15[%dma_wait3A_176, %dma_wait3A_177] : memref<10000x128xf32, #tpu.memory_space<vmem_shared>> -> memref<16x128xf32, #tpu.memory_space<vmem_shared>>
        tpu.wait_dma2 semaphore(%run_scoped3A_164 : memref<!tpu.dma_semaphore, #tpu.memory_space<semaphore_mem>>) src(%dma_wait3A_178 : memref<16x128xf32, #tpu.memory_space<vmem_shared>>) dst(%dma_wait3A_175 : memref<16x128xf32, #tpu.memory_space<hbm>>)
        tpu.yield
      }) : () -> ()
    } else {
    }
    return
  }
}

#map = affine_map<(d0, d1) -> (0, 0)>
#map1 = affine_map<(d0, d1) -> (0)>
#map2 = affine_map<(d0, d1) -> (0, 0, 0)>
module attributes {stable_mosaic.version = 14 : i64} {
  func.func @_edge_body(%arg0: i32, %arg1: i32, %arg2: memref<10000x128xf32, #tpu.memory_space<hbm>>, %arg3: memref<320000x128xf32, #tpu.memory_space<hbm>>, %arg4: memref<320000xi32, #tpu.memory_space<hbm>>, %arg5: memref<320000xi32, #tpu.memory_space<hbm>>, %arg6: memref<2x10000x128xf32, #tpu.memory_space<hbm>>, %arg7: memref<3x40xi32, #tpu.memory_space<vmem>>, %arg8: memref<3x40xi32, #tpu.memory_space<vmem>>, %arg9: memref<3x40x128xf32, #tpu.memory_space<vmem>>, %arg10: memref<3x40x128xf32, #tpu.memory_space<vmem>>, %arg11: memref<104x128xf32, #tpu.memory_space<vmem>>, %arg12: memref<3x!tpu.dma_semaphore, #tpu.memory_space<semaphore_mem>>, %arg13: memref<3x!tpu.dma_semaphore, #tpu.memory_space<semaphore_mem>>, %arg14: memref<3x!tpu.dma_semaphore, #tpu.memory_space<semaphore_mem>>, %arg15: memref<10000x128xf32, #tpu.memory_space<vmem_shared>>) attributes {dimension_semantics = [#tpu.dimension_semantics<core_parallel>, #tpu.dimension_semantics<subcore_parallel>], iteration_bounds = array<i64: 2, 16>, scalar_prefetch = 0 : i64, scratch_operands = 9 : i64, tpu.core_type = #tpu.core_type<sc_vector_subcore>, window_params = [{transform_indices = #map}, {transform_indices = #map}, {transform_indices = #map1}, {transform_indices = #map1}, {transform_indices = #map2}]} {
    %mul3A = arith.constant 16 : i32
    %mul3A_0 = arith.muli %arg0, %mul3A : i32
    %add3A = arith.addi %mul3A_0, %arg1 : i32
    %mul3A_1 = arith.constant 10000 : i32
    %mul3A_2 = arith.muli %add3A, %mul3A_1 : i32
    %scan3A = arith.constant 0 : i32
    %scan3A_3 = arith.constant 0 : i32
    %scan3A_4 = arith.constant 104 : i32
    %scan3A_5 = arith.addi %scan3A_3, %scan3A_4 : i32
    %scan3A_6 = arith.constant 1 : i32
    %scan3A_7 = scf.for %scan3A_164 = %scan3A_3 to %scan3A_5 step %scan3A_6 iter_args(%scan3A_165 = %scan3A) -> (i32)  : i32 {
      %broadcast_in_dim3A = arith.constant 0.000000e+00 : f32
      %broadcast_in_dim3A_166 = vector.broadcast %broadcast_in_dim3A : f32 to vector<16xf32>
      %swap3A = arith.index_cast %scan3A_164 : i32 to index
      %swap3A_167 = arith.constant 0 : index
      %swap3A_168 = tpu.vector_load %arg11[%swap3A, %swap3A_167] {strides = array<i32>} : memref<104x128xf32, #tpu.memory_space<vmem>>, vector<1x16xf32>,
      %swap3A_169 = vector.shape_cast %swap3A_168 : vector<1x16xf32> to vector<16xf32>
      %swap3A_170 = vector.shape_cast %broadcast_in_dim3A_166 : vector<16xf32> to vector<1x16xf32>
      tpu.vector_store %arg11[%swap3A, %swap3A_167], %swap3A_170 {strides = array<i32>} : memref<104x128xf32, #tpu.memory_space<vmem>>, vector<1x16xf32>,
      %broadcast_in_dim3A_171 = arith.constant 0.000000e+00 : f32
      %broadcast_in_dim3A_172 = vector.broadcast %broadcast_in_dim3A_171 : f32 to vector<16xf32>
      %swap3A_173 = arith.index_cast %scan3A_164 : i32 to index
      %swap3A_174 = arith.constant 16 : index
      %swap3A_175 = tpu.vector_load %arg11[%swap3A_173, %swap3A_174] {strides = array<i32>} : memref<104x128xf32, #tpu.memory_space<vmem>>, vector<1x16xf32>,
      %swap3A_176 = vector.shape_cast %swap3A_175 : vector<1x16xf32> to vector<16xf32>
      %swap3A_177 = vector.shape_cast %broadcast_in_dim3A_172 : vector<16xf32> to vector<1x16xf32>
      tpu.vector_store %arg11[%swap3A_173, %swap3A_174], %swap3A_177 {strides = array<i32>} : memref<104x128xf32, #tpu.memory_space<vmem>>, vector<1x16xf32>,
      %broadcast_in_dim3A_178 = arith.constant 0.000000e+00 : f32
      %broadcast_in_dim3A_179 = vector.broadcast %broadcast_in_dim3A_178 : f32 to vector<16xf32>
      %swap3A_180 = arith.index_cast %scan3A_164 : i32 to index
      %swap3A_181 = arith.constant 32 : index
      %swap3A_182 = tpu.vector_load %arg11[%swap3A_180, %swap3A_181] {strides = array<i32>} : memref<104x128xf32, #tpu.memory_space<vmem>>, vector<1x16xf32>,
      %swap3A_183 = vector.shape_cast %swap3A_182 : vector<1x16xf32> to vector<16xf32>
      %swap3A_184 = vector.shape_cast %broadcast_in_dim3A_179 : vector<16xf32> to vector<1x16xf32>
      tpu.vector_store %arg11[%swap3A_180, %swap3A_181], %swap3A_184 {strides = array<i32>} : memref<104x128xf32, #tpu.memory_space<vmem>>, vector<1x16xf32>,
      %broadcast_in_dim3A_185 = arith.constant 0.000000e+00 : f32
      %broadcast_in_dim3A_186 = vector.broadcast %broadcast_in_dim3A_185 : f32 to vector<16xf32>
      %swap3A_187 = arith.index_cast %scan3A_164 : i32 to index
      %swap3A_188 = arith.constant 48 : index
      %swap3A_189 = tpu.vector_load %arg11[%swap3A_187, %swap3A_188] {strides = array<i32>} : memref<104x128xf32, #tpu.memory_space<vmem>>, vector<1x16xf32>,
      %swap3A_190 = vector.shape_cast %swap3A_189 : vector<1x16xf32> to vector<16xf32>
      %swap3A_191 = vector.shape_cast %broadcast_in_dim3A_186 : vector<16xf32> to vector<1x16xf32>
      tpu.vector_store %arg11[%swap3A_187, %swap3A_188], %swap3A_191 {strides = array<i32>} : memref<104x128xf32, #tpu.memory_space<vmem>>, vector<1x16xf32>,
      %broadcast_in_dim3A_192 = arith.constant 0.000000e+00 : f32
      %broadcast_in_dim3A_193 = vector.broadcast %broadcast_in_dim3A_192 : f32 to vector<16xf32>
      %swap3A_194 = arith.index_cast %scan3A_164 : i32 to index
      %swap3A_195 = arith.constant 64 : index
      %swap3A_196 = tpu.vector_load %arg11[%swap3A_194, %swap3A_195] {strides = array<i32>} : memref<104x128xf32, #tpu.memory_space<vmem>>, vector<1x16xf32>,
      %swap3A_197 = vector.shape_cast %swap3A_196 : vector<1x16xf32> to vector<16xf32>
      %swap3A_198 = vector.shape_cast %broadcast_in_dim3A_193 : vector<16xf32> to vector<1x16xf32>
      tpu.vector_store %arg11[%swap3A_194, %swap3A_195], %swap3A_198 {strides = array<i32>} : memref<104x128xf32, #tpu.memory_space<vmem>>, vector<1x16xf32>,
      %broadcast_in_dim3A_199 = arith.constant 0.000000e+00 : f32
      %broadcast_in_dim3A_200 = vector.broadcast %broadcast_in_dim3A_199 : f32 to vector<16xf32>
      %swap3A_201 = arith.index_cast %scan3A_164 : i32 to index
      %swap3A_202 = arith.constant 80 : index
      %swap3A_203 = tpu.vector_load %arg11[%swap3A_201, %swap3A_202] {strides = array<i32>} : memref<104x128xf32, #tpu.memory_space<vmem>>, vector<1x16xf32>,
      %swap3A_204 = vector.shape_cast %swap3A_203 : vector<1x16xf32> to vector<16xf32>
      %swap3A_205 = vector.shape_cast %broadcast_in_dim3A_200 : vector<16xf32> to vector<1x16xf32>
      tpu.vector_store %arg11[%swap3A_201, %swap3A_202], %swap3A_205 {strides = array<i32>} : memref<104x128xf32, #tpu.memory_space<vmem>>, vector<1x16xf32>,
      %broadcast_in_dim3A_206 = arith.constant 0.000000e+00 : f32
      %broadcast_in_dim3A_207 = vector.broadcast %broadcast_in_dim3A_206 : f32 to vector<16xf32>
      %swap3A_208 = arith.index_cast %scan3A_164 : i32 to index
      %swap3A_209 = arith.constant 96 : index
      %swap3A_210 = tpu.vector_load %arg11[%swap3A_208, %swap3A_209] {strides = array<i32>} : memref<104x128xf32, #tpu.memory_space<vmem>>, vector<1x16xf32>,
      %swap3A_211 = vector.shape_cast %swap3A_210 : vector<1x16xf32> to vector<16xf32>
      %swap3A_212 = vector.shape_cast %broadcast_in_dim3A_207 : vector<16xf32> to vector<1x16xf32>
      tpu.vector_store %arg11[%swap3A_208, %swap3A_209], %swap3A_212 {strides = array<i32>} : memref<104x128xf32, #tpu.memory_space<vmem>>, vector<1x16xf32>,
      %broadcast_in_dim3A_213 = arith.constant 0.000000e+00 : f32
      %broadcast_in_dim3A_214 = vector.broadcast %broadcast_in_dim3A_213 : f32 to vector<16xf32>
      %swap3A_215 = arith.index_cast %scan3A_164 : i32 to index
      %swap3A_216 = arith.constant 112 : index
      %swap3A_217 = tpu.vector_load %arg11[%swap3A_215, %swap3A_216] {strides = array<i32>} : memref<104x128xf32, #tpu.memory_space<vmem>>, vector<1x16xf32>,
      %swap3A_218 = vector.shape_cast %swap3A_217 : vector<1x16xf32> to vector<16xf32>
      %swap3A_219 = vector.shape_cast %broadcast_in_dim3A_214 : vector<16xf32> to vector<1x16xf32>
      tpu.vector_store %arg11[%swap3A_215, %swap3A_216], %swap3A_219 {strides = array<i32>} : memref<104x128xf32, #tpu.memory_space<vmem>>, vector<1x16xf32>,
      %scan3A_220 = arith.constant 0 : i32
      scf.yield %scan3A_220 : i32
    }
    %scan3A_8 = arith.constant 104 : i32
    %mul3A_9 = arith.constant 624 : i32
    %mul3A_10 = arith.muli %arg1, %mul3A_9 : i32
    %add3A_11 = arith.constant 0 : i32
    %add3A_12 = arith.addi %mul3A_10, %add3A_11 : i32
    "tpu.region"() ({
      %run_scoped3A_164 = tpu.sem_alloc : memref<!tpu.dma_semaphore, #tpu.memory_space<semaphore_mem>>
      %dma_start3A_165 = arith.constant 0 : i32
      %dma_start3A_166 = tpu.memref_slice %arg15[%add3A_12, %dma_start3A_165] : memref<10000x128xf32, #tpu.memory_space<vmem_shared>> -> memref<104x128xf32, #tpu.memory_space<vmem_shared>>
      %dma_start3A_167 = arith.constant 0 : i32
      %dma_start3A_168 = tpu.memref_slice %arg15[%add3A_12, %dma_start3A_167] : memref<10000x128xf32, #tpu.memory_space<vmem_shared>> -> memref<104x128xf32, #tpu.memory_space<vmem_shared>>
      tpu.enqueue_dma source(%arg11 : memref<104x128xf32, #tpu.memory_space<vmem>>) target(%dma_start3A_168 : memref<104x128xf32, #tpu.memory_space<vmem_shared>>) target_semaphore(%run_scoped3A_164 : memref<!tpu.dma_semaphore, #tpu.memory_space<semaphore_mem>>)
      %dma_wait3A_169 = arith.constant 0 : i32
      %dma_wait3A_170 = tpu.memref_slice %arg15[%add3A_12, %dma_wait3A_169] : memref<10000x128xf32, #tpu.memory_space<vmem_shared>> -> memref<104x128xf32, #tpu.memory_space<vmem_shared>>
      %dma_wait3A_171 = arith.constant 0 : i32
      %dma_wait3A_172 = tpu.memref_slice %arg15[%add3A_12, %dma_wait3A_171] : memref<10000x128xf32, #tpu.memory_space<vmem_shared>> -> memref<104x128xf32, #tpu.memory_space<vmem_shared>>
      tpu.wait_dma2 semaphore(%run_scoped3A_164 : memref<!tpu.dma_semaphore, #tpu.memory_space<semaphore_mem>>) src(%arg11 : memref<104x128xf32, #tpu.memory_space<vmem>>) dst(%dma_wait3A_172 : memref<104x128xf32, #tpu.memory_space<vmem_shared>>)
      tpu.yield
    }) : () -> ()
    %mul3A_13 = arith.constant 624 : i32
    %mul3A_14 = arith.muli %arg1, %mul3A_13 : i32
    %add3A_15 = arith.constant 104 : i32
    %add3A_16 = arith.addi %mul3A_14, %add3A_15 : i32
    "tpu.region"() ({
      %run_scoped3A_164 = tpu.sem_alloc : memref<!tpu.dma_semaphore, #tpu.memory_space<semaphore_mem>>
      %dma_start3A_165 = arith.constant 0 : i32
      %dma_start3A_166 = tpu.memref_slice %arg15[%add3A_16, %dma_start3A_165] : memref<10000x128xf32, #tpu.memory_space<vmem_shared>> -> memref<104x128xf32, #tpu.memory_space<vmem_shared>>
      %dma_start3A_167 = arith.constant 0 : i32
      %dma_start3A_168 = tpu.memref_slice %arg15[%add3A_16, %dma_start3A_167] : memref<10000x128xf32, #tpu.memory_space<vmem_shared>> -> memref<104x128xf32, #tpu.memory_space<vmem_shared>>
      tpu.enqueue_dma source(%arg11 : memref<104x128xf32, #tpu.memory_space<vmem>>) target(%dma_start3A_168 : memref<104x128xf32, #tpu.memory_space<vmem_shared>>) target_semaphore(%run_scoped3A_164 : memref<!tpu.dma_semaphore, #tpu.memory_space<semaphore_mem>>)
      %dma_wait3A_169 = arith.constant 0 : i32
      %dma_wait3A_170 = tpu.memref_slice %arg15[%add3A_16, %dma_wait3A_169] : memref<10000x128xf32, #tpu.memory_space<vmem_shared>> -> memref<104x128xf32, #tpu.memory_space<vmem_shared>>
      %dma_wait3A_171 = arith.constant 0 : i32
      %dma_wait3A_172 = tpu.memref_slice %arg15[%add3A_16, %dma_wait3A_171] : memref<10000x128xf32, #tpu.memory_space<vmem_shared>> -> memref<104x128xf32, #tpu.memory_space<vmem_shared>>
      tpu.wait_dma2 semaphore(%run_scoped3A_164 : memref<!tpu.dma_semaphore, #tpu.memory_space<semaphore_mem>>) src(%arg11 : memref<104x128xf32, #tpu.memory_space<vmem>>) dst(%dma_wait3A_172 : memref<104x128xf32, #tpu.memory_space<vmem_shared>>)
      tpu.yield
    }) : () -> ()
    %mul3A_17 = arith.constant 624 : i32
    %mul3A_18 = arith.muli %arg1, %mul3A_17 : i32
    %add3A_19 = arith.constant 208 : i32
    %add3A_20 = arith.addi %mul3A_18, %add3A_19 : i32
    "tpu.region"() ({
      %run_scoped3A_164 = tpu.sem_alloc : memref<!tpu.dma_semaphore, #tpu.memory_space<semaphore_mem>>
      %dma_start3A_165 = arith.constant 0 : i32
      %dma_start3A_166 = tpu.memref_slice %arg15[%add3A_20, %dma_start3A_165] : memref<10000x128xf32, #tpu.memory_space<vmem_shared>> -> memref<104x128xf32, #tpu.memory_space<vmem_shared>>
      %dma_start3A_167 = arith.constant 0 : i32
      %dma_start3A_168 = tpu.memref_slice %arg15[%add3A_20, %dma_start3A_167] : memref<10000x128xf32, #tpu.memory_space<vmem_shared>> -> memref<104x128xf32, #tpu.memory_space<vmem_shared>>
      tpu.enqueue_dma source(%arg11 : memref<104x128xf32, #tpu.memory_space<vmem>>) target(%dma_start3A_168 : memref<104x128xf32, #tpu.memory_space<vmem_shared>>) target_semaphore(%run_scoped3A_164 : memref<!tpu.dma_semaphore, #tpu.memory_space<semaphore_mem>>)
      %dma_wait3A_169 = arith.constant 0 : i32
      %dma_wait3A_170 = tpu.memref_slice %arg15[%add3A_20, %dma_wait3A_169] : memref<10000x128xf32, #tpu.memory_space<vmem_shared>> -> memref<104x128xf32, #tpu.memory_space<vmem_shared>>
      %dma_wait3A_171 = arith.constant 0 : i32
      %dma_wait3A_172 = tpu.memref_slice %arg15[%add3A_20, %dma_wait3A_171] : memref<10000x128xf32, #tpu.memory_space<vmem_shared>> -> memref<104x128xf32, #tpu.memory_space<vmem_shared>>
      tpu.wait_dma2 semaphore(%run_scoped3A_164 : memref<!tpu.dma_semaphore, #tpu.memory_space<semaphore_mem>>) src(%arg11 : memref<104x128xf32, #tpu.memory_space<vmem>>) dst(%dma_wait3A_172 : memref<104x128xf32, #tpu.memory_space<vmem_shared>>)
      tpu.yield
    }) : () -> ()
    %mul3A_21 = arith.constant 624 : i32
    %mul3A_22 = arith.muli %arg1, %mul3A_21 : i32
    %add3A_23 = arith.constant 312 : i32
    %add3A_24 = arith.addi %mul3A_22, %add3A_23 : i32
    "tpu.region"() ({
      %run_scoped3A_164 = tpu.sem_alloc : memref<!tpu.dma_semaphore, #tpu.memory_space<semaphore_mem>>
      %dma_start3A_165 = arith.constant 0 : i32
      %dma_start3A_166 = tpu.memref_slice %arg15[%add3A_24, %dma_start3A_165] : memref<10000x128xf32, #tpu.memory_space<vmem_shared>> -> memref<104x128xf32, #tpu.memory_space<vmem_shared>>
      %dma_start3A_167 = arith.constant 0 : i32
      %dma_start3A_168 = tpu.memref_slice %arg15[%add3A_24, %dma_start3A_167] : memref<10000x128xf32, #tpu.memory_space<vmem_shared>> -> memref<104x128xf32, #tpu.memory_space<vmem_shared>>
      tpu.enqueue_dma source(%arg11 : memref<104x128xf32, #tpu.memory_space<vmem>>) target(%dma_start3A_168 : memref<104x128xf32, #tpu.memory_space<vmem_shared>>) target_semaphore(%run_scoped3A_164 : memref<!tpu.dma_semaphore, #tpu.memory_space<semaphore_mem>>)
      %dma_wait3A_169 = arith.constant 0 : i32
      %dma_wait3A_170 = tpu.memref_slice %arg15[%add3A_24, %dma_wait3A_169] : memref<10000x128xf32, #tpu.memory_space<vmem_shared>> -> memref<104x128xf32, #tpu.memory_space<vmem_shared>>
      %dma_wait3A_171 = arith.constant 0 : i32
      %dma_wait3A_172 = tpu.memref_slice %arg15[%add3A_24, %dma_wait3A_171] : memref<10000x128xf32, #tpu.memory_space<vmem_shared>> -> memref<104x128xf32, #tpu.memory_space<vmem_shared>>
      tpu.wait_dma2 semaphore(%run_scoped3A_164 : memref<!tpu.dma_semaphore, #tpu.memory_space<semaphore_mem>>) src(%arg11 : memref<104x128xf32, #tpu.memory_space<vmem>>) dst(%dma_wait3A_172 : memref<104x128xf32, #tpu.memory_space<vmem_shared>>)
      tpu.yield
    }) : () -> ()
    %mul3A_25 = arith.constant 624 : i32
    %mul3A_26 = arith.muli %arg1, %mul3A_25 : i32
    %add3A_27 = arith.constant 416 : i32
    %add3A_28 = arith.addi %mul3A_26, %add3A_27 : i32
    "tpu.region"() ({
      %run_scoped3A_164 = tpu.sem_alloc : memref<!tpu.dma_semaphore, #tpu.memory_space<semaphore_mem>>
      %dma_start3A_165 = arith.constant 0 : i32
      %dma_start3A_166 = tpu.memref_slice %arg15[%add3A_28, %dma_start3A_165] : memref<10000x128xf32, #tpu.memory_space<vmem_shared>> -> memref<104x128xf32, #tpu.memory_space<vmem_shared>>
      %dma_start3A_167 = arith.constant 0 : i32
      %dma_start3A_168 = tpu.memref_slice %arg15[%add3A_28, %dma_start3A_167] : memref<10000x128xf32, #tpu.memory_space<vmem_shared>> -> memref<104x128xf32, #tpu.memory_space<vmem_shared>>
      tpu.enqueue_dma source(%arg11 : memref<104x128xf32, #tpu.memory_space<vmem>>) target(%dma_start3A_168 : memref<104x128xf32, #tpu.memory_space<vmem_shared>>) target_semaphore(%run_scoped3A_164 : memref<!tpu.dma_semaphore, #tpu.memory_space<semaphore_mem>>)
      %dma_wait3A_169 = arith.constant 0 : i32
      %dma_wait3A_170 = tpu.memref_slice %arg15[%add3A_28, %dma_wait3A_169] : memref<10000x128xf32, #tpu.memory_space<vmem_shared>> -> memref<104x128xf32, #tpu.memory_space<vmem_shared>>
      %dma_wait3A_171 = arith.constant 0 : i32
      %dma_wait3A_172 = tpu.memref_slice %arg15[%add3A_28, %dma_wait3A_171] : memref<10000x128xf32, #tpu.memory_space<vmem_shared>> -> memref<104x128xf32, #tpu.memory_space<vmem_shared>>
      tpu.wait_dma2 semaphore(%run_scoped3A_164 : memref<!tpu.dma_semaphore, #tpu.memory_space<semaphore_mem>>) src(%arg11 : memref<104x128xf32, #tpu.memory_space<vmem>>) dst(%dma_wait3A_172 : memref<104x128xf32, #tpu.memory_space<vmem_shared>>)
      tpu.yield
    }) : () -> ()
    %mul3A_29 = arith.constant 624 : i32
    %mul3A_30 = arith.muli %arg1, %mul3A_29 : i32
    %add3A_31 = arith.constant 520 : i32
    %add3A_32 = arith.addi %mul3A_30, %add3A_31 : i32
    "tpu.region"() ({
      %run_scoped3A_164 = tpu.sem_alloc : memref<!tpu.dma_semaphore, #tpu.memory_space<semaphore_mem>>
      %dma_start3A_165 = arith.constant 0 : i32
      %dma_start3A_166 = tpu.memref_slice %arg15[%add3A_32, %dma_start3A_165] : memref<10000x128xf32, #tpu.memory_space<vmem_shared>> -> memref<104x128xf32, #tpu.memory_space<vmem_shared>>
      %dma_start3A_167 = arith.constant 0 : i32
      %dma_start3A_168 = tpu.memref_slice %arg15[%add3A_32, %dma_start3A_167] : memref<10000x128xf32, #tpu.memory_space<vmem_shared>> -> memref<104x128xf32, #tpu.memory_space<vmem_shared>>
      tpu.enqueue_dma source(%arg11 : memref<104x128xf32, #tpu.memory_space<vmem>>) target(%dma_start3A_168 : memref<104x128xf32, #tpu.memory_space<vmem_shared>>) target_semaphore(%run_scoped3A_164 : memref<!tpu.dma_semaphore, #tpu.memory_space<semaphore_mem>>)
      %dma_wait3A_169 = arith.constant 0 : i32
      %dma_wait3A_170 = tpu.memref_slice %arg15[%add3A_32, %dma_wait3A_169] : memref<10000x128xf32, #tpu.memory_space<vmem_shared>> -> memref<104x128xf32, #tpu.memory_space<vmem_shared>>
      %dma_wait3A_171 = arith.constant 0 : i32
      %dma_wait3A_172 = tpu.memref_slice %arg15[%add3A_32, %dma_wait3A_171] : memref<10000x128xf32, #tpu.memory_space<vmem_shared>> -> memref<104x128xf32, #tpu.memory_space<vmem_shared>>
      tpu.wait_dma2 semaphore(%run_scoped3A_164 : memref<!tpu.dma_semaphore, #tpu.memory_space<semaphore_mem>>) src(%arg11 : memref<104x128xf32, #tpu.memory_space<vmem>>) dst(%dma_wait3A_172 : memref<104x128xf32, #tpu.memory_space<vmem_shared>>)
      tpu.yield
    }) : () -> ()
    %eq3A = arith.constant 15 : i32
    %eq3A_33 = arith.cmpi eq, %arg1, %eq3A : i32
    %convert_element_type3A = arith.extui %eq3A_33 : i1 to i32
    %cond3A = arith.constant 0 : i32
    %cond3A_34 = arith.cmpi ne, %convert_element_type3A, %cond3A : i32
    scf.if %cond3A_34 {
      "tpu.region"() ({
        %run_scoped3A_164 = tpu.sem_alloc : memref<!tpu.dma_semaphore, #tpu.memory_space<semaphore_mem>>
        %dma_start3A_165 = arith.constant 0 : i32
        %dma_start3A_166 = arith.constant 0 : i32
        %dma_start3A_167 = tpu.memref_slice %arg11[%dma_start3A_165, %dma_start3A_166] : memref<104x128xf32, #tpu.memory_space<vmem>> -> memref<16x128xf32, #tpu.memory_space<vmem>>
        %dma_start3A_168 = arith.constant 9984 : i32
        %dma_start3A_169 = arith.constant 0 : i32
        %dma_start3A_170 = tpu.memref_slice %arg15[%dma_start3A_168, %dma_start3A_169] : memref<10000x128xf32, #tpu.memory_space<vmem_shared>> -> memref<16x128xf32, #tpu.memory_space<vmem_shared>>
        %dma_start3A_171 = arith.constant 9984 : i32
        %dma_start3A_172 = arith.constant 0 : i32
        %dma_start3A_173 = tpu.memref_slice %arg15[%dma_start3A_171, %dma_start3A_172] : memref<10000x128xf32, #tpu.memory_space<vmem_shared>> -> memref<16x128xf32, #tpu.memory_space<vmem_shared>>
        %dma_start3A_174 = arith.constant 0 : i32
        %dma_start3A_175 = arith.constant 0 : i32
        %dma_start3A_176 = tpu.memref_slice %arg11[%dma_start3A_174, %dma_start3A_175] : memref<104x128xf32, #tpu.memory_space<vmem>> -> memref<16x128xf32, #tpu.memory_space<vmem>>
        tpu.enqueue_dma source(%dma_start3A_176 : memref<16x128xf32, #tpu.memory_space<vmem>>) target(%dma_start3A_173 : memref<16x128xf32, #tpu.memory_space<vmem_shared>>) target_semaphore(%run_scoped3A_164 : memref<!tpu.dma_semaphore, #tpu.memory_space<semaphore_mem>>)
        %dma_wait3A_177 = arith.constant 0 : i32
        %dma_wait3A_178 = arith.constant 0 : i32
        %dma_wait3A_179 = tpu.memref_slice %arg11[%dma_wait3A_177, %dma_wait3A_178] : memref<104x128xf32, #tpu.memory_space<vmem>> -> memref<16x128xf32, #tpu.memory_space<vmem>>
        %dma_wait3A_180 = arith.constant 9984 : i32
        %dma_wait3A_181 = arith.constant 0 : i32
        %dma_wait3A_182 = tpu.memref_slice %arg15[%dma_wait3A_180, %dma_wait3A_181] : memref<10000x128xf32, #tpu.memory_space<vmem_shared>> -> memref<16x128xf32, #tpu.memory_space<vmem_shared>>
        %dma_wait3A_183 = arith.constant 9984 : i32
        %dma_wait3A_184 = arith.constant 0 : i32
        %dma_wait3A_185 = tpu.memref_slice %arg15[%dma_wait3A_183, %dma_wait3A_184] : memref<10000x128xf32, #tpu.memory_space<vmem_shared>> -> memref<16x128xf32, #tpu.memory_space<vmem_shared>>
        %dma_wait3A_186 = arith.constant 0 : i32
        %dma_wait3A_187 = arith.constant 0 : i32
        %dma_wait3A_188 = tpu.memref_slice %arg11[%dma_wait3A_186, %dma_wait3A_187] : memref<104x128xf32, #tpu.memory_space<vmem>> -> memref<16x128xf32, #tpu.memory_space<vmem>>
        tpu.wait_dma2 semaphore(%run_scoped3A_164 : memref<!tpu.dma_semaphore, #tpu.memory_space<semaphore_mem>>) src(%dma_wait3A_188 : memref<16x128xf32, #tpu.memory_space<vmem>>) dst(%dma_wait3A_185 : memref<16x128xf32, #tpu.memory_space<vmem_shared>>)
        tpu.yield
      }) : () -> ()
    } else {
    }
    %barrier3A = arith.constant 0 : index
    tpu.barrier barrier_id(%barrier3A)
    %add3A_35 = arith.constant 0 : i32
    %add3A_36 = arith.addi %mul3A_2, %add3A_35 : i32
    %run_scoped3A = arith.constant 0 : i32
    "tpu.region"() ({
      %run_scoped3A_164 = tpu.sem_alloc : memref<!tpu.dma_semaphore, #tpu.memory_space<semaphore_mem>>
      %dma_start3A_165 = arith.constant 0 : i32
      %dma_start3A_166 = tpu.memref_slice %arg7[%run_scoped3A, %dma_start3A_165] : memref<3x40xi32, #tpu.memory_space<vmem>> -> memref<1x40xi32, #tpu.memory_space<vmem>>
      %dma_start3A_167 = tpu.memref_squeeze %dma_start3A_166 : memref<1x40xi32, #tpu.memory_space<vmem>> -> memref<40xi32, #tpu.memory_space<vmem>>
      %dma_start3A_168 = tpu.memref_slice %arg4[%add3A_36] : memref<320000xi32, #tpu.memory_space<hbm>> -> memref<40xi32, #tpu.memory_space<hbm>>
      %dma_start3A_169 = arith.constant 0 : i32
      %dma_start3A_170 = tpu.memref_slice %arg7[%run_scoped3A, %dma_start3A_169] : memref<3x40xi32, #tpu.memory_space<vmem>> -> memref<1x40xi32, #tpu.memory_space<vmem>>
      %dma_start3A_171 = tpu.memref_squeeze %dma_start3A_170 : memref<1x40xi32, #tpu.memory_space<vmem>> -> memref<40xi32, #tpu.memory_space<vmem>>
      %dma_start3A_172 = tpu.memref_slice %arg4[%add3A_36] : memref<320000xi32, #tpu.memory_space<hbm>> -> memref<40xi32, #tpu.memory_space<hbm>>
      tpu.enqueue_dma source(%dma_start3A_172 : memref<40xi32, #tpu.memory_space<hbm>>) target(%dma_start3A_171 : memref<40xi32, #tpu.memory_space<vmem>>) target_semaphore(%run_scoped3A_164 : memref<!tpu.dma_semaphore, #tpu.memory_space<semaphore_mem>>)
      %dma_wait3A_173 = arith.constant 0 : i32
      %dma_wait3A_174 = tpu.memref_slice %arg7[%run_scoped3A, %dma_wait3A_173] : memref<3x40xi32, #tpu.memory_space<vmem>> -> memref<1x40xi32, #tpu.memory_space<vmem>>
      %dma_wait3A_175 = tpu.memref_squeeze %dma_wait3A_174 : memref<1x40xi32, #tpu.memory_space<vmem>> -> memref<40xi32, #tpu.memory_space<vmem>>
      %dma_wait3A_176 = tpu.memref_slice %arg4[%add3A_36] : memref<320000xi32, #tpu.memory_space<hbm>> -> memref<40xi32, #tpu.memory_space<hbm>>
      %dma_wait3A_177 = arith.constant 0 : i32
      %dma_wait3A_178 = tpu.memref_slice %arg7[%run_scoped3A, %dma_wait3A_177] : memref<3x40xi32, #tpu.memory_space<vmem>> -> memref<1x40xi32, #tpu.memory_space<vmem>>
      %dma_wait3A_179 = tpu.memref_squeeze %dma_wait3A_178 : memref<1x40xi32, #tpu.memory_space<vmem>> -> memref<40xi32, #tpu.memory_space<vmem>>
      %dma_wait3A_180 = tpu.memref_slice %arg4[%add3A_36] : memref<320000xi32, #tpu.memory_space<hbm>> -> memref<40xi32, #tpu.memory_space<hbm>>
      tpu.wait_dma2 semaphore(%run_scoped3A_164 : memref<!tpu.dma_semaphore, #tpu.memory_space<semaphore_mem>>) src(%dma_wait3A_180 : memref<40xi32, #tpu.memory_space<hbm>>) dst(%dma_wait3A_179 : memref<40xi32, #tpu.memory_space<vmem>>)
      tpu.yield
    }) : () -> ()
    %run_scoped3A_37 = arith.constant 0 : i32
    "tpu.region"() ({
      %run_scoped3A_164 = tpu.sem_alloc : memref<!tpu.dma_semaphore, #tpu.memory_space<semaphore_mem>>
      %dma_start3A_165 = arith.constant 0 : i32
      %dma_start3A_166 = tpu.memref_slice %arg8[%run_scoped3A_37, %dma_start3A_165] : memref<3x40xi32, #tpu.memory_space<vmem>> -> memref<1x40xi32, #tpu.memory_space<vmem>>
      %dma_start3A_167 = tpu.memref_squeeze %dma_start3A_166 : memref<1x40xi32, #tpu.memory_space<vmem>> -> memref<40xi32, #tpu.memory_space<vmem>>
      %dma_start3A_168 = tpu.memref_slice %arg5[%add3A_36] : memref<320000xi32, #tpu.memory_space<hbm>> -> memref<40xi32, #tpu.memory_space<hbm>>
      %dma_start3A_169 = arith.constant 0 : i32
      %dma_start3A_170 = tpu.memref_slice %arg8[%run_scoped3A_37, %dma_start3A_169] : memref<3x40xi32, #tpu.memory_space<vmem>> -> memref<1x40xi32, #tpu.memory_space<vmem>>
      %dma_start3A_171 = tpu.memref_squeeze %dma_start3A_170 : memref<1x40xi32, #tpu.memory_space<vmem>> -> memref<40xi32, #tpu.memory_space<vmem>>
      %dma_start3A_172 = tpu.memref_slice %arg5[%add3A_36] : memref<320000xi32, #tpu.memory_space<hbm>> -> memref<40xi32, #tpu.memory_space<hbm>>
      tpu.enqueue_dma source(%dma_start3A_172 : memref<40xi32, #tpu.memory_space<hbm>>) target(%dma_start3A_171 : memref<40xi32, #tpu.memory_space<vmem>>) target_semaphore(%run_scoped3A_164 : memref<!tpu.dma_semaphore, #tpu.memory_space<semaphore_mem>>)
      %dma_wait3A_173 = arith.constant 0 : i32
      %dma_wait3A_174 = tpu.memref_slice %arg8[%run_scoped3A_37, %dma_wait3A_173] : memref<3x40xi32, #tpu.memory_space<vmem>> -> memref<1x40xi32, #tpu.memory_space<vmem>>
      %dma_wait3A_175 = tpu.memref_squeeze %dma_wait3A_174 : memref<1x40xi32, #tpu.memory_space<vmem>> -> memref<40xi32, #tpu.memory_space<vmem>>
      %dma_wait3A_176 = tpu.memref_slice %arg5[%add3A_36] : memref<320000xi32, #tpu.memory_space<hbm>> -> memref<40xi32, #tpu.memory_space<hbm>>
      %dma_wait3A_177 = arith.constant 0 : i32
      %dma_wait3A_178 = tpu.memref_slice %arg8[%run_scoped3A_37, %dma_wait3A_177] : memref<3x40xi32, #tpu.memory_space<vmem>> -> memref<1x40xi32, #tpu.memory_space<vmem>>
      %dma_wait3A_179 = tpu.memref_squeeze %dma_wait3A_178 : memref<1x40xi32, #tpu.memory_space<vmem>> -> memref<40xi32, #tpu.memory_space<vmem>>
      %dma_wait3A_180 = tpu.memref_slice %arg5[%add3A_36] : memref<320000xi32, #tpu.memory_space<hbm>> -> memref<40xi32, #tpu.memory_space<hbm>>
      tpu.wait_dma2 semaphore(%run_scoped3A_164 : memref<!tpu.dma_semaphore, #tpu.memory_space<semaphore_mem>>) src(%dma_wait3A_180 : memref<40xi32, #tpu.memory_space<hbm>>) dst(%dma_wait3A_179 : memref<40xi32, #tpu.memory_space<vmem>>)
      tpu.yield
    }) : () -> ()
    %dma_start3A = arith.constant 0 : i32
    %dma_start3A_38 = arith.constant 0 : i32
    %dma_start3A_39 = arith.constant 0 : i32
    %dma_start3A_40 = arith.constant 0 : i32
    %dma_start3A_41 = tpu.memref_slice %arg9[%dma_start3A, %dma_start3A_39, %dma_start3A_40] : memref<3x40x128xf32, #tpu.memory_space<vmem>> -> memref<1x40x128xf32, #tpu.memory_space<vmem>>
    %dma_start3A_42 = tpu.memref_squeeze %dma_start3A_41 : memref<1x40x128xf32, #tpu.memory_space<vmem>> -> memref<40x128xf32, #tpu.memory_space<vmem>>
    %dma_start3A_43 = arith.constant 0 : i32
    %dma_start3A_44 = tpu.memref_slice %arg3[%add3A_36, %dma_start3A_43] : memref<320000x128xf32, #tpu.memory_space<hbm>> -> memref<40x128xf32, #tpu.memory_space<hbm>>
    %dma_start3A_45 = tpu.memref_slice %arg12[%dma_start3A_38] : memref<3x!tpu.dma_semaphore, #tpu.memory_space<semaphore_mem>> -> memref<1x!tpu.dma_semaphore, #tpu.memory_space<semaphore_mem>>
    %dma_start3A_46 = tpu.memref_squeeze %dma_start3A_45 : memref<1x!tpu.dma_semaphore, #tpu.memory_space<semaphore_mem>> -> memref<!tpu.dma_semaphore, #tpu.memory_space<semaphore_mem>>
    %dma_start3A_47 = arith.constant 0 : i32
    %dma_start3A_48 = arith.constant 0 : i32
    %dma_start3A_49 = tpu.memref_slice %arg9[%dma_start3A, %dma_start3A_47, %dma_start3A_48] : memref<3x40x128xf32, #tpu.memory_space<vmem>> -> memref<1x40x128xf32, #tpu.memory_space<vmem>>
    %dma_start3A_50 = tpu.memref_squeeze %dma_start3A_49 : memref<1x40x128xf32, #tpu.memory_space<vmem>> -> memref<40x128xf32, #tpu.memory_space<vmem>>
    %dma_start3A_51 = arith.constant 0 : i32
    %dma_start3A_52 = tpu.memref_slice %arg3[%add3A_36, %dma_start3A_51] : memref<320000x128xf32, #tpu.memory_space<hbm>> -> memref<40x128xf32, #tpu.memory_space<hbm>>
    tpu.enqueue_dma source(%dma_start3A_52 : memref<40x128xf32, #tpu.memory_space<hbm>>) target(%dma_start3A_50 : memref<40x128xf32, #tpu.memory_space<vmem>>) target_semaphore(%dma_start3A_46 : memref<!tpu.dma_semaphore, #tpu.memory_space<semaphore_mem>>)
    %dma_start3A_53 = arith.constant 0 : i32
    %dma_start3A_54 = arith.constant 0 : i32
    %dma_start3A_55 = arith.constant 0 : i32
    %dma_start3A_56 = arith.constant 0 : i32
    %dma_start3A_57 = arith.constant 0 : i32
    %dma_start3A_58 = tpu.memref_slice %arg10[%dma_start3A_54, %dma_start3A_56, %dma_start3A_57] : memref<3x40x128xf32, #tpu.memory_space<vmem>> -> memref<1x40x128xf32, #tpu.memory_space<vmem>>
    %dma_start3A_59 = tpu.memref_squeeze %dma_start3A_58 : memref<1x40x128xf32, #tpu.memory_space<vmem>> -> memref<40x128xf32, #tpu.memory_space<vmem>>
    %dma_start3A_60 = arith.constant 0 : i32
    %dma_start3A_61 = tpu.memref_slice %arg7[%dma_start3A_53, %dma_start3A_60] : memref<3x40xi32, #tpu.memory_space<vmem>> -> memref<1x40xi32, #tpu.memory_space<vmem>>
    %dma_start3A_62 = tpu.memref_squeeze %dma_start3A_61 : memref<1x40xi32, #tpu.memory_space<vmem>> -> memref<40xi32, #tpu.memory_space<vmem>>
    %dma_start3A_63 = arith.constant 0 : i32
    %dma_start3A_64 = arith.constant 0 : i32
    %dma_start3A_65 = tpu.memref_slice %arg2[%dma_start3A_63, %dma_start3A_64] : memref<10000x128xf32, #tpu.memory_space<hbm>> -> memref<10000x128xf32, #tpu.memory_space<hbm>>
    %dma_start3A_66 = tpu.memref_slice %arg13[%dma_start3A_55] : memref<3x!tpu.dma_semaphore, #tpu.memory_space<semaphore_mem>> -> memref<1x!tpu.dma_semaphore, #tpu.memory_space<semaphore_mem>>
    %dma_start3A_67 = tpu.memref_squeeze %dma_start3A_66 : memref<1x!tpu.dma_semaphore, #tpu.memory_space<semaphore_mem>> -> memref<!tpu.dma_semaphore, #tpu.memory_space<semaphore_mem>>
    tpu.enqueue_indirect_dma source(%dma_start3A_65 : memref<10000x128xf32, #tpu.memory_space<hbm>>) target(%dma_start3A_59 : memref<40x128xf32, #tpu.memory_space<vmem>>) offsets(%dma_start3A_62 : memref<40xi32, #tpu.memory_space<vmem>>) semaphore(%dma_start3A_67 : memref<!tpu.dma_semaphore, #tpu.memory_space<semaphore_mem>>)
    %add3A_68 = arith.constant 40 : i32
    %add3A_69 = arith.addi %mul3A_2, %add3A_68 : i32
    %run_scoped3A_70 = arith.constant 1 : i32
    "tpu.region"() ({
      %run_scoped3A_164 = tpu.sem_alloc : memref<!tpu.dma_semaphore, #tpu.memory_space<semaphore_mem>>
      %dma_start3A_165 = arith.constant 0 : i32
      %dma_start3A_166 = tpu.memref_slice %arg7[%run_scoped3A_70, %dma_start3A_165] : memref<3x40xi32, #tpu.memory_space<vmem>> -> memref<1x40xi32, #tpu.memory_space<vmem>>
      %dma_start3A_167 = tpu.memref_squeeze %dma_start3A_166 : memref<1x40xi32, #tpu.memory_space<vmem>> -> memref<40xi32, #tpu.memory_space<vmem>>
      %dma_start3A_168 = tpu.memref_slice %arg4[%add3A_69] : memref<320000xi32, #tpu.memory_space<hbm>> -> memref<40xi32, #tpu.memory_space<hbm>>
      %dma_start3A_169 = arith.constant 0 : i32
      %dma_start3A_170 = tpu.memref_slice %arg7[%run_scoped3A_70, %dma_start3A_169] : memref<3x40xi32, #tpu.memory_space<vmem>> -> memref<1x40xi32, #tpu.memory_space<vmem>>
      %dma_start3A_171 = tpu.memref_squeeze %dma_start3A_170 : memref<1x40xi32, #tpu.memory_space<vmem>> -> memref<40xi32, #tpu.memory_space<vmem>>
      %dma_start3A_172 = tpu.memref_slice %arg4[%add3A_69] : memref<320000xi32, #tpu.memory_space<hbm>> -> memref<40xi32, #tpu.memory_space<hbm>>
      tpu.enqueue_dma source(%dma_start3A_172 : memref<40xi32, #tpu.memory_space<hbm>>) target(%dma_start3A_171 : memref<40xi32, #tpu.memory_space<vmem>>) target_semaphore(%run_scoped3A_164 : memref<!tpu.dma_semaphore, #tpu.memory_space<semaphore_mem>>)
      %dma_wait3A_173 = arith.constant 0 : i32
      %dma_wait3A_174 = tpu.memref_slice %arg7[%run_scoped3A_70, %dma_wait3A_173] : memref<3x40xi32, #tpu.memory_space<vmem>> -> memref<1x40xi32, #tpu.memory_space<vmem>>
      %dma_wait3A_175 = tpu.memref_squeeze %dma_wait3A_174 : memref<1x40xi32, #tpu.memory_space<vmem>> -> memref<40xi32, #tpu.memory_space<vmem>>
      %dma_wait3A_176 = tpu.memref_slice %arg4[%add3A_69] : memref<320000xi32, #tpu.memory_space<hbm>> -> memref<40xi32, #tpu.memory_space<hbm>>
      %dma_wait3A_177 = arith.constant 0 : i32
      %dma_wait3A_178 = tpu.memref_slice %arg7[%run_scoped3A_70, %dma_wait3A_177] : memref<3x40xi32, #tpu.memory_space<vmem>> -> memref<1x40xi32, #tpu.memory_space<vmem>>
      %dma_wait3A_179 = tpu.memref_squeeze %dma_wait3A_178 : memref<1x40xi32, #tpu.memory_space<vmem>> -> memref<40xi32, #tpu.memory_space<vmem>>
      %dma_wait3A_180 = tpu.memref_slice %arg4[%add3A_69] : memref<320000xi32, #tpu.memory_space<hbm>> -> memref<40xi32, #tpu.memory_space<hbm>>
      tpu.wait_dma2 semaphore(%run_scoped3A_164 : memref<!tpu.dma_semaphore, #tpu.memory_space<semaphore_mem>>) src(%dma_wait3A_180 : memref<40xi32, #tpu.memory_space<hbm>>) dst(%dma_wait3A_179 : memref<40xi32, #tpu.memory_space<vmem>>)
      tpu.yield
    }) : () -> ()
    %run_scoped3A_71 = arith.constant 1 : i32
    "tpu.region"() ({
      %run_scoped3A_164 = tpu.sem_alloc : memref<!tpu.dma_semaphore, #tpu.memory_space<semaphore_mem>>
      %dma_start3A_165 = arith.constant 0 : i32
      %dma_start3A_166 = tpu.memref_slice %arg8[%run_scoped3A_71, %dma_start3A_165] : memref<3x40xi32, #tpu.memory_space<vmem>> -> memref<1x40xi32, #tpu.memory_space<vmem>>
      %dma_start3A_167 = tpu.memref_squeeze %dma_start3A_166 : memref<1x40xi32, #tpu.memory_space<vmem>> -> memref<40xi32, #tpu.memory_space<vmem>>
      %dma_start3A_168 = tpu.memref_slice %arg5[%add3A_69] : memref<320000xi32, #tpu.memory_space<hbm>> -> memref<40xi32, #tpu.memory_space<hbm>>
      %dma_start3A_169 = arith.constant 0 : i32
      %dma_start3A_170 = tpu.memref_slice %arg8[%run_scoped3A_71, %dma_start3A_169] : memref<3x40xi32, #tpu.memory_space<vmem>> -> memref<1x40xi32, #tpu.memory_space<vmem>>
      %dma_start3A_171 = tpu.memref_squeeze %dma_start3A_170 : memref<1x40xi32, #tpu.memory_space<vmem>> -> memref<40xi32, #tpu.memory_space<vmem>>
      %dma_start3A_172 = tpu.memref_slice %arg5[%add3A_69] : memref<320000xi32, #tpu.memory_space<hbm>> -> memref<40xi32, #tpu.memory_space<hbm>>
      tpu.enqueue_dma source(%dma_start3A_172 : memref<40xi32, #tpu.memory_space<hbm>>) target(%dma_start3A_171 : memref<40xi32, #tpu.memory_space<vmem>>) target_semaphore(%run_scoped3A_164 : memref<!tpu.dma_semaphore, #tpu.memory_space<semaphore_mem>>)
      %dma_wait3A_173 = arith.constant 0 : i32
      %dma_wait3A_174 = tpu.memref_slice %arg8[%run_scoped3A_71, %dma_wait3A_173] : memref<3x40xi32, #tpu.memory_space<vmem>> -> memref<1x40xi32, #tpu.memory_space<vmem>>
      %dma_wait3A_175 = tpu.memref_squeeze %dma_wait3A_174 : memref<1x40xi32, #tpu.memory_space<vmem>> -> memref<40xi32, #tpu.memory_space<vmem>>
      %dma_wait3A_176 = tpu.memref_slice %arg5[%add3A_69] : memref<320000xi32, #tpu.memory_space<hbm>> -> memref<40xi32, #tpu.memory_space<hbm>>
      %dma_wait3A_177 = arith.constant 0 : i32
      %dma_wait3A_178 = tpu.memref_slice %arg8[%run_scoped3A_71, %dma_wait3A_177] : memref<3x40xi32, #tpu.memory_space<vmem>> -> memref<1x40xi32, #tpu.memory_space<vmem>>
      %dma_wait3A_179 = tpu.memref_squeeze %dma_wait3A_178 : memref<1x40xi32, #tpu.memory_space<vmem>> -> memref<40xi32, #tpu.memory_space<vmem>>
      %dma_wait3A_180 = tpu.memref_slice %arg5[%add3A_69] : memref<320000xi32, #tpu.memory_space<hbm>> -> memref<40xi32, #tpu.memory_space<hbm>>
      tpu.wait_dma2 semaphore(%run_scoped3A_164 : memref<!tpu.dma_semaphore, #tpu.memory_space<semaphore_mem>>) src(%dma_wait3A_180 : memref<40xi32, #tpu.memory_space<hbm>>) dst(%dma_wait3A_179 : memref<40xi32, #tpu.memory_space<vmem>>)
      tpu.yield
    }) : () -> ()
    %dma_start3A_72 = arith.constant 1 : i32
    %dma_start3A_73 = arith.constant 1 : i32
    %dma_start3A_74 = arith.constant 0 : i32
    %dma_start3A_75 = arith.constant 0 : i32
    %dma_start3A_76 = tpu.memref_slice %arg9[%dma_start3A_72, %dma_start3A_74, %dma_start3A_75] : memref<3x40x128xf32, #tpu.memory_space<vmem>> -> memref<1x40x128xf32, #tpu.memory_space<vmem>>
    %dma_start3A_77 = tpu.memref_squeeze %dma_start3A_76 : memref<1x40x128xf32, #tpu.memory_space<vmem>> -> memref<40x128xf32, #tpu.memory_space<vmem>>
    %dma_start3A_78 = arith.constant 0 : i32
    %dma_start3A_79 = tpu.memref_slice %arg3[%add3A_69, %dma_start3A_78] : memref<320000x128xf32, #tpu.memory_space<hbm>> -> memref<40x128xf32, #tpu.memory_space<hbm>>
    %dma_start3A_80 = tpu.memref_slice %arg12[%dma_start3A_73] : memref<3x!tpu.dma_semaphore, #tpu.memory_space<semaphore_mem>> -> memref<1x!tpu.dma_semaphore, #tpu.memory_space<semaphore_mem>>
    %dma_start3A_81 = tpu.memref_squeeze %dma_start3A_80 : memref<1x!tpu.dma_semaphore, #tpu.memory_space<semaphore_mem>> -> memref<!tpu.dma_semaphore, #tpu.memory_space<semaphore_mem>>
    %dma_start3A_82 = arith.constant 0 : i32
    %dma_start3A_83 = arith.constant 0 : i32
    %dma_start3A_84 = tpu.memref_slice %arg9[%dma_start3A_72, %dma_start3A_82, %dma_start3A_83] : memref<3x40x128xf32, #tpu.memory_space<vmem>> -> memref<1x40x128xf32, #tpu.memory_space<vmem>>
    %dma_start3A_85 = tpu.memref_squeeze %dma_start3A_84 : memref<1x40x128xf32, #tpu.memory_space<vmem>> -> memref<40x128xf32, #tpu.memory_space<vmem>>
    %dma_start3A_86 = arith.constant 0 : i32
    %dma_start3A_87 = tpu.memref_slice %arg3[%add3A_69, %dma_start3A_86] : memref<320000x128xf32, #tpu.memory_space<hbm>> -> memref<40x128xf32, #tpu.memory_space<hbm>>
    tpu.enqueue_dma source(%dma_start3A_87 : memref<40x128xf32, #tpu.memory_space<hbm>>) target(%dma_start3A_85 : memref<40x128xf32, #tpu.memory_space<vmem>>) target_semaphore(%dma_start3A_81 : memref<!tpu.dma_semaphore, #tpu.memory_space<semaphore_mem>>)
    %dma_start3A_88 = arith.constant 1 : i32
    %dma_start3A_89 = arith.constant 1 : i32
    %dma_start3A_90 = arith.constant 1 : i32
    %dma_start3A_91 = arith.constant 0 : i32
    %dma_start3A_92 = arith.constant 0 : i32
    %dma_start3A_93 = tpu.memref_slice %arg10[%dma_start3A_89, %dma_start3A_91, %dma_start3A_92] : memref<3x40x128xf32, #tpu.memory_space<vmem>> -> memref<1x40x128xf32, #tpu.memory_space<vmem>>
    %dma_start3A_94 = tpu.memref_squeeze %dma_start3A_93 : memref<1x40x128xf32, #tpu.memory_space<vmem>> -> memref<40x128xf32, #tpu.memory_space<vmem>>
    %dma_start3A_95 = arith.constant 0 : i32
    %dma_start3A_96 = tpu.memref_slice %arg7[%dma_start3A_88, %dma_start3A_95] : memref<3x40xi32, #tpu.memory_space<vmem>> -> memref<1x40xi32, #tpu.memory_space<vmem>>
    %dma_start3A_97 = tpu.memref_squeeze %dma_start3A_96 : memref<1x40xi32, #tpu.memory_space<vmem>> -> memref<40xi32, #tpu.memory_space<vmem>>
    %dma_start3A_98 = arith.constant 0 : i32
    %dma_start3A_99 = arith.constant 0 : i32
    %dma_start3A_100 = tpu.memref_slice %arg2[%dma_start3A_98, %dma_start3A_99] : memref<10000x128xf32, #tpu.memory_space<hbm>> -> memref<10000x128xf32, #tpu.memory_space<hbm>>
    %dma_start3A_101 = tpu.memref_slice %arg13[%dma_start3A_90] : memref<3x!tpu.dma_semaphore, #tpu.memory_space<semaphore_mem>> -> memref<1x!tpu.dma_semaphore, #tpu.memory_space<semaphore_mem>>
    %dma_start3A_102 = tpu.memref_squeeze %dma_start3A_101 : memref<1x!tpu.dma_semaphore, #tpu.memory_space<semaphore_mem>> -> memref<!tpu.dma_semaphore, #tpu.memory_space<semaphore_mem>>
    tpu.enqueue_indirect_dma source(%dma_start3A_100 : memref<10000x128xf32, #tpu.memory_space<hbm>>) target(%dma_start3A_94 : memref<40x128xf32, #tpu.memory_space<vmem>>) offsets(%dma_start3A_97 : memref<40xi32, #tpu.memory_space<vmem>>) semaphore(%dma_start3A_102 : memref<!tpu.dma_semaphore, #tpu.memory_space<semaphore_mem>>)
    %scan3A_103 = arith.constant 0 : i32
    %scan3A_104 = arith.constant 0 : i32
    %scan3A_105 = arith.constant 250 : i32
    %scan3A_106 = arith.addi %scan3A_104, %scan3A_105 : i32
    %scan3A_107 = arith.constant 1 : i32
    %scan3A_108 = scf.for %scan3A_164 = %scan3A_104 to %scan3A_106 step %scan3A_107 iter_args(%scan3A_165 = %scan3A_103) -> (i32)  : i32 {
      %rem3A = arith.constant 3 : i32
      %rem3A_166 = arith.remsi %scan3A_164, %rem3A : i32
      %add3A_167 = arith.constant 2 : i32
      %add3A_168 = arith.addi %scan3A_164, %add3A_167 : i32
      %rem3A_169 = arith.constant 3 : i32
      %rem3A_170 = arith.remsi %add3A_168, %rem3A_169 : i32
      %mul3A_171 = arith.constant 40 : i32
      %mul3A_172 = arith.muli %scan3A_164, %mul3A_171 : i32
      %add3A_173 = arith.addi %mul3A_2, %mul3A_172 : i32
      %dma_wait3A_174 = arith.constant 0 : i32
      %dma_wait3A_175 = arith.constant 0 : i32
      %dma_wait3A_176 = tpu.memref_slice %arg9[%rem3A_166, %dma_wait3A_174, %dma_wait3A_175] : memref<3x40x128xf32, #tpu.memory_space<vmem>> -> memref<1x40x128xf32, #tpu.memory_space<vmem>>
      %dma_wait3A_177 = tpu.memref_squeeze %dma_wait3A_176 : memref<1x40x128xf32, #tpu.memory_space<vmem>> -> memref<40x128xf32, #tpu.memory_space<vmem>>
      %dma_wait3A_178 = arith.constant 0 : i32
      %dma_wait3A_179 = tpu.memref_slice %arg3[%add3A_173, %dma_wait3A_178] : memref<320000x128xf32, #tpu.memory_space<hbm>> -> memref<40x128xf32, #tpu.memory_space<hbm>>
      %dma_wait3A_180 = tpu.memref_slice %arg12[%rem3A_166] : memref<3x!tpu.dma_semaphore, #tpu.memory_space<semaphore_mem>> -> memref<1x!tpu.dma_semaphore, #tpu.memory_space<semaphore_mem>>
      %dma_wait3A_181 = tpu.memref_squeeze %dma_wait3A_180 : memref<1x!tpu.dma_semaphore, #tpu.memory_space<semaphore_mem>> -> memref<!tpu.dma_semaphore, #tpu.memory_space<semaphore_mem>>
      %dma_wait3A_182 = arith.constant 0 : i32
      %dma_wait3A_183 = arith.constant 0 : i32
      %dma_wait3A_184 = tpu.memref_slice %arg9[%rem3A_166, %dma_wait3A_182, %dma_wait3A_183] : memref<3x40x128xf32, #tpu.memory_space<vmem>> -> memref<1x40x128xf32, #tpu.memory_space<vmem>>
      %dma_wait3A_185 = tpu.memref_squeeze %dma_wait3A_184 : memref<1x40x128xf32, #tpu.memory_space<vmem>> -> memref<40x128xf32, #tpu.memory_space<vmem>>
      %dma_wait3A_186 = arith.constant 0 : i32
      %dma_wait3A_187 = tpu.memref_slice %arg3[%add3A_173, %dma_wait3A_186] : memref<320000x128xf32, #tpu.memory_space<hbm>> -> memref<40x128xf32, #tpu.memory_space<hbm>>
      tpu.wait_dma2 semaphore(%dma_wait3A_181 : memref<!tpu.dma_semaphore, #tpu.memory_space<semaphore_mem>>) src(%dma_wait3A_187 : memref<40x128xf32, #tpu.memory_space<hbm>>) dst(%dma_wait3A_185 : memref<40x128xf32, #tpu.memory_space<vmem>>)
      %dma_wait3A_188 = arith.constant 0 : i32
      %dma_wait3A_189 = arith.constant 0 : i32
      %dma_wait3A_190 = tpu.memref_slice %arg10[%rem3A_166, %dma_wait3A_188, %dma_wait3A_189] : memref<3x40x128xf32, #tpu.memory_space<vmem>> -> memref<1x40x128xf32, #tpu.memory_space<vmem>>
      %dma_wait3A_191 = tpu.memref_squeeze %dma_wait3A_190 : memref<1x40x128xf32, #tpu.memory_space<vmem>> -> memref<40x128xf32, #tpu.memory_space<vmem>>
      %dma_wait3A_192 = arith.constant 0 : i32
      %dma_wait3A_193 = tpu.memref_slice %arg7[%rem3A_166, %dma_wait3A_192] : memref<3x40xi32, #tpu.memory_space<vmem>> -> memref<1x40xi32, #tpu.memory_space<vmem>>
      %dma_wait3A_194 = tpu.memref_squeeze %dma_wait3A_193 : memref<1x40xi32, #tpu.memory_space<vmem>> -> memref<40xi32, #tpu.memory_space<vmem>>
      %dma_wait3A_195 = arith.constant 0 : i32
      %dma_wait3A_196 = arith.constant 0 : i32
      %dma_wait3A_197 = tpu.memref_slice %arg2[%dma_wait3A_195, %dma_wait3A_196] : memref<10000x128xf32, #tpu.memory_space<hbm>> -> memref<10000x128xf32, #tpu.memory_space<hbm>>
      %dma_wait3A_198 = tpu.memref_slice %arg13[%rem3A_166] : memref<3x!tpu.dma_semaphore, #tpu.memory_space<semaphore_mem>> -> memref<1x!tpu.dma_semaphore, #tpu.memory_space<semaphore_mem>>
      %dma_wait3A_199 = tpu.memref_squeeze %dma_wait3A_198 : memref<1x!tpu.dma_semaphore, #tpu.memory_space<semaphore_mem>> -> memref<!tpu.dma_semaphore, #tpu.memory_space<semaphore_mem>>
      tpu.wait_indirect_dma semaphore(%dma_wait3A_199 : memref<!tpu.dma_semaphore, #tpu.memory_space<semaphore_mem>>) src(%dma_wait3A_197 : memref<10000x128xf32, #tpu.memory_space<hbm>>) dst(%dma_wait3A_191 : memref<40x128xf32, #tpu.memory_space<vmem>>)
      %parallel_loop3A = arith.constant 0 : i32
      %parallel_loop3A_200 = arith.constant 40 : i32
      %parallel_loop3A_201 = arith.constant 1 : i32
      scf.for %parallel_loop3A_221 = %parallel_loop3A to %parallel_loop3A_200 step %parallel_loop3A_201  : i32 {
        %parallel_loop3A_222 = arith.index_cast %rem3A_166 : i32 to index
        %parallel_loop3A_223 = arith.index_cast %parallel_loop3A_221 : i32 to index
        %parallel_loop3A_224 = arith.constant 0 : index
        %parallel_loop3A_225 = tpu.vector_load %arg10[%parallel_loop3A_222, %parallel_loop3A_223, %parallel_loop3A_224] {strides = array<i32>} : memref<3x40x128xf32, #tpu.memory_space<vmem>>, vector<1x1x16xf32>,
        %parallel_loop3A_226 = vector.shape_cast %parallel_loop3A_225 : vector<1x1x16xf32> to vector<16xf32>
        %parallel_loop3A_227 = arith.index_cast %rem3A_166 : i32 to index
        %parallel_loop3A_228 = arith.index_cast %parallel_loop3A_221 : i32 to index
        %parallel_loop3A_229 = arith.constant 0 : index
        %parallel_loop3A_230 = tpu.vector_load %arg9[%parallel_loop3A_227, %parallel_loop3A_228, %parallel_loop3A_229] {strides = array<i32>} : memref<3x40x128xf32, #tpu.memory_space<vmem>>, vector<1x1x16xf32>,
        %parallel_loop3A_231 = vector.shape_cast %parallel_loop3A_230 : vector<1x1x16xf32> to vector<16xf32>
        %parallel_loop3A_232 = arith.addf %parallel_loop3A_226, %parallel_loop3A_231 : vector<16xf32>
        %parallel_loop3A_233 = arith.constant 0.000000e+00 : f32
        %parallel_loop3A_234 = vector.broadcast %parallel_loop3A_233 : f32 to vector<16xf32>
        %parallel_loop3A_235 = arith.maximumf %parallel_loop3A_232, %parallel_loop3A_234 : vector<16xf32>
        %parallel_loop3A_236 = arith.index_cast %rem3A_166 : i32 to index
        %parallel_loop3A_237 = arith.index_cast %parallel_loop3A_221 : i32 to index
        %parallel_loop3A_238 = arith.constant 0 : index
        %parallel_loop3A_239 = tpu.vector_load %arg10[%parallel_loop3A_236, %parallel_loop3A_237, %parallel_loop3A_238] {strides = array<i32>} : memref<3x40x128xf32, #tpu.memory_space<vmem>>, vector<1x1x16xf32>,
        %parallel_loop3A_240 = vector.shape_cast %parallel_loop3A_239 : vector<1x1x16xf32> to vector<16xf32>
        %parallel_loop3A_241 = vector.shape_cast %parallel_loop3A_235 : vector<16xf32> to vector<1x1x16xf32>
        tpu.vector_store %arg10[%parallel_loop3A_236, %parallel_loop3A_237, %parallel_loop3A_238], %parallel_loop3A_241 {strides = array<i32>} : memref<3x40x128xf32, #tpu.memory_space<vmem>>, vector<1x1x16xf32>,
        %parallel_loop3A_242 = arith.index_cast %rem3A_166 : i32 to index
        %parallel_loop3A_243 = arith.index_cast %parallel_loop3A_221 : i32 to index
        %parallel_loop3A_244 = arith.constant 16 : index
        %parallel_loop3A_245 = tpu.vector_load %arg10[%parallel_loop3A_242, %parallel_loop3A_243, %parallel_loop3A_244] {strides = array<i32>} : memref<3x40x128xf32, #tpu.memory_space<vmem>>, vector<1x1x16xf32>,
        %parallel_loop3A_246 = vector.shape_cast %parallel_loop3A_245 : vector<1x1x16xf32> to vector<16xf32>
        %parallel_loop3A_247 = arith.index_cast %rem3A_166 : i32 to index
        %parallel_loop3A_248 = arith.index_cast %parallel_loop3A_221 : i32 to index
        %parallel_loop3A_249 = arith.constant 16 : index
        %parallel_loop3A_250 = tpu.vector_load %arg9[%parallel_loop3A_247, %parallel_loop3A_248, %parallel_loop3A_249] {strides = array<i32>} : memref<3x40x128xf32, #tpu.memory_space<vmem>>, vector<1x1x16xf32>,
        %parallel_loop3A_251 = vector.shape_cast %parallel_loop3A_250 : vector<1x1x16xf32> to vector<16xf32>
        %parallel_loop3A_252 = arith.addf %parallel_loop3A_246, %parallel_loop3A_251 : vector<16xf32>
        %parallel_loop3A_253 = arith.constant 0.000000e+00 : f32
        %parallel_loop3A_254 = vector.broadcast %parallel_loop3A_253 : f32 to vector<16xf32>
        %parallel_loop3A_255 = arith.maximumf %parallel_loop3A_252, %parallel_loop3A_254 : vector<16xf32>
        %parallel_loop3A_256 = arith.index_cast %rem3A_166 : i32 to index
        %parallel_loop3A_257 = arith.index_cast %parallel_loop3A_221 : i32 to index
        %parallel_loop3A_258 = arith.constant 16 : index
        %parallel_loop3A_259 = tpu.vector_load %arg10[%parallel_loop3A_256, %parallel_loop3A_257, %parallel_loop3A_258] {strides = array<i32>} : memref<3x40x128xf32, #tpu.memory_space<vmem>>, vector<1x1x16xf32>,
        %parallel_loop3A_260 = vector.shape_cast %parallel_loop3A_259 : vector<1x1x16xf32> to vector<16xf32>
        %parallel_loop3A_261 = vector.shape_cast %parallel_loop3A_255 : vector<16xf32> to vector<1x1x16xf32>
        tpu.vector_store %arg10[%parallel_loop3A_256, %parallel_loop3A_257, %parallel_loop3A_258], %parallel_loop3A_261 {strides = array<i32>} : memref<3x40x128xf32, #tpu.memory_space<vmem>>, vector<1x1x16xf32>,
        %parallel_loop3A_262 = arith.index_cast %rem3A_166 : i32 to index
        %parallel_loop3A_263 = arith.index_cast %parallel_loop3A_221 : i32 to index
        %parallel_loop3A_264 = arith.constant 32 : index
        %parallel_loop3A_265 = tpu.vector_load %arg10[%parallel_loop3A_262, %parallel_loop3A_263, %parallel_loop3A_264] {strides = array<i32>} : memref<3x40x128xf32, #tpu.memory_space<vmem>>, vector<1x1x16xf32>,
        %parallel_loop3A_266 = vector.shape_cast %parallel_loop3A_265 : vector<1x1x16xf32> to vector<16xf32>
        %parallel_loop3A_267 = arith.index_cast %rem3A_166 : i32 to index
        %parallel_loop3A_268 = arith.index_cast %parallel_loop3A_221 : i32 to index
        %parallel_loop3A_269 = arith.constant 32 : index
        %parallel_loop3A_270 = tpu.vector_load %arg9[%parallel_loop3A_267, %parallel_loop3A_268, %parallel_loop3A_269] {strides = array<i32>} : memref<3x40x128xf32, #tpu.memory_space<vmem>>, vector<1x1x16xf32>,
        %parallel_loop3A_271 = vector.shape_cast %parallel_loop3A_270 : vector<1x1x16xf32> to vector<16xf32>
        %parallel_loop3A_272 = arith.addf %parallel_loop3A_266, %parallel_loop3A_271 : vector<16xf32>
        %parallel_loop3A_273 = arith.constant 0.000000e+00 : f32
        %parallel_loop3A_274 = vector.broadcast %parallel_loop3A_273 : f32 to vector<16xf32>
        %parallel_loop3A_275 = arith.maximumf %parallel_loop3A_272, %parallel_loop3A_274 : vector<16xf32>
        %parallel_loop3A_276 = arith.index_cast %rem3A_166 : i32 to index
        %parallel_loop3A_277 = arith.index_cast %parallel_loop3A_221 : i32 to index
        %parallel_loop3A_278 = arith.constant 32 : index
        %parallel_loop3A_279 = tpu.vector_load %arg10[%parallel_loop3A_276, %parallel_loop3A_277, %parallel_loop3A_278] {strides = array<i32>} : memref<3x40x128xf32, #tpu.memory_space<vmem>>, vector<1x1x16xf32>,
        %parallel_loop3A_280 = vector.shape_cast %parallel_loop3A_279 : vector<1x1x16xf32> to vector<16xf32>
        %parallel_loop3A_281 = vector.shape_cast %parallel_loop3A_275 : vector<16xf32> to vector<1x1x16xf32>
        tpu.vector_store %arg10[%parallel_loop3A_276, %parallel_loop3A_277, %parallel_loop3A_278], %parallel_loop3A_281 {strides = array<i32>} : memref<3x40x128xf32, #tpu.memory_space<vmem>>, vector<1x1x16xf32>,
        %parallel_loop3A_282 = arith.index_cast %rem3A_166 : i32 to index
        %parallel_loop3A_283 = arith.index_cast %parallel_loop3A_221 : i32 to index
        %parallel_loop3A_284 = arith.constant 48 : index
        %parallel_loop3A_285 = tpu.vector_load %arg10[%parallel_loop3A_282, %parallel_loop3A_283, %parallel_loop3A_284] {strides = array<i32>} : memref<3x40x128xf32, #tpu.memory_space<vmem>>, vector<1x1x16xf32>,
        %parallel_loop3A_286 = vector.shape_cast %parallel_loop3A_285 : vector<1x1x16xf32> to vector<16xf32>
        %parallel_loop3A_287 = arith.index_cast %rem3A_166 : i32 to index
        %parallel_loop3A_288 = arith.index_cast %parallel_loop3A_221 : i32 to index
        %parallel_loop3A_289 = arith.constant 48 : index
        %parallel_loop3A_290 = tpu.vector_load %arg9[%parallel_loop3A_287, %parallel_loop3A_288, %parallel_loop3A_289] {strides = array<i32>} : memref<3x40x128xf32, #tpu.memory_space<vmem>>, vector<1x1x16xf32>,
        %parallel_loop3A_291 = vector.shape_cast %parallel_loop3A_290 : vector<1x1x16xf32> to vector<16xf32>
        %parallel_loop3A_292 = arith.addf %parallel_loop3A_286, %parallel_loop3A_291 : vector<16xf32>
        %parallel_loop3A_293 = arith.constant 0.000000e+00 : f32
        %parallel_loop3A_294 = vector.broadcast %parallel_loop3A_293 : f32 to vector<16xf32>
        %parallel_loop3A_295 = arith.maximumf %parallel_loop3A_292, %parallel_loop3A_294 : vector<16xf32>
        %parallel_loop3A_296 = arith.index_cast %rem3A_166 : i32 to index
        %parallel_loop3A_297 = arith.index_cast %parallel_loop3A_221 : i32 to index
        %parallel_loop3A_298 = arith.constant 48 : index
        %parallel_loop3A_299 = tpu.vector_load %arg10[%parallel_loop3A_296, %parallel_loop3A_297, %parallel_loop3A_298] {strides = array<i32>} : memref<3x40x128xf32, #tpu.memory_space<vmem>>, vector<1x1x16xf32>,
        %parallel_loop3A_300 = vector.shape_cast %parallel_loop3A_299 : vector<1x1x16xf32> to vector<16xf32>
        %parallel_loop3A_301 = vector.shape_cast %parallel_loop3A_295 : vector<16xf32> to vector<1x1x16xf32>
        tpu.vector_store %arg10[%parallel_loop3A_296, %parallel_loop3A_297, %parallel_loop3A_298], %parallel_loop3A_301 {strides = array<i32>} : memref<3x40x128xf32, #tpu.memory_space<vmem>>, vector<1x1x16xf32>,
        %parallel_loop3A_302 = arith.index_cast %rem3A_166 : i32 to index
        %parallel_loop3A_303 = arith.index_cast %parallel_loop3A_221 : i32 to index
        %parallel_loop3A_304 = arith.constant 64 : index
        %parallel_loop3A_305 = tpu.vector_load %arg10[%parallel_loop3A_302, %parallel_loop3A_303, %parallel_loop3A_304] {strides = array<i32>} : memref<3x40x128xf32, #tpu.memory_space<vmem>>, vector<1x1x16xf32>,
        %parallel_loop3A_306 = vector.shape_cast %parallel_loop3A_305 : vector<1x1x16xf32> to vector<16xf32>
        %parallel_loop3A_307 = arith.index_cast %rem3A_166 : i32 to index
        %parallel_loop3A_308 = arith.index_cast %parallel_loop3A_221 : i32 to index
        %parallel_loop3A_309 = arith.constant 64 : index
        %parallel_loop3A_310 = tpu.vector_load %arg9[%parallel_loop3A_307, %parallel_loop3A_308, %parallel_loop3A_309] {strides = array<i32>} : memref<3x40x128xf32, #tpu.memory_space<vmem>>, vector<1x1x16xf32>,
        %parallel_loop3A_311 = vector.shape_cast %parallel_loop3A_310 : vector<1x1x16xf32> to vector<16xf32>
        %parallel_loop3A_312 = arith.addf %parallel_loop3A_306, %parallel_loop3A_311 : vector<16xf32>
        %parallel_loop3A_313 = arith.constant 0.000000e+00 : f32
        %parallel_loop3A_314 = vector.broadcast %parallel_loop3A_313 : f32 to vector<16xf32>
        %parallel_loop3A_315 = arith.maximumf %parallel_loop3A_312, %parallel_loop3A_314 : vector<16xf32>
        %parallel_loop3A_316 = arith.index_cast %rem3A_166 : i32 to index
        %parallel_loop3A_317 = arith.index_cast %parallel_loop3A_221 : i32 to index
        %parallel_loop3A_318 = arith.constant 64 : index
        %parallel_loop3A_319 = tpu.vector_load %arg10[%parallel_loop3A_316, %parallel_loop3A_317, %parallel_loop3A_318] {strides = array<i32>} : memref<3x40x128xf32, #tpu.memory_space<vmem>>, vector<1x1x16xf32>,
        %parallel_loop3A_320 = vector.shape_cast %parallel_loop3A_319 : vector<1x1x16xf32> to vector<16xf32>
        %parallel_loop3A_321 = vector.shape_cast %parallel_loop3A_315 : vector<16xf32> to vector<1x1x16xf32>
        tpu.vector_store %arg10[%parallel_loop3A_316, %parallel_loop3A_317, %parallel_loop3A_318], %parallel_loop3A_321 {strides = array<i32>} : memref<3x40x128xf32, #tpu.memory_space<vmem>>, vector<1x1x16xf32>,
        %parallel_loop3A_322 = arith.index_cast %rem3A_166 : i32 to index
        %parallel_loop3A_323 = arith.index_cast %parallel_loop3A_221 : i32 to index
        %parallel_loop3A_324 = arith.constant 80 : index
        %parallel_loop3A_325 = tpu.vector_load %arg10[%parallel_loop3A_322, %parallel_loop3A_323, %parallel_loop3A_324] {strides = array<i32>} : memref<3x40x128xf32, #tpu.memory_space<vmem>>, vector<1x1x16xf32>,
        %parallel_loop3A_326 = vector.shape_cast %parallel_loop3A_325 : vector<1x1x16xf32> to vector<16xf32>
        %parallel_loop3A_327 = arith.index_cast %rem3A_166 : i32 to index
        %parallel_loop3A_328 = arith.index_cast %parallel_loop3A_221 : i32 to index
        %parallel_loop3A_329 = arith.constant 80 : index
        %parallel_loop3A_330 = tpu.vector_load %arg9[%parallel_loop3A_327, %parallel_loop3A_328, %parallel_loop3A_329] {strides = array<i32>} : memref<3x40x128xf32, #tpu.memory_space<vmem>>, vector<1x1x16xf32>,
        %parallel_loop3A_331 = vector.shape_cast %parallel_loop3A_330 : vector<1x1x16xf32> to vector<16xf32>
        %parallel_loop3A_332 = arith.addf %parallel_loop3A_326, %parallel_loop3A_331 : vector<16xf32>
        %parallel_loop3A_333 = arith.constant 0.000000e+00 : f32
        %parallel_loop3A_334 = vector.broadcast %parallel_loop3A_333 : f32 to vector<16xf32>
        %parallel_loop3A_335 = arith.maximumf %parallel_loop3A_332, %parallel_loop3A_334 : vector<16xf32>
        %parallel_loop3A_336 = arith.index_cast %rem3A_166 : i32 to index
        %parallel_loop3A_337 = arith.index_cast %parallel_loop3A_221 : i32 to index
        %parallel_loop3A_338 = arith.constant 80 : index
        %parallel_loop3A_339 = tpu.vector_load %arg10[%parallel_loop3A_336, %parallel_loop3A_337, %parallel_loop3A_338] {strides = array<i32>} : memref<3x40x128xf32, #tpu.memory_space<vmem>>, vector<1x1x16xf32>,
        %parallel_loop3A_340 = vector.shape_cast %parallel_loop3A_339 : vector<1x1x16xf32> to vector<16xf32>
        %parallel_loop3A_341 = vector.shape_cast %parallel_loop3A_335 : vector<16xf32> to vector<1x1x16xf32>
        tpu.vector_store %arg10[%parallel_loop3A_336, %parallel_loop3A_337, %parallel_loop3A_338], %parallel_loop3A_341 {strides = array<i32>} : memref<3x40x128xf32, #tpu.memory_space<vmem>>, vector<1x1x16xf32>,
        %parallel_loop3A_342 = arith.index_cast %rem3A_166 : i32 to index
        %parallel_loop3A_343 = arith.index_cast %parallel_loop3A_221 : i32 to index
        %parallel_loop3A_344 = arith.constant 96 : index
        %parallel_loop3A_345 = tpu.vector_load %arg10[%parallel_loop3A_342, %parallel_loop3A_343, %parallel_loop3A_344] {strides = array<i32>} : memref<3x40x128xf32, #tpu.memory_space<vmem>>, vector<1x1x16xf32>,
        %parallel_loop3A_346 = vector.shape_cast %parallel_loop3A_345 : vector<1x1x16xf32> to vector<16xf32>
        %parallel_loop3A_347 = arith.index_cast %rem3A_166 : i32 to index
        %parallel_loop3A_348 = arith.index_cast %parallel_loop3A_221 : i32 to index
        %parallel_loop3A_349 = arith.constant 96 : index
        %parallel_loop3A_350 = tpu.vector_load %arg9[%parallel_loop3A_347, %parallel_loop3A_348, %parallel_loop3A_349] {strides = array<i32>} : memref<3x40x128xf32, #tpu.memory_space<vmem>>, vector<1x1x16xf32>,
        %parallel_loop3A_351 = vector.shape_cast %parallel_loop3A_350 : vector<1x1x16xf32> to vector<16xf32>
        %parallel_loop3A_352 = arith.addf %parallel_loop3A_346, %parallel_loop3A_351 : vector<16xf32>
        %parallel_loop3A_353 = arith.constant 0.000000e+00 : f32
        %parallel_loop3A_354 = vector.broadcast %parallel_loop3A_353 : f32 to vector<16xf32>
        %parallel_loop3A_355 = arith.maximumf %parallel_loop3A_352, %parallel_loop3A_354 : vector<16xf32>
        %parallel_loop3A_356 = arith.index_cast %rem3A_166 : i32 to index
        %parallel_loop3A_357 = arith.index_cast %parallel_loop3A_221 : i32 to index
        %parallel_loop3A_358 = arith.constant 96 : index
        %parallel_loop3A_359 = tpu.vector_load %arg10[%parallel_loop3A_356, %parallel_loop3A_357, %parallel_loop3A_358] {strides = array<i32>} : memref<3x40x128xf32, #tpu.memory_space<vmem>>, vector<1x1x16xf32>,
        %parallel_loop3A_360 = vector.shape_cast %parallel_loop3A_359 : vector<1x1x16xf32> to vector<16xf32>
        %parallel_loop3A_361 = vector.shape_cast %parallel_loop3A_355 : vector<16xf32> to vector<1x1x16xf32>
        tpu.vector_store %arg10[%parallel_loop3A_356, %parallel_loop3A_357, %parallel_loop3A_358], %parallel_loop3A_361 {strides = array<i32>} : memref<3x40x128xf32, #tpu.memory_space<vmem>>, vector<1x1x16xf32>,
        %parallel_loop3A_362 = arith.index_cast %rem3A_166 : i32 to index
        %parallel_loop3A_363 = arith.index_cast %parallel_loop3A_221 : i32 to index
        %parallel_loop3A_364 = arith.constant 112 : index
        %parallel_loop3A_365 = tpu.vector_load %arg10[%parallel_loop3A_362, %parallel_loop3A_363, %parallel_loop3A_364] {strides = array<i32>} : memref<3x40x128xf32, #tpu.memory_space<vmem>>, vector<1x1x16xf32>,
        %parallel_loop3A_366 = vector.shape_cast %parallel_loop3A_365 : vector<1x1x16xf32> to vector<16xf32>
        %parallel_loop3A_367 = arith.index_cast %rem3A_166 : i32 to index
        %parallel_loop3A_368 = arith.index_cast %parallel_loop3A_221 : i32 to index
        %parallel_loop3A_369 = arith.constant 112 : index
        %parallel_loop3A_370 = tpu.vector_load %arg9[%parallel_loop3A_367, %parallel_loop3A_368, %parallel_loop3A_369] {strides = array<i32>} : memref<3x40x128xf32, #tpu.memory_space<vmem>>, vector<1x1x16xf32>,
        %parallel_loop3A_371 = vector.shape_cast %parallel_loop3A_370 : vector<1x1x16xf32> to vector<16xf32>
        %parallel_loop3A_372 = arith.addf %parallel_loop3A_366, %parallel_loop3A_371 : vector<16xf32>
        %parallel_loop3A_373 = arith.constant 0.000000e+00 : f32
        %parallel_loop3A_374 = vector.broadcast %parallel_loop3A_373 : f32 to vector<16xf32>
        %parallel_loop3A_375 = arith.maximumf %parallel_loop3A_372, %parallel_loop3A_374 : vector<16xf32>
        %parallel_loop3A_376 = arith.index_cast %rem3A_166 : i32 to index
        %parallel_loop3A_377 = arith.index_cast %parallel_loop3A_221 : i32 to index
        %parallel_loop3A_378 = arith.constant 112 : index
        %parallel_loop3A_379 = tpu.vector_load %arg10[%parallel_loop3A_376, %parallel_loop3A_377, %parallel_loop3A_378] {strides = array<i32>} : memref<3x40x128xf32, #tpu.memory_space<vmem>>, vector<1x1x16xf32>,
        %parallel_loop3A_380 = vector.shape_cast %parallel_loop3A_379 : vector<1x1x16xf32> to vector<16xf32>
        %parallel_loop3A_381 = vector.shape_cast %parallel_loop3A_375 : vector<16xf32> to vector<1x1x16xf32>
        tpu.vector_store %arg10[%parallel_loop3A_376, %parallel_loop3A_377, %parallel_loop3A_378], %parallel_loop3A_381 {strides = array<i32>} : memref<3x40x128xf32, #tpu.memory_space<vmem>>, vector<1x1x16xf32>,
      } {sc.loop_unroll_factor = 2 : i64, sc.parallel_access}
      %dma_start3A_202 = arith.constant 0 : i32
      %dma_start3A_203 = arith.constant 0 : i32
      %dma_start3A_204 = tpu.memref_slice %arg10[%rem3A_166, %dma_start3A_202, %dma_start3A_203] : memref<3x40x128xf32, #tpu.memory_space<vmem>> -> memref<1x40x128xf32, #tpu.memory_space<vmem>>
      %dma_start3A_205 = tpu.memref_squeeze %dma_start3A_204 : memref<1x40x128xf32, #tpu.memory_space<vmem>> -> memref<40x128xf32, #tpu.memory_space<vmem>>
      %dma_start3A_206 = arith.constant 0 : i32
      %dma_start3A_207 = tpu.memref_slice %arg8[%rem3A_166, %dma_start3A_206] : memref<3x40xi32, #tpu.memory_space<vmem>> -> memref<1x40xi32, #tpu.memory_space<vmem>>
      %dma_start3A_208 = tpu.memref_squeeze %dma_start3A_207 : memref<1x40xi32, #tpu.memory_space<vmem>> -> memref<40xi32, #tpu.memory_space<vmem>>
      %dma_start3A_209 = arith.constant 0 : i32
      %dma_start3A_210 = arith.constant 0 : i32
      %dma_start3A_211 = tpu.memref_slice %arg15[%dma_start3A_209, %dma_start3A_210] : memref<10000x128xf32, #tpu.memory_space<vmem_shared>> -> memref<10000x128xf32, #tpu.memory_space<vmem_shared>>
      %dma_start3A_212 = tpu.memref_slice %arg14[%rem3A_166] : memref<3x!tpu.dma_semaphore, #tpu.memory_space<semaphore_mem>> -> memref<1x!tpu.dma_semaphore, #tpu.memory_space<semaphore_mem>>
      %dma_start3A_213 = tpu.memref_squeeze %dma_start3A_212 : memref<1x!tpu.dma_semaphore, #tpu.memory_space<semaphore_mem>> -> memref<!tpu.dma_semaphore, #tpu.memory_space<semaphore_mem>>
      tpu.enqueue_indirect_dma source(%dma_start3A_205 : memref<40x128xf32, #tpu.memory_space<vmem>>) target(%dma_start3A_211 : memref<10000x128xf32, #tpu.memory_space<vmem_shared>>) offsets(%dma_start3A_208 : memref<40xi32, #tpu.memory_space<vmem>>) semaphore(%dma_start3A_213 : memref<!tpu.dma_semaphore, #tpu.memory_space<semaphore_mem>>) {add = true}
      %add3A_214 = arith.constant 2 : i32
      %add3A_215 = arith.addi %scan3A_164, %add3A_214 : i32
      %lt3A = arith.constant 250 : i32
      %lt3A_216 = arith.cmpi slt, %add3A_215, %lt3A : i32
      %convert_element_type3A_217 = arith.extui %lt3A_216 : i1 to i32
      %cond3A_218 = arith.constant 0 : i32
      %cond3A_219 = arith.cmpi ne, %convert_element_type3A_217, %cond3A_218 : i32
      scf.if %cond3A_219 {
        %ge3A = arith.constant 1 : i32
        %ge3A_221 = arith.cmpi sge, %scan3A_164, %ge3A : i32
        %convert_element_type3A_222 = arith.extui %ge3A_221 : i1 to i32
        %cond3A_223 = arith.constant 0 : i32
        %cond3A_224 = arith.cmpi ne, %convert_element_type3A_222, %cond3A_223 : i32
        scf.if %cond3A_224 {
          %dma_wait3A_256 = arith.constant 0 : i32
          %dma_wait3A_257 = arith.constant 0 : i32
          %dma_wait3A_258 = tpu.memref_slice %arg10[%rem3A_170, %dma_wait3A_256, %dma_wait3A_257] : memref<3x40x128xf32, #tpu.memory_space<vmem>> -> memref<1x40x128xf32, #tpu.memory_space<vmem>>
          %dma_wait3A_259 = tpu.memref_squeeze %dma_wait3A_258 : memref<1x40x128xf32, #tpu.memory_space<vmem>> -> memref<40x128xf32, #tpu.memory_space<vmem>>
          %dma_wait3A_260 = arith.constant 0 : i32
          %dma_wait3A_261 = tpu.memref_slice %arg8[%rem3A_170, %dma_wait3A_260] : memref<3x40xi32, #tpu.memory_space<vmem>> -> memref<1x40xi32, #tpu.memory_space<vmem>>
          %dma_wait3A_262 = tpu.memref_squeeze %dma_wait3A_261 : memref<1x40xi32, #tpu.memory_space<vmem>> -> memref<40xi32, #tpu.memory_space<vmem>>
          %dma_wait3A_263 = arith.constant 0 : i32
          %dma_wait3A_264 = arith.constant 0 : i32
          %dma_wait3A_265 = tpu.memref_slice %arg15[%dma_wait3A_263, %dma_wait3A_264] : memref<10000x128xf32, #tpu.memory_space<vmem_shared>> -> memref<10000x128xf32, #tpu.memory_space<vmem_shared>>
          %dma_wait3A_266 = tpu.memref_slice %arg14[%rem3A_170] : memref<3x!tpu.dma_semaphore, #tpu.memory_space<semaphore_mem>> -> memref<1x!tpu.dma_semaphore, #tpu.memory_space<semaphore_mem>>
          %dma_wait3A_267 = tpu.memref_squeeze %dma_wait3A_266 : memref<1x!tpu.dma_semaphore, #tpu.memory_space<semaphore_mem>> -> memref<!tpu.dma_semaphore, #tpu.memory_space<semaphore_mem>>
          tpu.wait_indirect_dma semaphore(%dma_wait3A_267 : memref<!tpu.dma_semaphore, #tpu.memory_space<semaphore_mem>>) src(%dma_wait3A_259 : memref<40x128xf32, #tpu.memory_space<vmem>>) dst(%dma_wait3A_265 : memref<10000x128xf32, #tpu.memory_space<vmem_shared>>)
        } else {
        }
        %add3A_225 = arith.constant 2 : i32
        %add3A_226 = arith.addi %scan3A_164, %add3A_225 : i32
        %mul3A_227 = arith.constant 40 : i32
        %mul3A_228 = arith.muli %add3A_226, %mul3A_227 : i32
        %add3A_229 = arith.addi %mul3A_2, %mul3A_228 : i32
        "tpu.region"() ({
          %run_scoped3A_256 = tpu.sem_alloc : memref<!tpu.dma_semaphore, #tpu.memory_space<semaphore_mem>>
          %dma_start3A_257 = arith.constant 0 : i32
          %dma_start3A_258 = tpu.memref_slice %arg7[%rem3A_170, %dma_start3A_257] : memref<3x40xi32, #tpu.memory_space<vmem>> -> memref<1x40xi32, #tpu.memory_space<vmem>>
          %dma_start3A_259 = tpu.memref_squeeze %dma_start3A_258 : memref<1x40xi32, #tpu.memory_space<vmem>> -> memref<40xi32, #tpu.memory_space<vmem>>
          %dma_start3A_260 = tpu.memref_slice %arg4[%add3A_229] : memref<320000xi32, #tpu.memory_space<hbm>> -> memref<40xi32, #tpu.memory_space<hbm>>
          %dma_start3A_261 = arith.constant 0 : i32
          %dma_start3A_262 = tpu.memref_slice %arg7[%rem3A_170, %dma_start3A_261] : memref<3x40xi32, #tpu.memory_space<vmem>> -> memref<1x40xi32, #tpu.memory_space<vmem>>
          %dma_start3A_263 = tpu.memref_squeeze %dma_start3A_262 : memref<1x40xi32, #tpu.memory_space<vmem>> -> memref<40xi32, #tpu.memory_space<vmem>>
          %dma_start3A_264 = tpu.memref_slice %arg4[%add3A_229] : memref<320000xi32, #tpu.memory_space<hbm>> -> memref<40xi32, #tpu.memory_space<hbm>>
          tpu.enqueue_dma source(%dma_start3A_264 : memref<40xi32, #tpu.memory_space<hbm>>) target(%dma_start3A_263 : memref<40xi32, #tpu.memory_space<vmem>>) target_semaphore(%run_scoped3A_256 : memref<!tpu.dma_semaphore, #tpu.memory_space<semaphore_mem>>)
          %dma_wait3A_265 = arith.constant 0 : i32
          %dma_wait3A_266 = tpu.memref_slice %arg7[%rem3A_170, %dma_wait3A_265] : memref<3x40xi32, #tpu.memory_space<vmem>> -> memref<1x40xi32, #tpu.memory_space<vmem>>
          %dma_wait3A_267 = tpu.memref_squeeze %dma_wait3A_266 : memref<1x40xi32, #tpu.memory_space<vmem>> -> memref<40xi32, #tpu.memory_space<vmem>>
          %dma_wait3A_268 = tpu.memref_slice %arg4[%add3A_229] : memref<320000xi32, #tpu.memory_space<hbm>> -> memref<40xi32, #tpu.memory_space<hbm>>
          %dma_wait3A_269 = arith.constant 0 : i32
          %dma_wait3A_270 = tpu.memref_slice %arg7[%rem3A_170, %dma_wait3A_269] : memref<3x40xi32, #tpu.memory_space<vmem>> -> memref<1x40xi32, #tpu.memory_space<vmem>>
          %dma_wait3A_271 = tpu.memref_squeeze %dma_wait3A_270 : memref<1x40xi32, #tpu.memory_space<vmem>> -> memref<40xi32, #tpu.memory_space<vmem>>
          %dma_wait3A_272 = tpu.memref_slice %arg4[%add3A_229] : memref<320000xi32, #tpu.memory_space<hbm>> -> memref<40xi32, #tpu.memory_space<hbm>>
          tpu.wait_dma2 semaphore(%run_scoped3A_256 : memref<!tpu.dma_semaphore, #tpu.memory_space<semaphore_mem>>) src(%dma_wait3A_272 : memref<40xi32, #tpu.memory_space<hbm>>) dst(%dma_wait3A_271 : memref<40xi32, #tpu.memory_space<vmem>>)
          tpu.yield
        }) : () -> ()
        "tpu.region"() ({
          %run_scoped3A_256 = tpu.sem_alloc : memref<!tpu.dma_semaphore, #tpu.memory_space<semaphore_mem>>
          %dma_start3A_257 = arith.constant 0 : i32
          %dma_start3A_258 = tpu.memref_slice %arg8[%rem3A_170, %dma_start3A_257] : memref<3x40xi32, #tpu.memory_space<vmem>> -> memref<1x40xi32, #tpu.memory_space<vmem>>
          %dma_start3A_259 = tpu.memref_squeeze %dma_start3A_258 : memref<1x40xi32, #tpu.memory_space<vmem>> -> memref<40xi32, #tpu.memory_space<vmem>>
          %dma_start3A_260 = tpu.memref_slice %arg5[%add3A_229] : memref<320000xi32, #tpu.memory_space<hbm>> -> memref<40xi32, #tpu.memory_space<hbm>>
          %dma_start3A_261 = arith.constant 0 : i32
          %dma_start3A_262 = tpu.memref_slice %arg8[%rem3A_170, %dma_start3A_261] : memref<3x40xi32, #tpu.memory_space<vmem>> -> memref<1x40xi32, #tpu.memory_space<vmem>>
          %dma_start3A_263 = tpu.memref_squeeze %dma_start3A_262 : memref<1x40xi32, #tpu.memory_space<vmem>> -> memref<40xi32, #tpu.memory_space<vmem>>
          %dma_start3A_264 = tpu.memref_slice %arg5[%add3A_229] : memref<320000xi32, #tpu.memory_space<hbm>> -> memref<40xi32, #tpu.memory_space<hbm>>
          tpu.enqueue_dma source(%dma_start3A_264 : memref<40xi32, #tpu.memory_space<hbm>>) target(%dma_start3A_263 : memref<40xi32, #tpu.memory_space<vmem>>) target_semaphore(%run_scoped3A_256 : memref<!tpu.dma_semaphore, #tpu.memory_space<semaphore_mem>>)
          %dma_wait3A_265 = arith.constant 0 : i32
          %dma_wait3A_266 = tpu.memref_slice %arg8[%rem3A_170, %dma_wait3A_265] : memref<3x40xi32, #tpu.memory_space<vmem>> -> memref<1x40xi32, #tpu.memory_space<vmem>>
          %dma_wait3A_267 = tpu.memref_squeeze %dma_wait3A_266 : memref<1x40xi32, #tpu.memory_space<vmem>> -> memref<40xi32, #tpu.memory_space<vmem>>
          %dma_wait3A_268 = tpu.memref_slice %arg5[%add3A_229] : memref<320000xi32, #tpu.memory_space<hbm>> -> memref<40xi32, #tpu.memory_space<hbm>>
          %dma_wait3A_269 = arith.constant 0 : i32
          %dma_wait3A_270 = tpu.memref_slice %arg8[%rem3A_170, %dma_wait3A_269] : memref<3x40xi32, #tpu.memory_space<vmem>> -> memref<1x40xi32, #tpu.memory_space<vmem>>
          %dma_wait3A_271 = tpu.memref_squeeze %dma_wait3A_270 : memref<1x40xi32, #tpu.memory_space<vmem>> -> memref<40xi32, #tpu.memory_space<vmem>>
          %dma_wait3A_272 = tpu.memref_slice %arg5[%add3A_229] : memref<320000xi32, #tpu.memory_space<hbm>> -> memref<40xi32, #tpu.memory_space<hbm>>
          tpu.wait_dma2 semaphore(%run_scoped3A_256 : memref<!tpu.dma_semaphore, #tpu.memory_space<semaphore_mem>>) src(%dma_wait3A_272 : memref<40xi32, #tpu.memory_space<hbm>>) dst(%dma_wait3A_271 : memref<40xi32, #tpu.memory_space<vmem>>)
          tpu.yield
        }) : () -> ()
        %dma_start3A_230 = arith.constant 0 : i32
        %dma_start3A_231 = arith.constant 0 : i32
        %dma_start3A_232 = tpu.memref_slice %arg9[%rem3A_170, %dma_start3A_230, %dma_start3A_231] : memref<3x40x128xf32, #tpu.memory_space<vmem>> -> memref<1x40x128xf32, #tpu.memory_space<vmem>>
        %dma_start3A_233 = tpu.memref_squeeze %dma_start3A_232 : memref<1x40x128xf32, #tpu.memory_space<vmem>> -> memref<40x128xf32, #tpu.memory_space<vmem>>
        %dma_start3A_234 = arith.constant 0 : i32
        %dma_start3A_235 = tpu.memref_slice %arg3[%add3A_229, %dma_start3A_234] : memref<320000x128xf32, #tpu.memory_space<hbm>> -> memref<40x128xf32, #tpu.memory_space<hbm>>
        %dma_start3A_236 = tpu.memref_slice %arg12[%rem3A_170] : memref<3x!tpu.dma_semaphore, #tpu.memory_space<semaphore_mem>> -> memref<1x!tpu.dma_semaphore, #tpu.memory_space<semaphore_mem>>
        %dma_start3A_237 = tpu.memref_squeeze %dma_start3A_236 : memref<1x!tpu.dma_semaphore, #tpu.memory_space<semaphore_mem>> -> memref<!tpu.dma_semaphore, #tpu.memory_space<semaphore_mem>>
        %dma_start3A_238 = arith.constant 0 : i32
        %dma_start3A_239 = arith.constant 0 : i32
        %dma_start3A_240 = tpu.memref_slice %arg9[%rem3A_170, %dma_start3A_238, %dma_start3A_239] : memref<3x40x128xf32, #tpu.memory_space<vmem>> -> memref<1x40x128xf32, #tpu.memory_space<vmem>>
        %dma_start3A_241 = tpu.memref_squeeze %dma_start3A_240 : memref<1x40x128xf32, #tpu.memory_space<vmem>> -> memref<40x128xf32, #tpu.memory_space<vmem>>
        %dma_start3A_242 = arith.constant 0 : i32
        %dma_start3A_243 = tpu.memref_slice %arg3[%add3A_229, %dma_start3A_242] : memref<320000x128xf32, #tpu.memory_space<hbm>> -> memref<40x128xf32, #tpu.memory_space<hbm>>
        tpu.enqueue_dma source(%dma_start3A_243 : memref<40x128xf32, #tpu.memory_space<hbm>>) target(%dma_start3A_241 : memref<40x128xf32, #tpu.memory_space<vmem>>) target_semaphore(%dma_start3A_237 : memref<!tpu.dma_semaphore, #tpu.memory_space<semaphore_mem>>)
        %dma_start3A_244 = arith.constant 0 : i32
        %dma_start3A_245 = arith.constant 0 : i32
        %dma_start3A_246 = tpu.memref_slice %arg10[%rem3A_170, %dma_start3A_244, %dma_start3A_245] : memref<3x40x128xf32, #tpu.memory_space<vmem>> -> memref<1x40x128xf32, #tpu.memory_space<vmem>>
        %dma_start3A_247 = tpu.memref_squeeze %dma_start3A_246 : memref<1x40x128xf32, #tpu.memory_space<vmem>> -> memref<40x128xf32, #tpu.memory_space<vmem>>
        %dma_start3A_248 = arith.constant 0 : i32
        %dma_start3A_249 = tpu.memref_slice %arg7[%rem3A_170, %dma_start3A_248] : memref<3x40xi32, #tpu.memory_space<vmem>> -> memref<1x40xi32, #tpu.memory_space<vmem>>
        %dma_start3A_250 = tpu.memref_squeeze %dma_start3A_249 : memref<1x40xi32, #tpu.memory_space<vmem>> -> memref<40xi32, #tpu.memory_space<vmem>>
        %dma_start3A_251 = arith.constant 0 : i32
        %dma_start3A_252 = arith.constant 0 : i32
        %dma_start3A_253 = tpu.memref_slice %arg2[%dma_start3A_251, %dma_start3A_252] : memref<10000x128xf32, #tpu.memory_space<hbm>> -> memref<10000x128xf32, #tpu.memory_space<hbm>>
        %dma_start3A_254 = tpu.memref_slice %arg13[%rem3A_170] : memref<3x!tpu.dma_semaphore, #tpu.memory_space<semaphore_mem>> -> memref<1x!tpu.dma_semaphore, #tpu.memory_space<semaphore_mem>>
        %dma_start3A_255 = tpu.memref_squeeze %dma_start3A_254 : memref<1x!tpu.dma_semaphore, #tpu.memory_space<semaphore_mem>> -> memref<!tpu.dma_semaphore, #tpu.memory_space<semaphore_mem>>
        tpu.enqueue_indirect_dma source(%dma_start3A_253 : memref<10000x128xf32, #tpu.memory_space<hbm>>) target(%dma_start3A_247 : memref<40x128xf32, #tpu.memory_space<vmem>>) offsets(%dma_start3A_250 : memref<40xi32, #tpu.memory_space<vmem>>) semaphore(%dma_start3A_255 : memref<!tpu.dma_semaphore, #tpu.memory_space<semaphore_mem>>)
      } else {
      }
      %scan3A_220 = arith.constant 0 : i32
      scf.yield %scan3A_220 : i32
    }
    %scan3A_109 = arith.constant 250 : i32
    %dma_wait3A = arith.constant 1 : i32
    %dma_wait3A_110 = arith.constant 1 : i32
    %dma_wait3A_111 = arith.constant 1 : i32
    %dma_wait3A_112 = arith.constant 0 : i32
    %dma_wait3A_113 = arith.constant 0 : i32
    %dma_wait3A_114 = tpu.memref_slice %arg10[%dma_wait3A, %dma_wait3A_112, %dma_wait3A_113] : memref<3x40x128xf32, #tpu.memory_space<vmem>> -> memref<1x40x128xf32, #tpu.memory_space<vmem>>
    %dma_wait3A_115 = tpu.memref_squeeze %dma_wait3A_114 : memref<1x40x128xf32, #tpu.memory_space<vmem>> -> memref<40x128xf32, #tpu.memory_space<vmem>>
    %dma_wait3A_116 = arith.constant 0 : i32
    %dma_wait3A_117 = tpu.memref_slice %arg8[%dma_wait3A_110, %dma_wait3A_116] : memref<3x40xi32, #tpu.memory_space<vmem>> -> memref<1x40xi32, #tpu.memory_space<vmem>>
    %dma_wait3A_118 = tpu.memref_squeeze %dma_wait3A_117 : memref<1x40xi32, #tpu.memory_space<vmem>> -> memref<40xi32, #tpu.memory_space<vmem>>
    %dma_wait3A_119 = arith.constant 0 : i32
    %dma_wait3A_120 = arith.constant 0 : i32
    %dma_wait3A_121 = tpu.memref_slice %arg15[%dma_wait3A_119, %dma_wait3A_120] : memref<10000x128xf32, #tpu.memory_space<vmem_shared>> -> memref<10000x128xf32, #tpu.memory_space<vmem_shared>>
    %dma_wait3A_122 = tpu.memref_slice %arg14[%dma_wait3A_111] : memref<3x!tpu.dma_semaphore, #tpu.memory_space<semaphore_mem>> -> memref<1x!tpu.dma_semaphore, #tpu.memory_space<semaphore_mem>>
    %dma_wait3A_123 = tpu.memref_squeeze %dma_wait3A_122 : memref<1x!tpu.dma_semaphore, #tpu.memory_space<semaphore_mem>> -> memref<!tpu.dma_semaphore, #tpu.memory_space<semaphore_mem>>
    tpu.wait_indirect_dma semaphore(%dma_wait3A_123 : memref<!tpu.dma_semaphore, #tpu.memory_space<semaphore_mem>>) src(%dma_wait3A_115 : memref<40x128xf32, #tpu.memory_space<vmem>>) dst(%dma_wait3A_121 : memref<10000x128xf32, #tpu.memory_space<vmem_shared>>)
    %dma_wait3A_124 = arith.constant 2 : i32
    %dma_wait3A_125 = arith.constant 2 : i32
    %dma_wait3A_126 = arith.constant 2 : i32
    %dma_wait3A_127 = arith.constant 0 : i32
    %dma_wait3A_128 = arith.constant 0 : i32
    %dma_wait3A_129 = tpu.memref_slice %arg10[%dma_wait3A_124, %dma_wait3A_127, %dma_wait3A_128] : memref<3x40x128xf32, #tpu.memory_space<vmem>> -> memref<1x40x128xf32, #tpu.memory_space<vmem>>
    %dma_wait3A_130 = tpu.memref_squeeze %dma_wait3A_129 : memref<1x40x128xf32, #tpu.memory_space<vmem>> -> memref<40x128xf32, #tpu.memory_space<vmem>>
    %dma_wait3A_131 = arith.constant 0 : i32
    %dma_wait3A_132 = tpu.memref_slice %arg8[%dma_wait3A_125, %dma_wait3A_131] : memref<3x40xi32, #tpu.memory_space<vmem>> -> memref<1x40xi32, #tpu.memory_space<vmem>>
    %dma_wait3A_133 = tpu.memref_squeeze %dma_wait3A_132 : memref<1x40xi32, #tpu.memory_space<vmem>> -> memref<40xi32, #tpu.memory_space<vmem>>
    %dma_wait3A_134 = arith.constant 0 : i32
    %dma_wait3A_135 = arith.constant 0 : i32
    %dma_wait3A_136 = tpu.memref_slice %arg15[%dma_wait3A_134, %dma_wait3A_135] : memref<10000x128xf32, #tpu.memory_space<vmem_shared>> -> memref<10000x128xf32, #tpu.memory_space<vmem_shared>>
    %dma_wait3A_137 = tpu.memref_slice %arg14[%dma_wait3A_126] : memref<3x!tpu.dma_semaphore, #tpu.memory_space<semaphore_mem>> -> memref<1x!tpu.dma_semaphore, #tpu.memory_space<semaphore_mem>>
    %dma_wait3A_138 = tpu.memref_squeeze %dma_wait3A_137 : memref<1x!tpu.dma_semaphore, #tpu.memory_space<semaphore_mem>> -> memref<!tpu.dma_semaphore, #tpu.memory_space<semaphore_mem>>
    tpu.wait_indirect_dma semaphore(%dma_wait3A_138 : memref<!tpu.dma_semaphore, #tpu.memory_space<semaphore_mem>>) src(%dma_wait3A_130 : memref<40x128xf32, #tpu.memory_space<vmem>>) dst(%dma_wait3A_136 : memref<10000x128xf32, #tpu.memory_space<vmem_shared>>)
    %dma_wait3A_139 = arith.constant 0 : i32
    %dma_wait3A_140 = arith.constant 0 : i32
    %dma_wait3A_141 = arith.constant 0 : i32
    %dma_wait3A_142 = arith.constant 0 : i32
    %dma_wait3A_143 = arith.constant 0 : i32
    %dma_wait3A_144 = tpu.memref_slice %arg10[%dma_wait3A_139, %dma_wait3A_142, %dma_wait3A_143] : memref<3x40x128xf32, #tpu.memory_space<vmem>> -> memref<1x40x128xf32, #tpu.memory_space<vmem>>
    %dma_wait3A_145 = tpu.memref_squeeze %dma_wait3A_144 : memref<1x40x128xf32, #tpu.memory_space<vmem>> -> memref<40x128xf32, #tpu.memory_space<vmem>>
    %dma_wait3A_146 = arith.constant 0 : i32
    %dma_wait3A_147 = tpu.memref_slice %arg8[%dma_wait3A_140, %dma_wait3A_146] : memref<3x40xi32, #tpu.memory_space<vmem>> -> memref<1x40xi32, #tpu.memory_space<vmem>>
    %dma_wait3A_148 = tpu.memref_squeeze %dma_wait3A_147 : memref<1x40xi32, #tpu.memory_space<vmem>> -> memref<40xi32, #tpu.memory_space<vmem>>
    %dma_wait3A_149 = arith.constant 0 : i32
    %dma_wait3A_150 = arith.constant 0 : i32
    %dma_wait3A_151 = tpu.memref_slice %arg15[%dma_wait3A_149, %dma_wait3A_150] : memref<10000x128xf32, #tpu.memory_space<vmem_shared>> -> memref<10000x128xf32, #tpu.memory_space<vmem_shared>>
    %dma_wait3A_152 = tpu.memref_slice %arg14[%dma_wait3A_141] : memref<3x!tpu.dma_semaphore, #tpu.memory_space<semaphore_mem>> -> memref<1x!tpu.dma_semaphore, #tpu.memory_space<semaphore_mem>>
    %dma_wait3A_153 = tpu.memref_squeeze %dma_wait3A_152 : memref<1x!tpu.dma_semaphore, #tpu.memory_space<semaphore_mem>> -> memref<!tpu.dma_semaphore, #tpu.memory_space<semaphore_mem>>
    tpu.wait_indirect_dma semaphore(%dma_wait3A_153 : memref<!tpu.dma_semaphore, #tpu.memory_space<semaphore_mem>>) src(%dma_wait3A_145 : memref<40x128xf32, #tpu.memory_space<vmem>>) dst(%dma_wait3A_151 : memref<10000x128xf32, #tpu.memory_space<vmem_shared>>)
    %barrier3A_154 = arith.constant 0 : index
    tpu.barrier barrier_id(%barrier3A_154)
    %mul3A_155 = arith.constant 624 : i32
    %mul3A_156 = arith.muli %arg1, %mul3A_155 : i32
    %mul3A_157 = arith.constant 624 : i32
    %mul3A_158 = arith.muli %arg1, %mul3A_157 : i32
    "tpu.region"() ({
      %run_scoped3A_164 = tpu.sem_alloc : memref<!tpu.dma_semaphore, #tpu.memory_space<semaphore_mem>>
      %dma_start3A_165 = arith.constant 0 : i32
      %dma_start3A_166 = tpu.memref_slice %arg6[%arg0, %mul3A_158, %dma_start3A_165] : memref<2x10000x128xf32, #tpu.memory_space<hbm>> -> memref<1x624x128xf32, #tpu.memory_space<hbm>>
      %dma_start3A_167 = tpu.memref_squeeze %dma_start3A_166 : memref<1x624x128xf32, #tpu.memory_space<hbm>> -> memref<624x128xf32, #tpu.memory_space<hbm>>
      %dma_start3A_168 = arith.constant 0 : i32
      %dma_start3A_169 = tpu.memref_slice %arg15[%mul3A_156, %dma_start3A_168] : memref<10000x128xf32, #tpu.memory_space<vmem_shared>> -> memref<624x128xf32, #tpu.memory_space<vmem_shared>>
      tpu.enqueue_dma source(%dma_start3A_169 : memref<624x128xf32, #tpu.memory_space<vmem_shared>>) target(%dma_start3A_167 : memref<624x128xf32, #tpu.memory_space<hbm>>) target_semaphore(%run_scoped3A_164 : memref<!tpu.dma_semaphore, #tpu.memory_space<semaphore_mem>>)
      %dma_wait3A_170 = arith.constant 0 : i32
      %dma_wait3A_171 = tpu.memref_slice %arg6[%arg0, %mul3A_158, %dma_wait3A_170] : memref<2x10000x128xf32, #tpu.memory_space<hbm>> -> memref<1x624x128xf32, #tpu.memory_space<hbm>>
      %dma_wait3A_172 = tpu.memref_squeeze %dma_wait3A_171 : memref<1x624x128xf32, #tpu.memory_space<hbm>> -> memref<624x128xf32, #tpu.memory_space<hbm>>
      %dma_wait3A_173 = arith.constant 0 : i32
      %dma_wait3A_174 = tpu.memref_slice %arg15[%mul3A_156, %dma_wait3A_173] : memref<10000x128xf32, #tpu.memory_space<vmem_shared>> -> memref<624x128xf32, #tpu.memory_space<vmem_shared>>
      tpu.wait_dma2 semaphore(%run_scoped3A_164 : memref<!tpu.dma_semaphore, #tpu.memory_space<semaphore_mem>>) src(%dma_wait3A_174 : memref<624x128xf32, #tpu.memory_space<vmem_shared>>) dst(%dma_wait3A_172 : memref<624x128xf32, #tpu.memory_space<hbm>>)
      tpu.yield
    }) : () -> ()
    %eq3A_159 = arith.constant 15 : i32
    %eq3A_160 = arith.cmpi eq, %arg1, %eq3A_159 : i32
    %convert_element_type3A_161 = arith.extui %eq3A_160 : i1 to i32
    %cond3A_162 = arith.constant 0 : i32
    %cond3A_163 = arith.cmpi ne, %convert_element_type3A_161, %cond3A_162 : i32
    scf.if %cond3A_163 {
      "tpu.region"() ({
        %run_scoped3A_164 = tpu.sem_alloc : memref<!tpu.dma_semaphore, #tpu.memory_space<semaphore_mem>>
        %dma_start3A_165 = arith.constant 9984 : i32
        %dma_start3A_166 = arith.constant 0 : i32
        %dma_start3A_167 = tpu.memref_slice %arg6[%arg0, %dma_start3A_165, %dma_start3A_166] : memref<2x10000x128xf32, #tpu.memory_space<hbm>> -> memref<1x16x128xf32, #tpu.memory_space<hbm>>
        %dma_start3A_168 = tpu.memref_squeeze %dma_start3A_167 : memref<1x16x128xf32, #tpu.memory_space<hbm>> -> memref<16x128xf32, #tpu.memory_space<hbm>>
        %dma_start3A_169 = arith.constant 9984 : i32
        %dma_start3A_170 = arith.constant 0 : i32
        %dma_start3A_171 = tpu.memref_slice %arg15[%dma_start3A_169, %dma_start3A_170] : memref<10000x128xf32, #tpu.memory_space<vmem_shared>> -> memref<16x128xf32, #tpu.memory_space<vmem_shared>>
        tpu.enqueue_dma source(%dma_start3A_171 : memref<16x128xf32, #tpu.memory_space<vmem_shared>>) target(%dma_start3A_168 : memref<16x128xf32, #tpu.memory_space<hbm>>) target_semaphore(%run_scoped3A_164 : memref<!tpu.dma_semaphore, #tpu.memory_space<semaphore_mem>>)
        %dma_wait3A_172 = arith.constant 9984 : i32
        %dma_wait3A_173 = arith.constant 0 : i32
        %dma_wait3A_174 = tpu.memref_slice %arg6[%arg0, %dma_wait3A_172, %dma_wait3A_173] : memref<2x10000x128xf32, #tpu.memory_space<hbm>> -> memref<1x16x128xf32, #tpu.memory_space<hbm>>
        %dma_wait3A_175 = tpu.memref_squeeze %dma_wait3A_174 : memref<1x16x128xf32, #tpu.memory_space<hbm>> -> memref<16x128xf32, #tpu.memory_space<hbm>>
        %dma_wait3A_176 = arith.constant 9984 : i32
        %dma_wait3A_177 = arith.constant 0 : i32
        %dma_wait3A_178 = tpu.memref_slice %arg15[%dma_wait3A_176, %dma_wait3A_177] : memref<10000x128xf32, #tpu.memory_space<vmem_shared>> -> memref<16x128xf32, #tpu.memory_space<vmem_shared>>
        tpu.wait_dma2 semaphore(%run_scoped3A_164 : memref<!tpu.dma_semaphore, #tpu.memory_space<semaphore_mem>>) src(%dma_wait3A_178 : memref<16x128xf32, #tpu.memory_space<vmem_shared>>) dst(%dma_wait3A_175 : memref<16x128xf32, #tpu.memory_space<hbm>>)
        tpu.yield
      }) : () -> ()
    } else {
    }
    return
  }
}

module attributes {stable_mosaic.version = 14 : i64} {
  func.func @_mm_body(%arg0: i32, %arg1: memref<4000x12xf32, #tpu.memory_space<vmem>>, %arg2: memref<12x128xf32, #tpu.memory_space<vmem>>, %arg3: memref<4000x128xf32, #tpu.memory_space<vmem>>) attributes {dimension_semantics = [#tpu.dimension_semantics<arbitrary>], iteration_bounds = array<i64: 80>, scalar_prefetch = 0 : i64, scratch_operands = 0 : i64, tpu.core_type = #tpu.core_type<tc>, window_params = [{transform_indices = @transform_0, window_bounds = array<i64: 4000, 12>}, {pipeline_mode = #tpu.pipeline_mode<synchronous>, transform_indices = @transform_1, window_bounds = array<i64: 12, 128>}, {transform_indices = @transform_2, window_bounds = array<i64: 4000, 128>}]} {
    %get3A = arith.constant 0 : index
    %get3A_0 = arith.constant 0 : index
    %get3A_1 = vector.load %arg1[%get3A, %get3A_0] : memref<4000x12xf32, #tpu.memory_space<vmem>>, vector<4000x12xf32>
    %get3A_2 = arith.constant 0 : index
    %get3A_3 = arith.constant 0 : index
    %get3A_4 = vector.load %arg2[%get3A_2, %get3A_3] : memref<12x128xf32, #tpu.memory_space<vmem>>, vector<12x128xf32>
    %dot_general3A = arith.constant dense<0.000000e+00> : vector<4000x128xf32>
    %dot_general3A_5 = tpu.matmul %get3A_1, %get3A_4, %dot_general3A {dimension_numbers = #tpu.dot_dimension_numbers<[1], [0], [0], [1], [0, 0, 1, 1], [], []>, transpose_lhs_hint = false} : vector<4000x12xf32>, vector<12x128xf32>, vector<4000x128xf32> -> vector<4000x128xf32>
    %swap3A = arith.constant 0 : index
    %swap3A_6 = arith.constant 0 : index
    %swap3A_7 = vector.load %arg3[%swap3A, %swap3A_6] : memref<4000x128xf32, #tpu.memory_space<vmem>>, vector<4000x128xf32>
    tpu.vector_store %arg3[%swap3A, %swap3A_6], %dot_general3A_5 {strides = array<i32>} : memref<4000x128xf32, #tpu.memory_space<vmem>>, vector<4000x128xf32>,
    return
  }
  func.func @transform_0(%arg0: i32) -> (i32, i32) {
    %c0_i32 = arith.constant 0 : i32
    %c0_i32_0 = arith.constant 0 : i32
    return %arg0, %c0_i32 : i32, i32
  }
  func.func @transform_1(%arg0: i32) -> (i32, i32) {
    %c0_i32 = arith.constant 0 : i32
    %c0_i32_0 = arith.constant 0 : i32
    %c0_i32_1 = arith.constant 0 : i32
    return %c0_i32, %c0_i32_0 : i32, i32
  }
  func.func @transform_2(%arg0: i32) -> (i32, i32) {
    %c0_i32 = arith.constant 0 : i32
    %c0_i32_0 = arith.constant 0 : i32
    return %arg0, %c0_i32 : i32, i32
  }
}

module attributes {stable_mosaic.version = 14 : i64} {
  func.func @_mm_body(%arg0: i32, %arg1: memref<1000x74xf32, #tpu.memory_space<vmem>>, %arg2: memref<74x128xf32, #tpu.memory_space<vmem>>, %arg3: memref<1000x128xf32, #tpu.memory_space<vmem>>) attributes {dimension_semantics = [#tpu.dimension_semantics<arbitrary>], iteration_bounds = array<i64: 10>, scalar_prefetch = 0 : i64, scratch_operands = 0 : i64, tpu.core_type = #tpu.core_type<tc>, window_params = [{transform_indices = @transform_0, window_bounds = array<i64: 1000, 74>}, {pipeline_mode = #tpu.pipeline_mode<synchronous>, transform_indices = @transform_1, window_bounds = array<i64: 74, 128>}, {transform_indices = @transform_2, window_bounds = array<i64: 1000, 128>}]} {
    %get3A = arith.constant 0 : index
    %get3A_0 = arith.constant 0 : index
    %get3A_1 = vector.load %arg1[%get3A, %get3A_0] : memref<1000x74xf32, #tpu.memory_space<vmem>>, vector<1000x74xf32>
    %get3A_2 = arith.constant 0 : index
    %get3A_3 = arith.constant 0 : index
    %get3A_4 = vector.load %arg2[%get3A_2, %get3A_3] : memref<74x128xf32, #tpu.memory_space<vmem>>, vector<74x128xf32>
    %dot_general3A = arith.constant dense<0.000000e+00> : vector<1000x128xf32>
    %dot_general3A_5 = tpu.matmul %get3A_1, %get3A_4, %dot_general3A {dimension_numbers = #tpu.dot_dimension_numbers<[1], [0], [0], [1], [0, 0, 1, 1], [], []>, transpose_lhs_hint = false} : vector<1000x74xf32>, vector<74x128xf32>, vector<1000x128xf32> -> vector<1000x128xf32>
    %swap3A = arith.constant 0 : index
    %swap3A_6 = arith.constant 0 : index
    %swap3A_7 = vector.load %arg3[%swap3A, %swap3A_6] : memref<1000x128xf32, #tpu.memory_space<vmem>>, vector<1000x128xf32>
    tpu.vector_store %arg3[%swap3A, %swap3A_6], %dot_general3A_5 {strides = array<i32>} : memref<1000x128xf32, #tpu.memory_space<vmem>>, vector<1000x128xf32>,
    return
  }
  func.func @transform_0(%arg0: i32) -> (i32, i32) {
    %c0_i32 = arith.constant 0 : i32
    %c0_i32_0 = arith.constant 0 : i32
    return %arg0, %c0_i32 : i32, i32
  }
  func.func @transform_1(%arg0: i32) -> (i32, i32) {
    %c0_i32 = arith.constant 0 : i32
    %c0_i32_0 = arith.constant 0 : i32
    %c0_i32_1 = arith.constant 0 : i32
    return %c0_i32, %c0_i32_0 : i32, i32
  }
  func.func @transform_2(%arg0: i32) -> (i32, i32) {
    %c0_i32 = arith.constant 0 : i32
    %c0_i32_0 = arith.constant 0 : i32
    return %arg0, %c0_i32 : i32, i32
  }
}

module attributes {stable_mosaic.version = 14 : i64} {
  func.func @_upd_body(%arg0: i32, %arg1: memref<1xf32, #tpu.memory_space<smem>>, %arg2: memref<1000x128xf32, #tpu.memory_space<vmem>>, %arg3: memref<1000x128xf32, #tpu.memory_space<vmem>>, %arg4: memref<1000x128xf32, #tpu.memory_space<vmem>>, %arg5: memref<1000x128xf32, #tpu.memory_space<vmem>>, %arg6: memref<128x128xf32, #tpu.memory_space<vmem>>, %arg7: memref<1x128xf32, #tpu.memory_space<vmem>>, %arg8: memref<1000x128xf32, #tpu.memory_space<vmem>>) attributes {dimension_semantics = [#tpu.dimension_semantics<arbitrary>], iteration_bounds = array<i64: 10>, scalar_prefetch = 0 : i64, scratch_operands = 0 : i64, tpu.core_type = #tpu.core_type<tc>, window_params = [{transform_indices = @transform_0, window_bounds = array<i64: 1>}, {transform_indices = @transform_1, window_bounds = array<i64: 1000, 128>}, {transform_indices = @transform_2, window_bounds = array<i64: 1000, 128>}, {transform_indices = @transform_3, window_bounds = array<i64: 1000, 128>}, {transform_indices = @transform_4, window_bounds = array<i64: 1000, 128>}, {pipeline_mode = #tpu.pipeline_mode<synchronous>, transform_indices = @transform_5, window_bounds = array<i64: 128, 128>}, {pipeline_mode = #tpu.pipeline_mode<synchronous>, transform_indices = @transform_6, window_bounds = array<i64: 1, 128>}, {transform_indices = @transform_7, window_bounds = array<i64: 1000, 128>}]} {
    %get3A = arith.constant 0 : index
    %get3A_0 = memref.load %arg1[%get3A] : memref<1xf32, #tpu.memory_space<smem>>
    %get3A_1 = arith.constant 0 : index
    %get3A_2 = arith.constant 0 : index
    %get3A_3 = vector.load %arg2[%get3A_1, %get3A_2] : memref<1000x128xf32, #tpu.memory_space<vmem>>, vector<1000x128xf32>
    %mul3A = vector.broadcast %get3A_0 : f32 to vector<1000x128xf32>
    %mul3A_4 = arith.mulf %mul3A, %get3A_3 : vector<1000x128xf32>
    %get3A_5 = arith.constant 0 : index
    %get3A_6 = arith.constant 0 : index
    %get3A_7 = vector.load %arg3[%get3A_5, %get3A_6] : memref<1000x128xf32, #tpu.memory_space<vmem>>, vector<1000x128xf32>
    %get3A_8 = arith.constant 0 : index
    %get3A_9 = arith.constant 0 : index
    %get3A_10 = vector.load %arg4[%get3A_8, %get3A_9] : memref<1000x128xf32, #tpu.memory_space<vmem>>, vector<1000x128xf32>
    %add3A = arith.addf %get3A_7, %get3A_10 : vector<1000x128xf32>
    %add3A_11 = arith.addf %mul3A_4, %add3A : vector<1000x128xf32>
    %get3A_12 = arith.constant 0 : index
    %get3A_13 = arith.constant 0 : index
    %get3A_14 = vector.load %arg6[%get3A_12, %get3A_13] : memref<128x128xf32, #tpu.memory_space<vmem>>, vector<128x128xf32>
    %dot_general3A = arith.constant dense<0.000000e+00> : vector<1000x128xf32>
    %dot_general3A_15 = tpu.matmul %add3A_11, %get3A_14, %dot_general3A {dimension_numbers = #tpu.dot_dimension_numbers<[1], [0], [0], [1], [0, 0, 1, 1], [], []>, transpose_lhs_hint = false} : vector<1000x128xf32>, vector<128x128xf32>, vector<1000x128xf32> -> vector<1000x128xf32>
    %get3A_16 = arith.constant 0 : index
    %get3A_17 = arith.constant 0 : index
    %get3A_18 = vector.load %arg7[%get3A_16, %get3A_17] : memref<1x128xf32, #tpu.memory_space<vmem>>, vector<1x128xf32>
    %add3A_19 = vector.broadcast %get3A_18 : vector<1x128xf32> to vector<1000x128xf32>
    %add3A_20 = arith.addf %dot_general3A_15, %add3A_19 : vector<1000x128xf32>
    %max3A = arith.constant 0.000000e+00 : f32
    %max3A_21 = vector.broadcast %max3A : f32 to vector<1000x128xf32>
    %max3A_22 = arith.maximumf %add3A_20, %max3A_21 : vector<1000x128xf32>
    %get3A_23 = arith.constant 0 : index
    %get3A_24 = arith.constant 0 : index
    %get3A_25 = vector.load %arg5[%get3A_23, %get3A_24] : memref<1000x128xf32, #tpu.memory_space<vmem>>, vector<1000x128xf32>
    %add3A_26 = arith.addf %max3A_22, %get3A_25 : vector<1000x128xf32>
    %swap3A = arith.constant 0 : index
    %swap3A_27 = arith.constant 0 : index
    %swap3A_28 = vector.load %arg8[%swap3A, %swap3A_27] : memref<1000x128xf32, #tpu.memory_space<vmem>>, vector<1000x128xf32>
    tpu.vector_store %arg8[%swap3A, %swap3A_27], %add3A_26 {strides = array<i32>} : memref<1000x128xf32, #tpu.memory_space<vmem>>, vector<1000x128xf32>,
    return
  }
  func.func @transform_0(%arg0: i32) -> i32 {
    %c0_i32 = arith.constant 0 : i32
    %c0_i32_0 = arith.constant 0 : i32
    return %c0_i32 : i32
  }
  func.func @transform_1(%arg0: i32) -> (i32, i32) {
    %c0_i32 = arith.constant 0 : i32
    %c0_i32_0 = arith.constant 0 : i32
    return %arg0, %c0_i32 : i32, i32
  }
  func.func @transform_2(%arg0: i32) -> (i32, i32) {
    %c0_i32 = arith.constant 0 : i32
    %c0_i32_0 = arith.constant 0 : i32
    return %arg0, %c0_i32 : i32, i32
  }
  func.func @transform_3(%arg0: i32) -> (i32, i32) {
    %c0_i32 = arith.constant 0 : i32
    %c0_i32_0 = arith.constant 0 : i32
    return %arg0, %c0_i32 : i32, i32
  }
  func.func @transform_4(%arg0: i32) -> (i32, i32) {
    %c0_i32 = arith.constant 0 : i32
    %c0_i32_0 = arith.constant 0 : i32
    return %arg0, %c0_i32 : i32, i32
  }
  func.func @transform_5(%arg0: i32) -> (i32, i32) {
    %c0_i32 = arith.constant 0 : i32
    %c0_i32_0 = arith.constant 0 : i32
    %c0_i32_1 = arith.constant 0 : i32
    return %c0_i32, %c0_i32_0 : i32, i32
  }
  func.func @transform_6(%arg0: i32) -> (i32, i32) {
    %c0_i32 = arith.constant 0 : i32
    %c0_i32_0 = arith.constant 0 : i32
    %c0_i32_1 = arith.constant 0 : i32
    return %c0_i32, %c0_i32_0 : i32, i32
  }
  func.func @transform_7(%arg0: i32) -> (i32, i32) {
    %c0_i32 = arith.constant 0 : i32
    %c0_i32_0 = arith.constant 0 : i32
    return %arg0, %c0_i32 : i32, i32
  }
}

module attributes {stable_mosaic.version = 14 : i64} {
  func.func @_pool_body(%arg0: memref<10000x128xf32, #tpu.memory_space<vmem>>, %arg1: memref<1x10000xi32, #tpu.memory_space<vmem>>, %arg2: memref<128x1xf32, #tpu.memory_space<vmem>>, %arg3: memref<1x1xf32, #tpu.memory_space<vmem>>, %arg4: memref<64x1xf32, #tpu.memory_space<vmem>>) attributes {dimension_semantics = [], scalar_prefetch = 0 : i64, scratch_operands = 0 : i64, tpu.core_type = #tpu.core_type<tc>} {
    %get3A = arith.constant 0 : index
    %get3A_0 = arith.constant 0 : index
    %get3A_1 = vector.load %arg1[%get3A, %get3A_0] : memref<1x10000xi32, #tpu.memory_space<vmem>>, vector<1x10000xi32>
    %iota3A = tpu.iota {dimensions = array<i32: 0>} : vector<64x10000xi32>
    %eq3A = vector.broadcast %get3A_1 : vector<1x10000xi32> to vector<64x10000xi32>
    %eq3A_2 = arith.cmpi eq, %iota3A, %eq3A : vector<64x10000xi32>
    %jit3A = arith.constant 1.000000e+00 : f32
    %jit3A_3 = arith.constant 0.000000e+00 : f32
    %broadcast_in_dim3A = vector.broadcast %jit3A : f32 to vector<64x10000xf32>
    %broadcast_in_dim3A_4 = vector.broadcast %jit3A_3 : f32 to vector<64x10000xf32>
    %select_n3A = arith.select %eq3A_2, %broadcast_in_dim3A, %broadcast_in_dim3A_4 : vector<64x10000xi1>, vector<64x10000xf32>
    %get3A_5 = arith.constant 0 : index
    %get3A_6 = arith.constant 0 : index
    %get3A_7 = vector.load %arg0[%get3A_5, %get3A_6] : memref<10000x128xf32, #tpu.memory_space<vmem>>, vector<10000x128xf32>
    %dot_general3A = arith.constant dense<0.000000e+00> : vector<64x128xf32>
    %dot_general3A_8 = tpu.matmul %select_n3A, %get3A_7, %dot_general3A {dimension_numbers = #tpu.dot_dimension_numbers<[1], [0], [0], [1], [0, 0, 1, 1], [], []>, transpose_lhs_hint = false} : vector<64x10000xf32>, vector<10000x128xf32>, vector<64x128xf32> -> vector<64x128xf32>
    %reduce_sum3A = arith.constant dense<0.000000e+00> : vector<64xf32>
    %reduce_sum3A_9 = vector.multi_reduction <add>, %select_n3A, %reduce_sum3A [1] : vector<64x10000xf32> to vector<64xf32>
    %broadcast_in_dim3A_10 = vector.shape_cast %reduce_sum3A_9 : vector<64xf32> to vector<64x1xf32>
    %max3A = arith.constant 1.000000e+00 : f32
    %max3A_11 = vector.broadcast %max3A : f32 to vector<64x1xf32>
    %max3A_12 = arith.maximumf %broadcast_in_dim3A_10, %max3A_11 : vector<64x1xf32>
    %div3A = vector.broadcast %max3A_12 : vector<64x1xf32> to vector<64x128xf32>
    %div3A_13 = arith.divf %dot_general3A_8, %div3A : vector<64x128xf32>
    %get3A_14 = arith.constant 0 : index
    %get3A_15 = arith.constant 0 : index
    %get3A_16 = vector.load %arg2[%get3A_14, %get3A_15] : memref<128x1xf32, #tpu.memory_space<vmem>>, vector<128x1xf32>
    %dot_general3A_17 = arith.constant dense<0.000000e+00> : vector<64x1xf32>
    %dot_general3A_18 = tpu.matmul %div3A_13, %get3A_16, %dot_general3A_17 {dimension_numbers = #tpu.dot_dimension_numbers<[1], [0], [0], [1], [0, 0, 1, 1], [], []>, transpose_lhs_hint = false} : vector<64x128xf32>, vector<128x1xf32>, vector<64x1xf32> -> vector<64x1xf32>
    %get3A_19 = arith.constant 0 : index
    %get3A_20 = arith.constant 0 : index
    %get3A_21 = vector.load %arg3[%get3A_19, %get3A_20] : memref<1x1xf32, #tpu.memory_space<vmem>>, vector<1x1xf32>
    %add3A = vector.broadcast %get3A_21 : vector<1x1xf32> to vector<64x1xf32>
    %add3A_22 = arith.addf %dot_general3A_18, %add3A : vector<64x1xf32>
    %swap3A = arith.constant 0 : index
    %swap3A_23 = arith.constant 0 : index
    %swap3A_24 = vector.load %arg4[%swap3A, %swap3A_23] : memref<64x1xf32, #tpu.memory_space<vmem>>, vector<64x1xf32>
    tpu.vector_store %arg4[%swap3A, %swap3A_23], %add3A_22 {strides = array<i32>} : memref<64x1xf32, #tpu.memory_space<vmem>>, vector<64x1xf32>,
    return
  }
}

</mosaic_0001>

<sc_bundles>
// kernel: kernel.11.cloned.1.call-start
scs
__scs_entry_jumppad:
0x0: {  	(pc) =	sbr.rel $0x88, $3  }
0x1: {  	(tag) =	ssettag $0x0;
	lr =	simm.s32 $0x1  }
0x2: {  	[smem:$0x3F96] =	sst lr;
	_ =	strace $0xD0000000  }
0x3: {  	_ = 	snop  }
0x4: {  	_ = 	snop  }
0x5: {  	_ = 	snop  }
0x6: {  	_ = 	snop  }
0x7: {  	_ = 	snop  }
__scs_overlays_trampoline_lowered:
0x8: {  	[smem:$0x3FA5] =	sst s0  }
0x9: {  	[smem:$0x3FA6] =	sst s1  }
0xa: {  	[smem:$0x3FA7] =	sst s2  }
0xb: {  	[smem:$0x3FA8] =	sst s3  }
0xc: {  	[smem:$0x3FA9] =	sst s4  }
0xd: {  	[smem:$0x3FAA] =	sst s5  }
0xe: {  	[smem:$0x3FAB] =	sst s6  }
0xf: {  	[smem:$0x3FAC] =	sst s7  }
0x10: {  	[smem:$0x3FAD] =	sst s8  }
0x11: {  	[smem:$0x3FAE] =	sst s9;
	s0 =	simm.s32 @!p0 $0x0  }
0x12: {  	s1 =	sld [smem:$0x3F94];
	s0 =	simm.s32 @p0 $0x1  }
0x13: {  	[smem:$0x3FAF] =	sst s0;
	s0 =	simm.s32 @!p1 $0x0  }
0x14: {  	s2 =	sld [smem:$0x3F93];
	s0 =	simm.s32 @p1 $0x1  }
0x15: {  	[smem:$0x3FB0] =	sst s0;
	s0 =	simm.s32 @!p2 $0x0  }
0x16: {  	s3 =	sld [smem:$0x3FDB];
	s0 =	simm.s32 @p2 $0x1  }
0x17: {  	s4 =	simm.s32 $0x1BF5;
	[smem:$0x3FB2] =	sst s0  }
0x18: {  	s0 =	sld [smem:$0x3F95];
	_ =	swait.ge [sflag:s4], $0x0  }
0x19: {  	s7 =	sld [smem:$0x3F96]  }
0x1a: {  	s8 =	sadd.s32 $0xFFFFE003, lr  }
0x1b: {  	s9 =	sadd.s32 $0xFFFFFEF7, lr;
	s5 =	simm.s32 $0xFFFFFFFF;
	p2 =	slt.u32 s8, $0xFFFFF086  }
0x1c: {  	p1 =	slt.u32 s9, $0xF7A;
	s5 =	simm.s32 @!p2 $0x0  }
0x1d: {  	s5 =	simm.s32 @p1 $0x1;
	p0 =	seq.s32 s7, s2  }
0x1e: {  	s7 =	smul.u32 @!p0 $0xF7A, s2;
	p2 =	seq.s32 @!p0 s5, $0x0  }
0x1f: {  	s9 =	smul.u32 $0xF7A, s1;
	s8 =	simm.s32 @!p0 $0x1BF5;
	p2 =	por !p2, p0  }
0x20: {  	[sflag:s8] =	ssyncset.s32 @!p0 $0xFFFFF086;
	s6 =	sadd.s32 @!p0 s3, s7;
	s7 =	simm.s32 @!p0 $0x108  }
0x21: {  	s3 =	sadd.s32 s3, s9;
	s6 =	sadd.s32 @!p0 $0x88, s6;
	s7 =	simm.s32 @p2 $0x1082  }
0x22: {  	[simem:s7], [sflag:s8] =	dma.local @!p0 [hbm:s6], $0xF7A  }
0x23: {  	s9 =	sor.u32 $0xD0000000, s2;
	s6 =	simm.s32 $0x108;
	_ =	swait.ge @!p0 [sflag:s8], $0x0  }
0x24: {  	s3 =	sadd.s32 $0x88, s3;
	s6 =	simm.s32 @!p1 $0x1082;
	[sflag:s4] =	ssyncset.s32 $0xFFFFF086  }
0x25: {  	[simem:s6], [sflag:s4] =	dma.local [hbm:s3], $0xF7A  }
0x26: {  	[smem:$0x3F96] =	sst s1;
	(tag) =	ssettag s2;
	_ =	strace s9  }
0x27: {  	s1 =	sld [smem:$0x3FA6]  }
0x28: {  	s2 =	sld [smem:$0x3FA7]  }
0x29: {  	s4 =	sld [smem:$0x3FA9]  }
0x2a: {  	p0 =	seq.s32 s5, $0x0;
	s5 =	sld [smem:$0x3FAA]  }
0x2b: {  	s6 =	sld [smem:$0x3FAB]  }
0x2c: {  	s7 =	sld [smem:$0x3FAC]  }
0x2d: {  	s3 =	simm.s32 $0x108;
	s8 =	sld [smem:$0x3FAD]  }
0x2e: {  	s3 =	simm.s32 @!p0 $0x1082;
	s9 =	sld [smem:$0x3FAE]  }
0x2f: {  	lr =	sadd.s32 s0, s3;
	s0 =	sld [smem:$0x3FA5]  }
0x30: {  	s3 =	sld [smem:$0x3FA8]  }
0x31: {  	[smem:$0x3FB1] =	sst s10  }
0x32: {  	s10 =	sld [smem:$0x3FAF];
	_ =	sdelay $0x3  }
0x33: {  	p0 =	seq.s32 s10, $0x1;
	s10 =	sld [smem:$0x3FB1];
	_ =	sdelay $0x3  }
0x34: {  	[smem:$0x3FB1] =	sst s10  }
0x35: {  	s10 =	sld [smem:$0x3FB0];
	_ =	sdelay $0x3  }
0x36: {  	p1 =	seq.s32 s10, $0x1;
	s10 =	sld [smem:$0x3FB1];
	_ =	sdelay $0x3  }
0x37: {  	[smem:$0x3FB1] =	sst s10  }
0x38: {  	s10 =	sld [smem:$0x3FB2]  }
0x39: {  	_ = 	snop;
	(pc) =	sbr.ind lr, $3  }
0x3a: {  	_ = 	snop  }
0x3b: {  	_ = 	snop  }
0x3c: {  	p2 =	seq.s32 s10, $0x1;
	s10 =	sld [smem:$0x3FB1]  }
0x3d: {  	_ =	shalt  }
0x3e: {  	_ =	shalt  }
0x3f: {  	_ =	shalt  }
0x40: {  	_ =	shalt  }
0x41: {  	_ =	shalt  }
0x42: {  	_ =	shalt  }
0x43: {  	_ =	shalt  }
0x44: {  	_ =	shalt  }
0x45: {  	_ =	shalt  }
0x46: {  	_ =	shalt  }
0x47: {  	_ =	shalt  }
0x48: {  	_ =	shalt  }
0x49: {  	_ =	shalt  }
0x4a: {  	_ =	shalt  }
0x4b: {  	_ =	shalt  }
0x4c: {  	_ =	shalt  }
0x4d: {  	_ =	shalt  }
0x4e: {  	_ =	shalt  }
0x4f: {  	_ =	shalt  }
0x50: {  	_ =	shalt  }
0x51: {  	_ =	shalt  }
0x52: {  	_ =	shalt  }
0x53: {  	_ =	shalt  }
0x54: {  	_ =	shalt  }
0x55: {  	_ =	shalt  }
0x56: {  	_ =	shalt  }
0x57: {  	_ =	shalt  }
0x58: {  	_ =	shalt  }
0x59: {  	_ =	shalt  }
0x5a: {  	_ =	shalt  }
0x5b: {  	_ =	shalt  }
0x5c: {  	_ =	shalt  }
0x5d: {  	_ =	shalt  }
0x5e: {  	_ =	shalt  }
0x5f: {  	_ =	shalt  }
0x60: {  	_ =	shalt  }
0x61: {  	_ =	shalt  }
0x62: {  	_ =	shalt  }
0x63: {  	_ =	shalt  }
0x64: {  	_ =	shalt  }
0x65: {  	_ =	shalt  }
0x66: {  	_ =	shalt  }
0x67: {  	_ =	shalt  }
0x68: {  	_ =	shalt  }
0x69: {  	_ =	shalt  }
0x6a: {  	_ =	shalt  }
0x6b: {  	_ =	shalt  }
0x6c: {  	_ =	shalt  }
0x6d: {  	_ =	shalt  }
0x6e: {  	_ =	shalt  }
0x6f: {  	_ =	shalt  }
0x70: {  	_ =	shalt  }
0x71: {  	_ =	shalt  }
0x72: {  	_ =	shalt  }
0x73: {  	_ =	shalt  }
0x74: {  	_ =	shalt  }
0x75: {  	_ =	shalt  }
0x76: {  	_ =	shalt  }
0x77: {  	_ =	shalt  }
0x78: {  	_ =	shalt  }
0x79: {  	_ =	shalt  }
0x7a: {  	_ =	shalt  }
0x7b: {  	_ =	shalt  }
0x7c: {  	_ =	shalt  }
0x7d: {  	_ =	shalt  }
0x7e: {  	_ =	shalt  }
0x7f: {  	_ =	shalt  }
0x80: {  	_ =	shalt  }
0x81: {  	_ =	shalt  }
0x82: {  	_ =	shalt  }
0x83: {  	_ =	shalt  }
0x84: {  	_ =	shalt  }
0x85: {  	_ =	shalt  }
0x86: {  	_ =	shalt  }
0x87: {  	_ =	shalt  }
.Lfunc_end0:
.L_simem_size_0:
called_computation_lowered:
.L_overlay_start_0:
0x88: {  	s2 =	sld [smem:$0x3FD9]  }
0x89: {  	s3 =	sld [smem:$0x3FFE];
	_ =	sdelay $0x1  }
0x8a: {  	s1 =	srdreg.scid  }
0x8b: {  	s0 =	sand.u32 $0x1, s1  }
0x8c: {  	s16 =	sshll.u32 s0, $0xA;
	s2 =	sadd.s32 s3, s2  }
0x8d: {  	s2 =	sadd.s32 s2, s16  }
0x8e: {  	[smem:$0x3FBD] =	sst s2  }
0x8f: {  	_ = 	snop  }
0x90: {  	(tm) =	ssettm $0x1  }
0x91: {  	s17 =	sld [smem:$0x3FFB];
	_ =	sdelay $0x3  }
0x92: {  	_ =	strace s17  }
0x93: {  	s2 =	sld [smem:$0x3FFC];
	_ =	sdelay $0x3  }
0x94: {  	_ =	strace s2  }
0x95: {  	s2 =	sld [smem:$0x3FFD];
	_ =	sdelay $0x3  }
0x96: {  	_ =	strace s2  }
0x97: {  	_ =	strace $0x8FFFFFFF  }
0x98: {  	s18 =	sld [smem:$0x3FDB];
	_ =	sdelay $0x1  }
0x99: {  	s19 =	simm.s32 $_scs_section_size  }
0x9a: {  	s4 =	simm.s32 $_size__tile_overlayer_lowered;
	s5 =	simm.s32 $_tile_overlayer_lowered  }
0x9b: {  	s22 =	simm.s32 $0x1BFF;
	s21 =	sshll.u32 s5, $0x1;
	s2 =	sadd.s32 s19, s18  }
0x9c: {  	s6 =	simm.s32 $0x0;
	s20 =	sshll.u32 s4, $0x1;
	s4 =	sadd.s32 s21, s2  }
0x9d: {  	[timem:s6], [sflag:s22] =	dma.local [hbm:s4], s20  }
0x9e: {  	_ =	swait.ge [sflag:s22], s20  }
0x9f: {  	s3 =	ssub.s32 $0x0, s20;
	[sflag:s22] =	ssyncset.done $0x0  }
0xa0: {  	[sflag:s22] =	ssyncadd.s32 s3;
	_ =	sdelay $0x1  }
0xa1: {  	s23 =	simm.s32 $0x1B8B  }
0xa2: {  	_ =	swait.ge [sflag:s23], $0x1  }
0xa3: {  	[sflag:s23] =	ssyncset.done $0x0  }
0xa4: {  	s25 =	simm.s32 $0x1B8E;
	s24 =	sld [smem:$0x3FFE];
	[sflag:s23] =	ssyncadd.s32 $0xFFFFFFFF  }
0xa5: {  	s26 =	simm.s32 $execute0_lowered;
	[smem:$0x3FD2] =	sst s25  }
0xa6: {  	s4 =	sshll.u32 s26, $0x1;
	_ =	strace $0x80000046;
	[dreg:$0x1] =	wrdreg $0xFFFFFFFF  }
0xa7: {  	s28 =	simm.s32 $_size_execute0_lowered;
	s2 =	sadd.s32 s2, s4;
	[dreg:$0x0] =	wrdreg $0x0  }
0xa8: {  	s4 =	sshll.u32 s28, $0x1;
	[dreg:$0x2] =	wrdreg s2  }
0xa9: {  	[dreg:$0x3] =	wrdreg s4  }
0xaa: {  	[dreg:$0x4] =	wrdreg $0xC0  }
0xab: {  	_ =	task [dreg:s6], $0x5FFFF  }
0xac: {  	[dreg:$0x1] =	wrdreg $0xFFFFFFFF  }
0xad: {  	[dreg:$0x0] =	wrdreg $0x60  }
0xae: {  	[dreg:$0x2] =	wrdreg s24  }
0xaf: {  	[dreg:$0x3] =	wrdreg $0xB0000  }
0xb0: {  	[dreg:$0x4] =	wrdreg $0x9  }
0xb1: {  	_ =	task.clear_ibuf [dreg:s6], $0x5FFFF;
	_ =	strace $0x90000046  }
0xb2: {  	s29 =	simm.s32 $0x9;
	_ =	strace $0x80000048  }
0xb3: {  	_ =	swait.ge [sflag:s29], $0x1  }
0xb4: {  	[sflag:s29] =	ssyncadd.s32 $0xFFFFFFFF  }
0xb5: {  	_ =	strace $0x90000048  }
0xb6: {  	_ =	sfence  }
0xb7: {  	s30 =	sld [smem:$0x0];
	_ =	sdelay $0x2  }
0xb8: {  	s31 =	sshll.u32 s1, $0xD;
	s1 =	sshrl.u32 s1, $0x2  }
0xb9: {  	s3 =	sand.u32 $0x4000, s31;
	s1 =	sadd.s32 s1, s30  }
0xba: {  	s0 =	sor.u32 s3, s0;
	s1 =	sshll.u32 s1, $0x11  }
0xbb: {  	s0 =	sor.u32 s1, s0  }
0xbc: {  	s0 =	sadd.s32 $0x8F2B, s0  }
0xbd: {  	[sflag:s0] =	ssyncadd.remote.s32 $0x1  }
0xbe: {  	_ =	sfence.sel $0xFFFF  }
0xbf: {  	[dreg:$0x0] =	wrdreg $0xFFFFFFFF;
	(pc) =	sbr.abs _section_cstart, $3  }
0xc0: {  	[dreg:$0x1] =	wrdreg $0xFFFFFFFF  }
0xc1: {  	_ =	task.clear_ibuf [dreg:s6], $0x2FFFF;
	_ =	strace $0x9FFFFFFF  }
0xc2: {  	(tm) =	ssettm $0x7FFFFFFF  }
0xc3: {  	_ =	shalt  }
tec
execute0_lowered:
.L_overlay_start_1:
0x0: {  	(tag) =	ssettag $0x1  }
0x1: {  	s0 =	rddreg [dreg:$0x0]  }
0x2: {  	s1 =	rddreg [dreg:$0x1]  }
0x3: {  	s2 =	simm.s32 $0x0;
	s3 =	srdreg.scid;
	s16 =	stileid.u32  }
0x4: {  	s29 =	simm.s32 $0x28;
	s28 =	simm.s32 $0x9;
	s30 =	simm.s32 $0x7  }
0x5: {  	[smem:$0x7FF] =	sst s2;
	s4 =	sadd.s32 $0x17C00, s0;
	s5 =	sadd.s32 $0x4F9C00, s0  }
0x6: {  	s6 =	sadd.s32 $0xDE00, s0;
	s7 =	sadd.s32 $0x4000, s0;
	s3 =	sand.u32 $0x1, s3  }
0x7: {  	s8 =	smul.u32 $0x4E000, s16;
	s0 =	sadd.s32 $0x3EE00, s0;
	s15 =	sadd.s32 $0x138000, s1  }
0x8: {  	s14 =	smul.u32 $0x13800, s16;
	p0 =	sne.s32 s16, $0xF;
	s9 =	ssub.s32 $0x2, s3  }
0x9: {  	_ =	strace $0x80000047;
	s11 =	sshrl.u32 s9, $0x1;
	s12 =	sshrl.u32 s8, $0x2  }
0xa: {  	s10 =	sshll.u32 s3, $0x4;
	s11 =	ssub.s32 s9, s11;
	s9 =	sadd.s32 s12, s1  }
0xb: {  	s3 =	smul.u32 $0x138800, s3;
	s10 =	sor.u32 s16, s10;
	s12 =	sadd.s32 $0x3400, s9  }
0xc: {  	s8 =	smul.u32 $0x2710, s10;
	s18 =	sadd.s32 $0x6800, s9;
	[dreg:$0x3] =	wrdreg s12  }
0xd: {  	s10 =	smul.u32 $0x27100, s10;
	s19 =	sadd.s32 $0x9C00, s9;
	[dreg:$0x4] =	wrdreg s18  }
0xe: {  	s26 =	sadd.s32 s14, s3;
	s20 =	sadd.s32 $0xD000, s9;
	[dreg:$0x5] =	wrdreg s19  }
0xf: {  	s3 =	sshrl.u32 s3, $0x3;
	s21 =	sadd.s32 $0x10400, s9;
	[dreg:$0x6] =	wrdreg s20  }
0x10: {  	[dreg:$0x7] =	wrdreg s21;
	s22 =	sshrl.u32 s8, $0x3;
	s10 =	sadd.s32 s5, s10  }
0x11: {  	s23 =	sadd.s32 $0x28, s8;
	s13 =	sadd.s32 s6, s22;
	[dreg:$0xa] =	wrdreg s10  }
0x12: {  	s12 =	sadd.s32 s7, s22;
	s24 =	sshrl.u32 s23, $0x3;
	[dreg:$0x8] =	wrdreg s13  }
0x13: {  	s31 =	sshll.u32 s23, $0x4;
	[dreg:$0x9] =	wrdreg s12;
	s25 =	sadd.s32 s6, s24  }
0x14: {  	s10 =	sadd.s32 s7, s24;
	s12 =	sadd.s32 s5, s31;
	[dreg:$0xb] =	wrdreg s25  }
0x15: {  	s24 =	smax.u32 s11, $0x1;
	[dreg:$0xc] =	wrdreg s10;
	s10 =	sshrl.u32 s26, $0x3  }
0x16: {  	[dreg:$0xd] =	wrdreg s12;
	s10 =	sadd.s32 s0, s10;
	s0 =	sadd.s32 s0, s3  }
0x17: {  	s25 =	simm.s32 $0x7C00;
	[dreg:$0xe] =	wrdreg s10;
	s0 =	sadd.s32 $0x27000, s0  }
0x18: {  	v0 =	vimm.f32 $0.0e+00;
	s26 =	simm.s32 $0xA;
	[dreg:$0xf] =	wrdreg s0;
	s0 =	simm.s32 $0x8  }
.LBB2_1:
0x19: {  	s3 =	simm.s32 $0x0;
	s10 =	simm.s32 $0x200  }
.LBB2_2:
0x1a: {  	p1 =	sne.s32 s10, $0xCE00;
	[tilespmem:s3+$0x7C70] =	vst v0  }
0x1b: {  	[tilespmem:s3+$0x7C00] =	vst v0  }
0x1c: {  	[tilespmem:s3+$0x7C10] =	vst v0  }
.Ltmp0:
0x1d: {  	[tilespmem:s3+$0x7C20] =	vst v0;
	(pc) =	sbr.rel @p1 .LBB2_2-.Ltmp0, $4  }
0x1e: {  	[tilespmem:s3+$0x7C30] =	vst v0  }
0x1f: {  	[tilespmem:s3+$0x7C40] =	vst v0  }
0x20: {  	[tilespmem:s3+$0x7C50] =	vst v0  }
0x21: {  	[tilespmem:s3+$0x7C60] =	vst v0;
	s3 =	sshra.s32 s10, $0x2;
	s10 =	sadd.s32 $0x200, s10  }
0x22: {  	[tilespmem:s3+$0x7C70] =	vst v0  }
0x23: {  	[tilespmem:s3+$0x7C00] =	vst v0  }
0x24: {  	[tilespmem:s3+$0x7C10] =	vst v0  }
0x25: {  	[tilespmem:s3+$0x7C20] =	vst v0  }
0x26: {  	[tilespmem:s3+$0x7C30] =	vst v0  }
0x27: {  	[tilespmem:s3+$0x7C40] =	vst v0  }
0x28: {  	[tilespmem:s3+$0x7C50] =	vst v0  }
0x29: {  	[tilespmem:s3+$0x7C60] =	vst v0  }
0x2a: {  	[spmem:s9] =	stream.linear.scatter [tilespmem:s25], [sflag:$0xA], $0x3400, $0x38;
	[tilespmem:$0x1E880] =	vst v63  }
0x2b: {  	_ =	swait.ge [sflag:s26], $0x3400  }
0x2c: {  	[sflag:s26] =	ssyncset.done $0x0  }
0x2d: {  	s11 =	rddreg [dreg:$0x3];
	[sflag:s26] =	ssyncadd.s32 $0xFFFFCC00  }
0x2e: {  	[spmem:s11] =	stream.linear.scatter [tilespmem:s25], [sflag:$0xA], $0x3400, $0x38;
	[tilespmem:$0x1E880] =	vst v63  }
0x2f: {  	_ =	swait.ge [sflag:s26], $0x3400  }
0x30: {  	[sflag:s26] =	ssyncset.done $0x0  }
0x31: {  	s12 =	rddreg [dreg:$0x4];
	[sflag:s26] =	ssyncadd.s32 $0xFFFFCC00  }
0x32: {  	[spmem:s12] =	stream.linear.scatter [tilespmem:s25], [sflag:$0xA], $0x3400, $0x38;
	[tilespmem:$0x1E880] =	vst v63  }
0x33: {  	_ =	swait.ge [sflag:s26], $0x3400  }
0x34: {  	[sflag:s26] =	ssyncset.done $0x0  }
0x35: {  	s13 =	rddreg [dreg:$0x5];
	[sflag:s26] =	ssyncadd.s32 $0xFFFFCC00  }
0x36: {  	[spmem:s13] =	stream.linear.scatter [tilespmem:s25], [sflag:$0xA], $0x3400, $0x38;
	[tilespmem:$0x1E880] =	vst v63  }
0x37: {  	_ =	swait.ge [sflag:s26], $0x3400  }
0x38: {  	[sflag:s26] =	ssyncset.done $0x0  }
0x39: {  	s14 =	rddreg [dreg:$0x6];
	[sflag:s26] =	ssyncadd.s32 $0xFFFFCC00  }
0x3a: {  	[spmem:s14] =	stream.linear.scatter [tilespmem:s25], [sflag:$0xA], $0x3400, $0x38;
	[tilespmem:$0x1E880] =	vst v63  }
0x3b: {  	_ =	swait.ge [sflag:s26], $0x3400  }
0x3c: {  	[sflag:s26] =	ssyncset.done $0x0  }
0x3d: {  	s16 =	rddreg [dreg:$0x7];
	[sflag:s26] =	ssyncadd.s32 $0xFFFFCC00  }
0x3e: {  	[spmem:s16] =	stream.linear.scatter [tilespmem:s25], [sflag:$0xA], $0x3400, $0x38;
	[tilespmem:$0x1E880] =	vst v63  }
0x3f: {  	_ =	swait.ge [sflag:s26], $0x3400  }
0x40: {  	[sflag:s26] =	ssyncset.done $0x0  }
0x41: {  	s3 =	simm.s32 @!p0 $0x7C00;
	[sflag:s26] =	ssyncadd.s32 $0xFFFFCC00  }
0x42: {  	[spmem:s15] =	stream.linear.scatter @!p0 [tilespmem:s3], [sflag:$0xA], $0x800, $0x38;
	[tilespmem:$0x1E880] =	vst v63  }
0x43: {  	s3 =	simm.s32 @!p0 $0xA  }
0x44: {  	_ =	swait.ge @!p0 [sflag:s3], $0x800  }
0x45: {  	[sflag:s3] =	ssyncset.done @!p0 $0x0  }
0x46: {  	[sflag:s3] =	ssyncadd.s32 @!p0 $0xFFFFF800  }
0x47: {  	[bflag:$0x0] =	sbarrier.arrive $0xFFFF  }
0x48: {  	s3 =	simm.s32 $0x0;
	s10 =	rddreg [dreg:$0x8]  }
0x49: {  	[tilespmem:s3], [sflag:$0xA] =	stream.linear.gather [hbm4b:s10+s3], $0x28, $0x38;
	[tilespmem:$0x1E880] =	vst v63  }
0x4a: {  	_ =	swait.ge [sflag:s26], $0x28  }
0x4b: {  	[sflag:s26] =	ssyncset.done $0x0  }
0x4c: {  	s11 =	simm.s32 $0x200;
	s17 =	rddreg [dreg:$0x9];
	[sflag:s26] =	ssyncadd.s32 $0xFFFFFFD8  }
0x4d: {  	[tilespmem:s11], [sflag:$0xA] =	stream.linear.gather [hbm4b:s17+s3], $0x28, $0x38;
	[tilespmem:$0x1E880] =	vst v63  }
0x4e: {  	_ =	swait.ge [sflag:s26], $0x28  }
0x4f: {  	[sflag:s26] =	ssyncset.done $0x0  }
0x50: {  	s10 =	simm.s32 $0x400;
	s18 =	rddreg [dreg:$0xa];
	[sflag:s26] =	ssyncadd.s32 $0xFFFFFFD8  }
0x51: {  	[tilespmem:s10], [sflag:$0x1] =	stream.linear.gather [hbm4b:s18+s3], $0x1400, $0x38;
	[tilespmem:$0x1E880] =	vst v63  }
0x52: {  	s19 =	simm.s32 $0x4000  }
0x53: {  	[tilespmem:s19], [sflag:$0x4] =	stream.indirect.gather [hbm4b:s4+s29], $0x80, s3, s29, $0xb8;
	[tilespmem:$0x1E880] =	vst v63  }
0x54: {  	s12 =	simm.s32 $0x80;
	s20 =	rddreg [dreg:$0xb]  }
0x55: {  	[tilespmem:s12], [sflag:$0xA] =	stream.linear.gather [hbm4b:s20+s3], $0x28, $0x38;
	[tilespmem:$0x1E880] =	vst v63  }
0x56: {  	_ =	swait.ge [sflag:s26], $0x28  }
0x57: {  	[sflag:s26] =	ssyncset.done $0x0  }
0x58: {  	s13 =	simm.s32 $0x280;
	s21 =	rddreg [dreg:$0xc];
	[sflag:s26] =	ssyncadd.s32 $0xFFFFFFD8  }
0x59: {  	[tilespmem:s13], [sflag:$0xA] =	stream.linear.gather [hbm4b:s21+s3], $0x28, $0x38;
	[tilespmem:$0x1E880] =	vst v63  }
0x5a: {  	_ =	swait.ge [sflag:s26], $0x28  }
0x5b: {  	[sflag:s26] =	ssyncset.done $0x0  }
0x5c: {  	s23 =	simm.s32 $0x1800;
	s22 =	rddreg [dreg:$0xd];
	[sflag:s26] =	ssyncadd.s32 $0xFFFFFFD8  }
0x5d: {  	[tilespmem:s23], [sflag:$0x2] =	stream.linear.gather [hbm4b:s22+s3], $0x1400, $0x38;
	[tilespmem:$0x1E880] =	vst v63  }
0x5e: {  	s31 =	simm.s32 $0x5400;
	s21 =	simm.s32 $0x40F0  }
0x5f: {  	[tilespmem:s31], [sflag:$0x5] =	stream.indirect.gather [hbm4b:s4+s29], $0x80, s12, s29, $0xb8;
	[tilespmem:$0x1E880] =	vst v63  }
.LBB2_4:
0x60: {  	s11 =	smul.u32 $0xAB, s3;
	_ =	sdelay $0x1  }
0x61: {  	s11 =	sshrl.u32 s11, $0x9  }
0x62: {  	s12 =	smulhi.u32 $0xAAAAAAAB, s3;
	s11 =	sand.u32 $0x7F, s11  }
0x63: {  	s11 =	smul.u32 $0x3, s11;
	_ =	sdelay $0x1  }
0x64: {  	s12 =	sshrl.u32 s12, $0x1;
	s11 =	ssub.s32 s3, s11  }
0x65: {  	s13 =	smul.u32 $0xFFFF1000, s12;
	s12 =	sand.u32 $0xFF, s11  }
0x66: {  	s11 =	sadd.s32 $0x1, s12  }
0x67: {  	s13 =	sshra.s32 s13, $0x2;
	_ =	swait.ge [sflag:s11], $0x1400  }
0x68: {  	v1 =	vmov s13;
	[sflag:s11] =	ssyncset.done $0x0  }
0x69: {  	s23 =	sor.u32 $0x4, s12;
	[sflag:s11] =	ssyncadd.s32 $0xFFFFEC00  }
0x6a: {  	_ =	swait.ge [sflag:s23], $0x1400  }
0x6b: {  	[sflag:s23] =	ssyncset.done $0x0  }
0x6c: {  	[sflag:s23] =	ssyncadd.s32 $0xFFFFEC00  }
0x6d: {  	v2 =	vld.idx.msk [tilespmem:v1+s21+$0xFFFFFF90 ss:$0x1], $0xffff  }
0x6e: {  	v3 =	vld.idx.msk [tilespmem:v1+s10+$0x80 ss:$0x1], $0xffff  }
0x6f: {  	v4 =	vld.idx.msk [tilespmem:v1+s10+$0x0 ss:$0x1], $0xffff  }
0x70: {  	v5 =	vld.idx.msk [tilespmem:v1+s21+$0xFFFFFF10 ss:$0x1], $0xffff;
	_ =	sdelay $0x2  }
0x71: {  	v2 =	vadd.f32 v3, v2;
	_ =	sdelay $0x1  }
0x72: {  	v3 =	vadd.f32 v4, v5;
	v2 =	vmax.f32 v2, $0.0e+00  }
0x73: {  	[tilespmem:v1+s21+$0xFFFFFF90 ss:$0x1] =	vst.idx.msk $0xffff, v2  }
0x74: {  	v3 =	vmax.f32 v3, $0.0e+00;
	v2 =	vld.idx.msk [tilespmem:v1+s21+$0xFFFFFFA0 ss:$0x1], $0xffff  }
0x75: {  	[tilespmem:v1+s21+$0xFFFFFF10 ss:$0x1] =	vst.idx.msk $0xffff, v3;
	v4 =	vld.idx.msk [tilespmem:v1+s10+$0x90 ss:$0x1], $0xffff  }
0x76: {  	v3 =	vld.idx.msk [tilespmem:v1+s21+$0xFFFFFF20 ss:$0x1], $0xffff  }
0x77: {  	v5 =	vld.idx.msk [tilespmem:v1+s10+$0x10 ss:$0x1], $0xffff;
	_ =	sdelay $0x2  }
0x78: {  	v2 =	vadd.f32 v4, v2;
	_ =	sdelay $0x1  }
0x79: {  	v3 =	vadd.f32 v5, v3;
	v2 =	vmax.f32 v2, $0.0e+00  }
0x7a: {  	[tilespmem:v1+s21+$0xFFFFFFA0 ss:$0x1] =	vst.idx.msk $0xffff, v2  }
0x7b: {  	v3 =	vmax.f32 v3, $0.0e+00;
	v2 =	vld.idx.msk [tilespmem:v1+s21+$0xFFFFFFB0 ss:$0x1], $0xffff  }
0x7c: {  	[tilespmem:v1+s21+$0xFFFFFF20 ss:$0x1] =	vst.idx.msk $0xffff, v3;
	v4 =	vld.idx.msk [tilespmem:v1+s10+$0xA0 ss:$0x1], $0xffff  }
0x7d: {  	v3 =	vld.idx.msk [tilespmem:v1+s21+$0xFFFFFF30 ss:$0x1], $0xffff  }
0x7e: {  	v5 =	vld.idx.msk [tilespmem:v1+s10+$0x20 ss:$0x1], $0xffff;
	_ =	sdelay $0x3  }
0x7f: {  	s14 =	sadd.s32 $0x100, s10;
	v2 =	vadd.f32 v4, v2  }
0x80: {  	s13 =	sadd.s32 $0x100, s21;
	v6 =	vld.idx.msk [tilespmem:v1+s14+$0x80 ss:$0x1], $0xffff;
	v3 =	vadd.f32 v5, v3  }
0x81: {  	v4 =	vld.idx.msk [tilespmem:v1+s13+$0xFFFFFF90 ss:$0x1], $0xffff;
	v2 =	vmax.f32 v2, $0.0e+00  }
0x82: {  	v7 =	vld.idx.msk [tilespmem:v1+s14+$0x0 ss:$0x1], $0xffff;
	v3 =	vmax.f32 v3, $0.0e+00;
	[tilespmem:v1+s21+$0xFFFFFFB0 ss:$0x1] =	vst.idx.msk $0xffff, v2  }
0x83: {  	[tilespmem:v1+s21+$0xFFFFFF30 ss:$0x1] =	vst.idx.msk $0xffff, v3;
	v3 =	vld.idx.msk [tilespmem:v1+s13+$0xFFFFFF10 ss:$0x1], $0xffff  }
0x84: {  	v2 =	vld.idx.msk [tilespmem:v1+s21+$0xFFFFFFC0 ss:$0x1], $0xffff  }
0x85: {  	v5 =	vld.idx.msk [tilespmem:v1+s10+$0xB0 ss:$0x1], $0xffff  }
0x86: {  	v4 =	vadd.f32 v6, v4  }
0x87: {  	v8 =	vld.idx.msk [tilespmem:v1+s10+$0x30 ss:$0x1], $0xffff  }
0x88: {  	v6 =	vld.idx.msk [tilespmem:v1+s21+$0xFFFFFF40 ss:$0x1], $0xffff;
	v4 =	vmax.f32 v4, $0.0e+00;
	v3 =	vadd.f32 v7, v3  }
0x89: {  	[tilespmem:v1+s13+$0xFFFFFF90 ss:$0x1] =	vst.idx.msk $0xffff, v4  }
0x8a: {  	v2 =	vadd.f32 v5, v2;
	v4 =	vld.idx.msk [tilespmem:v1+s13+$0xFFFFFFA0 ss:$0x1], $0xffff;
	v3 =	vmax.f32 v3, $0.0e+00  }
0x8b: {  	v5 =	vld.idx.msk [tilespmem:v1+s14+$0x90 ss:$0x1], $0xffff;
	[tilespmem:v1+s13+$0xFFFFFF10 ss:$0x1] =	vst.idx.msk $0xffff, v3  }
0x8c: {  	v2 =	vmax.f32 v2, $0.0e+00;
	v3 =	vld.idx.msk [tilespmem:v1+s13+$0xFFFFFF20 ss:$0x1], $0xffff  }
0x8d: {  	v6 =	vadd.f32 v8, v6;
	[tilespmem:v1+s21+$0xFFFFFFC0 ss:$0x1] =	vst.idx.msk $0xffff, v2;
	v8 =	vld.idx.msk [tilespmem:v1+s14+$0x10 ss:$0x1], $0xffff  }
0x8e: {  	v2 =	vld.idx.msk [tilespmem:v1+s21+$0xFFFFFFD0 ss:$0x1], $0xffff  }
0x8f: {  	v6 =	vmax.f32 v6, $0.0e+00;
	v7 =	vld.idx.msk [tilespmem:v1+s10+$0xC0 ss:$0x1], $0xffff  }
0x90: {  	[tilespmem:v1+s21+$0xFFFFFF40 ss:$0x1] =	vst.idx.msk $0xffff, v6  }
0x91: {  	v4 =	vadd.f32 v5, v4;
	v5 =	vld.idx.msk [tilespmem:v1+s21+$0xFFFFFF50 ss:$0x1], $0xffff  }
0x92: {  	v6 =	vld.idx.msk [tilespmem:v1+s10+$0x40 ss:$0x1], $0xffff  }
0x93: {  	s16 =	sadd.s32 $0x100, s13;
	v4 =	vmax.f32 v4, $0.0e+00;
	v3 =	vadd.f32 v8, v3  }
0x94: {  	v9 =	vld.idx.msk [tilespmem:v1+s16+$0xFFFFFF90 ss:$0x1], $0xffff;
	[tilespmem:v1+s13+$0xFFFFFFA0 ss:$0x1] =	vst.idx.msk $0xffff, v4;
	v2 =	vadd.f32 v7, v2  }
0x95: {  	v4 =	vld.idx.msk [tilespmem:v1+s13+$0xFFFFFFB0 ss:$0x1], $0xffff;
	v3 =	vmax.f32 v3, $0.0e+00  }
0x96: {  	v7 =	vld.idx.msk [tilespmem:v1+s14+$0xA0 ss:$0x1], $0xffff;
	v2 =	vmax.f32 v2, $0.0e+00;
	[tilespmem:v1+s13+$0xFFFFFF20 ss:$0x1] =	vst.idx.msk $0xffff, v3  }
0x97: {  	v5 =	vadd.f32 v6, v5;
	[tilespmem:v1+s21+$0xFFFFFFD0 ss:$0x1] =	vst.idx.msk $0xffff, v2;
	v3 =	vld.idx.msk [tilespmem:v1+s13+$0xFFFFFF30 ss:$0x1], $0xffff  }
0x98: {  	v2 =	vld.idx.msk [tilespmem:v1+s21+$0xFFFFFFE0 ss:$0x1], $0xffff  }
0x99: {  	v5 =	vmax.f32 v5, $0.0e+00;
	v6 =	vld.idx.msk [tilespmem:v1+s10+$0xD0 ss:$0x1], $0xffff  }
0x9a: {  	v8 =	vld.idx.msk [tilespmem:v1+s14+$0x20 ss:$0x1], $0xffff;
	[tilespmem:v1+s21+$0xFFFFFF50 ss:$0x1] =	vst.idx.msk $0xffff, v5  }
0x9b: {  	v4 =	vadd.f32 v7, v4;
	v5 =	vld.idx.msk [tilespmem:v1+s21+$0xFFFFFF60 ss:$0x1], $0xffff  }
0x9c: {  	s18 =	sadd.s32 $0x100, s16;
	v7 =	vld.idx.msk [tilespmem:v1+s10+$0x50 ss:$0x1], $0xffff  }
0x9d: {  	s17 =	sadd.s32 $0x100, s14;
	v13 =	vld.idx.msk [tilespmem:v1+s18+$0xFFFFFF90 ss:$0x1], $0xffff;
	v4 =	vmax.f32 v4, $0.0e+00  }
0x9e: {  	[tilespmem:v1+s13+$0xFFFFFFB0 ss:$0x1] =	vst.idx.msk $0xffff, v4;
	v2 =	vadd.f32 v6, v2;
	v6 =	vld.idx.msk [tilespmem:v1+s17+$0x80 ss:$0x1], $0xffff  }
0x9f: {  	v4 =	vld.idx.msk [tilespmem:v1+s13+$0xFFFFFFC0 ss:$0x1], $0xffff  }
0xa0: {  	v10 =	vld.idx.msk [tilespmem:v1+s14+$0xB0 ss:$0x1], $0xffff;
	v2 =	vmax.f32 v2, $0.0e+00  }
0xa1: {  	v5 =	vadd.f32 v7, v5;
	v7 =	vld.idx.msk [tilespmem:v1+s17+$0x0 ss:$0x1], $0xffff;
	[tilespmem:v1+s21+$0xFFFFFFE0 ss:$0x1] =	vst.idx.msk $0xffff, v2;
	v2 =	vadd.f32 v8, v3  }
0xa2: {  	v3 =	vld.idx.msk [tilespmem:v1+s21+$0xFFFFFFF0 ss:$0x1], $0xffff  }
0xa3: {  	v8 =	vld.idx.msk [tilespmem:v1+s10+$0xE0 ss:$0x1], $0xffff;
	v2 =	vmax.f32 v2, $0.0e+00  }
0xa4: {  	v6 =	vadd.f32 v6, v9;
	[tilespmem:v1+s13+$0xFFFFFF30 ss:$0x1] =	vst.idx.msk $0xffff, v2;
	v2 =	vld.idx.msk [tilespmem:v1+s16+$0xFFFFFF10 ss:$0x1], $0xffff  }
0xa5: {  	v5 =	vmax.f32 v5, $0.0e+00;
	v9 =	vld.idx.msk [tilespmem:v1+s13+$0xFFFFFF40 ss:$0x1], $0xffff  }
0xa6: {  	[tilespmem:v1+s21+$0xFFFFFF60 ss:$0x1] =	vst.idx.msk $0xffff, v5;
	v4 =	vadd.f32 v10, v4;
	v5 =	vmax.f32 v6, $0.0e+00;
	v6 =	vld.idx.msk [tilespmem:v1+s14+$0x30 ss:$0x1], $0xffff  }
0xa7: {  	[tilespmem:v1+s16+$0xFFFFFF90 ss:$0x1] =	vst.idx.msk $0xffff, v5;
	v5 =	vld.idx.msk [tilespmem:v1+s21+$0xFFFFFF70 ss:$0x1], $0xffff  }
0xa8: {  	v4 =	vmax.f32 v4, $0.0e+00;
	v10 =	vld.idx.msk [tilespmem:v1+s16+$0xFFFFFFA0 ss:$0x1], $0xffff;
	v3 =	vadd.f32 v8, v3  }
0xa9: {  	[tilespmem:v1+s13+$0xFFFFFFC0 ss:$0x1] =	vst.idx.msk $0xffff, v4;
	v8 =	vld.idx.msk [tilespmem:v1+s17+$0x90 ss:$0x1], $0xffff;
	v2 =	vadd.f32 v7, v2  }
0xaa: {  	v4 =	vld.idx.msk [tilespmem:v1+s13+$0xFFFFFFD0 ss:$0x1], $0xffff;
	v3 =	vmax.f32 v3, $0.0e+00  }
0xab: {  	v7 =	vld.idx.msk [tilespmem:v1+s14+$0xC0 ss:$0x1], $0xffff;
	[tilespmem:v1+s21+$0xFFFFFFF0 ss:$0x1] =	vst.idx.msk $0xffff, v3;
	v3 =	vadd.f32 v6, v9;
	v2 =	vmax.f32 v2, $0.0e+00  }
0xac: {  	v6 =	vld.idx.msk [tilespmem:v1+s21+$0x0 ss:$0x1], $0xffff;
	[tilespmem:v1+s16+$0xFFFFFF10 ss:$0x1] =	vst.idx.msk $0xffff, v2  }
0xad: {  	v3 =	vmax.f32 v3, $0.0e+00;
	v2 =	vld.idx.msk [tilespmem:v1+s16+$0xFFFFFF20 ss:$0x1], $0xffff  }
0xae: {  	v9 =	vld.idx.msk [tilespmem:v1+s17+$0x10 ss:$0x1], $0xffff;
	[tilespmem:v1+s13+$0xFFFFFF40 ss:$0x1] =	vst.idx.msk $0xffff, v3;
	v3 =	vadd.f32 v8, v10  }
0xaf: {  	v8 =	vld.idx.msk [tilespmem:v1+s13+$0xFFFFFF50 ss:$0x1], $0xffff  }
0xb0: {  	v10 =	vld.idx.msk [tilespmem:v1+s14+$0x40 ss:$0x1], $0xffff;
	v4 =	vadd.f32 v7, v4;
	v3 =	vmax.f32 v3, $0.0e+00  }
0xb1: {  	v11 =	vld.idx.msk [tilespmem:v1+s10+$0xF0 ss:$0x1], $0xffff;
	[tilespmem:v1+s16+$0xFFFFFFA0 ss:$0x1] =	vst.idx.msk $0xffff, v3  }
0xb2: {  	v4 =	vmax.f32 v4, $0.0e+00;
	v3 =	vld.idx.msk [tilespmem:v1+s16+$0xFFFFFFB0 ss:$0x1], $0xffff  }
0xb3: {  	[tilespmem:v1+s13+$0xFFFFFFD0 ss:$0x1] =	vst.idx.msk $0xffff, v4;
	v2 =	vadd.f32 v9, v2;
	v9 =	vld.idx.msk [tilespmem:v1+s17+$0xA0 ss:$0x1], $0xffff  }
0xb4: {  	v4 =	vld.idx.msk [tilespmem:v1+s13+$0xFFFFFFE0 ss:$0x1], $0xffff  }
0xb5: {  	v8 =	vadd.f32 v10, v8;
	v10 =	vld.idx.msk [tilespmem:v1+s14+$0xD0 ss:$0x1], $0xffff;
	v2 =	vmax.f32 v2, $0.0e+00  }
0xb6: {  	v7 =	vld.idx.msk [tilespmem:v1+s10+$0x60 ss:$0x1], $0xffff;
	[tilespmem:v1+s16+$0xFFFFFF20 ss:$0x1] =	vst.idx.msk $0xffff, v2  }
0xb7: {  	v8 =	vmax.f32 v8, $0.0e+00;
	v2 =	vld.idx.msk [tilespmem:v1+s16+$0xFFFFFF30 ss:$0x1], $0xffff  }
0xb8: {  	v12 =	vld.idx.msk [tilespmem:v1+s17+$0x20 ss:$0x1], $0xffff;
	[tilespmem:v1+s13+$0xFFFFFF50 ss:$0x1] =	vst.idx.msk $0xffff, v8;
	v3 =	vadd.f32 v9, v3  }
0xb9: {  	v8 =	vld.idx.msk [tilespmem:v1+s13+$0xFFFFFF60 ss:$0x1], $0xffff  }
0xba: {  	s20 =	sadd.s32 $0x100, s17;
	v9 =	vld.idx.msk [tilespmem:v1+s14+$0x50 ss:$0x1], $0xffff;
	v4 =	vadd.f32 v10, v4;
	v3 =	vmax.f32 v3, $0.0e+00  }
0xbb: {  	v10 =	vld.idx.msk [tilespmem:v1+s20+$0x80 ss:$0x1], $0xffff;
	[tilespmem:v1+s16+$0xFFFFFFB0 ss:$0x1] =	vst.idx.msk $0xffff, v3  }
0xbc: {  	v4 =	vmax.f32 v4, $0.0e+00;
	v3 =	vld.idx.msk [tilespmem:v1+s16+$0xFFFFFFC0 ss:$0x1], $0xffff  }
0xbd: {  	v14 =	vld.idx.msk [tilespmem:v1+s17+$0xB0 ss:$0x1], $0xffff;
	[tilespmem:v1+s13+$0xFFFFFFE0 ss:$0x1] =	vst.idx.msk $0xffff, v4  }
0xbe: {  	v2 =	vadd.f32 v12, v2;
	v4 =	vld.idx.msk [tilespmem:v1+s13+$0xFFFFFFF0 ss:$0x1], $0xffff  }
0xbf: {  	v56 =	vld.idx.msk [tilespmem:v1+s14+$0xE0 ss:$0x1], $0xffff  }
0xc0: {  	v8 =	vadd.f32 v9, v8;
	v9 =	vld.idx.msk [tilespmem:v1+s20+$0x0 ss:$0x1], $0xffff;
	v2 =	vmax.f32 v2, $0.0e+00  }
0xc1: {  	v10 =	vadd.f32 v10, v13;
	[tilespmem:v1+s16+$0xFFFFFF30 ss:$0x1] =	vst.idx.msk $0xffff, v2;
	v2 =	vld.idx.msk [tilespmem:v1+s18+$0xFFFFFF10 ss:$0x1], $0xffff  }
0xc2: {  	v8 =	vmax.f32 v8, $0.0e+00;
	v57 =	vld.idx.msk [tilespmem:v1+s16+$0xFFFFFF40 ss:$0x1], $0xffff  }
0xc3: {  	[tilespmem:v1+s13+$0xFFFFFF60 ss:$0x1] =	vst.idx.msk $0xffff, v8;
	v8 =	vmax.f32 v10, $0.0e+00;
	v10 =	vld.idx.msk [tilespmem:v1+s17+$0x30 ss:$0x1], $0xffff;
	v3 =	vadd.f32 v14, v3  }
0xc4: {  	[tilespmem:v1+s18+$0xFFFFFF90 ss:$0x1] =	vst.idx.msk $0xffff, v8;
	v8 =	vld.idx.msk [tilespmem:v1+s13+$0xFFFFFF70 ss:$0x1], $0xffff  }
0xc5: {  	v58 =	vld.idx.msk [tilespmem:v1+s18+$0xFFFFFFA0 ss:$0x1], $0xffff;
	v4 =	vadd.f32 v56, v4;
	v3 =	vmax.f32 v3, $0.0e+00  }
0xc6: {  	v59 =	vld.idx.msk [tilespmem:v1+s20+$0x90 ss:$0x1], $0xffff;
	[tilespmem:v1+s16+$0xFFFFFFC0 ss:$0x1] =	vst.idx.msk $0xffff, v3  }
0xc7: {  	v2 =	vadd.f32 v9, v2;
	v4 =	vmax.f32 v4, $0.0e+00;
	v3 =	vld.idx.msk [tilespmem:v1+s16+$0xFFFFFFD0 ss:$0x1], $0xffff  }
0xc8: {  	v9 =	vld.idx.msk [tilespmem:v1+s17+$0xC0 ss:$0x1], $0xffff;
	[tilespmem:v1+s13+$0xFFFFFFF0 ss:$0x1] =	vst.idx.msk $0xffff, v4  }
0xc9: {  	v4 =	vadd.f32 v10, v57;
	v2 =	vmax.f32 v2, $0.0e+00;
	v10 =	vld.idx.msk [tilespmem:v1+s13+$0x0 ss:$0x1], $0xffff  }
0xca: {  	v60 =	vld.idx.msk [tilespmem:v1+s14+$0xF0 ss:$0x1], $0xffff;
	[tilespmem:v1+s18+$0xFFFFFF10 ss:$0x1] =	vst.idx.msk $0xffff, v2  }
0xcb: {  	v2 =	vmax.f32 v4, $0.0e+00;
	v15 =	vld.idx.msk [tilespmem:v1+s18+$0xFFFFFF20 ss:$0x1], $0xffff  }
0xcc: {  	v4 =	vadd.f32 v7, v5;
	v5 =	vld.idx.msk [tilespmem:v1+s20+$0x10 ss:$0x1], $0xffff;
	[tilespmem:v1+s16+$0xFFFFFF40 ss:$0x1] =	vst.idx.msk $0xffff, v2  }
0xcd: {  	v2 =	vadd.f32 v59, v58;
	v7 =	vld.idx.msk [tilespmem:v1+s16+$0xFFFFFF50 ss:$0x1], $0xffff  }
0xce: {  	v4 =	vmax.f32 v4, $0.0e+00;
	v61 =	vld.idx.msk [tilespmem:v1+s17+$0x40 ss:$0x1], $0xffff  }
0xcf: {  	[tilespmem:v1+s21+$0xFFFFFF70 ss:$0x1] =	vst.idx.msk $0xffff, v4;
	v2 =	vmax.f32 v2, $0.0e+00;
	v3 =	vadd.f32 v9, v3;
	v9 =	vld.idx.msk [tilespmem:v1+s14+$0x60 ss:$0x1], $0xffff  }
0xd0: {  	[tilespmem:v1+s18+$0xFFFFFFA0 ss:$0x1] =	vst.idx.msk $0xffff, v2;
	v2 =	vld.idx.msk [tilespmem:v1+s21+$0xFFFFFF80 ss:$0x1], $0xffff  }
0xd1: {  	v62 =	vld.idx.msk [tilespmem:v1+s18+$0xFFFFFFB0 ss:$0x1], $0xffff;
	v3 =	vmax.f32 v3, $0.0e+00  }
0xd2: {  	v63 =	vld.idx.msk [tilespmem:v1+s20+$0xA0 ss:$0x1], $0xffff;
	v5 =	vadd.f32 v5, v15;
	[tilespmem:v1+s16+$0xFFFFFFD0 ss:$0x1] =	vst.idx.msk $0xffff, v3  }
0xd3: {  	v10 =	vadd.f32 v60, v10;
	v3 =	vadd.f32 v11, v6;
	v4 =	vld.idx.msk [tilespmem:v1+s16+$0xFFFFFFE0 ss:$0x1], $0xffff  }
0xd4: {  	v7 =	vadd.f32 v61, v7;
	v6 =	vmax.f32 v5, $0.0e+00;
	v5 =	vld.idx.msk [tilespmem:v1+s17+$0xD0 ss:$0x1], $0xffff  }
0xd5: {  	v10 =	vmax.f32 v10, $0.0e+00;
	v11 =	vmax.f32 v3, $0.0e+00;
	v3 =	vld.idx.msk [tilespmem:v1+s10+$0x70 ss:$0x1], $0xffff;
	[tilespmem:v1+s18+$0xFFFFFF20 ss:$0x1] =	vst.idx.msk $0xffff, v6  }
0xd6: {  	[tilespmem:v1+s13+$0x0 ss:$0x1] =	vst.idx.msk $0xffff, v10;
	v6 =	vadd.f32 v9, v8;
	v7 =	vmax.f32 v7, $0.0e+00;
	v8 =	vld.idx.msk [tilespmem:v1+s18+$0xFFFFFF30 ss:$0x1], $0xffff  }
0xd7: {  	[tilespmem:v1+s16+$0xFFFFFF50 ss:$0x1] =	vst.idx.msk $0xffff, v7;
	v9 =	vld.idx.msk [tilespmem:v1+s20+$0x20 ss:$0x1], $0xffff  }
0xd8: {  	s22 =	simm.s32 $0x6;
	s31 =	smov.u32 s20;
	[tilespmem:v1+s21+$0x0 ss:$0x1] =	vst.idx.msk $0xffff, v11;
	v10 =	vadd.f32 v63, v62;
	v7 =	vmax.f32 v6, $0.0e+00;
	v6 =	vld.idx.msk [tilespmem:v1+s16+$0xFFFFFF60 ss:$0x1], $0xffff  }
0xd9: {  	s19 =	smul.u32 $0x1400, s12;
	s11 =	smov.u32 s21;
	s23 =	sadd.s32 $0x100, s18;
	[tilespmem:v1+s13+$0xFFFFFF70 ss:$0x1] =	vst.idx.msk $0xffff, v7;
	v7 =	vld.idx.msk [tilespmem:v1+s17+$0x50 ss:$0x1], $0xffff  }
.LBB2_5:
0xda: {  	v11 =	vld.idx.msk [tilespmem:v1+s23+$0xFFFFFF90 ss:$0x1], $0xffff;
	v10 =	vmax.f32 v10, $0.0e+00;
	s20 =	sadd.s32 $0x100, s20;
	v4 =	vadd.f32 v5, v4  }
0xdb: {  	v2 =	vadd.f32 v3, v2;
	v5 =	vld.idx.msk [tilespmem:v1+s20+$0x80 ss:$0x1], $0xffff;
	[tilespmem:v1+s18+$0xFFFFFFB0 ss:$0x1] =	vst.idx.msk $0xffff, v10  }
0xdc: {  	v3 =	vld.idx.msk [tilespmem:v1+s18+$0xFFFFFFC0 ss:$0x1], $0xffff;
	v4 =	vmax.f32 v4, $0.0e+00  }
0xdd: {  	v8 =	vadd.f32 v9, v8;
	v2 =	vmax.f32 v2, $0.0e+00;
	v9 =	vld.idx.msk [tilespmem:v1+s31+$0xB0 ss:$0x1], $0xffff;
	[tilespmem:v1+s16+$0xFFFFFFE0 ss:$0x1] =	vst.idx.msk $0xffff, v4  }
0xde: {  	v4 =	vld.idx.msk [tilespmem:v1+s16+$0xFFFFFFF0 ss:$0x1], $0xffff;
	[tilespmem:v1+s11+$0xFFFFFF80 ss:$0x1] =	vst.idx.msk $0xffff, v2;
	s11 =	smov.u32 s13;
	s13 =	smov.u32 s16;
	s16 =	smov.u32 s18  }
0xdf: {  	v2 =	vmax.f32 v8, $0.0e+00;
	v6 =	vadd.f32 v7, v6;
	s18 =	smov.u32 s23;
	v7 =	vld.idx.msk [tilespmem:v1+s17+$0xE0 ss:$0x1], $0xffff  }
0xe0: {  	v8 =	vld.idx.msk [tilespmem:v1+s20+$0x0 ss:$0x1], $0xffff;
	[tilespmem:v1+s16+$0xFFFFFF30 ss:$0x1] =	vst.idx.msk $0xffff, v2  }
0xe1: {  	v5 =	vadd.f32 v5, v11;
	v6 =	vmax.f32 v6, $0.0e+00;
	v2 =	vld.idx.msk [tilespmem:v1+s23+$0xFFFFFF10 ss:$0x1], $0xffff  }
0xe2: {  	v10 =	vld.idx.msk [tilespmem:v1+s16+$0xFFFFFF40 ss:$0x1], $0xffff;
	[tilespmem:v1+s13+$0xFFFFFF60 ss:$0x1] =	vst.idx.msk $0xffff, v6  }
0xe3: {  	v5 =	vmax.f32 v5, $0.0e+00;
	v3 =	vadd.f32 v9, v3;
	v6 =	vld.idx.msk [tilespmem:v1+s31+$0x30 ss:$0x1], $0xffff  }
0xe4: {  	s22 =	sadd.s32 $0x2, s22;
	[tilespmem:v1+s23+$0xFFFFFF90 ss:$0x1] =	vst.idx.msk $0xffff, v5;
	v9 =	vld.idx.msk [tilespmem:v1+s13+$0xFFFFFF70 ss:$0x1], $0xffff  }
0xe5: {  	p1 =	slt.u32 s22, $0x26;
	v3 =	vmax.f32 v3, $0.0e+00;
	v4 =	vadd.f32 v7, v4;
	v5 =	vld.idx.msk [tilespmem:v1+s23+$0xFFFFFFA0 ss:$0x1], $0xffff  }
0xe6: {  	v7 =	vld.idx.msk [tilespmem:v1+s20+$0x90 ss:$0x1], $0xffff;
	[tilespmem:v1+s16+$0xFFFFFFC0 ss:$0x1] =	vst.idx.msk $0xffff, v3  }
0xe7: {  	v2 =	vadd.f32 v8, v2;
	v4 =	vmax.f32 v4, $0.0e+00;
	v3 =	vld.idx.msk [tilespmem:v1+s16+$0xFFFFFFD0 ss:$0x1], $0xffff  }
0xe8: {  	v8 =	vld.idx.msk [tilespmem:v1+s31+$0xC0 ss:$0x1], $0xffff;
	[tilespmem:v1+s13+$0xFFFFFFF0 ss:$0x1] =	vst.idx.msk $0xffff, v4  }
0xe9: {  	v2 =	vmax.f32 v2, $0.0e+00;
	v4 =	vadd.f32 v6, v10;
	v6 =	vld.idx.msk [tilespmem:v1+s13+$0x0 ss:$0x1], $0xffff  }
0xea: {  	[tilespmem:v1+s23+$0xFFFFFF10 ss:$0x1] =	vst.idx.msk $0xffff, v2;
	v2 =	vld.idx.msk [tilespmem:v1+s17+$0xF0 ss:$0x1], $0xffff  }
0xeb: {  	v4 =	vmax.f32 v4, $0.0e+00;
	v10 =	vld.idx.msk [tilespmem:v1+s23+$0xFFFFFF20 ss:$0x1], $0xffff  }
0xec: {  	v11 =	vld.idx.msk [tilespmem:v1+s20+$0x10 ss:$0x1], $0xffff;
	[tilespmem:v1+s16+$0xFFFFFF40 ss:$0x1] =	vst.idx.msk $0xffff, v4  }
0xed: {  	v4 =	vadd.f32 v7, v5;
	v5 =	vld.idx.msk [tilespmem:v1+s16+$0xFFFFFF50 ss:$0x1], $0xffff  }
0xee: {  	v7 =	vld.idx.msk [tilespmem:v1+s31+$0x40 ss:$0x1], $0xffff  }
0xef: {  	v3 =	vadd.f32 v8, v3;
	v4 =	vmax.f32 v4, $0.0e+00;
	v8 =	vld.idx.msk [tilespmem:v1+s17+$0x60 ss:$0x1], $0xffff  }
0xf0: {  	[tilespmem:v1+s23+$0xFFFFFFA0 ss:$0x1] =	vst.idx.msk $0xffff, v4;
	v4 =	vadd.f32 v2, v6;
	v2 =	vld.idx.msk [tilespmem:v1+s11+$0xFFFFFF80 ss:$0x1], $0xffff  }
0xf1: {  	v3 =	vmax.f32 v3, $0.0e+00;
	v6 =	vld.idx.msk [tilespmem:v1+s23+$0xFFFFFFB0 ss:$0x1], $0xffff  }
0xf2: {  	v10 =	vadd.f32 v11, v10;
	v11 =	vld.idx.msk [tilespmem:v1+s20+$0xA0 ss:$0x1], $0xffff;
	[tilespmem:v1+s16+$0xFFFFFFD0 ss:$0x1] =	vst.idx.msk $0xffff, v3;
	v3 =	vmax.f32 v4, $0.0e+00  }
0xf3: {  	v4 =	vld.idx.msk [tilespmem:v1+s16+$0xFFFFFFE0 ss:$0x1], $0xffff;
	[tilespmem:v1+s13+$0x0 ss:$0x1] =	vst.idx.msk $0xffff, v3  }
0xf4: {  	v3 =	vmax.f32 v10, $0.0e+00;
	v7 =	vadd.f32 v7, v5;
	v5 =	vld.idx.msk [tilespmem:v1+s31+$0xD0 ss:$0x1], $0xffff  }
.Ltmp1:
0xf5: {  	v10 =	vadd.f32 v8, v9;
	[tilespmem:v1+s23+$0xFFFFFF20 ss:$0x1] =	vst.idx.msk $0xffff, v3;
	v3 =	vld.idx.msk [tilespmem:v1+s14+$0x70 ss:$0x1], $0xffff;
	s14 =	smov.u32 s17;
	s17 =	smov.u32 s31;
	(pc) =	sbr.rel @p1 .LBB2_5-.Ltmp1, $4  }
0xf6: {  	v7 =	vmax.f32 v7, $0.0e+00;
	s31 =	smov.u32 s20;
	v8 =	vld.idx.msk [tilespmem:v1+s23+$0xFFFFFF30 ss:$0x1], $0xffff  }
0xf7: {  	v9 =	vld.idx.msk [tilespmem:v1+s20+$0x20 ss:$0x1], $0xffff;
	[tilespmem:v1+s16+$0xFFFFFF50 ss:$0x1] =	vst.idx.msk $0xffff, v7;
	v7 =	vmax.f32 v10, $0.0e+00  }
0xf8: {  	v10 =	vadd.f32 v11, v6;
	v6 =	vld.idx.msk [tilespmem:v1+s16+$0xFFFFFF60 ss:$0x1], $0xffff;
	[tilespmem:v1+s13+$0xFFFFFF70 ss:$0x1] =	vst.idx.msk $0xffff, v7  }
0xf9: {  	s23 =	sadd.s32 $0x100, s23;
	v7 =	vld.idx.msk [tilespmem:v1+s17+$0x50 ss:$0x1], $0xffff  }
0xfa: {  	_ =	sdelay $0x2  }
0xfb: {  	v10 =	vmax.f32 v10, $0.0e+00;
	v8 =	vadd.f32 v9, v8  }
0xfc: {  	[tilespmem:v1+s18+$0xFFFFFFB0 ss:$0x1] =	vst.idx.msk $0xffff, v10  }
0xfd: {  	v10 =	vld.idx.msk [tilespmem:v1+s18+$0xFFFFFFC0 ss:$0x1], $0xffff;
	v8 =	vmax.f32 v8, $0.0e+00  }
0xfe: {  	v41 =	vld.idx.msk [tilespmem:v1+s31+$0xB0 ss:$0x1], $0xffff;
	[tilespmem:v1+s18+$0xFFFFFF30 ss:$0x1] =	vst.idx.msk $0xffff, v8  }
0xff: {  	v8 =	vld.idx.msk [tilespmem:v1+s18+$0xFFFFFF40 ss:$0x1], $0xffff  }
0x100: {  	v11 =	vld.idx.msk [tilespmem:v1+s31+$0x30 ss:$0x1], $0xffff;
	_ =	sdelay $0x2  }
0x101: {  	v9 =	vadd.f32 v41, v10;
	_ =	sdelay $0x1  }
0x102: {  	v9 =	vmax.f32 v9, $0.0e+00;
	v8 =	vadd.f32 v11, v8  }
0x103: {  	[tilespmem:v1+s18+$0xFFFFFFC0 ss:$0x1] =	vst.idx.msk $0xffff, v9  }
0x104: {  	v9 =	vld.idx.msk [tilespmem:v1+s18+$0xFFFFFFD0 ss:$0x1], $0xffff;
	v8 =	vmax.f32 v8, $0.0e+00  }
0x105: {  	v42 =	vld.idx.msk [tilespmem:v1+s31+$0xC0 ss:$0x1], $0xffff;
	[tilespmem:v1+s18+$0xFFFFFF40 ss:$0x1] =	vst.idx.msk $0xffff, v8  }
0x106: {  	v8 =	vld.idx.msk [tilespmem:v1+s18+$0xFFFFFF50 ss:$0x1], $0xffff  }
0x107: {  	v43 =	vld.idx.msk [tilespmem:v1+s31+$0x40 ss:$0x1], $0xffff;
	_ =	sdelay $0x2  }
0x108: {  	v9 =	vadd.f32 v42, v9;
	_ =	sdelay $0x1  }
0x109: {  	v9 =	vmax.f32 v9, $0.0e+00;
	v8 =	vadd.f32 v43, v8  }
0x10a: {  	[tilespmem:v1+s18+$0xFFFFFFD0 ss:$0x1] =	vst.idx.msk $0xffff, v9  }
0x10b: {  	v9 =	vld.idx.msk [tilespmem:v1+s18+$0xFFFFFFE0 ss:$0x1], $0xffff;
	v45 =	vmax.f32 v8, $0.0e+00  }
0x10c: {  	v44 =	vld.idx.msk [tilespmem:v1+s31+$0xD0 ss:$0x1], $0xffff;
	[tilespmem:v1+s18+$0xFFFFFF50 ss:$0x1] =	vst.idx.msk $0xffff, v45  }
0x10d: {  	v4 =	vadd.f32 v5, v4;
	v6 =	vadd.f32 v7, v6;
	v5 =	vld.idx.msk [tilespmem:v1+s18+$0xFFFFFF60 ss:$0x1], $0xffff  }
0x10e: {  	v46 =	vld.idx.msk [tilespmem:v1+s31+$0x50 ss:$0x1], $0xffff  }
0x10f: {  	v6 =	vmax.f32 v6, $0.0e+00  }
0x110: {  	[tilespmem:v1+s16+$0xFFFFFF60 ss:$0x1] =	vst.idx.msk $0xffff, v6  }
0x111: {  	v4 =	vmax.f32 v4, $0.0e+00;
	v6 =	vld.idx.msk [tilespmem:v1+s16+$0xFFFFFF70 ss:$0x1], $0xffff;
	v9 =	vadd.f32 v44, v9  }
0x112: {  	[tilespmem:v1+s16+$0xFFFFFFE0 ss:$0x1] =	vst.idx.msk $0xffff, v4;
	v51 =	vld.idx.msk [tilespmem:v1+s17+$0x60 ss:$0x1], $0xffff  }
0x113: {  	v47 =	vld.idx.msk [tilespmem:v1+s16+$0xFFFFFFF0 ss:$0x1], $0xffff;
	v49 =	vmax.f32 v9, $0.0e+00;
	v4 =	vadd.f32 v46, v5  }
0x114: {  	v48 =	vld.idx.msk [tilespmem:v1+s17+$0xE0 ss:$0x1], $0xffff;
	[tilespmem:v1+s18+$0xFFFFFFE0 ss:$0x1] =	vst.idx.msk $0xffff, v49  }
0x115: {  	v7 =	vld.idx.msk [tilespmem:v1+s18+$0xFFFFFFF0 ss:$0x1], $0xffff;
	v4 =	vmax.f32 v4, $0.0e+00  }
0x116: {  	v50 =	vld.idx.msk [tilespmem:v1+s31+$0xE0 ss:$0x1], $0xffff;
	[tilespmem:v1+s18+$0xFFFFFF60 ss:$0x1] =	vst.idx.msk $0xffff, v4  }
0x117: {  	v6 =	vadd.f32 v51, v6;
	v53 =	vld.idx.msk [tilespmem:v1+s18+$0xFFFFFF70 ss:$0x1], $0xffff  }
0x118: {  	v54 =	vld.idx.msk [tilespmem:v1+s31+$0x60 ss:$0x1], $0xffff  }
0x119: {  	v57 =	vld.idx.msk [tilespmem:v1+s13+$0xFFFFFF80 ss:$0x1], $0xffff;
	v59 =	vmax.f32 v6, $0.0e+00;
	v8 =	vadd.f32 v48, v47  }
0x11a: {  	v58 =	vld.idx.msk [tilespmem:v1+s14+$0x70 ss:$0x1], $0xffff;
	[tilespmem:v1+s16+$0xFFFFFF70 ss:$0x1] =	vst.idx.msk $0xffff, v59  }
0x11b: {  	v62 =	vld.idx.msk [tilespmem:v1+s16+$0xFFFFFF80 ss:$0x1], $0xffff;
	v52 =	vmax.f32 v8, $0.0e+00;
	v5 =	vadd.f32 v50, v7  }
0x11c: {  	v12 =	vld.idx.msk [tilespmem:v1+s17+$0x70 ss:$0x1], $0xffff;
	[tilespmem:v1+s16+$0xFFFFFFF0 ss:$0x1] =	vst.idx.msk $0xffff, v52  }
0x11d: {  	v55 =	vld.idx.msk [tilespmem:v1+s16+$0x0 ss:$0x1], $0xffff;
	v5 =	vmax.f32 v5, $0.0e+00;
	v4 =	vadd.f32 v54, v53  }
0x11e: {  	v56 =	vld.idx.msk [tilespmem:v1+s17+$0xF0 ss:$0x1], $0xffff;
	[tilespmem:v1+s18+$0xFFFFFFF0 ss:$0x1] =	vst.idx.msk $0xffff, v5  }
0x11f: {  	v60 =	vld.idx.msk [tilespmem:v1+s18+$0x0 ss:$0x1], $0xffff;
	v4 =	vmax.f32 v4, $0.0e+00  }
0x120: {  	v61 =	vld.idx.msk [tilespmem:v1+s31+$0xF0 ss:$0x1], $0xffff;
	[tilespmem:v1+s18+$0xFFFFFF70 ss:$0x1] =	vst.idx.msk $0xffff, v4  }
0x121: {  	v2 =	vadd.f32 v3, v2;
	v4 =	vld.idx.msk [tilespmem:v1+s18+$0xFFFFFF80 ss:$0x1], $0xffff  }
0x122: {  	s14 =	sadd.s32 $0x2, s3;
	v3 =	vld.idx.msk [tilespmem:v1+s31+$0x70 ss:$0x1], $0xffff  }
0x123: {  	s20 =	sand.u32 $0xFF, s14;
	v2 =	vmax.f32 v2, $0.0e+00;
	v7 =	vadd.f32 v56, v55  }
0x124: {  	[tilespmem:v1+s11+$0xFFFFFF80 ss:$0x1] =	vst.idx.msk $0xffff, v2;
	s11 =	smul.u32 $0xAB, s20;
	v9 =	vadd.f32 v58, v57  }
0x125: {  	v2 =	vmax.f32 v7, $0.0e+00;
	v5 =	vadd.f32 v61, v60  }
0x126: {  	s11 =	sshrl.u32 s11, $0x9;
	v63 =	vadd.f32 v12, v62;
	[tilespmem:v1+s16+$0x0 ss:$0x1] =	vst.idx.msk $0xffff, v2;
	v2 =	vmax.f32 v9, $0.0e+00  }
0x127: {  	p1 =	sgt.u32 s3, $0xF7;
	s11 =	smul.u32 $0x3, s11;
	[tilespmem:v1+s13+$0xFFFFFF80 ss:$0x1] =	vst.idx.msk $0xffff, v2;
	v2 =	vmax.f32 v5, $0.0e+00;
	v3 =	vadd.f32 v3, v4  }
0x128: {  	s22 =	sshll.u32 s12, $0x7;
	p2 =	seq.s32 @!p1 s3, $0x0;
	[tilespmem:v1+s18+$0x0 ss:$0x1] =	vst.idx.msk $0xffff, v2;
	v2 =	vmax.f32 v63, $0.0e+00  }
0x129: {  	s23 =	sadd.s32 $0x4000, s19;
	p2 =	por p2, p1;
	s11 =	ssub.s32 s14, s11;
	[tilespmem:v1+s16+$0xFFFFFF80 ss:$0x1] =	vst.idx.msk $0xffff, v2;
	v2 =	vmax.f32 v3, $0.0e+00  }
0x12a: {  	s11 =	sand.u32 $0xFF, s11;
	s13 =	sadd.s32 $0x200, s22;
	s31 =	sadd.s32 $0x7, s12;
	[tilespmem:v1+s18+$0xFFFFFF80 ss:$0x1] =	vst.idx.msk $0xffff, v2  }
0x12b: {  	[spmem:s1] =	stream.indirect.scatter.add.f32 [tilespmem:s23], [sflag:s31], $0x80, s13, s29, $0xb8;
	[tilespmem:$0x1E880] =	vst v63  }
0x12c: {  	s12 =	sadd.s32 @!p2 $0x7, s11;
	s13 =	smul.u32 @!p1 $0x28, s14  }
0x12d: {  	_ =	swait.ge @!p2 [sflag:s12], $0x1400  }
0x12e: {  	[sflag:s12] =	ssyncset.done @!p2 $0x0;
	s13 =	sadd.s32 @!p1 s8, s13  }
0x12f: {  	[sflag:s12] =	ssyncadd.s32 @!p2 $0xFFFFEC00;
	s12 =	sshrl.u32 @!p1 s13, $0x3  }
0x130: {  	s17 =	simm.s32 @!p1 $0x0;
	s14 =	sshll.u32 @!p1 s11, $0x7;
	s16 =	sadd.s32 @!p1 s6, s12  }
0x131: {  	[tilespmem:s14], [sflag:$0xA] =	stream.linear.gather @!p1 [hbm4b:s16+s17], $0x28, $0x38;
	[tilespmem:$0x1E880] =	vst v63  }
0x132: {  	s16 =	simm.s32 @!p1 $0xA  }
0x133: {  	_ =	swait.ge @!p1 [sflag:s16], $0x28  }
0x134: {  	[sflag:s16] =	ssyncset.done @!p1 $0x0  }
0x135: {  	s18 =	sadd.s32 @!p1 $0x200, s14;
	s12 =	sadd.s32 @!p1 s7, s12;
	[sflag:s16] =	ssyncadd.s32 @!p1 $0xFFFFFFD8  }
0x136: {  	[tilespmem:s18], [sflag:$0xA] =	stream.linear.gather @!p1 [hbm4b:s12+s17], $0x28, $0x38;
	[tilespmem:$0x1E880] =	vst v63  }
0x137: {  	s13 =	sshll.u32 @!p1 s13, $0x4;
	s12 =	smul.u32 @!p1 $0x1400, s11;
	_ =	swait.ge @!p1 [sflag:s16], $0x28  }
0x138: {  	s3 =	sadd.s32 $0x1, s3;
	s13 =	sadd.s32 @!p1 s5, s13;
	[sflag:s16] =	ssyncset.done @!p1 $0x0  }
0x139: {  	s18 =	sadd.s32 @!p1 $0x1, s11;
	[sflag:s16] =	ssyncadd.s32 @!p1 $0xFFFFFFD8;
	s16 =	sadd.s32 @!p1 $0x400, s12  }
0x13a: {  	[tilespmem:s16], [sflag:s18] =	stream.linear.gather @!p1 [hbm4b:s13+s17], $0x1400, $0x38;
	[tilespmem:$0x1E880] =	vst v63  }
0x13b: {  	s11 =	sadd.s32 @!p1 $0x4, s11;
	s12 =	sadd.s32 @!p1 $0x4000, s12;
	s13 =	simm.s32 @!p1 $0x28  }
0x13c: {  	[tilespmem:s12], [sflag:s11] =	stream.indirect.gather @!p1 [hbm4b:s4+s13], $0x80, s14, s13, $0xb8;
	[tilespmem:$0x1E880] =	vst v63  }
0x13d: {  	p1 =	sne.s32 s3, $0xFA  }
.Ltmp2:
0x13e: {  	_ = 	snop;
	(pc) =	sbr.rel @p1 .LBB2_4-.Ltmp2, $2  }
0x13f: {  	_ =	sdelay $0x2  }
0x140: {  	s10 =	sadd.s32 $0x1400, s10;
	s21 =	sadd.s32 $0x1400, s21  }
0x141: {  	_ =	swait.ge [sflag:s0], $0x1400  }
0x142: {  	[sflag:s0] =	ssyncset.done $0x0  }
0x143: {  	[sflag:s0] =	ssyncadd.s32 $0xFFFFEC00  }
0x144: {  	_ =	swait.ge [sflag:s28], $0x1400  }
0x145: {  	[sflag:s28] =	ssyncset.done $0x0  }
0x146: {  	[sflag:s28] =	ssyncadd.s32 $0xFFFFEC00  }
0x147: {  	_ =	swait.ge [sflag:s30], $0x1400  }
0x148: {  	[sflag:s30] =	ssyncset.done $0x0  }
0x149: {  	s3 =	stileid.u32;
	[sflag:s30] =	ssyncadd.s32 $0xFFFFEC00  }
0x14a: {  	s3 =	sshll.u32 s3, $0x6;
	[bflag:$0x0] =	sbarrier.arrive $0xFFFF  }
0x14b: {  	s10 =	sshrl.u32 s9, $0x3;
	s3 =	sor.u32 $0x1C0A, s3;
	s11 =	rddreg [dreg:$0xe]  }
0x14c: {  	[hbm:s11], [sflag:s3] =	dma.local [spmem:s10], $0x2700  }
0x14d: {  	s2 =	sadd.s32 $0x1, s2;
	_ =	swait.ge [sflag:s26], $0x2700  }
0x14e: {  	p1 =	sne.s32 s2, s24;
	[sflag:s26] =	ssyncset.done $0x0  }
0x14f: {  	s10 =	sshrl.u32 @!p0 s15, $0x3;
	s11 =	rddreg [dreg:$0xf];
	[sflag:s26] =	ssyncadd.s32 $0xFFFFD900  }
0x150: {  	[hbm:s11], [sflag:s3] =	dma.local @!p0 [spmem:s10], $0x100  }
.Ltmp3:
0x151: {  	_ = 	snop;
	(pc) =	sbr.rel @p1 .LBB2_1-.Ltmp3, $4  }
0x152: {  	s3 =	simm.s32 @!p0 $0xA  }
0x153: {  	_ =	swait.ge @!p0 [sflag:s3], $0x100  }
0x154: {  	[sflag:s3] =	ssyncset.done @!p0 $0x0  }
0x155: {  	[sflag:s3] =	ssyncadd.s32 @!p0 $0xFFFFFF00  }
0x156: {  	_ =	sfence.sel $0x180000  }
0x157: {  	[bflag:$0x0] =	sbarrier.arrive $0xFFFF  }
0x158: {  	_ =	strace $0x90000047  }
0x159: {  	s0 =	stileid.u32;
	[bflag:$0x2] =	sbarrier.arrive $0xFFFF  }
0x15a: {  	p0 =	sne.s32 s0, $0x0;
	s0 =	rddreg [dreg:$0x2]  }
0x15b: {  	s0 =	sadd.s32 @!p0 $0x100000, s0  }
0x15c: {  	[sflag:s0] =	ssyncadd.tile.s32 @!p0 $0x1;
	_ =	shalt  }
.Lfunc_end2:
_tile_overlayer_lowered:
.L_overlay_start_2:
0x15d: {  	(tag) =	ssettag $0x2  }
0x15e: {  	s0 =	rddreg [dreg:$0x0];
	s2 =	stileid.u32  }
0x15f: {  	s1 =	rddreg [dreg:$0x1];
	p0 =	sne.s32 s2, $0x0  }
0x160: {  	s3 =	rddreg [dreg:$0x2];
	[bflag:$0x3] =	sbarrier.arrive $0xFFFF;
	s2 =	simm.s32 @!p0 $0x1C0A  }
0x161: {  	[timem:s3], [sflag:s2] =	dma.local @!p0 [hbm:s0], s1  }
0x162: {  	s0 =	simm.s32 @!p0 $0xA  }
0x163: {  	_ =	swait.ge @!p0 [sflag:s0], s1  }
0x164: {  	s1 =	ssub.s32 @!p0 $0x0, s1;
	[sflag:s0] =	ssyncset.done @!p0 $0x0  }
0x165: {  	[sflag:s0] =	ssyncadd.s32 @!p0 s1  }
0x166: {  	[bflag:$0x3] =	sbarrier.arrive $0xFFFF  }
0x167: {  	_ =	shalt  }

// kernel: kernel.14.cloned.1.call-start
scs
__scs_entry_jumppad:
0x0: {  	(pc) =	sbr.rel $0x88, $3  }
0x1: {  	(tag) =	ssettag $0x0;
	lr =	simm.s32 $0x1  }
0x2: {  	[smem:$0x3F96] =	sst lr;
	_ =	strace $0xD0000000  }
0x3: {  	_ = 	snop  }
0x4: {  	_ = 	snop  }
0x5: {  	_ = 	snop  }
0x6: {  	_ = 	snop  }
0x7: {  	_ = 	snop  }
__scs_overlays_trampoline_lowered:
0x8: {  	[smem:$0x3FA5] =	sst s0  }
0x9: {  	[smem:$0x3FA6] =	sst s1  }
0xa: {  	[smem:$0x3FA7] =	sst s2  }
0xb: {  	[smem:$0x3FA8] =	sst s3  }
0xc: {  	[smem:$0x3FA9] =	sst s4  }
0xd: {  	[smem:$0x3FAA] =	sst s5  }
0xe: {  	[smem:$0x3FAB] =	sst s6  }
0xf: {  	[smem:$0x3FAC] =	sst s7  }
0x10: {  	[smem:$0x3FAD] =	sst s8  }
0x11: {  	[smem:$0x3FAE] =	sst s9;
	s0 =	simm.s32 @!p0 $0x0  }
0x12: {  	s1 =	sld [smem:$0x3F94];
	s0 =	simm.s32 @p0 $0x1  }
0x13: {  	[smem:$0x3FAF] =	sst s0;
	s0 =	simm.s32 @!p1 $0x0  }
0x14: {  	s2 =	sld [smem:$0x3F93];
	s0 =	simm.s32 @p1 $0x1  }
0x15: {  	[smem:$0x3FB0] =	sst s0;
	s0 =	simm.s32 @!p2 $0x0  }
0x16: {  	s3 =	sld [smem:$0x3FDB];
	s0 =	simm.s32 @p2 $0x1  }
0x17: {  	s4 =	simm.s32 $0x1BF5;
	[smem:$0x3FB2] =	sst s0  }
0x18: {  	s0 =	sld [smem:$0x3F95];
	_ =	swait.ge [sflag:s4], $0x0  }
0x19: {  	s7 =	sld [smem:$0x3F96]  }
0x1a: {  	s8 =	sadd.s32 $0xFFFFE003, lr  }
0x1b: {  	s9 =	sadd.s32 $0xFFFFFEF7, lr;
	s5 =	simm.s32 $0xFFFFFFFF;
	p2 =	slt.u32 s8, $0xFFFFF086  }
0x1c: {  	p1 =	slt.u32 s9, $0xF7A;
	s5 =	simm.s32 @!p2 $0x0  }
0x1d: {  	s5 =	simm.s32 @p1 $0x1;
	p0 =	seq.s32 s7, s2  }
0x1e: {  	s7 =	smul.u32 @!p0 $0xF7A, s2;
	p2 =	seq.s32 @!p0 s5, $0x0  }
0x1f: {  	s9 =	smul.u32 $0xF7A, s1;
	s8 =	simm.s32 @!p0 $0x1BF5;
	p2 =	por !p2, p0  }
0x20: {  	[sflag:s8] =	ssyncset.s32 @!p0 $0xFFFFF086;
	s6 =	sadd.s32 @!p0 s3, s7;
	s7 =	simm.s32 @!p0 $0x108  }
0x21: {  	s3 =	sadd.s32 s3, s9;
	s6 =	sadd.s32 @!p0 $0x88, s6;
	s7 =	simm.s32 @p2 $0x1082  }
0x22: {  	[simem:s7], [sflag:s8] =	dma.local @!p0 [hbm:s6], $0xF7A  }
0x23: {  	s9 =	sor.u32 $0xD0000000, s2;
	s6 =	simm.s32 $0x108;
	_ =	swait.ge @!p0 [sflag:s8], $0x0  }
0x24: {  	s3 =	sadd.s32 $0x88, s3;
	s6 =	simm.s32 @!p1 $0x1082;
	[sflag:s4] =	ssyncset.s32 $0xFFFFF086  }
0x25: {  	[simem:s6], [sflag:s4] =	dma.local [hbm:s3], $0xF7A  }
0x26: {  	[smem:$0x3F96] =	sst s1;
	(tag) =	ssettag s2;
	_ =	strace s9  }
0x27: {  	s1 =	sld [smem:$0x3FA6]  }
0x28: {  	s2 =	sld [smem:$0x3FA7]  }
0x29: {  	s4 =	sld [smem:$0x3FA9]  }
0x2a: {  	p0 =	seq.s32 s5, $0x0;
	s5 =	sld [smem:$0x3FAA]  }
0x2b: {  	s6 =	sld [smem:$0x3FAB]  }
0x2c: {  	s7 =	sld [smem:$0x3FAC]  }
0x2d: {  	s3 =	simm.s32 $0x108;
	s8 =	sld [smem:$0x3FAD]  }
0x2e: {  	s3 =	simm.s32 @!p0 $0x1082;
	s9 =	sld [smem:$0x3FAE]  }
0x2f: {  	lr =	sadd.s32 s0, s3;
	s0 =	sld [smem:$0x3FA5]  }
0x30: {  	s3 =	sld [smem:$0x3FA8]  }
0x31: {  	[smem:$0x3FB1] =	sst s10  }
0x32: {  	s10 =	sld [smem:$0x3FAF];
	_ =	sdelay $0x3  }
0x33: {  	p0 =	seq.s32 s10, $0x1;
	s10 =	sld [smem:$0x3FB1];
	_ =	sdelay $0x3  }
0x34: {  	[smem:$0x3FB1] =	sst s10  }
0x35: {  	s10 =	sld [smem:$0x3FB0];
	_ =	sdelay $0x3  }
0x36: {  	p1 =	seq.s32 s10, $0x1;
	s10 =	sld [smem:$0x3FB1];
	_ =	sdelay $0x3  }
0x37: {  	[smem:$0x3FB1] =	sst s10  }
0x38: {  	s10 =	sld [smem:$0x3FB2]  }
0x39: {  	_ = 	snop;
	(pc) =	sbr.ind lr, $3  }
0x3a: {  	_ = 	snop  }
0x3b: {  	_ = 	snop  }
0x3c: {  	p2 =	seq.s32 s10, $0x1;
	s10 =	sld [smem:$0x3FB1]  }
0x3d: {  	_ =	shalt  }
0x3e: {  	_ =	shalt  }
0x3f: {  	_ =	shalt  }
0x40: {  	_ =	shalt  }
0x41: {  	_ =	shalt  }
0x42: {  	_ =	shalt  }
0x43: {  	_ =	shalt  }
0x44: {  	_ =	shalt  }
0x45: {  	_ =	shalt  }
0x46: {  	_ =	shalt  }
0x47: {  	_ =	shalt  }
0x48: {  	_ =	shalt  }
0x49: {  	_ =	shalt  }
0x4a: {  	_ =	shalt  }
0x4b: {  	_ =	shalt  }
0x4c: {  	_ =	shalt  }
0x4d: {  	_ =	shalt  }
0x4e: {  	_ =	shalt  }
0x4f: {  	_ =	shalt  }
0x50: {  	_ =	shalt  }
0x51: {  	_ =	shalt  }
0x52: {  	_ =	shalt  }
0x53: {  	_ =	shalt  }
0x54: {  	_ =	shalt  }
0x55: {  	_ =	shalt  }
0x56: {  	_ =	shalt  }
0x57: {  	_ =	shalt  }
0x58: {  	_ =	shalt  }
0x59: {  	_ =	shalt  }
0x5a: {  	_ =	shalt  }
0x5b: {  	_ =	shalt  }
0x5c: {  	_ =	shalt  }
0x5d: {  	_ =	shalt  }
0x5e: {  	_ =	shalt  }
0x5f: {  	_ =	shalt  }
0x60: {  	_ =	shalt  }
0x61: {  	_ =	shalt  }
0x62: {  	_ =	shalt  }
0x63: {  	_ =	shalt  }
0x64: {  	_ =	shalt  }
0x65: {  	_ =	shalt  }
0x66: {  	_ =	shalt  }
0x67: {  	_ =	shalt  }
0x68: {  	_ =	shalt  }
0x69: {  	_ =	shalt  }
0x6a: {  	_ =	shalt  }
0x6b: {  	_ =	shalt  }
0x6c: {  	_ =	shalt  }
0x6d: {  	_ =	shalt  }
0x6e: {  	_ =	shalt  }
0x6f: {  	_ =	shalt  }
0x70: {  	_ =	shalt  }
0x71: {  	_ =	shalt  }
0x72: {  	_ =	shalt  }
0x73: {  	_ =	shalt  }
0x74: {  	_ =	shalt  }
0x75: {  	_ =	shalt  }
0x76: {  	_ =	shalt  }
0x77: {  	_ =	shalt  }
0x78: {  	_ =	shalt  }
0x79: {  	_ =	shalt  }
0x7a: {  	_ =	shalt  }
0x7b: {  	_ =	shalt  }
0x7c: {  	_ =	shalt  }
0x7d: {  	_ =	shalt  }
0x7e: {  	_ =	shalt  }
0x7f: {  	_ =	shalt  }
0x80: {  	_ =	shalt  }
0x81: {  	_ =	shalt  }
0x82: {  	_ =	shalt  }
0x83: {  	_ =	shalt  }
0x84: {  	_ =	shalt  }
0x85: {  	_ =	shalt  }
0x86: {  	_ =	shalt  }
0x87: {  	_ =	shalt  }
.Lfunc_end0:
.L_simem_size_0:
called_computation.1_lowered:
.L_overlay_start_0:
0x88: {  	s2 =	sld [smem:$0x3FD9]  }
0x89: {  	s3 =	sld [smem:$0x3FFE];
	_ =	sdelay $0x1  }
0x8a: {  	s1 =	srdreg.scid  }
0x8b: {  	s0 =	sand.u32 $0x1, s1  }
0x8c: {  	s16 =	sshll.u32 s0, $0xA;
	s2 =	sadd.s32 s3, s2  }
0x8d: {  	s2 =	sadd.s32 s2, s16  }
0x8e: {  	[smem:$0x3FBD] =	sst s2  }
0x8f: {  	_ = 	snop  }
0x90: {  	(tm) =	ssettm $0x1  }
0x91: {  	s17 =	sld [smem:$0x3FFB];
	_ =	sdelay $0x3  }
0x92: {  	_ =	strace s17  }
0x93: {  	s2 =	sld [smem:$0x3FFC];
	_ =	sdelay $0x3  }
0x94: {  	_ =	strace s2  }
0x95: {  	s2 =	sld [smem:$0x3FFD];
	_ =	sdelay $0x3  }
0x96: {  	_ =	strace s2  }
0x97: {  	_ =	strace $0x8FFFFFFF  }
0x98: {  	s18 =	sld [smem:$0x3FDB];
	_ =	sdelay $0x1  }
0x99: {  	s19 =	simm.s32 $_scs_section_size  }
0x9a: {  	s4 =	simm.s32 $_size__tile_overlayer_lowered;
	s5 =	simm.s32 $_tile_overlayer_lowered  }
0x9b: {  	s22 =	simm.s32 $0x1BFF;
	s21 =	sshll.u32 s5, $0x1;
	s2 =	sadd.s32 s19, s18  }
0x9c: {  	s6 =	simm.s32 $0x0;
	s20 =	sshll.u32 s4, $0x1;
	s4 =	sadd.s32 s21, s2  }
0x9d: {  	[timem:s6], [sflag:s22] =	dma.local [hbm:s4], s20  }
0x9e: {  	_ =	swait.ge [sflag:s22], s20  }
0x9f: {  	s3 =	ssub.s32 $0x0, s20;
	[sflag:s22] =	ssyncset.done $0x0  }
0xa0: {  	[sflag:s22] =	ssyncadd.s32 s3;
	_ =	sdelay $0x1  }
0xa1: {  	s23 =	simm.s32 $0x1B8B  }
0xa2: {  	_ =	swait.ge [sflag:s23], $0x1  }
0xa3: {  	[sflag:s23] =	ssyncset.done $0x0  }
0xa4: {  	s25 =	simm.s32 $0x1B8E;
	s24 =	sld [smem:$0x3FFE];
	[sflag:s23] =	ssyncadd.s32 $0xFFFFFFFF  }
0xa5: {  	s26 =	simm.s32 $execute0_lowered;
	[smem:$0x3FD2] =	sst s25  }
0xa6: {  	s4 =	sshll.u32 s26, $0x1;
	_ =	strace $0x80000049;
	[dreg:$0x1] =	wrdreg $0xFFFFFFFF  }
0xa7: {  	s28 =	simm.s32 $_size_execute0_lowered;
	s2 =	sadd.s32 s2, s4;
	[dreg:$0x0] =	wrdreg $0x0  }
0xa8: {  	s4 =	sshll.u32 s28, $0x1;
	[dreg:$0x2] =	wrdreg s2  }
0xa9: {  	[dreg:$0x3] =	wrdreg s4  }
0xaa: {  	[dreg:$0x4] =	wrdreg $0xC0  }
0xab: {  	_ =	task [dreg:s6], $0x5FFFF  }
0xac: {  	[dreg:$0x1] =	wrdreg $0xFFFFFFFF  }
0xad: {  	[dreg:$0x0] =	wrdreg $0x60  }
0xae: {  	[dreg:$0x2] =	wrdreg s24  }
0xaf: {  	[dreg:$0x3] =	wrdreg $0xB0000  }
0xb0: {  	[dreg:$0x4] =	wrdreg $0x9  }
0xb1: {  	_ =	task.clear_ibuf [dreg:s6], $0x5FFFF;
	_ =	strace $0x90000049  }
0xb2: {  	s29 =	simm.s32 $0x9;
	_ =	strace $0x8000004B  }
0xb3: {  	_ =	swait.ge [sflag:s29], $0x1  }
0xb4: {  	[sflag:s29] =	ssyncadd.s32 $0xFFFFFFFF  }
0xb5: {  	_ =	strace $0x9000004B  }
0xb6: {  	_ =	sfence  }
0xb7: {  	s30 =	sld [smem:$0x0];
	_ =	sdelay $0x2  }
0xb8: {  	s31 =	sshll.u32 s1, $0xD;
	s1 =	sshrl.u32 s1, $0x2  }
0xb9: {  	s3 =	sand.u32 $0x4000, s31;
	s1 =	sadd.s32 s1, s30  }
0xba: {  	s0 =	sor.u32 s3, s0;
	s1 =	sshll.u32 s1, $0x11  }
0xbb: {  	s0 =	sor.u32 s1, s0  }
0xbc: {  	s0 =	sadd.s32 $0x8F2B, s0  }
0xbd: {  	[sflag:s0] =	ssyncadd.remote.s32 $0x1  }
0xbe: {  	_ =	sfence.sel $0xFFFF  }
0xbf: {  	[dreg:$0x0] =	wrdreg $0xFFFFFFFF;
	(pc) =	sbr.abs _section_cstart, $3  }
0xc0: {  	[dreg:$0x1] =	wrdreg $0xFFFFFFFF  }
0xc1: {  	_ =	task.clear_ibuf [dreg:s6], $0x2FFFF;
	_ =	strace $0x9FFFFFFF  }
0xc2: {  	(tm) =	ssettm $0x7FFFFFFF  }
0xc3: {  	_ =	shalt  }
tec
execute0_lowered:
.L_overlay_start_1:
0x0: {  	(tag) =	ssettag $0x1  }
0x1: {  	s0 =	rddreg [dreg:$0x0]  }
0x2: {  	s1 =	rddreg [dreg:$0x1]  }
0x3: {  	s2 =	simm.s32 $0x0;
	s3 =	srdreg.scid;
	s16 =	stileid.u32  }
0x4: {  	s29 =	simm.s32 $0x28;
	s28 =	simm.s32 $0x9;
	s30 =	simm.s32 $0x7  }
0x5: {  	[smem:$0x7FF] =	sst s2;
	s4 =	sadd.s32 $0x17C00, s0;
	s5 =	sadd.s32 $0x4F9C00, s0  }
0x6: {  	s6 =	sadd.s32 $0xDE00, s0;
	s7 =	sadd.s32 $0x4000, s0;
	s3 =	sand.u32 $0x1, s3  }
0x7: {  	s8 =	smul.u32 $0x4E000, s16;
	s0 =	sadd.s32 $0x3EE00, s0;
	s15 =	sadd.s32 $0x138000, s1  }
0x8: {  	s14 =	smul.u32 $0x13800, s16;
	p0 =	sne.s32 s16, $0xF;
	s9 =	ssub.s32 $0x2, s3  }
0x9: {  	_ =	strace $0x8000004A;
	s11 =	sshrl.u32 s9, $0x1;
	s12 =	sshrl.u32 s8, $0x2  }
0xa: {  	s10 =	sshll.u32 s3, $0x4;
	s11 =	ssub.s32 s9, s11;
	s9 =	sadd.s32 s12, s1  }
0xb: {  	s3 =	smul.u32 $0x138800, s3;
	s10 =	sor.u32 s16, s10;
	s12 =	sadd.s32 $0x3400, s9  }
0xc: {  	s8 =	smul.u32 $0x2710, s10;
	s18 =	sadd.s32 $0x6800, s9;
	[dreg:$0x3] =	wrdreg s12  }
0xd: {  	s10 =	smul.u32 $0x27100, s10;
	s19 =	sadd.s32 $0x9C00, s9;
	[dreg:$0x4] =	wrdreg s18  }
0xe: {  	s26 =	sadd.s32 s14, s3;
	s20 =	sadd.s32 $0xD000, s9;
	[dreg:$0x5] =	wrdreg s19  }
0xf: {  	s3 =	sshrl.u32 s3, $0x3;
	s21 =	sadd.s32 $0x10400, s9;
	[dreg:$0x6] =	wrdreg s20  }
0x10: {  	[dreg:$0x7] =	wrdreg s21;
	s22 =	sshrl.u32 s8, $0x3;
	s10 =	sadd.s32 s5, s10  }
0x11: {  	s23 =	sadd.s32 $0x28, s8;
	s13 =	sadd.s32 s6, s22;
	[dreg:$0xa] =	wrdreg s10  }
0x12: {  	s12 =	sadd.s32 s7, s22;
	s24 =	sshrl.u32 s23, $0x3;
	[dreg:$0x8] =	wrdreg s13  }
0x13: {  	s31 =	sshll.u32 s23, $0x4;
	[dreg:$0x9] =	wrdreg s12;
	s25 =	sadd.s32 s6, s24  }
0x14: {  	s10 =	sadd.s32 s7, s24;
	s12 =	sadd.s32 s5, s31;
	[dreg:$0xb] =	wrdreg s25  }
0x15: {  	s24 =	smax.u32 s11, $0x1;
	[dreg:$0xc] =	wrdreg s10;
	s10 =	sshrl.u32 s26, $0x3  }
0x16: {  	[dreg:$0xd] =	wrdreg s12;
	s10 =	sadd.s32 s0, s10;
	s0 =	sadd.s32 s0, s3  }
0x17: {  	s25 =	simm.s32 $0x7C00;
	[dreg:$0xe] =	wrdreg s10;
	s0 =	sadd.s32 $0x27000, s0  }
0x18: {  	v0 =	vimm.f32 $0.0e+00;
	s26 =	simm.s32 $0xA;
	[dreg:$0xf] =	wrdreg s0;
	s0 =	simm.s32 $0x8  }
.LBB2_1:
0x19: {  	s3 =	simm.s32 $0x0;
	s10 =	simm.s32 $0x200  }
.LBB2_2:
0x1a: {  	p1 =	sne.s32 s10, $0xCE00;
	[tilespmem:s3+$0x7C70] =	vst v0  }
0x1b: {  	[tilespmem:s3+$0x7C00] =	vst v0  }
0x1c: {  	[tilespmem:s3+$0x7C10] =	vst v0  }
.Ltmp0:
0x1d: {  	[tilespmem:s3+$0x7C20] =	vst v0;
	(pc) =	sbr.rel @p1 .LBB2_2-.Ltmp0, $4  }
0x1e: {  	[tilespmem:s3+$0x7C30] =	vst v0  }
0x1f: {  	[tilespmem:s3+$0x7C40] =	vst v0  }
0x20: {  	[tilespmem:s3+$0x7C50] =	vst v0  }
0x21: {  	[tilespmem:s3+$0x7C60] =	vst v0;
	s3 =	sshra.s32 s10, $0x2;
	s10 =	sadd.s32 $0x200, s10  }
0x22: {  	[tilespmem:s3+$0x7C70] =	vst v0  }
0x23: {  	[tilespmem:s3+$0x7C00] =	vst v0  }
0x24: {  	[tilespmem:s3+$0x7C10] =	vst v0  }
0x25: {  	[tilespmem:s3+$0x7C20] =	vst v0  }
0x26: {  	[tilespmem:s3+$0x7C30] =	vst v0  }
0x27: {  	[tilespmem:s3+$0x7C40] =	vst v0  }
0x28: {  	[tilespmem:s3+$0x7C50] =	vst v0  }
0x29: {  	[tilespmem:s3+$0x7C60] =	vst v0  }
0x2a: {  	[spmem:s9] =	stream.linear.scatter [tilespmem:s25], [sflag:$0xA], $0x3400, $0x38;
	[tilespmem:$0x1E880] =	vst v63  }
0x2b: {  	_ =	swait.ge [sflag:s26], $0x3400  }
0x2c: {  	[sflag:s26] =	ssyncset.done $0x0  }
0x2d: {  	s11 =	rddreg [dreg:$0x3];
	[sflag:s26] =	ssyncadd.s32 $0xFFFFCC00  }
0x2e: {  	[spmem:s11] =	stream.linear.scatter [tilespmem:s25], [sflag:$0xA], $0x3400, $0x38;
	[tilespmem:$0x1E880] =	vst v63  }
0x2f: {  	_ =	swait.ge [sflag:s26], $0x3400  }
0x30: {  	[sflag:s26] =	ssyncset.done $0x0  }
0x31: {  	s12 =	rddreg [dreg:$0x4];
	[sflag:s26] =	ssyncadd.s32 $0xFFFFCC00  }
0x32: {  	[spmem:s12] =	stream.linear.scatter [tilespmem:s25], [sflag:$0xA], $0x3400, $0x38;
	[tilespmem:$0x1E880] =	vst v63  }
0x33: {  	_ =	swait.ge [sflag:s26], $0x3400  }
0x34: {  	[sflag:s26] =	ssyncset.done $0x0  }
0x35: {  	s13 =	rddreg [dreg:$0x5];
	[sflag:s26] =	ssyncadd.s32 $0xFFFFCC00  }
0x36: {  	[spmem:s13] =	stream.linear.scatter [tilespmem:s25], [sflag:$0xA], $0x3400, $0x38;
	[tilespmem:$0x1E880] =	vst v63  }
0x37: {  	_ =	swait.ge [sflag:s26], $0x3400  }
0x38: {  	[sflag:s26] =	ssyncset.done $0x0  }
0x39: {  	s14 =	rddreg [dreg:$0x6];
	[sflag:s26] =	ssyncadd.s32 $0xFFFFCC00  }
0x3a: {  	[spmem:s14] =	stream.linear.scatter [tilespmem:s25], [sflag:$0xA], $0x3400, $0x38;
	[tilespmem:$0x1E880] =	vst v63  }
0x3b: {  	_ =	swait.ge [sflag:s26], $0x3400  }
0x3c: {  	[sflag:s26] =	ssyncset.done $0x0  }
0x3d: {  	s16 =	rddreg [dreg:$0x7];
	[sflag:s26] =	ssyncadd.s32 $0xFFFFCC00  }
0x3e: {  	[spmem:s16] =	stream.linear.scatter [tilespmem:s25], [sflag:$0xA], $0x3400, $0x38;
	[tilespmem:$0x1E880] =	vst v63  }
0x3f: {  	_ =	swait.ge [sflag:s26], $0x3400  }
0x40: {  	[sflag:s26] =	ssyncset.done $0x0  }
0x41: {  	s3 =	simm.s32 @!p0 $0x7C00;
	[sflag:s26] =	ssyncadd.s32 $0xFFFFCC00  }
0x42: {  	[spmem:s15] =	stream.linear.scatter @!p0 [tilespmem:s3], [sflag:$0xA], $0x800, $0x38;
	[tilespmem:$0x1E880] =	vst v63  }
0x43: {  	s3 =	simm.s32 @!p0 $0xA  }
0x44: {  	_ =	swait.ge @!p0 [sflag:s3], $0x800  }
0x45: {  	[sflag:s3] =	ssyncset.done @!p0 $0x0  }
0x46: {  	[sflag:s3] =	ssyncadd.s32 @!p0 $0xFFFFF800  }
0x47: {  	[bflag:$0x0] =	sbarrier.arrive $0xFFFF  }
0x48: {  	s3 =	simm.s32 $0x0;
	s10 =	rddreg [dreg:$0x8]  }
0x49: {  	[tilespmem:s3], [sflag:$0xA] =	stream.linear.gather [hbm4b:s10+s3], $0x28, $0x38;
	[tilespmem:$0x1E880] =	vst v63  }
0x4a: {  	_ =	swait.ge [sflag:s26], $0x28  }
0x4b: {  	[sflag:s26] =	ssyncset.done $0x0  }
0x4c: {  	s11 =	simm.s32 $0x200;
	s17 =	rddreg [dreg:$0x9];
	[sflag:s26] =	ssyncadd.s32 $0xFFFFFFD8  }
0x4d: {  	[tilespmem:s11], [sflag:$0xA] =	stream.linear.gather [hbm4b:s17+s3], $0x28, $0x38;
	[tilespmem:$0x1E880] =	vst v63  }
0x4e: {  	_ =	swait.ge [sflag:s26], $0x28  }
0x4f: {  	[sflag:s26] =	ssyncset.done $0x0  }
0x50: {  	s10 =	simm.s32 $0x400;
	s18 =	rddreg [dreg:$0xa];
	[sflag:s26] =	ssyncadd.s32 $0xFFFFFFD8  }
0x51: {  	[tilespmem:s10], [sflag:$0x1] =	stream.linear.gather [hbm4b:s18+s3], $0x1400, $0x38;
	[tilespmem:$0x1E880] =	vst v63  }
0x52: {  	s19 =	simm.s32 $0x4000  }
0x53: {  	[tilespmem:s19], [sflag:$0x4] =	stream.indirect.gather [hbm4b:s4+s29], $0x80, s3, s29, $0xb8;
	[tilespmem:$0x1E880] =	vst v63  }
0x54: {  	s12 =	simm.s32 $0x80;
	s20 =	rddreg [dreg:$0xb]  }
0x55: {  	[tilespmem:s12], [sflag:$0xA] =	stream.linear.gather [hbm4b:s20+s3], $0x28, $0x38;
	[tilespmem:$0x1E880] =	vst v63  }
0x56: {  	_ =	swait.ge [sflag:s26], $0x28  }
0x57: {  	[sflag:s26] =	ssyncset.done $0x0  }
0x58: {  	s13 =	simm.s32 $0x280;
	s21 =	rddreg [dreg:$0xc];
	[sflag:s26] =	ssyncadd.s32 $0xFFFFFFD8  }
0x59: {  	[tilespmem:s13], [sflag:$0xA] =	stream.linear.gather [hbm4b:s21+s3], $0x28, $0x38;
	[tilespmem:$0x1E880] =	vst v63  }
0x5a: {  	_ =	swait.ge [sflag:s26], $0x28  }
0x5b: {  	[sflag:s26] =	ssyncset.done $0x0  }
0x5c: {  	s23 =	simm.s32 $0x1800;
	s22 =	rddreg [dreg:$0xd];
	[sflag:s26] =	ssyncadd.s32 $0xFFFFFFD8  }
0x5d: {  	[tilespmem:s23], [sflag:$0x2] =	stream.linear.gather [hbm4b:s22+s3], $0x1400, $0x38;
	[tilespmem:$0x1E880] =	vst v63  }
0x5e: {  	s31 =	simm.s32 $0x5400;
	s21 =	simm.s32 $0x40F0  }
0x5f: {  	[tilespmem:s31], [sflag:$0x5] =	stream.indirect.gather [hbm4b:s4+s29], $0x80, s12, s29, $0xb8;
	[tilespmem:$0x1E880] =	vst v63  }
.LBB2_4:
0x60: {  	s11 =	smul.u32 $0xAB, s3;
	_ =	sdelay $0x1  }
0x61: {  	s11 =	sshrl.u32 s11, $0x9  }
0x62: {  	s12 =	smulhi.u32 $0xAAAAAAAB, s3;
	s11 =	sand.u32 $0x7F, s11  }
0x63: {  	s11 =	smul.u32 $0x3, s11;
	_ =	sdelay $0x1  }
0x64: {  	s12 =	sshrl.u32 s12, $0x1;
	s11 =	ssub.s32 s3, s11  }
0x65: {  	s13 =	smul.u32 $0xFFFF1000, s12;
	s12 =	sand.u32 $0xFF, s11  }
0x66: {  	s11 =	sadd.s32 $0x1, s12  }
0x67: {  	s13 =	sshra.s32 s13, $0x2;
	_ =	swait.ge [sflag:s11], $0x1400  }
0x68: {  	v1 =	vmov s13;
	[sflag:s11] =	ssyncset.done $0x0  }
0x69: {  	s23 =	sor.u32 $0x4, s12;
	[sflag:s11] =	ssyncadd.s32 $0xFFFFEC00  }
0x6a: {  	_ =	swait.ge [sflag:s23], $0x1400  }
0x6b: {  	[sflag:s23] =	ssyncset.done $0x0  }
0x6c: {  	[sflag:s23] =	ssyncadd.s32 $0xFFFFEC00  }
0x6d: {  	v2 =	vld.idx.msk [tilespmem:v1+s21+$0xFFFFFF90 ss:$0x1], $0xffff  }
0x6e: {  	v3 =	vld.idx.msk [tilespmem:v1+s10+$0x80 ss:$0x1], $0xffff  }
0x6f: {  	v4 =	vld.idx.msk [tilespmem:v1+s10+$0x0 ss:$0x1], $0xffff  }
0x70: {  	v5 =	vld.idx.msk [tilespmem:v1+s21+$0xFFFFFF10 ss:$0x1], $0xffff;
	_ =	sdelay $0x2  }
0x71: {  	v2 =	vadd.f32 v3, v2;
	_ =	sdelay $0x1  }
0x72: {  	v3 =	vadd.f32 v4, v5;
	v2 =	vmax.f32 v2, $0.0e+00  }
0x73: {  	[tilespmem:v1+s21+$0xFFFFFF90 ss:$0x1] =	vst.idx.msk $0xffff, v2  }
0x74: {  	v3 =	vmax.f32 v3, $0.0e+00;
	v2 =	vld.idx.msk [tilespmem:v1+s21+$0xFFFFFFA0 ss:$0x1], $0xffff  }
0x75: {  	[tilespmem:v1+s21+$0xFFFFFF10 ss:$0x1] =	vst.idx.msk $0xffff, v3;
	v4 =	vld.idx.msk [tilespmem:v1+s10+$0x90 ss:$0x1], $0xffff  }
0x76: {  	v3 =	vld.idx.msk [tilespmem:v1+s21+$0xFFFFFF20 ss:$0x1], $0xffff  }
0x77: {  	v5 =	vld.idx.msk [tilespmem:v1+s10+$0x10 ss:$0x1], $0xffff;
	_ =	sdelay $0x2  }
0x78: {  	v2 =	vadd.f32 v4, v2;
	_ =	sdelay $0x1  }
0x79: {  	v3 =	vadd.f32 v5, v3;
	v2 =	vmax.f32 v2, $0.0e+00  }
0x7a: {  	[tilespmem:v1+s21+$0xFFFFFFA0 ss:$0x1] =	vst.idx.msk $0xffff, v2  }
0x7b: {  	v3 =	vmax.f32 v3, $0.0e+00;
	v2 =	vld.idx.msk [tilespmem:v1+s21+$0xFFFFFFB0 ss:$0x1], $0xffff  }
0x7c: {  	[tilespmem:v1+s21+$0xFFFFFF20 ss:$0x1] =	vst.idx.msk $0xffff, v3;
	v4 =	vld.idx.msk [tilespmem:v1+s10+$0xA0 ss:$0x1], $0xffff  }
0x7d: {  	v3 =	vld.idx.msk [tilespmem:v1+s21+$0xFFFFFF30 ss:$0x1], $0xffff  }
0x7e: {  	v5 =	vld.idx.msk [tilespmem:v1+s10+$0x20 ss:$0x1], $0xffff;
	_ =	sdelay $0x3  }
0x7f: {  	s14 =	sadd.s32 $0x100, s10;
	v2 =	vadd.f32 v4, v2  }
0x80: {  	s13 =	sadd.s32 $0x100, s21;
	v6 =	vld.idx.msk [tilespmem:v1+s14+$0x80 ss:$0x1], $0xffff;
	v3 =	vadd.f32 v5, v3  }
0x81: {  	v4 =	vld.idx.msk [tilespmem:v1+s13+$0xFFFFFF90 ss:$0x1], $0xffff;
	v2 =	vmax.f32 v2, $0.0e+00  }
0x82: {  	v7 =	vld.idx.msk [tilespmem:v1+s14+$0x0 ss:$0x1], $0xffff;
	v3 =	vmax.f32 v3, $0.0e+00;
	[tilespmem:v1+s21+$0xFFFFFFB0 ss:$0x1] =	vst.idx.msk $0xffff, v2  }
0x83: {  	[tilespmem:v1+s21+$0xFFFFFF30 ss:$0x1] =	vst.idx.msk $0xffff, v3;
	v3 =	vld.idx.msk [tilespmem:v1+s13+$0xFFFFFF10 ss:$0x1], $0xffff  }
0x84: {  	v2 =	vld.idx.msk [tilespmem:v1+s21+$0xFFFFFFC0 ss:$0x1], $0xffff  }
0x85: {  	v5 =	vld.idx.msk [tilespmem:v1+s10+$0xB0 ss:$0x1], $0xffff  }
0x86: {  	v4 =	vadd.f32 v6, v4  }
0x87: {  	v8 =	vld.idx.msk [tilespmem:v1+s10+$0x30 ss:$0x1], $0xffff  }
0x88: {  	v6 =	vld.idx.msk [tilespmem:v1+s21+$0xFFFFFF40 ss:$0x1], $0xffff;
	v4 =	vmax.f32 v4, $0.0e+00;
	v3 =	vadd.f32 v7, v3  }
0x89: {  	[tilespmem:v1+s13+$0xFFFFFF90 ss:$0x1] =	vst.idx.msk $0xffff, v4  }
0x8a: {  	v2 =	vadd.f32 v5, v2;
	v4 =	vld.idx.msk [tilespmem:v1+s13+$0xFFFFFFA0 ss:$0x1], $0xffff;
	v3 =	vmax.f32 v3, $0.0e+00  }
0x8b: {  	v5 =	vld.idx.msk [tilespmem:v1+s14+$0x90 ss:$0x1], $0xffff;
	[tilespmem:v1+s13+$0xFFFFFF10 ss:$0x1] =	vst.idx.msk $0xffff, v3  }
0x8c: {  	v2 =	vmax.f32 v2, $0.0e+00;
	v3 =	vld.idx.msk [tilespmem:v1+s13+$0xFFFFFF20 ss:$0x1], $0xffff  }
0x8d: {  	v6 =	vadd.f32 v8, v6;
	[tilespmem:v1+s21+$0xFFFFFFC0 ss:$0x1] =	vst.idx.msk $0xffff, v2;
	v8 =	vld.idx.msk [tilespmem:v1+s14+$0x10 ss:$0x1], $0xffff  }
0x8e: {  	v2 =	vld.idx.msk [tilespmem:v1+s21+$0xFFFFFFD0 ss:$0x1], $0xffff  }
0x8f: {  	v6 =	vmax.f32 v6, $0.0e+00;
	v7 =	vld.idx.msk [tilespmem:v1+s10+$0xC0 ss:$0x1], $0xffff  }
0x90: {  	[tilespmem:v1+s21+$0xFFFFFF40 ss:$0x1] =	vst.idx.msk $0xffff, v6  }
0x91: {  	v4 =	vadd.f32 v5, v4;
	v5 =	vld.idx.msk [tilespmem:v1+s21+$0xFFFFFF50 ss:$0x1], $0xffff  }
0x92: {  	v6 =	vld.idx.msk [tilespmem:v1+s10+$0x40 ss:$0x1], $0xffff  }
0x93: {  	s16 =	sadd.s32 $0x100, s13;
	v4 =	vmax.f32 v4, $0.0e+00;
	v3 =	vadd.f32 v8, v3  }
0x94: {  	v9 =	vld.idx.msk [tilespmem:v1+s16+$0xFFFFFF90 ss:$0x1], $0xffff;
	[tilespmem:v1+s13+$0xFFFFFFA0 ss:$0x1] =	vst.idx.msk $0xffff, v4;
	v2 =	vadd.f32 v7, v2  }
0x95: {  	v4 =	vld.idx.msk [tilespmem:v1+s13+$0xFFFFFFB0 ss:$0x1], $0xffff;
	v3 =	vmax.f32 v3, $0.0e+00  }
0x96: {  	v7 =	vld.idx.msk [tilespmem:v1+s14+$0xA0 ss:$0x1], $0xffff;
	v2 =	vmax.f32 v2, $0.0e+00;
	[tilespmem:v1+s13+$0xFFFFFF20 ss:$0x1] =	vst.idx.msk $0xffff, v3  }
0x97: {  	v5 =	vadd.f32 v6, v5;
	[tilespmem:v1+s21+$0xFFFFFFD0 ss:$0x1] =	vst.idx.msk $0xffff, v2;
	v3 =	vld.idx.msk [tilespmem:v1+s13+$0xFFFFFF30 ss:$0x1], $0xffff  }
0x98: {  	v2 =	vld.idx.msk [tilespmem:v1+s21+$0xFFFFFFE0 ss:$0x1], $0xffff  }
0x99: {  	v5 =	vmax.f32 v5, $0.0e+00;
	v6 =	vld.idx.msk [tilespmem:v1+s10+$0xD0 ss:$0x1], $0xffff  }
0x9a: {  	v8 =	vld.idx.msk [tilespmem:v1+s14+$0x20 ss:$0x1], $0xffff;
	[tilespmem:v1+s21+$0xFFFFFF50 ss:$0x1] =	vst.idx.msk $0xffff, v5  }
0x9b: {  	v4 =	vadd.f32 v7, v4;
	v5 =	vld.idx.msk [tilespmem:v1+s21+$0xFFFFFF60 ss:$0x1], $0xffff  }
0x9c: {  	s18 =	sadd.s32 $0x100, s16;
	v7 =	vld.idx.msk [tilespmem:v1+s10+$0x50 ss:$0x1], $0xffff  }
0x9d: {  	s17 =	sadd.s32 $0x100, s14;
	v13 =	vld.idx.msk [tilespmem:v1+s18+$0xFFFFFF90 ss:$0x1], $0xffff;
	v4 =	vmax.f32 v4, $0.0e+00  }
0x9e: {  	[tilespmem:v1+s13+$0xFFFFFFB0 ss:$0x1] =	vst.idx.msk $0xffff, v4;
	v2 =	vadd.f32 v6, v2;
	v6 =	vld.idx.msk [tilespmem:v1+s17+$0x80 ss:$0x1], $0xffff  }
0x9f: {  	v4 =	vld.idx.msk [tilespmem:v1+s13+$0xFFFFFFC0 ss:$0x1], $0xffff  }
0xa0: {  	v10 =	vld.idx.msk [tilespmem:v1+s14+$0xB0 ss:$0x1], $0xffff;
	v2 =	vmax.f32 v2, $0.0e+00  }
0xa1: {  	v5 =	vadd.f32 v7, v5;
	v7 =	vld.idx.msk [tilespmem:v1+s17+$0x0 ss:$0x1], $0xffff;
	[tilespmem:v1+s21+$0xFFFFFFE0 ss:$0x1] =	vst.idx.msk $0xffff, v2;
	v2 =	vadd.f32 v8, v3  }
0xa2: {  	v3 =	vld.idx.msk [tilespmem:v1+s21+$0xFFFFFFF0 ss:$0x1], $0xffff  }
0xa3: {  	v8 =	vld.idx.msk [tilespmem:v1+s10+$0xE0 ss:$0x1], $0xffff;
	v2 =	vmax.f32 v2, $0.0e+00  }
0xa4: {  	v6 =	vadd.f32 v6, v9;
	[tilespmem:v1+s13+$0xFFFFFF30 ss:$0x1] =	vst.idx.msk $0xffff, v2;
	v2 =	vld.idx.msk [tilespmem:v1+s16+$0xFFFFFF10 ss:$0x1], $0xffff  }
0xa5: {  	v5 =	vmax.f32 v5, $0.0e+00;
	v9 =	vld.idx.msk [tilespmem:v1+s13+$0xFFFFFF40 ss:$0x1], $0xffff  }
0xa6: {  	[tilespmem:v1+s21+$0xFFFFFF60 ss:$0x1] =	vst.idx.msk $0xffff, v5;
	v4 =	vadd.f32 v10, v4;
	v5 =	vmax.f32 v6, $0.0e+00;
	v6 =	vld.idx.msk [tilespmem:v1+s14+$0x30 ss:$0x1], $0xffff  }
0xa7: {  	[tilespmem:v1+s16+$0xFFFFFF90 ss:$0x1] =	vst.idx.msk $0xffff, v5;
	v5 =	vld.idx.msk [tilespmem:v1+s21+$0xFFFFFF70 ss:$0x1], $0xffff  }
0xa8: {  	v4 =	vmax.f32 v4, $0.0e+00;
	v10 =	vld.idx.msk [tilespmem:v1+s16+$0xFFFFFFA0 ss:$0x1], $0xffff;
	v3 =	vadd.f32 v8, v3  }
0xa9: {  	[tilespmem:v1+s13+$0xFFFFFFC0 ss:$0x1] =	vst.idx.msk $0xffff, v4;
	v8 =	vld.idx.msk [tilespmem:v1+s17+$0x90 ss:$0x1], $0xffff;
	v2 =	vadd.f32 v7, v2  }
0xaa: {  	v4 =	vld.idx.msk [tilespmem:v1+s13+$0xFFFFFFD0 ss:$0x1], $0xffff;
	v3 =	vmax.f32 v3, $0.0e+00  }
0xab: {  	v7 =	vld.idx.msk [tilespmem:v1+s14+$0xC0 ss:$0x1], $0xffff;
	[tilespmem:v1+s21+$0xFFFFFFF0 ss:$0x1] =	vst.idx.msk $0xffff, v3;
	v3 =	vadd.f32 v6, v9;
	v2 =	vmax.f32 v2, $0.0e+00  }
0xac: {  	v6 =	vld.idx.msk [tilespmem:v1+s21+$0x0 ss:$0x1], $0xffff;
	[tilespmem:v1+s16+$0xFFFFFF10 ss:$0x1] =	vst.idx.msk $0xffff, v2  }
0xad: {  	v3 =	vmax.f32 v3, $0.0e+00;
	v2 =	vld.idx.msk [tilespmem:v1+s16+$0xFFFFFF20 ss:$0x1], $0xffff  }
0xae: {  	v9 =	vld.idx.msk [tilespmem:v1+s17+$0x10 ss:$0x1], $0xffff;
	[tilespmem:v1+s13+$0xFFFFFF40 ss:$0x1] =	vst.idx.msk $0xffff, v3;
	v3 =	vadd.f32 v8, v10  }
0xaf: {  	v8 =	vld.idx.msk [tilespmem:v1+s13+$0xFFFFFF50 ss:$0x1], $0xffff  }
0xb0: {  	v10 =	vld.idx.msk [tilespmem:v1+s14+$0x40 ss:$0x1], $0xffff;
	v4 =	vadd.f32 v7, v4;
	v3 =	vmax.f32 v3, $0.0e+00  }
0xb1: {  	v11 =	vld.idx.msk [tilespmem:v1+s10+$0xF0 ss:$0x1], $0xffff;
	[tilespmem:v1+s16+$0xFFFFFFA0 ss:$0x1] =	vst.idx.msk $0xffff, v3  }
0xb2: {  	v4 =	vmax.f32 v4, $0.0e+00;
	v3 =	vld.idx.msk [tilespmem:v1+s16+$0xFFFFFFB0 ss:$0x1], $0xffff  }
0xb3: {  	[tilespmem:v1+s13+$0xFFFFFFD0 ss:$0x1] =	vst.idx.msk $0xffff, v4;
	v2 =	vadd.f32 v9, v2;
	v9 =	vld.idx.msk [tilespmem:v1+s17+$0xA0 ss:$0x1], $0xffff  }
0xb4: {  	v4 =	vld.idx.msk [tilespmem:v1+s13+$0xFFFFFFE0 ss:$0x1], $0xffff  }
0xb5: {  	v8 =	vadd.f32 v10, v8;
	v10 =	vld.idx.msk [tilespmem:v1+s14+$0xD0 ss:$0x1], $0xffff;
	v2 =	vmax.f32 v2, $0.0e+00  }
0xb6: {  	v7 =	vld.idx.msk [tilespmem:v1+s10+$0x60 ss:$0x1], $0xffff;
	[tilespmem:v1+s16+$0xFFFFFF20 ss:$0x1] =	vst.idx.msk $0xffff, v2  }
0xb7: {  	v8 =	vmax.f32 v8, $0.0e+00;
	v2 =	vld.idx.msk [tilespmem:v1+s16+$0xFFFFFF30 ss:$0x1], $0xffff  }
0xb8: {  	v12 =	vld.idx.msk [tilespmem:v1+s17+$0x20 ss:$0x1], $0xffff;
	[tilespmem:v1+s13+$0xFFFFFF50 ss:$0x1] =	vst.idx.msk $0xffff, v8;
	v3 =	vadd.f32 v9, v3  }
0xb9: {  	v8 =	vld.idx.msk [tilespmem:v1+s13+$0xFFFFFF60 ss:$0x1], $0xffff  }
0xba: {  	s20 =	sadd.s32 $0x100, s17;
	v9 =	vld.idx.msk [tilespmem:v1+s14+$0x50 ss:$0x1], $0xffff;
	v4 =	vadd.f32 v10, v4;
	v3 =	vmax.f32 v3, $0.0e+00  }
0xbb: {  	v10 =	vld.idx.msk [tilespmem:v1+s20+$0x80 ss:$0x1], $0xffff;
	[tilespmem:v1+s16+$0xFFFFFFB0 ss:$0x1] =	vst.idx.msk $0xffff, v3  }
0xbc: {  	v4 =	vmax.f32 v4, $0.0e+00;
	v3 =	vld.idx.msk [tilespmem:v1+s16+$0xFFFFFFC0 ss:$0x1], $0xffff  }
0xbd: {  	v14 =	vld.idx.msk [tilespmem:v1+s17+$0xB0 ss:$0x1], $0xffff;
	[tilespmem:v1+s13+$0xFFFFFFE0 ss:$0x1] =	vst.idx.msk $0xffff, v4  }
0xbe: {  	v2 =	vadd.f32 v12, v2;
	v4 =	vld.idx.msk [tilespmem:v1+s13+$0xFFFFFFF0 ss:$0x1], $0xffff  }
0xbf: {  	v56 =	vld.idx.msk [tilespmem:v1+s14+$0xE0 ss:$0x1], $0xffff  }
0xc0: {  	v8 =	vadd.f32 v9, v8;
	v9 =	vld.idx.msk [tilespmem:v1+s20+$0x0 ss:$0x1], $0xffff;
	v2 =	vmax.f32 v2, $0.0e+00  }
0xc1: {  	v10 =	vadd.f32 v10, v13;
	[tilespmem:v1+s16+$0xFFFFFF30 ss:$0x1] =	vst.idx.msk $0xffff, v2;
	v2 =	vld.idx.msk [tilespmem:v1+s18+$0xFFFFFF10 ss:$0x1], $0xffff  }
0xc2: {  	v8 =	vmax.f32 v8, $0.0e+00;
	v57 =	vld.idx.msk [tilespmem:v1+s16+$0xFFFFFF40 ss:$0x1], $0xffff  }
0xc3: {  	[tilespmem:v1+s13+$0xFFFFFF60 ss:$0x1] =	vst.idx.msk $0xffff, v8;
	v8 =	vmax.f32 v10, $0.0e+00;
	v10 =	vld.idx.msk [tilespmem:v1+s17+$0x30 ss:$0x1], $0xffff;
	v3 =	vadd.f32 v14, v3  }
0xc4: {  	[tilespmem:v1+s18+$0xFFFFFF90 ss:$0x1] =	vst.idx.msk $0xffff, v8;
	v8 =	vld.idx.msk [tilespmem:v1+s13+$0xFFFFFF70 ss:$0x1], $0xffff  }
0xc5: {  	v58 =	vld.idx.msk [tilespmem:v1+s18+$0xFFFFFFA0 ss:$0x1], $0xffff;
	v4 =	vadd.f32 v56, v4;
	v3 =	vmax.f32 v3, $0.0e+00  }
0xc6: {  	v59 =	vld.idx.msk [tilespmem:v1+s20+$0x90 ss:$0x1], $0xffff;
	[tilespmem:v1+s16+$0xFFFFFFC0 ss:$0x1] =	vst.idx.msk $0xffff, v3  }
0xc7: {  	v2 =	vadd.f32 v9, v2;
	v4 =	vmax.f32 v4, $0.0e+00;
	v3 =	vld.idx.msk [tilespmem:v1+s16+$0xFFFFFFD0 ss:$0x1], $0xffff  }
0xc8: {  	v9 =	vld.idx.msk [tilespmem:v1+s17+$0xC0 ss:$0x1], $0xffff;
	[tilespmem:v1+s13+$0xFFFFFFF0 ss:$0x1] =	vst.idx.msk $0xffff, v4  }
0xc9: {  	v4 =	vadd.f32 v10, v57;
	v2 =	vmax.f32 v2, $0.0e+00;
	v10 =	vld.idx.msk [tilespmem:v1+s13+$0x0 ss:$0x1], $0xffff  }
0xca: {  	v60 =	vld.idx.msk [tilespmem:v1+s14+$0xF0 ss:$0x1], $0xffff;
	[tilespmem:v1+s18+$0xFFFFFF10 ss:$0x1] =	vst.idx.msk $0xffff, v2  }
0xcb: {  	v2 =	vmax.f32 v4, $0.0e+00;
	v15 =	vld.idx.msk [tilespmem:v1+s18+$0xFFFFFF20 ss:$0x1], $0xffff  }
0xcc: {  	v4 =	vadd.f32 v7, v5;
	v5 =	vld.idx.msk [tilespmem:v1+s20+$0x10 ss:$0x1], $0xffff;
	[tilespmem:v1+s16+$0xFFFFFF40 ss:$0x1] =	vst.idx.msk $0xffff, v2  }
0xcd: {  	v2 =	vadd.f32 v59, v58;
	v7 =	vld.idx.msk [tilespmem:v1+s16+$0xFFFFFF50 ss:$0x1], $0xffff  }
0xce: {  	v4 =	vmax.f32 v4, $0.0e+00;
	v61 =	vld.idx.msk [tilespmem:v1+s17+$0x40 ss:$0x1], $0xffff  }
0xcf: {  	[tilespmem:v1+s21+$0xFFFFFF70 ss:$0x1] =	vst.idx.msk $0xffff, v4;
	v2 =	vmax.f32 v2, $0.0e+00;
	v3 =	vadd.f32 v9, v3;
	v9 =	vld.idx.msk [tilespmem:v1+s14+$0x60 ss:$0x1], $0xffff  }
0xd0: {  	[tilespmem:v1+s18+$0xFFFFFFA0 ss:$0x1] =	vst.idx.msk $0xffff, v2;
	v2 =	vld.idx.msk [tilespmem:v1+s21+$0xFFFFFF80 ss:$0x1], $0xffff  }
0xd1: {  	v62 =	vld.idx.msk [tilespmem:v1+s18+$0xFFFFFFB0 ss:$0x1], $0xffff;
	v3 =	vmax.f32 v3, $0.0e+00  }
0xd2: {  	v63 =	vld.idx.msk [tilespmem:v1+s20+$0xA0 ss:$0x1], $0xffff;
	v5 =	vadd.f32 v5, v15;
	[tilespmem:v1+s16+$0xFFFFFFD0 ss:$0x1] =	vst.idx.msk $0xffff, v3  }
0xd3: {  	v10 =	vadd.f32 v60, v10;
	v3 =	vadd.f32 v11, v6;
	v4 =	vld.idx.msk [tilespmem:v1+s16+$0xFFFFFFE0 ss:$0x1], $0xffff  }
0xd4: {  	v7 =	vadd.f32 v61, v7;
	v6 =	vmax.f32 v5, $0.0e+00;
	v5 =	vld.idx.msk [tilespmem:v1+s17+$0xD0 ss:$0x1], $0xffff  }
0xd5: {  	v10 =	vmax.f32 v10, $0.0e+00;
	v11 =	vmax.f32 v3, $0.0e+00;
	v3 =	vld.idx.msk [tilespmem:v1+s10+$0x70 ss:$0x1], $0xffff;
	[tilespmem:v1+s18+$0xFFFFFF20 ss:$0x1] =	vst.idx.msk $0xffff, v6  }
0xd6: {  	[tilespmem:v1+s13+$0x0 ss:$0x1] =	vst.idx.msk $0xffff, v10;
	v6 =	vadd.f32 v9, v8;
	v7 =	vmax.f32 v7, $0.0e+00;
	v8 =	vld.idx.msk [tilespmem:v1+s18+$0xFFFFFF30 ss:$0x1], $0xffff  }
0xd7: {  	[tilespmem:v1+s16+$0xFFFFFF50 ss:$0x1] =	vst.idx.msk $0xffff, v7;
	v9 =	vld.idx.msk [tilespmem:v1+s20+$0x20 ss:$0x1], $0xffff  }
0xd8: {  	s22 =	simm.s32 $0x6;
	s31 =	smov.u32 s20;
	[tilespmem:v1+s21+$0x0 ss:$0x1] =	vst.idx.msk $0xffff, v11;
	v10 =	vadd.f32 v63, v62;
	v7 =	vmax.f32 v6, $0.0e+00;
	v6 =	vld.idx.msk [tilespmem:v1+s16+$0xFFFFFF60 ss:$0x1], $0xffff  }
0xd9: {  	s19 =	smul.u32 $0x1400, s12;
	s11 =	smov.u32 s21;
	s23 =	sadd.s32 $0x100, s18;
	[tilespmem:v1+s13+$0xFFFFFF70 ss:$0x1] =	vst.idx.msk $0xffff, v7;
	v7 =	vld.idx.msk [tilespmem:v1+s17+$0x50 ss:$0x1], $0xffff  }
.LBB2_5:
0xda: {  	v11 =	vld.idx.msk [tilespmem:v1+s23+$0xFFFFFF90 ss:$0x1], $0xffff;
	v10 =	vmax.f32 v10, $0.0e+00;
	s20 =	sadd.s32 $0x100, s20;
	v4 =	vadd.f32 v5, v4  }
0xdb: {  	v2 =	vadd.f32 v3, v2;
	v5 =	vld.idx.msk [tilespmem:v1+s20+$0x80 ss:$0x1], $0xffff;
	[tilespmem:v1+s18+$0xFFFFFFB0 ss:$0x1] =	vst.idx.msk $0xffff, v10  }
0xdc: {  	v3 =	vld.idx.msk [tilespmem:v1+s18+$0xFFFFFFC0 ss:$0x1], $0xffff;
	v4 =	vmax.f32 v4, $0.0e+00  }
0xdd: {  	v8 =	vadd.f32 v9, v8;
	v2 =	vmax.f32 v2, $0.0e+00;
	v9 =	vld.idx.msk [tilespmem:v1+s31+$0xB0 ss:$0x1], $0xffff;
	[tilespmem:v1+s16+$0xFFFFFFE0 ss:$0x1] =	vst.idx.msk $0xffff, v4  }
0xde: {  	v4 =	vld.idx.msk [tilespmem:v1+s16+$0xFFFFFFF0 ss:$0x1], $0xffff;
	[tilespmem:v1+s11+$0xFFFFFF80 ss:$0x1] =	vst.idx.msk $0xffff, v2;
	s11 =	smov.u32 s13;
	s13 =	smov.u32 s16;
	s16 =	smov.u32 s18  }
0xdf: {  	v2 =	vmax.f32 v8, $0.0e+00;
	v6 =	vadd.f32 v7, v6;
	s18 =	smov.u32 s23;
	v7 =	vld.idx.msk [tilespmem:v1+s17+$0xE0 ss:$0x1], $0xffff  }
0xe0: {  	v8 =	vld.idx.msk [tilespmem:v1+s20+$0x0 ss:$0x1], $0xffff;
	[tilespmem:v1+s16+$0xFFFFFF30 ss:$0x1] =	vst.idx.msk $0xffff, v2  }
0xe1: {  	v5 =	vadd.f32 v5, v11;
	v6 =	vmax.f32 v6, $0.0e+00;
	v2 =	vld.idx.msk [tilespmem:v1+s23+$0xFFFFFF10 ss:$0x1], $0xffff  }
0xe2: {  	v10 =	vld.idx.msk [tilespmem:v1+s16+$0xFFFFFF40 ss:$0x1], $0xffff;
	[tilespmem:v1+s13+$0xFFFFFF60 ss:$0x1] =	vst.idx.msk $0xffff, v6  }
0xe3: {  	v5 =	vmax.f32 v5, $0.0e+00;
	v3 =	vadd.f32 v9, v3;
	v6 =	vld.idx.msk [tilespmem:v1+s31+$0x30 ss:$0x1], $0xffff  }
0xe4: {  	s22 =	sadd.s32 $0x2, s22;
	[tilespmem:v1+s23+$0xFFFFFF90 ss:$0x1] =	vst.idx.msk $0xffff, v5;
	v9 =	vld.idx.msk [tilespmem:v1+s13+$0xFFFFFF70 ss:$0x1], $0xffff  }
0xe5: {  	p1 =	slt.u32 s22, $0x26;
	v3 =	vmax.f32 v3, $0.0e+00;
	v4 =	vadd.f32 v7, v4;
	v5 =	vld.idx.msk [tilespmem:v1+s23+$0xFFFFFFA0 ss:$0x1], $0xffff  }
0xe6: {  	v7 =	vld.idx.msk [tilespmem:v1+s20+$0x90 ss:$0x1], $0xffff;
	[tilespmem:v1+s16+$0xFFFFFFC0 ss:$0x1] =	vst.idx.msk $0xffff, v3  }
0xe7: {  	v2 =	vadd.f32 v8, v2;
	v4 =	vmax.f32 v4, $0.0e+00;
	v3 =	vld.idx.msk [tilespmem:v1+s16+$0xFFFFFFD0 ss:$0x1], $0xffff  }
0xe8: {  	v8 =	vld.idx.msk [tilespmem:v1+s31+$0xC0 ss:$0x1], $0xffff;
	[tilespmem:v1+s13+$0xFFFFFFF0 ss:$0x1] =	vst.idx.msk $0xffff, v4  }
0xe9: {  	v2 =	vmax.f32 v2, $0.0e+00;
	v4 =	vadd.f32 v6, v10;
	v6 =	vld.idx.msk [tilespmem:v1+s13+$0x0 ss:$0x1], $0xffff  }
0xea: {  	[tilespmem:v1+s23+$0xFFFFFF10 ss:$0x1] =	vst.idx.msk $0xffff, v2;
	v2 =	vld.idx.msk [tilespmem:v1+s17+$0xF0 ss:$0x1], $0xffff  }
0xeb: {  	v4 =	vmax.f32 v4, $0.0e+00;
	v10 =	vld.idx.msk [tilespmem:v1+s23+$0xFFFFFF20 ss:$0x1], $0xffff  }
0xec: {  	v11 =	vld.idx.msk [tilespmem:v1+s20+$0x10 ss:$0x1], $0xffff;
	[tilespmem:v1+s16+$0xFFFFFF40 ss:$0x1] =	vst.idx.msk $0xffff, v4  }
0xed: {  	v4 =	vadd.f32 v7, v5;
	v5 =	vld.idx.msk [tilespmem:v1+s16+$0xFFFFFF50 ss:$0x1], $0xffff  }
0xee: {  	v7 =	vld.idx.msk [tilespmem:v1+s31+$0x40 ss:$0x1], $0xffff  }
0xef: {  	v3 =	vadd.f32 v8, v3;
	v4 =	vmax.f32 v4, $0.0e+00;
	v8 =	vld.idx.msk [tilespmem:v1+s17+$0x60 ss:$0x1], $0xffff  }
0xf0: {  	[tilespmem:v1+s23+$0xFFFFFFA0 ss:$0x1] =	vst.idx.msk $0xffff, v4;
	v4 =	vadd.f32 v2, v6;
	v2 =	vld.idx.msk [tilespmem:v1+s11+$0xFFFFFF80 ss:$0x1], $0xffff  }
0xf1: {  	v3 =	vmax.f32 v3, $0.0e+00;
	v6 =	vld.idx.msk [tilespmem:v1+s23+$0xFFFFFFB0 ss:$0x1], $0xffff  }
0xf2: {  	v10 =	vadd.f32 v11, v10;
	v11 =	vld.idx.msk [tilespmem:v1+s20+$0xA0 ss:$0x1], $0xffff;
	[tilespmem:v1+s16+$0xFFFFFFD0 ss:$0x1] =	vst.idx.msk $0xffff, v3;
	v3 =	vmax.f32 v4, $0.0e+00  }
0xf3: {  	v4 =	vld.idx.msk [tilespmem:v1+s16+$0xFFFFFFE0 ss:$0x1], $0xffff;
	[tilespmem:v1+s13+$0x0 ss:$0x1] =	vst.idx.msk $0xffff, v3  }
0xf4: {  	v3 =	vmax.f32 v10, $0.0e+00;
	v7 =	vadd.f32 v7, v5;
	v5 =	vld.idx.msk [tilespmem:v1+s31+$0xD0 ss:$0x1], $0xffff  }
.Ltmp1:
0xf5: {  	v10 =	vadd.f32 v8, v9;
	[tilespmem:v1+s23+$0xFFFFFF20 ss:$0x1] =	vst.idx.msk $0xffff, v3;
	v3 =	vld.idx.msk [tilespmem:v1+s14+$0x70 ss:$0x1], $0xffff;
	s14 =	smov.u32 s17;
	s17 =	smov.u32 s31;
	(pc) =	sbr.rel @p1 .LBB2_5-.Ltmp1, $4  }
0xf6: {  	v7 =	vmax.f32 v7, $0.0e+00;
	s31 =	smov.u32 s20;
	v8 =	vld.idx.msk [tilespmem:v1+s23+$0xFFFFFF30 ss:$0x1], $0xffff  }
0xf7: {  	v9 =	vld.idx.msk [tilespmem:v1+s20+$0x20 ss:$0x1], $0xffff;
	[tilespmem:v1+s16+$0xFFFFFF50 ss:$0x1] =	vst.idx.msk $0xffff, v7;
	v7 =	vmax.f32 v10, $0.0e+00  }
0xf8: {  	v10 =	vadd.f32 v11, v6;
	v6 =	vld.idx.msk [tilespmem:v1+s16+$0xFFFFFF60 ss:$0x1], $0xffff;
	[tilespmem:v1+s13+$0xFFFFFF70 ss:$0x1] =	vst.idx.msk $0xffff, v7  }
0xf9: {  	s23 =	sadd.s32 $0x100, s23;
	v7 =	vld.idx.msk [tilespmem:v1+s17+$0x50 ss:$0x1], $0xffff  }
0xfa: {  	_ =	sdelay $0x2  }
0xfb: {  	v10 =	vmax.f32 v10, $0.0e+00;
	v8 =	vadd.f32 v9, v8  }
0xfc: {  	[tilespmem:v1+s18+$0xFFFFFFB0 ss:$0x1] =	vst.idx.msk $0xffff, v10  }
0xfd: {  	v10 =	vld.idx.msk [tilespmem:v1+s18+$0xFFFFFFC0 ss:$0x1], $0xffff;
	v8 =	vmax.f32 v8, $0.0e+00  }
0xfe: {  	v41 =	vld.idx.msk [tilespmem:v1+s31+$0xB0 ss:$0x1], $0xffff;
	[tilespmem:v1+s18+$0xFFFFFF30 ss:$0x1] =	vst.idx.msk $0xffff, v8  }
0xff: {  	v8 =	vld.idx.msk [tilespmem:v1+s18+$0xFFFFFF40 ss:$0x1], $0xffff  }
0x100: {  	v11 =	vld.idx.msk [tilespmem:v1+s31+$0x30 ss:$0x1], $0xffff;
	_ =	sdelay $0x2  }
0x101: {  	v9 =	vadd.f32 v41, v10;
	_ =	sdelay $0x1  }
0x102: {  	v9 =	vmax.f32 v9, $0.0e+00;
	v8 =	vadd.f32 v11, v8  }
0x103: {  	[tilespmem:v1+s18+$0xFFFFFFC0 ss:$0x1] =	vst.idx.msk $0xffff, v9  }
0x104: {  	v9 =	vld.idx.msk [tilespmem:v1+s18+$0xFFFFFFD0 ss:$0x1], $0xffff;
	v8 =	vmax.f32 v8, $0.0e+00  }
0x105: {  	v42 =	vld.idx.msk [tilespmem:v1+s31+$0xC0 ss:$0x1], $0xffff;
	[tilespmem:v1+s18+$0xFFFFFF40 ss:$0x1] =	vst.idx.msk $0xffff, v8  }
0x106: {  	v8 =	vld.idx.msk [tilespmem:v1+s18+$0xFFFFFF50 ss:$0x1], $0xffff  }
0x107: {  	v43 =	vld.idx.msk [tilespmem:v1+s31+$0x40 ss:$0x1], $0xffff;
	_ =	sdelay $0x2  }
0x108: {  	v9 =	vadd.f32 v42, v9;
	_ =	sdelay $0x1  }
0x109: {  	v9 =	vmax.f32 v9, $0.0e+00;
	v8 =	vadd.f32 v43, v8  }
0x10a: {  	[tilespmem:v1+s18+$0xFFFFFFD0 ss:$0x1] =	vst.idx.msk $0xffff, v9  }
0x10b: {  	v9 =	vld.idx.msk [tilespmem:v1+s18+$0xFFFFFFE0 ss:$0x1], $0xffff;
	v45 =	vmax.f32 v8, $0.0e+00  }
0x10c: {  	v44 =	vld.idx.msk [tilespmem:v1+s31+$0xD0 ss:$0x1], $0xffff;
	[tilespmem:v1+s18+$0xFFFFFF50 ss:$0x1] =	vst.idx.msk $0xffff, v45  }
0x10d: {  	v4 =	vadd.f32 v5, v4;
	v6 =	vadd.f32 v7, v6;
	v5 =	vld.idx.msk [tilespmem:v1+s18+$0xFFFFFF60 ss:$0x1], $0xffff  }
0x10e: {  	v46 =	vld.idx.msk [tilespmem:v1+s31+$0x50 ss:$0x1], $0xffff  }
0x10f: {  	v6 =	vmax.f32 v6, $0.0e+00  }
0x110: {  	[tilespmem:v1+s16+$0xFFFFFF60 ss:$0x1] =	vst.idx.msk $0xffff, v6  }
0x111: {  	v4 =	vmax.f32 v4, $0.0e+00;
	v6 =	vld.idx.msk [tilespmem:v1+s16+$0xFFFFFF70 ss:$0x1], $0xffff;
	v9 =	vadd.f32 v44, v9  }
0x112: {  	[tilespmem:v1+s16+$0xFFFFFFE0 ss:$0x1] =	vst.idx.msk $0xffff, v4;
	v51 =	vld.idx.msk [tilespmem:v1+s17+$0x60 ss:$0x1], $0xffff  }
0x113: {  	v47 =	vld.idx.msk [tilespmem:v1+s16+$0xFFFFFFF0 ss:$0x1], $0xffff;
	v49 =	vmax.f32 v9, $0.0e+00;
	v4 =	vadd.f32 v46, v5  }
0x114: {  	v48 =	vld.idx.msk [tilespmem:v1+s17+$0xE0 ss:$0x1], $0xffff;
	[tilespmem:v1+s18+$0xFFFFFFE0 ss:$0x1] =	vst.idx.msk $0xffff, v49  }
0x115: {  	v7 =	vld.idx.msk [tilespmem:v1+s18+$0xFFFFFFF0 ss:$0x1], $0xffff;
	v4 =	vmax.f32 v4, $0.0e+00  }
0x116: {  	v50 =	vld.idx.msk [tilespmem:v1+s31+$0xE0 ss:$0x1], $0xffff;
	[tilespmem:v1+s18+$0xFFFFFF60 ss:$0x1] =	vst.idx.msk $0xffff, v4  }
0x117: {  	v6 =	vadd.f32 v51, v6;
	v53 =	vld.idx.msk [tilespmem:v1+s18+$0xFFFFFF70 ss:$0x1], $0xffff  }
0x118: {  	v54 =	vld.idx.msk [tilespmem:v1+s31+$0x60 ss:$0x1], $0xffff  }
0x119: {  	v57 =	vld.idx.msk [tilespmem:v1+s13+$0xFFFFFF80 ss:$0x1], $0xffff;
	v59 =	vmax.f32 v6, $0.0e+00;
	v8 =	vadd.f32 v48, v47  }
0x11a: {  	v58 =	vld.idx.msk [tilespmem:v1+s14+$0x70 ss:$0x1], $0xffff;
	[tilespmem:v1+s16+$0xFFFFFF70 ss:$0x1] =	vst.idx.msk $0xffff, v59  }
0x11b: {  	v62 =	vld.idx.msk [tilespmem:v1+s16+$0xFFFFFF80 ss:$0x1], $0xffff;
	v52 =	vmax.f32 v8, $0.0e+00;
	v5 =	vadd.f32 v50, v7  }
0x11c: {  	v12 =	vld.idx.msk [tilespmem:v1+s17+$0x70 ss:$0x1], $0xffff;
	[tilespmem:v1+s16+$0xFFFFFFF0 ss:$0x1] =	vst.idx.msk $0xffff, v52  }
0x11d: {  	v55 =	vld.idx.msk [tilespmem:v1+s16+$0x0 ss:$0x1], $0xffff;
	v5 =	vmax.f32 v5, $0.0e+00;
	v4 =	vadd.f32 v54, v53  }
0x11e: {  	v56 =	vld.idx.msk [tilespmem:v1+s17+$0xF0 ss:$0x1], $0xffff;
	[tilespmem:v1+s18+$0xFFFFFFF0 ss:$0x1] =	vst.idx.msk $0xffff, v5  }
0x11f: {  	v60 =	vld.idx.msk [tilespmem:v1+s18+$0x0 ss:$0x1], $0xffff;
	v4 =	vmax.f32 v4, $0.0e+00  }
0x120: {  	v61 =	vld.idx.msk [tilespmem:v1+s31+$0xF0 ss:$0x1], $0xffff;
	[tilespmem:v1+s18+$0xFFFFFF70 ss:$0x1] =	vst.idx.msk $0xffff, v4  }
0x121: {  	v2 =	vadd.f32 v3, v2;
	v4 =	vld.idx.msk [tilespmem:v1+s18+$0xFFFFFF80 ss:$0x1], $0xffff  }
0x122: {  	s14 =	sadd.s32 $0x2, s3;
	v3 =	vld.idx.msk [tilespmem:v1+s31+$0x70 ss:$0x1], $0xffff  }
0x123: {  	s20 =	sand.u32 $0xFF, s14;
	v2 =	vmax.f32 v2, $0.0e+00;
	v7 =	vadd.f32 v56, v55  }
0x124: {  	[tilespmem:v1+s11+$0xFFFFFF80 ss:$0x1] =	vst.idx.msk $0xffff, v2;
	s11 =	smul.u32 $0xAB, s20;
	v9 =	vadd.f32 v58, v57  }
0x125: {  	v2 =	vmax.f32 v7, $0.0e+00;
	v5 =	vadd.f32 v61, v60  }
0x126: {  	s11 =	sshrl.u32 s11, $0x9;
	v63 =	vadd.f32 v12, v62;
	[tilespmem:v1+s16+$0x0 ss:$0x1] =	vst.idx.msk $0xffff, v2;
	v2 =	vmax.f32 v9, $0.0e+00  }
0x127: {  	p1 =	sgt.u32 s3, $0xF7;
	s11 =	smul.u32 $0x3, s11;
	[tilespmem:v1+s13+$0xFFFFFF80 ss:$0x1] =	vst.idx.msk $0xffff, v2;
	v2 =	vmax.f32 v5, $0.0e+00;
	v3 =	vadd.f32 v3, v4  }
0x128: {  	s22 =	sshll.u32 s12, $0x7;
	p2 =	seq.s32 @!p1 s3, $0x0;
	[tilespmem:v1+s18+$0x0 ss:$0x1] =	vst.idx.msk $0xffff, v2;
	v2 =	vmax.f32 v63, $0.0e+00  }
0x129: {  	s23 =	sadd.s32 $0x4000, s19;
	p2 =	por p2, p1;
	s11 =	ssub.s32 s14, s11;
	[tilespmem:v1+s16+$0xFFFFFF80 ss:$0x1] =	vst.idx.msk $0xffff, v2;
	v2 =	vmax.f32 v3, $0.0e+00  }
0x12a: {  	s11 =	sand.u32 $0xFF, s11;
	s13 =	sadd.s32 $0x200, s22;
	s31 =	sadd.s32 $0x7, s12;
	[tilespmem:v1+s18+$0xFFFFFF80 ss:$0x1] =	vst.idx.msk $0xffff, v2  }
0x12b: {  	[spmem:s1] =	stream.indirect.scatter.add.f32 [tilespmem:s23], [sflag:s31], $0x80, s13, s29, $0xb8;
	[tilespmem:$0x1E880] =	vst v63  }
0x12c: {  	s12 =	sadd.s32 @!p2 $0x7, s11;
	s13 =	smul.u32 @!p1 $0x28, s14  }
0x12d: {  	_ =	swait.ge @!p2 [sflag:s12], $0x1400  }
0x12e: {  	[sflag:s12] =	ssyncset.done @!p2 $0x0;
	s13 =	sadd.s32 @!p1 s8, s13  }
0x12f: {  	[sflag:s12] =	ssyncadd.s32 @!p2 $0xFFFFEC00;
	s12 =	sshrl.u32 @!p1 s13, $0x3  }
0x130: {  	s17 =	simm.s32 @!p1 $0x0;
	s14 =	sshll.u32 @!p1 s11, $0x7;
	s16 =	sadd.s32 @!p1 s6, s12  }
0x131: {  	[tilespmem:s14], [sflag:$0xA] =	stream.linear.gather @!p1 [hbm4b:s16+s17], $0x28, $0x38;
	[tilespmem:$0x1E880] =	vst v63  }
0x132: {  	s16 =	simm.s32 @!p1 $0xA  }
0x133: {  	_ =	swait.ge @!p1 [sflag:s16], $0x28  }
0x134: {  	[sflag:s16] =	ssyncset.done @!p1 $0x0  }
0x135: {  	s18 =	sadd.s32 @!p1 $0x200, s14;
	s12 =	sadd.s32 @!p1 s7, s12;
	[sflag:s16] =	ssyncadd.s32 @!p1 $0xFFFFFFD8  }
0x136: {  	[tilespmem:s18], [sflag:$0xA] =	stream.linear.gather @!p1 [hbm4b:s12+s17], $0x28, $0x38;
	[tilespmem:$0x1E880] =	vst v63  }
0x137: {  	s13 =	sshll.u32 @!p1 s13, $0x4;
	s12 =	smul.u32 @!p1 $0x1400, s11;
	_ =	swait.ge @!p1 [sflag:s16], $0x28  }
0x138: {  	s3 =	sadd.s32 $0x1, s3;
	s13 =	sadd.s32 @!p1 s5, s13;
	[sflag:s16] =	ssyncset.done @!p1 $0x0  }
0x139: {  	s18 =	sadd.s32 @!p1 $0x1, s11;
	[sflag:s16] =	ssyncadd.s32 @!p1 $0xFFFFFFD8;
	s16 =	sadd.s32 @!p1 $0x400, s12  }
0x13a: {  	[tilespmem:s16], [sflag:s18] =	stream.linear.gather @!p1 [hbm4b:s13+s17], $0x1400, $0x38;
	[tilespmem:$0x1E880] =	vst v63  }
0x13b: {  	s11 =	sadd.s32 @!p1 $0x4, s11;
	s12 =	sadd.s32 @!p1 $0x4000, s12;
	s13 =	simm.s32 @!p1 $0x28  }
0x13c: {  	[tilespmem:s12], [sflag:s11] =	stream.indirect.gather @!p1 [hbm4b:s4+s13], $0x80, s14, s13, $0xb8;
	[tilespmem:$0x1E880] =	vst v63  }
0x13d: {  	p1 =	sne.s32 s3, $0xFA  }
.Ltmp2:
0x13e: {  	_ = 	snop;
	(pc) =	sbr.rel @p1 .LBB2_4-.Ltmp2, $2  }
0x13f: {  	_ =	sdelay $0x2  }
0x140: {  	s10 =	sadd.s32 $0x1400, s10;
	s21 =	sadd.s32 $0x1400, s21  }
0x141: {  	_ =	swait.ge [sflag:s0], $0x1400  }
0x142: {  	[sflag:s0] =	ssyncset.done $0x0  }
0x143: {  	[sflag:s0] =	ssyncadd.s32 $0xFFFFEC00  }
0x144: {  	_ =	swait.ge [sflag:s28], $0x1400  }
0x145: {  	[sflag:s28] =	ssyncset.done $0x0  }
0x146: {  	[sflag:s28] =	ssyncadd.s32 $0xFFFFEC00  }
0x147: {  	_ =	swait.ge [sflag:s30], $0x1400  }
0x148: {  	[sflag:s30] =	ssyncset.done $0x0  }
0x149: {  	s3 =	stileid.u32;
	[sflag:s30] =	ssyncadd.s32 $0xFFFFEC00  }
0x14a: {  	s3 =	sshll.u32 s3, $0x6;
	[bflag:$0x0] =	sbarrier.arrive $0xFFFF  }
0x14b: {  	s10 =	sshrl.u32 s9, $0x3;
	s3 =	sor.u32 $0x1C0A, s3;
	s11 =	rddreg [dreg:$0xe]  }
0x14c: {  	[hbm:s11], [sflag:s3] =	dma.local [spmem:s10], $0x2700  }
0x14d: {  	s2 =	sadd.s32 $0x1, s2;
	_ =	swait.ge [sflag:s26], $0x2700  }
0x14e: {  	p1 =	sne.s32 s2, s24;
	[sflag:s26] =	ssyncset.done $0x0  }
0x14f: {  	s10 =	sshrl.u32 @!p0 s15, $0x3;
	s11 =	rddreg [dreg:$0xf];
	[sflag:s26] =	ssyncadd.s32 $0xFFFFD900  }
0x150: {  	[hbm:s11], [sflag:s3] =	dma.local @!p0 [spmem:s10], $0x100  }
.Ltmp3:
0x151: {  	_ = 	snop;
	(pc) =	sbr.rel @p1 .LBB2_1-.Ltmp3, $4  }
0x152: {  	s3 =	simm.s32 @!p0 $0xA  }
0x153: {  	_ =	swait.ge @!p0 [sflag:s3], $0x100  }
0x154: {  	[sflag:s3] =	ssyncset.done @!p0 $0x0  }
0x155: {  	[sflag:s3] =	ssyncadd.s32 @!p0 $0xFFFFFF00  }
0x156: {  	_ =	sfence.sel $0x180000  }
0x157: {  	[bflag:$0x0] =	sbarrier.arrive $0xFFFF  }
0x158: {  	_ =	strace $0x9000004A  }
0x159: {  	s0 =	stileid.u32;
	[bflag:$0x2] =	sbarrier.arrive $0xFFFF  }
0x15a: {  	p0 =	sne.s32 s0, $0x0;
	s0 =	rddreg [dreg:$0x2]  }
0x15b: {  	s0 =	sadd.s32 @!p0 $0x100000, s0  }
0x15c: {  	[sflag:s0] =	ssyncadd.tile.s32 @!p0 $0x1;
	_ =	shalt  }
.Lfunc_end2:
_tile_overlayer_lowered:
.L_overlay_start_2:
0x15d: {  	(tag) =	ssettag $0x2  }
0x15e: {  	s0 =	rddreg [dreg:$0x0];
	s2 =	stileid.u32  }
0x15f: {  	s1 =	rddreg [dreg:$0x1];
	p0 =	sne.s32 s2, $0x0  }
0x160: {  	s3 =	rddreg [dreg:$0x2];
	[bflag:$0x3] =	sbarrier.arrive $0xFFFF;
	s2 =	simm.s32 @!p0 $0x1C0A  }
0x161: {  	[timem:s3], [sflag:s2] =	dma.local @!p0 [hbm:s0], s1  }
0x162: {  	s0 =	simm.s32 @!p0 $0xA  }
0x163: {  	_ =	swait.ge @!p0 [sflag:s0], s1  }
0x164: {  	s1 =	ssub.s32 @!p0 $0x0, s1;
	[sflag:s0] =	ssyncset.done @!p0 $0x0  }
0x165: {  	[sflag:s0] =	ssyncadd.s32 @!p0 s1  }
0x166: {  	[bflag:$0x3] =	sbarrier.arrive $0xFFFF  }
0x167: {  	_ =	shalt  }

// kernel: kernel.17.cloned.1.call-start
scs
__scs_entry_jumppad:
0x0: {  	(pc) =	sbr.rel $0x88, $3  }
0x1: {  	(tag) =	ssettag $0x0;
	lr =	simm.s32 $0x1  }
0x2: {  	[smem:$0x3F96] =	sst lr;
	_ =	strace $0xD0000000  }
0x3: {  	_ = 	snop  }
0x4: {  	_ = 	snop  }
0x5: {  	_ = 	snop  }
0x6: {  	_ = 	snop  }
0x7: {  	_ = 	snop  }
__scs_overlays_trampoline_lowered:
0x8: {  	[smem:$0x3FA5] =	sst s0  }
0x9: {  	[smem:$0x3FA6] =	sst s1  }
0xa: {  	[smem:$0x3FA7] =	sst s2  }
0xb: {  	[smem:$0x3FA8] =	sst s3  }
0xc: {  	[smem:$0x3FA9] =	sst s4  }
0xd: {  	[smem:$0x3FAA] =	sst s5  }
0xe: {  	[smem:$0x3FAB] =	sst s6  }
0xf: {  	[smem:$0x3FAC] =	sst s7  }
0x10: {  	[smem:$0x3FAD] =	sst s8  }
0x11: {  	[smem:$0x3FAE] =	sst s9;
	s0 =	simm.s32 @!p0 $0x0  }
0x12: {  	s1 =	sld [smem:$0x3F94];
	s0 =	simm.s32 @p0 $0x1  }
0x13: {  	[smem:$0x3FAF] =	sst s0;
	s0 =	simm.s32 @!p1 $0x0  }
0x14: {  	s2 =	sld [smem:$0x3F93];
	s0 =	simm.s32 @p1 $0x1  }
0x15: {  	[smem:$0x3FB0] =	sst s0;
	s0 =	simm.s32 @!p2 $0x0  }
0x16: {  	s3 =	sld [smem:$0x3FDB];
	s0 =	simm.s32 @p2 $0x1  }
0x17: {  	s4 =	simm.s32 $0x1BF5;
	[smem:$0x3FB2] =	sst s0  }
0x18: {  	s0 =	sld [smem:$0x3F95];
	_ =	swait.ge [sflag:s4], $0x0  }
0x19: {  	s7 =	sld [smem:$0x3F96]  }
0x1a: {  	s8 =	sadd.s32 $0xFFFFE003, lr  }
0x1b: {  	s9 =	sadd.s32 $0xFFFFFEF7, lr;
	s5 =	simm.s32 $0xFFFFFFFF;
	p2 =	slt.u32 s8, $0xFFFFF086  }
0x1c: {  	p1 =	slt.u32 s9, $0xF7A;
	s5 =	simm.s32 @!p2 $0x0  }
0x1d: {  	s5 =	simm.s32 @p1 $0x1;
	p0 =	seq.s32 s7, s2  }
0x1e: {  	s7 =	smul.u32 @!p0 $0xF7A, s2;
	p2 =	seq.s32 @!p0 s5, $0x0  }
0x1f: {  	s9 =	smul.u32 $0xF7A, s1;
	s8 =	simm.s32 @!p0 $0x1BF5;
	p2 =	por !p2, p0  }
0x20: {  	[sflag:s8] =	ssyncset.s32 @!p0 $0xFFFFF086;
	s6 =	sadd.s32 @!p0 s3, s7;
	s7 =	simm.s32 @!p0 $0x108  }
0x21: {  	s3 =	sadd.s32 s3, s9;
	s6 =	sadd.s32 @!p0 $0x88, s6;
	s7 =	simm.s32 @p2 $0x1082  }
0x22: {  	[simem:s7], [sflag:s8] =	dma.local @!p0 [hbm:s6], $0xF7A  }
0x23: {  	s9 =	sor.u32 $0xD0000000, s2;
	s6 =	simm.s32 $0x108;
	_ =	swait.ge @!p0 [sflag:s8], $0x0  }
0x24: {  	s3 =	sadd.s32 $0x88, s3;
	s6 =	simm.s32 @!p1 $0x1082;
	[sflag:s4] =	ssyncset.s32 $0xFFFFF086  }
0x25: {  	[simem:s6], [sflag:s4] =	dma.local [hbm:s3], $0xF7A  }
0x26: {  	[smem:$0x3F96] =	sst s1;
	(tag) =	ssettag s2;
	_ =	strace s9  }
0x27: {  	s1 =	sld [smem:$0x3FA6]  }
0x28: {  	s2 =	sld [smem:$0x3FA7]  }
0x29: {  	s4 =	sld [smem:$0x3FA9]  }
0x2a: {  	p0 =	seq.s32 s5, $0x0;
	s5 =	sld [smem:$0x3FAA]  }
0x2b: {  	s6 =	sld [smem:$0x3FAB]  }
0x2c: {  	s7 =	sld [smem:$0x3FAC]  }
0x2d: {  	s3 =	simm.s32 $0x108;
	s8 =	sld [smem:$0x3FAD]  }
0x2e: {  	s3 =	simm.s32 @!p0 $0x1082;
	s9 =	sld [smem:$0x3FAE]  }
0x2f: {  	lr =	sadd.s32 s0, s3;
	s0 =	sld [smem:$0x3FA5]  }
0x30: {  	s3 =	sld [smem:$0x3FA8]  }
0x31: {  	[smem:$0x3FB1] =	sst s10  }
0x32: {  	s10 =	sld [smem:$0x3FAF];
	_ =	sdelay $0x3  }
0x33: {  	p0 =	seq.s32 s10, $0x1;
	s10 =	sld [smem:$0x3FB1];
	_ =	sdelay $0x3  }
0x34: {  	[smem:$0x3FB1] =	sst s10  }
0x35: {  	s10 =	sld [smem:$0x3FB0];
	_ =	sdelay $0x3  }
0x36: {  	p1 =	seq.s32 s10, $0x1;
	s10 =	sld [smem:$0x3FB1];
	_ =	sdelay $0x3  }
0x37: {  	[smem:$0x3FB1] =	sst s10  }
0x38: {  	s10 =	sld [smem:$0x3FB2]  }
0x39: {  	_ = 	snop;
	(pc) =	sbr.ind lr, $3  }
0x3a: {  	_ = 	snop  }
0x3b: {  	_ = 	snop  }
0x3c: {  	p2 =	seq.s32 s10, $0x1;
	s10 =	sld [smem:$0x3FB1]  }
0x3d: {  	_ =	shalt  }
0x3e: {  	_ =	shalt  }
0x3f: {  	_ =	shalt  }
0x40: {  	_ =	shalt  }
0x41: {  	_ =	shalt  }
0x42: {  	_ =	shalt  }
0x43: {  	_ =	shalt  }
0x44: {  	_ =	shalt  }
0x45: {  	_ =	shalt  }
0x46: {  	_ =	shalt  }
0x47: {  	_ =	shalt  }
0x48: {  	_ =	shalt  }
0x49: {  	_ =	shalt  }
0x4a: {  	_ =	shalt  }
0x4b: {  	_ =	shalt  }
0x4c: {  	_ =	shalt  }
0x4d: {  	_ =	shalt  }
0x4e: {  	_ =	shalt  }
0x4f: {  	_ =	shalt  }
0x50: {  	_ =	shalt  }
0x51: {  	_ =	shalt  }
0x52: {  	_ =	shalt  }
0x53: {  	_ =	shalt  }
0x54: {  	_ =	shalt  }
0x55: {  	_ =	shalt  }
0x56: {  	_ =	shalt  }
0x57: {  	_ =	shalt  }
0x58: {  	_ =	shalt  }
0x59: {  	_ =	shalt  }
0x5a: {  	_ =	shalt  }
0x5b: {  	_ =	shalt  }
0x5c: {  	_ =	shalt  }
0x5d: {  	_ =	shalt  }
0x5e: {  	_ =	shalt  }
0x5f: {  	_ =	shalt  }
0x60: {  	_ =	shalt  }
0x61: {  	_ =	shalt  }
0x62: {  	_ =	shalt  }
0x63: {  	_ =	shalt  }
0x64: {  	_ =	shalt  }
0x65: {  	_ =	shalt  }
0x66: {  	_ =	shalt  }
0x67: {  	_ =	shalt  }
0x68: {  	_ =	shalt  }
0x69: {  	_ =	shalt  }
0x6a: {  	_ =	shalt  }
0x6b: {  	_ =	shalt  }
0x6c: {  	_ =	shalt  }
0x6d: {  	_ =	shalt  }
0x6e: {  	_ =	shalt  }
0x6f: {  	_ =	shalt  }
0x70: {  	_ =	shalt  }
0x71: {  	_ =	shalt  }
0x72: {  	_ =	shalt  }
0x73: {  	_ =	shalt  }
0x74: {  	_ =	shalt  }
0x75: {  	_ =	shalt  }
0x76: {  	_ =	shalt  }
0x77: {  	_ =	shalt  }
0x78: {  	_ =	shalt  }
0x79: {  	_ =	shalt  }
0x7a: {  	_ =	shalt  }
0x7b: {  	_ =	shalt  }
0x7c: {  	_ =	shalt  }
0x7d: {  	_ =	shalt  }
0x7e: {  	_ =	shalt  }
0x7f: {  	_ =	shalt  }
0x80: {  	_ =	shalt  }
0x81: {  	_ =	shalt  }
0x82: {  	_ =	shalt  }
0x83: {  	_ =	shalt  }
0x84: {  	_ =	shalt  }
0x85: {  	_ =	shalt  }
0x86: {  	_ =	shalt  }
0x87: {  	_ =	shalt  }
.Lfunc_end0:
.L_simem_size_0:
called_computation.2_lowered:
.L_overlay_start_0:
0x88: {  	s2 =	sld [smem:$0x3FD9]  }
0x89: {  	s3 =	sld [smem:$0x3FFE];
	_ =	sdelay $0x1  }
0x8a: {  	s1 =	srdreg.scid  }
0x8b: {  	s0 =	sand.u32 $0x1, s1  }
0x8c: {  	s16 =	sshll.u32 s0, $0xA;
	s2 =	sadd.s32 s3, s2  }
0x8d: {  	s2 =	sadd.s32 s2, s16  }
0x8e: {  	[smem:$0x3FBD] =	sst s2  }
0x8f: {  	_ = 	snop  }
0x90: {  	(tm) =	ssettm $0x1  }
0x91: {  	s17 =	sld [smem:$0x3FFB];
	_ =	sdelay $0x3  }
0x92: {  	_ =	strace s17  }
0x93: {  	s2 =	sld [smem:$0x3FFC];
	_ =	sdelay $0x3  }
0x94: {  	_ =	strace s2  }
0x95: {  	s2 =	sld [smem:$0x3FFD];
	_ =	sdelay $0x3  }
0x96: {  	_ =	strace s2  }
0x97: {  	_ =	strace $0x8FFFFFFF  }
0x98: {  	s18 =	sld [smem:$0x3FDB];
	_ =	sdelay $0x1  }
0x99: {  	s19 =	simm.s32 $_scs_section_size  }
0x9a: {  	s4 =	simm.s32 $_size__tile_overlayer_lowered;
	s5 =	simm.s32 $_tile_overlayer_lowered  }
0x9b: {  	s22 =	simm.s32 $0x1BFF;
	s21 =	sshll.u32 s5, $0x1;
	s2 =	sadd.s32 s19, s18  }
0x9c: {  	s6 =	simm.s32 $0x0;
	s20 =	sshll.u32 s4, $0x1;
	s4 =	sadd.s32 s21, s2  }
0x9d: {  	[timem:s6], [sflag:s22] =	dma.local [hbm:s4], s20  }
0x9e: {  	_ =	swait.ge [sflag:s22], s20  }
0x9f: {  	s3 =	ssub.s32 $0x0, s20;
	[sflag:s22] =	ssyncset.done $0x0  }
0xa0: {  	[sflag:s22] =	ssyncadd.s32 s3;
	_ =	sdelay $0x1  }
0xa1: {  	s23 =	simm.s32 $0x1B8B  }
0xa2: {  	_ =	swait.ge [sflag:s23], $0x1  }
0xa3: {  	[sflag:s23] =	ssyncset.done $0x0  }
0xa4: {  	s25 =	simm.s32 $0x1B8E;
	s24 =	sld [smem:$0x3FFE];
	[sflag:s23] =	ssyncadd.s32 $0xFFFFFFFF  }
0xa5: {  	s26 =	simm.s32 $execute0_lowered;
	[smem:$0x3FD2] =	sst s25  }
0xa6: {  	s4 =	sshll.u32 s26, $0x1;
	_ =	strace $0x8000004C;
	[dreg:$0x1] =	wrdreg $0xFFFFFFFF  }
0xa7: {  	s28 =	simm.s32 $_size_execute0_lowered;
	s2 =	sadd.s32 s2, s4;
	[dreg:$0x0] =	wrdreg $0x0  }
0xa8: {  	s4 =	sshll.u32 s28, $0x1;
	[dreg:$0x2] =	wrdreg s2  }
0xa9: {  	[dreg:$0x3] =	wrdreg s4  }
0xaa: {  	[dreg:$0x4] =	wrdreg $0xC0  }
0xab: {  	_ =	task [dreg:s6], $0x5FFFF  }
0xac: {  	[dreg:$0x1] =	wrdreg $0xFFFFFFFF  }
0xad: {  	[dreg:$0x0] =	wrdreg $0x60  }
0xae: {  	[dreg:$0x2] =	wrdreg s24  }
0xaf: {  	[dreg:$0x3] =	wrdreg $0xB0000  }
0xb0: {  	[dreg:$0x4] =	wrdreg $0x9  }
0xb1: {  	_ =	task.clear_ibuf [dreg:s6], $0x5FFFF;
	_ =	strace $0x9000004C  }
0xb2: {  	s29 =	simm.s32 $0x9;
	_ =	strace $0x8000004E  }
0xb3: {  	_ =	swait.ge [sflag:s29], $0x1  }
0xb4: {  	[sflag:s29] =	ssyncadd.s32 $0xFFFFFFFF  }
0xb5: {  	_ =	strace $0x9000004E  }
0xb6: {  	_ =	sfence  }
0xb7: {  	s30 =	sld [smem:$0x0];
	_ =	sdelay $0x2  }
0xb8: {  	s31 =	sshll.u32 s1, $0xD;
	s1 =	sshrl.u32 s1, $0x2  }
0xb9: {  	s3 =	sand.u32 $0x4000, s31;
	s1 =	sadd.s32 s1, s30  }
0xba: {  	s0 =	sor.u32 s3, s0;
	s1 =	sshll.u32 s1, $0x11  }
0xbb: {  	s0 =	sor.u32 s1, s0  }
0xbc: {  	s0 =	sadd.s32 $0x8F2B, s0  }
0xbd: {  	[sflag:s0] =	ssyncadd.remote.s32 $0x1  }
0xbe: {  	_ =	sfence.sel $0xFFFF  }
0xbf: {  	[dreg:$0x0] =	wrdreg $0xFFFFFFFF;
	(pc) =	sbr.abs _section_cstart, $3  }
0xc0: {  	[dreg:$0x1] =	wrdreg $0xFFFFFFFF  }
0xc1: {  	_ =	task.clear_ibuf [dreg:s6], $0x2FFFF;
	_ =	strace $0x9FFFFFFF  }
0xc2: {  	(tm) =	ssettm $0x7FFFFFFF  }
0xc3: {  	_ =	shalt  }
tec
execute0_lowered:
.L_overlay_start_1:
0x0: {  	(tag) =	ssettag $0x1  }
0x1: {  	s0 =	rddreg [dreg:$0x0]  }
0x2: {  	s1 =	rddreg [dreg:$0x1]  }
0x3: {  	s2 =	simm.s32 $0x0;
	s3 =	srdreg.scid;
	s16 =	stileid.u32  }
0x4: {  	s29 =	simm.s32 $0x28;
	s28 =	simm.s32 $0x9;
	s30 =	simm.s32 $0x7  }
0x5: {  	[smem:$0x7FF] =	sst s2;
	s4 =	sadd.s32 $0x17C00, s0;
	s5 =	sadd.s32 $0x4F9C00, s0  }
0x6: {  	s6 =	sadd.s32 $0xDE00, s0;
	s7 =	sadd.s32 $0x4000, s0;
	s3 =	sand.u32 $0x1, s3  }
0x7: {  	s8 =	smul.u32 $0x4E000, s16;
	s0 =	sadd.s32 $0x3EE00, s0;
	s15 =	sadd.s32 $0x138000, s1  }
0x8: {  	s14 =	smul.u32 $0x13800, s16;
	p0 =	sne.s32 s16, $0xF;
	s9 =	ssub.s32 $0x2, s3  }
0x9: {  	_ =	strace $0x8000004D;
	s11 =	sshrl.u32 s9, $0x1;
	s12 =	sshrl.u32 s8, $0x2  }
0xa: {  	s10 =	sshll.u32 s3, $0x4;
	s11 =	ssub.s32 s9, s11;
	s9 =	sadd.s32 s12, s1  }
0xb: {  	s3 =	smul.u32 $0x138800, s3;
	s10 =	sor.u32 s16, s10;
	s12 =	sadd.s32 $0x3400, s9  }
0xc: {  	s8 =	smul.u32 $0x2710, s10;
	s18 =	sadd.s32 $0x6800, s9;
	[dreg:$0x3] =	wrdreg s12  }
0xd: {  	s10 =	smul.u32 $0x27100, s10;
	s19 =	sadd.s32 $0x9C00, s9;
	[dreg:$0x4] =	wrdreg s18  }
0xe: {  	s26 =	sadd.s32 s14, s3;
	s20 =	sadd.s32 $0xD000, s9;
	[dreg:$0x5] =	wrdreg s19  }
0xf: {  	s3 =	sshrl.u32 s3, $0x3;
	s21 =	sadd.s32 $0x10400, s9;
	[dreg:$0x6] =	wrdreg s20  }
0x10: {  	[dreg:$0x7] =	wrdreg s21;
	s22 =	sshrl.u32 s8, $0x3;
	s10 =	sadd.s32 s5, s10  }
0x11: {  	s23 =	sadd.s32 $0x28, s8;
	s13 =	sadd.s32 s6, s22;
	[dreg:$0xa] =	wrdreg s10  }
0x12: {  	s12 =	sadd.s32 s7, s22;
	s24 =	sshrl.u32 s23, $0x3;
	[dreg:$0x8] =	wrdreg s13  }
0x13: {  	s31 =	sshll.u32 s23, $0x4;
	[dreg:$0x9] =	wrdreg s12;
	s25 =	sadd.s32 s6, s24  }
0x14: {  	s10 =	sadd.s32 s7, s24;
	s12 =	sadd.s32 s5, s31;
	[dreg:$0xb] =	wrdreg s25  }
0x15: {  	s24 =	smax.u32 s11, $0x1;
	[dreg:$0xc] =	wrdreg s10;
	s10 =	sshrl.u32 s26, $0x3  }
0x16: {  	[dreg:$0xd] =	wrdreg s12;
	s10 =	sadd.s32 s0, s10;
	s0 =	sadd.s32 s0, s3  }
0x17: {  	s25 =	simm.s32 $0x7C00;
	[dreg:$0xe] =	wrdreg s10;
	s0 =	sadd.s32 $0x27000, s0  }
0x18: {  	v0 =	vimm.f32 $0.0e+00;
	s26 =	simm.s32 $0xA;
	[dreg:$0xf] =	wrdreg s0;
	s0 =	simm.s32 $0x8  }
.LBB2_1:
0x19: {  	s3 =	simm.s32 $0x0;
	s10 =	simm.s32 $0x200  }
.LBB2_2:
0x1a: {  	p1 =	sne.s32 s10, $0xCE00;
	[tilespmem:s3+$0x7C70] =	vst v0  }
0x1b: {  	[tilespmem:s3+$0x7C00] =	vst v0  }
0x1c: {  	[tilespmem:s3+$0x7C10] =	vst v0  }
.Ltmp0:
0x1d: {  	[tilespmem:s3+$0x7C20] =	vst v0;
	(pc) =	sbr.rel @p1 .LBB2_2-.Ltmp0, $4  }
0x1e: {  	[tilespmem:s3+$0x7C30] =	vst v0  }
0x1f: {  	[tilespmem:s3+$0x7C40] =	vst v0  }
0x20: {  	[tilespmem:s3+$0x7C50] =	vst v0  }
0x21: {  	[tilespmem:s3+$0x7C60] =	vst v0;
	s3 =	sshra.s32 s10, $0x2;
	s10 =	sadd.s32 $0x200, s10  }
0x22: {  	[tilespmem:s3+$0x7C70] =	vst v0  }
0x23: {  	[tilespmem:s3+$0x7C00] =	vst v0  }
0x24: {  	[tilespmem:s3+$0x7C10] =	vst v0  }
0x25: {  	[tilespmem:s3+$0x7C20] =	vst v0  }
0x26: {  	[tilespmem:s3+$0x7C30] =	vst v0  }
0x27: {  	[tilespmem:s3+$0x7C40] =	vst v0  }
0x28: {  	[tilespmem:s3+$0x7C50] =	vst v0  }
0x29: {  	[tilespmem:s3+$0x7C60] =	vst v0  }
0x2a: {  	[spmem:s9] =	stream.linear.scatter [tilespmem:s25], [sflag:$0xA], $0x3400, $0x38;
	[tilespmem:$0x1E880] =	vst v63  }
0x2b: {  	_ =	swait.ge [sflag:s26], $0x3400  }
0x2c: {  	[sflag:s26] =	ssyncset.done $0x0  }
0x2d: {  	s11 =	rddreg [dreg:$0x3];
	[sflag:s26] =	ssyncadd.s32 $0xFFFFCC00  }
0x2e: {  	[spmem:s11] =	stream.linear.scatter [tilespmem:s25], [sflag:$0xA], $0x3400, $0x38;
	[tilespmem:$0x1E880] =	vst v63  }
0x2f: {  	_ =	swait.ge [sflag:s26], $0x3400  }
0x30: {  	[sflag:s26] =	ssyncset.done $0x0  }
0x31: {  	s12 =	rddreg [dreg:$0x4];
	[sflag:s26] =	ssyncadd.s32 $0xFFFFCC00  }
0x32: {  	[spmem:s12] =	stream.linear.scatter [tilespmem:s25], [sflag:$0xA], $0x3400, $0x38;
	[tilespmem:$0x1E880] =	vst v63  }
0x33: {  	_ =	swait.ge [sflag:s26], $0x3400  }
0x34: {  	[sflag:s26] =	ssyncset.done $0x0  }
0x35: {  	s13 =	rddreg [dreg:$0x5];
	[sflag:s26] =	ssyncadd.s32 $0xFFFFCC00  }
0x36: {  	[spmem:s13] =	stream.linear.scatter [tilespmem:s25], [sflag:$0xA], $0x3400, $0x38;
	[tilespmem:$0x1E880] =	vst v63  }
0x37: {  	_ =	swait.ge [sflag:s26], $0x3400  }
0x38: {  	[sflag:s26] =	ssyncset.done $0x0  }
0x39: {  	s14 =	rddreg [dreg:$0x6];
	[sflag:s26] =	ssyncadd.s32 $0xFFFFCC00  }
0x3a: {  	[spmem:s14] =	stream.linear.scatter [tilespmem:s25], [sflag:$0xA], $0x3400, $0x38;
	[tilespmem:$0x1E880] =	vst v63  }
0x3b: {  	_ =	swait.ge [sflag:s26], $0x3400  }
0x3c: {  	[sflag:s26] =	ssyncset.done $0x0  }
0x3d: {  	s16 =	rddreg [dreg:$0x7];
	[sflag:s26] =	ssyncadd.s32 $0xFFFFCC00  }
0x3e: {  	[spmem:s16] =	stream.linear.scatter [tilespmem:s25], [sflag:$0xA], $0x3400, $0x38;
	[tilespmem:$0x1E880] =	vst v63  }
0x3f: {  	_ =	swait.ge [sflag:s26], $0x3400  }
0x40: {  	[sflag:s26] =	ssyncset.done $0x0  }
0x41: {  	s3 =	simm.s32 @!p0 $0x7C00;
	[sflag:s26] =	ssyncadd.s32 $0xFFFFCC00  }
0x42: {  	[spmem:s15] =	stream.linear.scatter @!p0 [tilespmem:s3], [sflag:$0xA], $0x800, $0x38;
	[tilespmem:$0x1E880] =	vst v63  }
0x43: {  	s3 =	simm.s32 @!p0 $0xA  }
0x44: {  	_ =	swait.ge @!p0 [sflag:s3], $0x800  }
0x45: {  	[sflag:s3] =	ssyncset.done @!p0 $0x0  }
0x46: {  	[sflag:s3] =	ssyncadd.s32 @!p0 $0xFFFFF800  }
0x47: {  	[bflag:$0x0] =	sbarrier.arrive $0xFFFF  }
0x48: {  	s3 =	simm.s32 $0x0;
	s10 =	rddreg [dreg:$0x8]  }
0x49: {  	[tilespmem:s3], [sflag:$0xA] =	stream.linear.gather [hbm4b:s10+s3], $0x28, $0x38;
	[tilespmem:$0x1E880] =	vst v63  }
0x4a: {  	_ =	swait.ge [sflag:s26], $0x28  }
0x4b: {  	[sflag:s26] =	ssyncset.done $0x0  }
0x4c: {  	s11 =	simm.s32 $0x200;
	s17 =	rddreg [dreg:$0x9];
	[sflag:s26] =	ssyncadd.s32 $0xFFFFFFD8  }
0x4d: {  	[tilespmem:s11], [sflag:$0xA] =	stream.linear.gather [hbm4b:s17+s3], $0x28, $0x38;
	[tilespmem:$0x1E880] =	vst v63  }
0x4e: {  	_ =	swait.ge [sflag:s26], $0x28  }
0x4f: {  	[sflag:s26] =	ssyncset.done $0x0  }
0x50: {  	s10 =	simm.s32 $0x400;
	s18 =	rddreg [dreg:$0xa];
	[sflag:s26] =	ssyncadd.s32 $0xFFFFFFD8  }
0x51: {  	[tilespmem:s10], [sflag:$0x1] =	stream.linear.gather [hbm4b:s18+s3], $0x1400, $0x38;
	[tilespmem:$0x1E880] =	vst v63  }
0x52: {  	s19 =	simm.s32 $0x4000  }
0x53: {  	[tilespmem:s19], [sflag:$0x4] =	stream.indirect.gather [hbm4b:s4+s29], $0x80, s3, s29, $0xb8;
	[tilespmem:$0x1E880] =	vst v63  }
0x54: {  	s12 =	simm.s32 $0x80;
	s20 =	rddreg [dreg:$0xb]  }
0x55: {  	[tilespmem:s12], [sflag:$0xA] =	stream.linear.gather [hbm4b:s20+s3], $0x28, $0x38;
	[tilespmem:$0x1E880] =	vst v63  }
0x56: {  	_ =	swait.ge [sflag:s26], $0x28  }
0x57: {  	[sflag:s26] =	ssyncset.done $0x0  }
0x58: {  	s13 =	simm.s32 $0x280;
	s21 =	rddreg [dreg:$0xc];
	[sflag:s26] =	ssyncadd.s32 $0xFFFFFFD8  }
0x59: {  	[tilespmem:s13], [sflag:$0xA] =	stream.linear.gather [hbm4b:s21+s3], $0x28, $0x38;
	[tilespmem:$0x1E880] =	vst v63  }
0x5a: {  	_ =	swait.ge [sflag:s26], $0x28  }
0x5b: {  	[sflag:s26] =	ssyncset.done $0x0  }
0x5c: {  	s23 =	simm.s32 $0x1800;
	s22 =	rddreg [dreg:$0xd];
	[sflag:s26] =	ssyncadd.s32 $0xFFFFFFD8  }
0x5d: {  	[tilespmem:s23], [sflag:$0x2] =	stream.linear.gather [hbm4b:s22+s3], $0x1400, $0x38;
	[tilespmem:$0x1E880] =	vst v63  }
0x5e: {  	s31 =	simm.s32 $0x5400;
	s21 =	simm.s32 $0x40F0  }
0x5f: {  	[tilespmem:s31], [sflag:$0x5] =	stream.indirect.gather [hbm4b:s4+s29], $0x80, s12, s29, $0xb8;
	[tilespmem:$0x1E880] =	vst v63  }
.LBB2_4:
0x60: {  	s11 =	smul.u32 $0xAB, s3;
	_ =	sdelay $0x1  }
0x61: {  	s11 =	sshrl.u32 s11, $0x9  }
0x62: {  	s12 =	smulhi.u32 $0xAAAAAAAB, s3;
	s11 =	sand.u32 $0x7F, s11  }
0x63: {  	s11 =	smul.u32 $0x3, s11;
	_ =	sdelay $0x1  }
0x64: {  	s12 =	sshrl.u32 s12, $0x1;
	s11 =	ssub.s32 s3, s11  }
0x65: {  	s13 =	smul.u32 $0xFFFF1000, s12;
	s12 =	sand.u32 $0xFF, s11  }
0x66: {  	s11 =	sadd.s32 $0x1, s12  }
0x67: {  	s13 =	sshra.s32 s13, $0x2;
	_ =	swait.ge [sflag:s11], $0x1400  }
0x68: {  	v1 =	vmov s13;
	[sflag:s11] =	ssyncset.done $0x0  }
0x69: {  	s23 =	sor.u32 $0x4, s12;
	[sflag:s11] =	ssyncadd.s32 $0xFFFFEC00  }
0x6a: {  	_ =	swait.ge [sflag:s23], $0x1400  }
0x6b: {  	[sflag:s23] =	ssyncset.done $0x0  }
0x6c: {  	[sflag:s23] =	ssyncadd.s32 $0xFFFFEC00  }
0x6d: {  	v2 =	vld.idx.msk [tilespmem:v1+s21+$0xFFFFFF90 ss:$0x1], $0xffff  }
0x6e: {  	v3 =	vld.idx.msk [tilespmem:v1+s10+$0x80 ss:$0x1], $0xffff  }
0x6f: {  	v4 =	vld.idx.msk [tilespmem:v1+s10+$0x0 ss:$0x1], $0xffff  }
0x70: {  	v5 =	vld.idx.msk [tilespmem:v1+s21+$0xFFFFFF10 ss:$0x1], $0xffff;
	_ =	sdelay $0x2  }
0x71: {  	v2 =	vadd.f32 v3, v2;
	_ =	sdelay $0x1  }
0x72: {  	v3 =	vadd.f32 v4, v5;
	v2 =	vmax.f32 v2, $0.0e+00  }
0x73: {  	[tilespmem:v1+s21+$0xFFFFFF90 ss:$0x1] =	vst.idx.msk $0xffff, v2  }
0x74: {  	v3 =	vmax.f32 v3, $0.0e+00;
	v2 =	vld.idx.msk [tilespmem:v1+s21+$0xFFFFFFA0 ss:$0x1], $0xffff  }
0x75: {  	[tilespmem:v1+s21+$0xFFFFFF10 ss:$0x1] =	vst.idx.msk $0xffff, v3;
	v4 =	vld.idx.msk [tilespmem:v1+s10+$0x90 ss:$0x1], $0xffff  }
0x76: {  	v3 =	vld.idx.msk [tilespmem:v1+s21+$0xFFFFFF20 ss:$0x1], $0xffff  }
0x77: {  	v5 =	vld.idx.msk [tilespmem:v1+s10+$0x10 ss:$0x1], $0xffff;
	_ =	sdelay $0x2  }
0x78: {  	v2 =	vadd.f32 v4, v2;
	_ =	sdelay $0x1  }
0x79: {  	v3 =	vadd.f32 v5, v3;
	v2 =	vmax.f32 v2, $0.0e+00  }
0x7a: {  	[tilespmem:v1+s21+$0xFFFFFFA0 ss:$0x1] =	vst.idx.msk $0xffff, v2  }
0x7b: {  	v3 =	vmax.f32 v3, $0.0e+00;
	v2 =	vld.idx.msk [tilespmem:v1+s21+$0xFFFFFFB0 ss:$0x1], $0xffff  }
0x7c: {  	[tilespmem:v1+s21+$0xFFFFFF20 ss:$0x1] =	vst.idx.msk $0xffff, v3;
	v4 =	vld.idx.msk [tilespmem:v1+s10+$0xA0 ss:$0x1], $0xffff  }
0x7d: {  	v3 =	vld.idx.msk [tilespmem:v1+s21+$0xFFFFFF30 ss:$0x1], $0xffff  }
0x7e: {  	v5 =	vld.idx.msk [tilespmem:v1+s10+$0x20 ss:$0x1], $0xffff;
	_ =	sdelay $0x3  }
0x7f: {  	s14 =	sadd.s32 $0x100, s10;
	v2 =	vadd.f32 v4, v2  }
0x80: {  	s13 =	sadd.s32 $0x100, s21;
	v6 =	vld.idx.msk [tilespmem:v1+s14+$0x80 ss:$0x1], $0xffff;
	v3 =	vadd.f32 v5, v3  }
0x81: {  	v4 =	vld.idx.msk [tilespmem:v1+s13+$0xFFFFFF90 ss:$0x1], $0xffff;
	v2 =	vmax.f32 v2, $0.0e+00  }
0x82: {  	v7 =	vld.idx.msk [tilespmem:v1+s14+$0x0 ss:$0x1], $0xffff;
	v3 =	vmax.f32 v3, $0.0e+00;
	[tilespmem:v1+s21+$0xFFFFFFB0 ss:$0x1] =	vst.idx.msk $0xffff, v2  }
0x83: {  	[tilespmem:v1+s21+$0xFFFFFF30 ss:$0x1] =	vst.idx.msk $0xffff, v3;
	v3 =	vld.idx.msk [tilespmem:v1+s13+$0xFFFFFF10 ss:$0x1], $0xffff  }
0x84: {  	v2 =	vld.idx.msk [tilespmem:v1+s21+$0xFFFFFFC0 ss:$0x1], $0xffff  }
0x85: {  	v5 =	vld.idx.msk [tilespmem:v1+s10+$0xB0 ss:$0x1], $0xffff  }
0x86: {  	v4 =	vadd.f32 v6, v4  }
0x87: {  	v8 =	vld.idx.msk [tilespmem:v1+s10+$0x30 ss:$0x1], $0xffff  }
0x88: {  	v6 =	vld.idx.msk [tilespmem:v1+s21+$0xFFFFFF40 ss:$0x1], $0xffff;
	v4 =	vmax.f32 v4, $0.0e+00;
	v3 =	vadd.f32 v7, v3  }
0x89: {  	[tilespmem:v1+s13+$0xFFFFFF90 ss:$0x1] =	vst.idx.msk $0xffff, v4  }
0x8a: {  	v2 =	vadd.f32 v5, v2;
	v4 =	vld.idx.msk [tilespmem:v1+s13+$0xFFFFFFA0 ss:$0x1], $0xffff;
	v3 =	vmax.f32 v3, $0.0e+00  }
0x8b: {  	v5 =	vld.idx.msk [tilespmem:v1+s14+$0x90 ss:$0x1], $0xffff;
	[tilespmem:v1+s13+$0xFFFFFF10 ss:$0x1] =	vst.idx.msk $0xffff, v3  }
0x8c: {  	v2 =	vmax.f32 v2, $0.0e+00;
	v3 =	vld.idx.msk [tilespmem:v1+s13+$0xFFFFFF20 ss:$0x1], $0xffff  }
0x8d: {  	v6 =	vadd.f32 v8, v6;
	[tilespmem:v1+s21+$0xFFFFFFC0 ss:$0x1] =	vst.idx.msk $0xffff, v2;
	v8 =	vld.idx.msk [tilespmem:v1+s14+$0x10 ss:$0x1], $0xffff  }
0x8e: {  	v2 =	vld.idx.msk [tilespmem:v1+s21+$0xFFFFFFD0 ss:$0x1], $0xffff  }
0x8f: {  	v6 =	vmax.f32 v6, $0.0e+00;
	v7 =	vld.idx.msk [tilespmem:v1+s10+$0xC0 ss:$0x1], $0xffff  }
0x90: {  	[tilespmem:v1+s21+$0xFFFFFF40 ss:$0x1] =	vst.idx.msk $0xffff, v6  }
0x91: {  	v4 =	vadd.f32 v5, v4;
	v5 =	vld.idx.msk [tilespmem:v1+s21+$0xFFFFFF50 ss:$0x1], $0xffff  }
0x92: {  	v6 =	vld.idx.msk [tilespmem:v1+s10+$0x40 ss:$0x1], $0xffff  }
0x93: {  	s16 =	sadd.s32 $0x100, s13;
	v4 =	vmax.f32 v4, $0.0e+00;
	v3 =	vadd.f32 v8, v3  }
0x94: {  	v9 =	vld.idx.msk [tilespmem:v1+s16+$0xFFFFFF90 ss:$0x1], $0xffff;
	[tilespmem:v1+s13+$0xFFFFFFA0 ss:$0x1] =	vst.idx.msk $0xffff, v4;
	v2 =	vadd.f32 v7, v2  }
0x95: {  	v4 =	vld.idx.msk [tilespmem:v1+s13+$0xFFFFFFB0 ss:$0x1], $0xffff;
	v3 =	vmax.f32 v3, $0.0e+00  }
0x96: {  	v7 =	vld.idx.msk [tilespmem:v1+s14+$0xA0 ss:$0x1], $0xffff;
	v2 =	vmax.f32 v2, $0.0e+00;
	[tilespmem:v1+s13+$0xFFFFFF20 ss:$0x1] =	vst.idx.msk $0xffff, v3  }
0x97: {  	v5 =	vadd.f32 v6, v5;
	[tilespmem:v1+s21+$0xFFFFFFD0 ss:$0x1] =	vst.idx.msk $0xffff, v2;
	v3 =	vld.idx.msk [tilespmem:v1+s13+$0xFFFFFF30 ss:$0x1], $0xffff  }
0x98: {  	v2 =	vld.idx.msk [tilespmem:v1+s21+$0xFFFFFFE0 ss:$0x1], $0xffff  }
0x99: {  	v5 =	vmax.f32 v5, $0.0e+00;
	v6 =	vld.idx.msk [tilespmem:v1+s10+$0xD0 ss:$0x1], $0xffff  }
0x9a: {  	v8 =	vld.idx.msk [tilespmem:v1+s14+$0x20 ss:$0x1], $0xffff;
	[tilespmem:v1+s21+$0xFFFFFF50 ss:$0x1] =	vst.idx.msk $0xffff, v5  }
0x9b: {  	v4 =	vadd.f32 v7, v4;
	v5 =	vld.idx.msk [tilespmem:v1+s21+$0xFFFFFF60 ss:$0x1], $0xffff  }
0x9c: {  	s18 =	sadd.s32 $0x100, s16;
	v7 =	vld.idx.msk [tilespmem:v1+s10+$0x50 ss:$0x1], $0xffff  }
0x9d: {  	s17 =	sadd.s32 $0x100, s14;
	v13 =	vld.idx.msk [tilespmem:v1+s18+$0xFFFFFF90 ss:$0x1], $0xffff;
	v4 =	vmax.f32 v4, $0.0e+00  }
0x9e: {  	[tilespmem:v1+s13+$0xFFFFFFB0 ss:$0x1] =	vst.idx.msk $0xffff, v4;
	v2 =	vadd.f32 v6, v2;
	v6 =	vld.idx.msk [tilespmem:v1+s17+$0x80 ss:$0x1], $0xffff  }
0x9f: {  	v4 =	vld.idx.msk [tilespmem:v1+s13+$0xFFFFFFC0 ss:$0x1], $0xffff  }
0xa0: {  	v10 =	vld.idx.msk [tilespmem:v1+s14+$0xB0 ss:$0x1], $0xffff;
	v2 =	vmax.f32 v2, $0.0e+00  }
0xa1: {  	v5 =	vadd.f32 v7, v5;
	v7 =	vld.idx.msk [tilespmem:v1+s17+$0x0 ss:$0x1], $0xffff;
	[tilespmem:v1+s21+$0xFFFFFFE0 ss:$0x1] =	vst.idx.msk $0xffff, v2;
	v2 =	vadd.f32 v8, v3  }
0xa2: {  	v3 =	vld.idx.msk [tilespmem:v1+s21+$0xFFFFFFF0 ss:$0x1], $0xffff  }
0xa3: {  	v8 =	vld.idx.msk [tilespmem:v1+s10+$0xE0 ss:$0x1], $0xffff;
	v2 =	vmax.f32 v2, $0.0e+00  }
0xa4: {  	v6 =	vadd.f32 v6, v9;
	[tilespmem:v1+s13+$0xFFFFFF30 ss:$0x1] =	vst.idx.msk $0xffff, v2;
	v2 =	vld.idx.msk [tilespmem:v1+s16+$0xFFFFFF10 ss:$0x1], $0xffff  }
0xa5: {  	v5 =	vmax.f32 v5, $0.0e+00;
	v9 =	vld.idx.msk [tilespmem:v1+s13+$0xFFFFFF40 ss:$0x1], $0xffff  }
0xa6: {  	[tilespmem:v1+s21+$0xFFFFFF60 ss:$0x1] =	vst.idx.msk $0xffff, v5;
	v4 =	vadd.f32 v10, v4;
	v5 =	vmax.f32 v6, $0.0e+00;
	v6 =	vld.idx.msk [tilespmem:v1+s14+$0x30 ss:$0x1], $0xffff  }
0xa7: {  	[tilespmem:v1+s16+$0xFFFFFF90 ss:$0x1] =	vst.idx.msk $0xffff, v5;
	v5 =	vld.idx.msk [tilespmem:v1+s21+$0xFFFFFF70 ss:$0x1], $0xffff  }
0xa8: {  	v4 =	vmax.f32 v4, $0.0e+00;
	v10 =	vld.idx.msk [tilespmem:v1+s16+$0xFFFFFFA0 ss:$0x1], $0xffff;
	v3 =	vadd.f32 v8, v3  }
0xa9: {  	[tilespmem:v1+s13+$0xFFFFFFC0 ss:$0x1] =	vst.idx.msk $0xffff, v4;
	v8 =	vld.idx.msk [tilespmem:v1+s17+$0x90 ss:$0x1], $0xffff;
	v2 =	vadd.f32 v7, v2  }
0xaa: {  	v4 =	vld.idx.msk [tilespmem:v1+s13+$0xFFFFFFD0 ss:$0x1], $0xffff;
	v3 =	vmax.f32 v3, $0.0e+00  }
0xab: {  	v7 =	vld.idx.msk [tilespmem:v1+s14+$0xC0 ss:$0x1], $0xffff;
	[tilespmem:v1+s21+$0xFFFFFFF0 ss:$0x1] =	vst.idx.msk $0xffff, v3;
	v3 =	vadd.f32 v6, v9;
	v2 =	vmax.f32 v2, $0.0e+00  }
0xac: {  	v6 =	vld.idx.msk [tilespmem:v1+s21+$0x0 ss:$0x1], $0xffff;
	[tilespmem:v1+s16+$0xFFFFFF10 ss:$0x1] =	vst.idx.msk $0xffff, v2  }
0xad: {  	v3 =	vmax.f32 v3, $0.0e+00;
	v2 =	vld.idx.msk [tilespmem:v1+s16+$0xFFFFFF20 ss:$0x1], $0xffff  }
0xae: {  	v9 =	vld.idx.msk [tilespmem:v1+s17+$0x10 ss:$0x1], $0xffff;
	[tilespmem:v1+s13+$0xFFFFFF40 ss:$0x1] =	vst.idx.msk $0xffff, v3;
	v3 =	vadd.f32 v8, v10  }
0xaf: {  	v8 =	vld.idx.msk [tilespmem:v1+s13+$0xFFFFFF50 ss:$0x1], $0xffff  }
0xb0: {  	v10 =	vld.idx.msk [tilespmem:v1+s14+$0x40 ss:$0x1], $0xffff;
	v4 =	vadd.f32 v7, v4;
	v3 =	vmax.f32 v3, $0.0e+00  }
0xb1: {  	v11 =	vld.idx.msk [tilespmem:v1+s10+$0xF0 ss:$0x1], $0xffff;
	[tilespmem:v1+s16+$0xFFFFFFA0 ss:$0x1] =	vst.idx.msk $0xffff, v3  }
0xb2: {  	v4 =	vmax.f32 v4, $0.0e+00;
	v3 =	vld.idx.msk [tilespmem:v1+s16+$0xFFFFFFB0 ss:$0x1], $0xffff  }
0xb3: {  	[tilespmem:v1+s13+$0xFFFFFFD0 ss:$0x1] =	vst.idx.msk $0xffff, v4;
	v2 =	vadd.f32 v9, v2;
	v9 =	vld.idx.msk [tilespmem:v1+s17+$0xA0 ss:$0x1], $0xffff  }
0xb4: {  	v4 =	vld.idx.msk [tilespmem:v1+s13+$0xFFFFFFE0 ss:$0x1], $0xffff  }
0xb5: {  	v8 =	vadd.f32 v10, v8;
	v10 =	vld.idx.msk [tilespmem:v1+s14+$0xD0 ss:$0x1], $0xffff;
	v2 =	vmax.f32 v2, $0.0e+00  }
0xb6: {  	v7 =	vld.idx.msk [tilespmem:v1+s10+$0x60 ss:$0x1], $0xffff;
	[tilespmem:v1+s16+$0xFFFFFF20 ss:$0x1] =	vst.idx.msk $0xffff, v2  }
0xb7: {  	v8 =	vmax.f32 v8, $0.0e+00;
	v2 =	vld.idx.msk [tilespmem:v1+s16+$0xFFFFFF30 ss:$0x1], $0xffff  }
0xb8: {  	v12 =	vld.idx.msk [tilespmem:v1+s17+$0x20 ss:$0x1], $0xffff;
	[tilespmem:v1+s13+$0xFFFFFF50 ss:$0x1] =	vst.idx.msk $0xffff, v8;
	v3 =	vadd.f32 v9, v3  }
0xb9: {  	v8 =	vld.idx.msk [tilespmem:v1+s13+$0xFFFFFF60 ss:$0x1], $0xffff  }
0xba: {  	s20 =	sadd.s32 $0x100, s17;
	v9 =	vld.idx.msk [tilespmem:v1+s14+$0x50 ss:$0x1], $0xffff;
	v4 =	vadd.f32 v10, v4;
	v3 =	vmax.f32 v3, $0.0e+00  }
0xbb: {  	v10 =	vld.idx.msk [tilespmem:v1+s20+$0x80 ss:$0x1], $0xffff;
	[tilespmem:v1+s16+$0xFFFFFFB0 ss:$0x1] =	vst.idx.msk $0xffff, v3  }
0xbc: {  	v4 =	vmax.f32 v4, $0.0e+00;
	v3 =	vld.idx.msk [tilespmem:v1+s16+$0xFFFFFFC0 ss:$0x1], $0xffff  }
0xbd: {  	v14 =	vld.idx.msk [tilespmem:v1+s17+$0xB0 ss:$0x1], $0xffff;
	[tilespmem:v1+s13+$0xFFFFFFE0 ss:$0x1] =	vst.idx.msk $0xffff, v4  }
0xbe: {  	v2 =	vadd.f32 v12, v2;
	v4 =	vld.idx.msk [tilespmem:v1+s13+$0xFFFFFFF0 ss:$0x1], $0xffff  }
0xbf: {  	v56 =	vld.idx.msk [tilespmem:v1+s14+$0xE0 ss:$0x1], $0xffff  }
0xc0: {  	v8 =	vadd.f32 v9, v8;
	v9 =	vld.idx.msk [tilespmem:v1+s20+$0x0 ss:$0x1], $0xffff;
	v2 =	vmax.f32 v2, $0.0e+00  }
0xc1: {  	v10 =	vadd.f32 v10, v13;
	[tilespmem:v1+s16+$0xFFFFFF30 ss:$0x1] =	vst.idx.msk $0xffff, v2;
	v2 =	vld.idx.msk [tilespmem:v1+s18+$0xFFFFFF10 ss:$0x1], $0xffff  }
0xc2: {  	v8 =	vmax.f32 v8, $0.0e+00;
	v57 =	vld.idx.msk [tilespmem:v1+s16+$0xFFFFFF40 ss:$0x1], $0xffff  }
0xc3: {  	[tilespmem:v1+s13+$0xFFFFFF60 ss:$0x1] =	vst.idx.msk $0xffff, v8;
	v8 =	vmax.f32 v10, $0.0e+00;
	v10 =	vld.idx.msk [tilespmem:v1+s17+$0x30 ss:$0x1], $0xffff;
	v3 =	vadd.f32 v14, v3  }
0xc4: {  	[tilespmem:v1+s18+$0xFFFFFF90 ss:$0x1] =	vst.idx.msk $0xffff, v8;
	v8 =	vld.idx.msk [tilespmem:v1+s13+$0xFFFFFF70 ss:$0x1], $0xffff  }
0xc5: {  	v58 =	vld.idx.msk [tilespmem:v1+s18+$0xFFFFFFA0 ss:$0x1], $0xffff;
	v4 =	vadd.f32 v56, v4;
	v3 =	vmax.f32 v3, $0.0e+00  }
0xc6: {  	v59 =	vld.idx.msk [tilespmem:v1+s20+$0x90 ss:$0x1], $0xffff;
	[tilespmem:v1+s16+$0xFFFFFFC0 ss:$0x1] =	vst.idx.msk $0xffff, v3  }
0xc7: {  	v2 =	vadd.f32 v9, v2;
	v4 =	vmax.f32 v4, $0.0e+00;
	v3 =	vld.idx.msk [tilespmem:v1+s16+$0xFFFFFFD0 ss:$0x1], $0xffff  }
0xc8: {  	v9 =	vld.idx.msk [tilespmem:v1+s17+$0xC0 ss:$0x1], $0xffff;
	[tilespmem:v1+s13+$0xFFFFFFF0 ss:$0x1] =	vst.idx.msk $0xffff, v4  }
0xc9: {  	v4 =	vadd.f32 v10, v57;
	v2 =	vmax.f32 v2, $0.0e+00;
	v10 =	vld.idx.msk [tilespmem:v1+s13+$0x0 ss:$0x1], $0xffff  }
0xca: {  	v60 =	vld.idx.msk [tilespmem:v1+s14+$0xF0 ss:$0x1], $0xffff;
	[tilespmem:v1+s18+$0xFFFFFF10 ss:$0x1] =	vst.idx.msk $0xffff, v2  }
0xcb: {  	v2 =	vmax.f32 v4, $0.0e+00;
	v15 =	vld.idx.msk [tilespmem:v1+s18+$0xFFFFFF20 ss:$0x1], $0xffff  }
0xcc: {  	v4 =	vadd.f32 v7, v5;
	v5 =	vld.idx.msk [tilespmem:v1+s20+$0x10 ss:$0x1], $0xffff;
	[tilespmem:v1+s16+$0xFFFFFF40 ss:$0x1] =	vst.idx.msk $0xffff, v2  }
0xcd: {  	v2 =	vadd.f32 v59, v58;
	v7 =	vld.idx.msk [tilespmem:v1+s16+$0xFFFFFF50 ss:$0x1], $0xffff  }
0xce: {  	v4 =	vmax.f32 v4, $0.0e+00;
	v61 =	vld.idx.msk [tilespmem:v1+s17+$0x40 ss:$0x1], $0xffff  }
0xcf: {  	[tilespmem:v1+s21+$0xFFFFFF70 ss:$0x1] =	vst.idx.msk $0xffff, v4;
	v2 =	vmax.f32 v2, $0.0e+00;
	v3 =	vadd.f32 v9, v3;
	v9 =	vld.idx.msk [tilespmem:v1+s14+$0x60 ss:$0x1], $0xffff  }
0xd0: {  	[tilespmem:v1+s18+$0xFFFFFFA0 ss:$0x1] =	vst.idx.msk $0xffff, v2;
	v2 =	vld.idx.msk [tilespmem:v1+s21+$0xFFFFFF80 ss:$0x1], $0xffff  }
0xd1: {  	v62 =	vld.idx.msk [tilespmem:v1+s18+$0xFFFFFFB0 ss:$0x1], $0xffff;
	v3 =	vmax.f32 v3, $0.0e+00  }
0xd2: {  	v63 =	vld.idx.msk [tilespmem:v1+s20+$0xA0 ss:$0x1], $0xffff;
	v5 =	vadd.f32 v5, v15;
	[tilespmem:v1+s16+$0xFFFFFFD0 ss:$0x1] =	vst.idx.msk $0xffff, v3  }
0xd3: {  	v10 =	vadd.f32 v60, v10;
	v3 =	vadd.f32 v11, v6;
	v4 =	vld.idx.msk [tilespmem:v1+s16+$0xFFFFFFE0 ss:$0x1], $0xffff  }
0xd4: {  	v7 =	vadd.f32 v61, v7;
	v6 =	vmax.f32 v5, $0.0e+00;
	v5 =	vld.idx.msk [tilespmem:v1+s17+$0xD0 ss:$0x1], $0xffff  }
0xd5: {  	v10 =	vmax.f32 v10, $0.0e+00;
	v11 =	vmax.f32 v3, $0.0e+00;
	v3 =	vld.idx.msk [tilespmem:v1+s10+$0x70 ss:$0x1], $0xffff;
	[tilespmem:v1+s18+$0xFFFFFF20 ss:$0x1] =	vst.idx.msk $0xffff, v6  }
0xd6: {  	[tilespmem:v1+s13+$0x0 ss:$0x1] =	vst.idx.msk $0xffff, v10;
	v6 =	vadd.f32 v9, v8;
	v7 =	vmax.f32 v7, $0.0e+00;
	v8 =	vld.idx.msk [tilespmem:v1+s18+$0xFFFFFF30 ss:$0x1], $0xffff  }
0xd7: {  	[tilespmem:v1+s16+$0xFFFFFF50 ss:$0x1] =	vst.idx.msk $0xffff, v7;
	v9 =	vld.idx.msk [tilespmem:v1+s20+$0x20 ss:$0x1], $0xffff  }
0xd8: {  	s22 =	simm.s32 $0x6;
	s31 =	smov.u32 s20;
	[tilespmem:v1+s21+$0x0 ss:$0x1] =	vst.idx.msk $0xffff, v11;
	v10 =	vadd.f32 v63, v62;
	v7 =	vmax.f32 v6, $0.0e+00;
	v6 =	vld.idx.msk [tilespmem:v1+s16+$0xFFFFFF60 ss:$0x1], $0xffff  }
0xd9: {  	s19 =	smul.u32 $0x1400, s12;
	s11 =	smov.u32 s21;
	s23 =	sadd.s32 $0x100, s18;
	[tilespmem:v1+s13+$0xFFFFFF70 ss:$0x1] =	vst.idx.msk $0xffff, v7;
	v7 =	vld.idx.msk [tilespmem:v1+s17+$0x50 ss:$0x1], $0xffff  }
.LBB2_5:
0xda: {  	v11 =	vld.idx.msk [tilespmem:v1+s23+$0xFFFFFF90 ss:$0x1], $0xffff;
	v10 =	vmax.f32 v10, $0.0e+00;
	s20 =	sadd.s32 $0x100, s20;
	v4 =	vadd.f32 v5, v4  }
0xdb: {  	v2 =	vadd.f32 v3, v2;
	v5 =	vld.idx.msk [tilespmem:v1+s20+$0x80 ss:$0x1], $0xffff;
	[tilespmem:v1+s18+$0xFFFFFFB0 ss:$0x1] =	vst.idx.msk $0xffff, v10  }
0xdc: {  	v3 =	vld.idx.msk [tilespmem:v1+s18+$0xFFFFFFC0 ss:$0x1], $0xffff;
	v4 =	vmax.f32 v4, $0.0e+00  }
0xdd: {  	v8 =	vadd.f32 v9, v8;
	v2 =	vmax.f32 v2, $0.0e+00;
	v9 =	vld.idx.msk [tilespmem:v1+s31+$0xB0 ss:$0x1], $0xffff;
	[tilespmem:v1+s16+$0xFFFFFFE0 ss:$0x1] =	vst.idx.msk $0xffff, v4  }
0xde: {  	v4 =	vld.idx.msk [tilespmem:v1+s16+$0xFFFFFFF0 ss:$0x1], $0xffff;
	[tilespmem:v1+s11+$0xFFFFFF80 ss:$0x1] =	vst.idx.msk $0xffff, v2;
	s11 =	smov.u32 s13;
	s13 =	smov.u32 s16;
	s16 =	smov.u32 s18  }
0xdf: {  	v2 =	vmax.f32 v8, $0.0e+00;
	v6 =	vadd.f32 v7, v6;
	s18 =	smov.u32 s23;
	v7 =	vld.idx.msk [tilespmem:v1+s17+$0xE0 ss:$0x1], $0xffff  }
0xe0: {  	v8 =	vld.idx.msk [tilespmem:v1+s20+$0x0 ss:$0x1], $0xffff;
	[tilespmem:v1+s16+$0xFFFFFF30 ss:$0x1] =	vst.idx.msk $0xffff, v2  }
0xe1: {  	v5 =	vadd.f32 v5, v11;
	v6 =	vmax.f32 v6, $0.0e+00;
	v2 =	vld.idx.msk [tilespmem:v1+s23+$0xFFFFFF10 ss:$0x1], $0xffff  }
0xe2: {  	v10 =	vld.idx.msk [tilespmem:v1+s16+$0xFFFFFF40 ss:$0x1], $0xffff;
	[tilespmem:v1+s13+$0xFFFFFF60 ss:$0x1] =	vst.idx.msk $0xffff, v6  }
0xe3: {  	v5 =	vmax.f32 v5, $0.0e+00;
	v3 =	vadd.f32 v9, v3;
	v6 =	vld.idx.msk [tilespmem:v1+s31+$0x30 ss:$0x1], $0xffff  }
0xe4: {  	s22 =	sadd.s32 $0x2, s22;
	[tilespmem:v1+s23+$0xFFFFFF90 ss:$0x1] =	vst.idx.msk $0xffff, v5;
	v9 =	vld.idx.msk [tilespmem:v1+s13+$0xFFFFFF70 ss:$0x1], $0xffff  }
0xe5: {  	p1 =	slt.u32 s22, $0x26;
	v3 =	vmax.f32 v3, $0.0e+00;
	v4 =	vadd.f32 v7, v4;
	v5 =	vld.idx.msk [tilespmem:v1+s23+$0xFFFFFFA0 ss:$0x1], $0xffff  }
0xe6: {  	v7 =	vld.idx.msk [tilespmem:v1+s20+$0x90 ss:$0x1], $0xffff;
	[tilespmem:v1+s16+$0xFFFFFFC0 ss:$0x1] =	vst.idx.msk $0xffff, v3  }
0xe7: {  	v2 =	vadd.f32 v8, v2;
	v4 =	vmax.f32 v4, $0.0e+00;
	v3 =	vld.idx.msk [tilespmem:v1+s16+$0xFFFFFFD0 ss:$0x1], $0xffff  }
0xe8: {  	v8 =	vld.idx.msk [tilespmem:v1+s31+$0xC0 ss:$0x1], $0xffff;
	[tilespmem:v1+s13+$0xFFFFFFF0 ss:$0x1] =	vst.idx.msk $0xffff, v4  }
0xe9: {  	v2 =	vmax.f32 v2, $0.0e+00;
	v4 =	vadd.f32 v6, v10;
	v6 =	vld.idx.msk [tilespmem:v1+s13+$0x0 ss:$0x1], $0xffff  }
0xea: {  	[tilespmem:v1+s23+$0xFFFFFF10 ss:$0x1] =	vst.idx.msk $0xffff, v2;
	v2 =	vld.idx.msk [tilespmem:v1+s17+$0xF0 ss:$0x1], $0xffff  }
0xeb: {  	v4 =	vmax.f32 v4, $0.0e+00;
	v10 =	vld.idx.msk [tilespmem:v1+s23+$0xFFFFFF20 ss:$0x1], $0xffff  }
0xec: {  	v11 =	vld.idx.msk [tilespmem:v1+s20+$0x10 ss:$0x1], $0xffff;
	[tilespmem:v1+s16+$0xFFFFFF40 ss:$0x1] =	vst.idx.msk $0xffff, v4  }
0xed: {  	v4 =	vadd.f32 v7, v5;
	v5 =	vld.idx.msk [tilespmem:v1+s16+$0xFFFFFF50 ss:$0x1], $0xffff  }
0xee: {  	v7 =	vld.idx.msk [tilespmem:v1+s31+$0x40 ss:$0x1], $0xffff  }
0xef: {  	v3 =	vadd.f32 v8, v3;
	v4 =	vmax.f32 v4, $0.0e+00;
	v8 =	vld.idx.msk [tilespmem:v1+s17+$0x60 ss:$0x1], $0xffff  }
0xf0: {  	[tilespmem:v1+s23+$0xFFFFFFA0 ss:$0x1] =	vst.idx.msk $0xffff, v4;
	v4 =	vadd.f32 v2, v6;
	v2 =	vld.idx.msk [tilespmem:v1+s11+$0xFFFFFF80 ss:$0x1], $0xffff  }
0xf1: {  	v3 =	vmax.f32 v3, $0.0e+00;
	v6 =	vld.idx.msk [tilespmem:v1+s23+$0xFFFFFFB0 ss:$0x1], $0xffff  }
0xf2: {  	v10 =	vadd.f32 v11, v10;
	v11 =	vld.idx.msk [tilespmem:v1+s20+$0xA0 ss:$0x1], $0xffff;
	[tilespmem:v1+s16+$0xFFFFFFD0 ss:$0x1] =	vst.idx.msk $0xffff, v3;
	v3 =	vmax.f32 v4, $0.0e+00  }
0xf3: {  	v4 =	vld.idx.msk [tilespmem:v1+s16+$0xFFFFFFE0 ss:$0x1], $0xffff;
	[tilespmem:v1+s13+$0x0 ss:$0x1] =	vst.idx.msk $0xffff, v3  }
0xf4: {  	v3 =	vmax.f32 v10, $0.0e+00;
	v7 =	vadd.f32 v7, v5;
	v5 =	vld.idx.msk [tilespmem:v1+s31+$0xD0 ss:$0x1], $0xffff  }
.Ltmp1:
0xf5: {  	v10 =	vadd.f32 v8, v9;
	[tilespmem:v1+s23+$0xFFFFFF20 ss:$0x1] =	vst.idx.msk $0xffff, v3;
	v3 =	vld.idx.msk [tilespmem:v1+s14+$0x70 ss:$0x1], $0xffff;
	s14 =	smov.u32 s17;
	s17 =	smov.u32 s31;
	(pc) =	sbr.rel @p1 .LBB2_5-.Ltmp1, $4  }
0xf6: {  	v7 =	vmax.f32 v7, $0.0e+00;
	s31 =	smov.u32 s20;
	v8 =	vld.idx.msk [tilespmem:v1+s23+$0xFFFFFF30 ss:$0x1], $0xffff  }
0xf7: {  	v9 =	vld.idx.msk [tilespmem:v1+s20+$0x20 ss:$0x1], $0xffff;
	[tilespmem:v1+s16+$0xFFFFFF50 ss:$0x1] =	vst.idx.msk $0xffff, v7;
	v7 =	vmax.f32 v10, $0.0e+00  }
0xf8: {  	v10 =	vadd.f32 v11, v6;
	v6 =	vld.idx.msk [tilespmem:v1+s16+$0xFFFFFF60 ss:$0x1], $0xffff;
	[tilespmem:v1+s13+$0xFFFFFF70 ss:$0x1] =	vst.idx.msk $0xffff, v7  }
0xf9: {  	s23 =	sadd.s32 $0x100, s23;
	v7 =	vld.idx.msk [tilespmem:v1+s17+$0x50 ss:$0x1], $0xffff  }
0xfa: {  	_ =	sdelay $0x2  }
0xfb: {  	v10 =	vmax.f32 v10, $0.0e+00;
	v8 =	vadd.f32 v9, v8  }
0xfc: {  	[tilespmem:v1+s18+$0xFFFFFFB0 ss:$0x1] =	vst.idx.msk $0xffff, v10  }
0xfd: {  	v10 =	vld.idx.msk [tilespmem:v1+s18+$0xFFFFFFC0 ss:$0x1], $0xffff;
	v8 =	vmax.f32 v8, $0.0e+00  }
0xfe: {  	v41 =	vld.idx.msk [tilespmem:v1+s31+$0xB0 ss:$0x1], $0xffff;
	[tilespmem:v1+s18+$0xFFFFFF30 ss:$0x1] =	vst.idx.msk $0xffff, v8  }
0xff: {  	v8 =	vld.idx.msk [tilespmem:v1+s18+$0xFFFFFF40 ss:$0x1], $0xffff  }
0x100: {  	v11 =	vld.idx.msk [tilespmem:v1+s31+$0x30 ss:$0x1], $0xffff;
	_ =	sdelay $0x2  }
0x101: {  	v9 =	vadd.f32 v41, v10;
	_ =	sdelay $0x1  }
0x102: {  	v9 =	vmax.f32 v9, $0.0e+00;
	v8 =	vadd.f32 v11, v8  }
0x103: {  	[tilespmem:v1+s18+$0xFFFFFFC0 ss:$0x1] =	vst.idx.msk $0xffff, v9  }
0x104: {  	v9 =	vld.idx.msk [tilespmem:v1+s18+$0xFFFFFFD0 ss:$0x1], $0xffff;
	v8 =	vmax.f32 v8, $0.0e+00  }
0x105: {  	v42 =	vld.idx.msk [tilespmem:v1+s31+$0xC0 ss:$0x1], $0xffff;
	[tilespmem:v1+s18+$0xFFFFFF40 ss:$0x1] =	vst.idx.msk $0xffff, v8  }
0x106: {  	v8 =	vld.idx.msk [tilespmem:v1+s18+$0xFFFFFF50 ss:$0x1], $0xffff  }
0x107: {  	v43 =	vld.idx.msk [tilespmem:v1+s31+$0x40 ss:$0x1], $0xffff;
	_ =	sdelay $0x2  }
0x108: {  	v9 =	vadd.f32 v42, v9;
	_ =	sdelay $0x1  }
0x109: {  	v9 =	vmax.f32 v9, $0.0e+00;
	v8 =	vadd.f32 v43, v8  }
0x10a: {  	[tilespmem:v1+s18+$0xFFFFFFD0 ss:$0x1] =	vst.idx.msk $0xffff, v9  }
0x10b: {  	v9 =	vld.idx.msk [tilespmem:v1+s18+$0xFFFFFFE0 ss:$0x1], $0xffff;
	v45 =	vmax.f32 v8, $0.0e+00  }
0x10c: {  	v44 =	vld.idx.msk [tilespmem:v1+s31+$0xD0 ss:$0x1], $0xffff;
	[tilespmem:v1+s18+$0xFFFFFF50 ss:$0x1] =	vst.idx.msk $0xffff, v45  }
0x10d: {  	v4 =	vadd.f32 v5, v4;
	v6 =	vadd.f32 v7, v6;
	v5 =	vld.idx.msk [tilespmem:v1+s18+$0xFFFFFF60 ss:$0x1], $0xffff  }
0x10e: {  	v46 =	vld.idx.msk [tilespmem:v1+s31+$0x50 ss:$0x1], $0xffff  }
0x10f: {  	v6 =	vmax.f32 v6, $0.0e+00  }
0x110: {  	[tilespmem:v1+s16+$0xFFFFFF60 ss:$0x1] =	vst.idx.msk $0xffff, v6  }
0x111: {  	v4 =	vmax.f32 v4, $0.0e+00;
	v6 =	vld.idx.msk [tilespmem:v1+s16+$0xFFFFFF70 ss:$0x1], $0xffff;
	v9 =	vadd.f32 v44, v9  }
0x112: {  	[tilespmem:v1+s16+$0xFFFFFFE0 ss:$0x1] =	vst.idx.msk $0xffff, v4;
	v51 =	vld.idx.msk [tilespmem:v1+s17+$0x60 ss:$0x1], $0xffff  }
0x113: {  	v47 =	vld.idx.msk [tilespmem:v1+s16+$0xFFFFFFF0 ss:$0x1], $0xffff;
	v49 =	vmax.f32 v9, $0.0e+00;
	v4 =	vadd.f32 v46, v5  }
0x114: {  	v48 =	vld.idx.msk [tilespmem:v1+s17+$0xE0 ss:$0x1], $0xffff;
	[tilespmem:v1+s18+$0xFFFFFFE0 ss:$0x1] =	vst.idx.msk $0xffff, v49  }
0x115: {  	v7 =	vld.idx.msk [tilespmem:v1+s18+$0xFFFFFFF0 ss:$0x1], $0xffff;
	v4 =	vmax.f32 v4, $0.0e+00  }
0x116: {  	v50 =	vld.idx.msk [tilespmem:v1+s31+$0xE0 ss:$0x1], $0xffff;
	[tilespmem:v1+s18+$0xFFFFFF60 ss:$0x1] =	vst.idx.msk $0xffff, v4  }
0x117: {  	v6 =	vadd.f32 v51, v6;
	v53 =	vld.idx.msk [tilespmem:v1+s18+$0xFFFFFF70 ss:$0x1], $0xffff  }
0x118: {  	v54 =	vld.idx.msk [tilespmem:v1+s31+$0x60 ss:$0x1], $0xffff  }
0x119: {  	v57 =	vld.idx.msk [tilespmem:v1+s13+$0xFFFFFF80 ss:$0x1], $0xffff;
	v59 =	vmax.f32 v6, $0.0e+00;
	v8 =	vadd.f32 v48, v47  }
0x11a: {  	v58 =	vld.idx.msk [tilespmem:v1+s14+$0x70 ss:$0x1], $0xffff;
	[tilespmem:v1+s16+$0xFFFFFF70 ss:$0x1] =	vst.idx.msk $0xffff, v59  }
0x11b: {  	v62 =	vld.idx.msk [tilespmem:v1+s16+$0xFFFFFF80 ss:$0x1], $0xffff;
	v52 =	vmax.f32 v8, $0.0e+00;
	v5 =	vadd.f32 v50, v7  }
0x11c: {  	v12 =	vld.idx.msk [tilespmem:v1+s17+$0x70 ss:$0x1], $0xffff;
	[tilespmem:v1+s16+$0xFFFFFFF0 ss:$0x1] =	vst.idx.msk $0xffff, v52  }
0x11d: {  	v55 =	vld.idx.msk [tilespmem:v1+s16+$0x0 ss:$0x1], $0xffff;
	v5 =	vmax.f32 v5, $0.0e+00;
	v4 =	vadd.f32 v54, v53  }
0x11e: {  	v56 =	vld.idx.msk [tilespmem:v1+s17+$0xF0 ss:$0x1], $0xffff;
	[tilespmem:v1+s18+$0xFFFFFFF0 ss:$0x1] =	vst.idx.msk $0xffff, v5  }
0x11f: {  	v60 =	vld.idx.msk [tilespmem:v1+s18+$0x0 ss:$0x1], $0xffff;
	v4 =	vmax.f32 v4, $0.0e+00  }
0x120: {  	v61 =	vld.idx.msk [tilespmem:v1+s31+$0xF0 ss:$0x1], $0xffff;
	[tilespmem:v1+s18+$0xFFFFFF70 ss:$0x1] =	vst.idx.msk $0xffff, v4  }
0x121: {  	v2 =	vadd.f32 v3, v2;
	v4 =	vld.idx.msk [tilespmem:v1+s18+$0xFFFFFF80 ss:$0x1], $0xffff  }
0x122: {  	s14 =	sadd.s32 $0x2, s3;
	v3 =	vld.idx.msk [tilespmem:v1+s31+$0x70 ss:$0x1], $0xffff  }
0x123: {  	s20 =	sand.u32 $0xFF, s14;
	v2 =	vmax.f32 v2, $0.0e+00;
	v7 =	vadd.f32 v56, v55  }
0x124: {  	[tilespmem:v1+s11+$0xFFFFFF80 ss:$0x1] =	vst.idx.msk $0xffff, v2;
	s11 =	smul.u32 $0xAB, s20;
	v9 =	vadd.f32 v58, v57  }
0x125: {  	v2 =	vmax.f32 v7, $0.0e+00;
	v5 =	vadd.f32 v61, v60  }
0x126: {  	s11 =	sshrl.u32 s11, $0x9;
	v63 =	vadd.f32 v12, v62;
	[tilespmem:v1+s16+$0x0 ss:$0x1] =	vst.idx.msk $0xffff, v2;
	v2 =	vmax.f32 v9, $0.0e+00  }
0x127: {  	p1 =	sgt.u32 s3, $0xF7;
	s11 =	smul.u32 $0x3, s11;
	[tilespmem:v1+s13+$0xFFFFFF80 ss:$0x1] =	vst.idx.msk $0xffff, v2;
	v2 =	vmax.f32 v5, $0.0e+00;
	v3 =	vadd.f32 v3, v4  }
0x128: {  	s22 =	sshll.u32 s12, $0x7;
	p2 =	seq.s32 @!p1 s3, $0x0;
	[tilespmem:v1+s18+$0x0 ss:$0x1] =	vst.idx.msk $0xffff, v2;
	v2 =	vmax.f32 v63, $0.0e+00  }
0x129: {  	s23 =	sadd.s32 $0x4000, s19;
	p2 =	por p2, p1;
	s11 =	ssub.s32 s14, s11;
	[tilespmem:v1+s16+$0xFFFFFF80 ss:$0x1] =	vst.idx.msk $0xffff, v2;
	v2 =	vmax.f32 v3, $0.0e+00  }
0x12a: {  	s11 =	sand.u32 $0xFF, s11;
	s13 =	sadd.s32 $0x200, s22;
	s31 =	sadd.s32 $0x7, s12;
	[tilespmem:v1+s18+$0xFFFFFF80 ss:$0x1] =	vst.idx.msk $0xffff, v2  }
0x12b: {  	[spmem:s1] =	stream.indirect.scatter.add.f32 [tilespmem:s23], [sflag:s31], $0x80, s13, s29, $0xb8;
	[tilespmem:$0x1E880] =	vst v63  }
0x12c: {  	s12 =	sadd.s32 @!p2 $0x7, s11;
	s13 =	smul.u32 @!p1 $0x28, s14  }
0x12d: {  	_ =	swait.ge @!p2 [sflag:s12], $0x1400  }
0x12e: {  	[sflag:s12] =	ssyncset.done @!p2 $0x0;
	s13 =	sadd.s32 @!p1 s8, s13  }
0x12f: {  	[sflag:s12] =	ssyncadd.s32 @!p2 $0xFFFFEC00;
	s12 =	sshrl.u32 @!p1 s13, $0x3  }
0x130: {  	s17 =	simm.s32 @!p1 $0x0;
	s14 =	sshll.u32 @!p1 s11, $0x7;
	s16 =	sadd.s32 @!p1 s6, s12  }
0x131: {  	[tilespmem:s14], [sflag:$0xA] =	stream.linear.gather @!p1 [hbm4b:s16+s17], $0x28, $0x38;
	[tilespmem:$0x1E880] =	vst v63  }
0x132: {  	s16 =	simm.s32 @!p1 $0xA  }
0x133: {  	_ =	swait.ge @!p1 [sflag:s16], $0x28  }
0x134: {  	[sflag:s16] =	ssyncset.done @!p1 $0x0  }
0x135: {  	s18 =	sadd.s32 @!p1 $0x200, s14;
	s12 =	sadd.s32 @!p1 s7, s12;
	[sflag:s16] =	ssyncadd.s32 @!p1 $0xFFFFFFD8  }
0x136: {  	[tilespmem:s18], [sflag:$0xA] =	stream.linear.gather @!p1 [hbm4b:s12+s17], $0x28, $0x38;
	[tilespmem:$0x1E880] =	vst v63  }
0x137: {  	s13 =	sshll.u32 @!p1 s13, $0x4;
	s12 =	smul.u32 @!p1 $0x1400, s11;
	_ =	swait.ge @!p1 [sflag:s16], $0x28  }
0x138: {  	s3 =	sadd.s32 $0x1, s3;
	s13 =	sadd.s32 @!p1 s5, s13;
	[sflag:s16] =	ssyncset.done @!p1 $0x0  }
0x139: {  	s18 =	sadd.s32 @!p1 $0x1, s11;
	[sflag:s16] =	ssyncadd.s32 @!p1 $0xFFFFFFD8;
	s16 =	sadd.s32 @!p1 $0x400, s12  }
0x13a: {  	[tilespmem:s16], [sflag:s18] =	stream.linear.gather @!p1 [hbm4b:s13+s17], $0x1400, $0x38;
	[tilespmem:$0x1E880] =	vst v63  }
0x13b: {  	s11 =	sadd.s32 @!p1 $0x4, s11;
	s12 =	sadd.s32 @!p1 $0x4000, s12;
	s13 =	simm.s32 @!p1 $0x28  }
0x13c: {  	[tilespmem:s12], [sflag:s11] =	stream.indirect.gather @!p1 [hbm4b:s4+s13], $0x80, s14, s13, $0xb8;
	[tilespmem:$0x1E880] =	vst v63  }
0x13d: {  	p1 =	sne.s32 s3, $0xFA  }
.Ltmp2:
0x13e: {  	_ = 	snop;
	(pc) =	sbr.rel @p1 .LBB2_4-.Ltmp2, $2  }
0x13f: {  	_ =	sdelay $0x2  }
0x140: {  	s10 =	sadd.s32 $0x1400, s10;
	s21 =	sadd.s32 $0x1400, s21  }
0x141: {  	_ =	swait.ge [sflag:s0], $0x1400  }
0x142: {  	[sflag:s0] =	ssyncset.done $0x0  }
0x143: {  	[sflag:s0] =	ssyncadd.s32 $0xFFFFEC00  }
0x144: {  	_ =	swait.ge [sflag:s28], $0x1400  }
0x145: {  	[sflag:s28] =	ssyncset.done $0x0  }
0x146: {  	[sflag:s28] =	ssyncadd.s32 $0xFFFFEC00  }
0x147: {  	_ =	swait.ge [sflag:s30], $0x1400  }
0x148: {  	[sflag:s30] =	ssyncset.done $0x0  }
0x149: {  	s3 =	stileid.u32;
	[sflag:s30] =	ssyncadd.s32 $0xFFFFEC00  }
0x14a: {  	s3 =	sshll.u32 s3, $0x6;
	[bflag:$0x0] =	sbarrier.arrive $0xFFFF  }
0x14b: {  	s10 =	sshrl.u32 s9, $0x3;
	s3 =	sor.u32 $0x1C0A, s3;
	s11 =	rddreg [dreg:$0xe]  }
0x14c: {  	[hbm:s11], [sflag:s3] =	dma.local [spmem:s10], $0x2700  }
0x14d: {  	s2 =	sadd.s32 $0x1, s2;
	_ =	swait.ge [sflag:s26], $0x2700  }
0x14e: {  	p1 =	sne.s32 s2, s24;
	[sflag:s26] =	ssyncset.done $0x0  }
0x14f: {  	s10 =	sshrl.u32 @!p0 s15, $0x3;
	s11 =	rddreg [dreg:$0xf];
	[sflag:s26] =	ssyncadd.s32 $0xFFFFD900  }
0x150: {  	[hbm:s11], [sflag:s3] =	dma.local @!p0 [spmem:s10], $0x100  }
.Ltmp3:
0x151: {  	_ = 	snop;
	(pc) =	sbr.rel @p1 .LBB2_1-.Ltmp3, $4  }
0x152: {  	s3 =	simm.s32 @!p0 $0xA  }
0x153: {  	_ =	swait.ge @!p0 [sflag:s3], $0x100  }
0x154: {  	[sflag:s3] =	ssyncset.done @!p0 $0x0  }
0x155: {  	[sflag:s3] =	ssyncadd.s32 @!p0 $0xFFFFFF00  }
0x156: {  	_ =	sfence.sel $0x180000  }
0x157: {  	[bflag:$0x0] =	sbarrier.arrive $0xFFFF  }
0x158: {  	_ =	strace $0x9000004D  }
0x159: {  	s0 =	stileid.u32;
	[bflag:$0x2] =	sbarrier.arrive $0xFFFF  }
0x15a: {  	p0 =	sne.s32 s0, $0x0;
	s0 =	rddreg [dreg:$0x2]  }
0x15b: {  	s0 =	sadd.s32 @!p0 $0x100000, s0  }
0x15c: {  	[sflag:s0] =	ssyncadd.tile.s32 @!p0 $0x1;
	_ =	shalt  }
.Lfunc_end2:
_tile_overlayer_lowered:
.L_overlay_start_2:
0x15d: {  	(tag) =	ssettag $0x2  }
0x15e: {  	s0 =	rddreg [dreg:$0x0];
	s2 =	stileid.u32  }
0x15f: {  	s1 =	rddreg [dreg:$0x1];
	p0 =	sne.s32 s2, $0x0  }
0x160: {  	s3 =	rddreg [dreg:$0x2];
	[bflag:$0x3] =	sbarrier.arrive $0xFFFF;
	s2 =	simm.s32 @!p0 $0x1C0A  }
0x161: {  	[timem:s3], [sflag:s2] =	dma.local @!p0 [hbm:s0], s1  }
0x162: {  	s0 =	simm.s32 @!p0 $0xA  }
0x163: {  	_ =	swait.ge @!p0 [sflag:s0], s1  }
0x164: {  	s1 =	ssub.s32 @!p0 $0x0, s1;
	[sflag:s0] =	ssyncset.done @!p0 $0x0  }
0x165: {  	[sflag:s0] =	ssyncadd.s32 @!p0 s1  }
0x166: {  	[bflag:$0x3] =	sbarrier.arrive $0xFFFF  }
0x167: {  	_ =	shalt  }

</sc_bundles>
